<compile_context>
chip_gen: v7x
topology: tpu7x:2x2x1
jax: 0.10.2.dev20260603
libtpu: 0.0.44.dev20260713+nightly
codegen_flags: <defaults>
</compile_context>

<pallas_src>
import functools

import jax
import jax.numpy as jnp
from jax import lax
from jax.experimental import pallas as pl
from jax.experimental.pallas import tpu as pltpu
from jax.experimental.pallas import tpu_sc as plsc

N_ROWS = 65536
N_COLS = 512
LANES = 16
NC = 2
NS = 16
NW = NC * NS
ROWS_PER_W = N_ROWS // NW
IN_R = 64
OUT_R = 32
N_CHUNKS = ROWS_PER_W // IN_R
BLKS = N_COLS // LANES


@functools.partial(
    pl.kernel,
    out_type=jax.ShapeDtypeStruct((N_ROWS, N_COLS), jnp.float32),
    mesh=plsc.VectorSubcoreMesh(core_axis_name="c", subcore_axis_name="s"),
    compiler_params=pltpu.CompilerParams(
        needs_layout_passes=False,
        disable_bounds_checks=True,
        disable_semaphore_checks=True,
    ),
    scratch_types=(
        [pltpu.VMEM((N_COLS,), jnp.int32)]
        + [pltpu.VMEM((IN_R, N_COLS), jnp.float32)] * 2
        + [pltpu.VMEM((OUT_R, N_COLS), jnp.float32)] * 2
        + [pltpu.SemaphoreType.DMA] * 4
    ),
)
def _permute_sc(x_hbm, perm_hbm, out_hbm, perm_v,
                in_v0, in_v1, out_v0, out_v1,
                sem_i0, sem_i1, sem_o0, sem_o1):
    in_bufs = (in_v0, in_v1)
    out_bufs = (out_v0, out_v1)
    in_sems = (sem_i0, sem_i1)
    out_sems = (sem_o0, sem_o1)

    wid = lax.axis_index("s") * NC + lax.axis_index("c")
    pltpu.sync_copy(perm_hbm, perm_v)
    row0 = wid * ROWS_PER_W

    def start_in(chunk, slot):
        pltpu.make_async_copy(
            x_hbm.at[pl.ds(row0 + chunk * IN_R, IN_R), :],
            in_bufs[slot], in_sems[slot]).start()

    start_in(0, 0)

    def permute_half(in_v, out_v, h):
        idxs = [perm_v[pl.ds(LANES * k, LANES)] for k in range(BLKS)]

        @plsc.parallel_loop(0, OUT_R, unroll=1)
        def _(r):
            row_idx = jnp.full((LANES,), h * OUT_R + r, dtype=jnp.int32)
            for k in range(BLKS):
                out_v[r, pl.ds(LANES * k, LANES)] = (
                    plsc.load_gather(in_v, [row_idx, idxs[k]]))

    def chunk_body(i, carry):
        for pi in range(2):
            chunk = 2 * i + pi
            in_v, sem_i = in_bufs[pi], in_sems[pi]

            pltpu.make_async_copy(
                x_hbm.at[pl.ds(0, IN_R), :], in_v, sem_i).wait()

            @pl.when(chunk + 1 < N_CHUNKS)
            def _():
                start_in(chunk + 1, (pi + 1) % 2)

            for h in range(2):
                out_v, sem_o = out_bufs[h], out_sems[h]

                @pl.when(chunk >= 1)
                def _():
                    pltpu.make_async_copy(
                        out_v, out_hbm.at[pl.ds(0, OUT_R), :], sem_o).wait()

                permute_half(in_v, out_v, h)
                pltpu.make_async_copy(
                    out_v,
                    out_hbm.at[
                        pl.ds(row0 + chunk * IN_R + h * OUT_R, OUT_R), :],
                    sem_o).start()
        return carry

    lax.fori_loop(0, N_CHUNKS // 2, chunk_body, 0)

    for h in range(2):
        pltpu.make_async_copy(
            out_bufs[h], out_hbm.at[pl.ds(0, OUT_R), :], out_sems[h]).wait()


def kernel(x, perm):
    return _permute_sc(x, perm)

# --- scband reference (transcript-rebuilt; emitter-appended) ---
"""Pipeline reference for scband-permutation-1889785610420 (READ-ONLY COPY).

The authoritative reference and input builder live on the scoring server;
editing this copy changes nothing except your own understanding.
"""

import jax, jax.numpy as jnp
import numpy as np


def setup_inputs(seed: int = 0) -> dict:
    key = jax.random.key(seed)
    x = jax.random.normal(key, (65536, 512), dtype=jnp.float32)
    # perm buffer from __init__: reversal permutation of size 512 (matches init_kwargs)
    perm = jnp.arange(511, -1, -1, dtype=jnp.int32)
    return {"x": x, "perm": perm}


def reference(x, perm):
    # Faithful translation of Permutation.forward
    if x.ndim == 1:
        return x[perm]
    return x[:, perm]

if __name__ == "__main__":
    import jax
    _d = setup_inputs()
    print(jax.jit(kernel)(*tuple(_d.values())))

</pallas_src>

<mosaic_0001>
#map = affine_map<(d0, d1) -> (0, 0)>
#map1 = affine_map<(d0, d1) -> (0)>
module attributes {stable_mosaic.version = 14 : i64} {
  func.func @_permute_sc(%arg0: i32, %arg1: i32, %arg2: memref<65536x512xf32, #tpu.memory_space<hbm>>, %arg3: memref<512xi32, #tpu.memory_space<hbm>>, %arg4: memref<65536x512xf32, #tpu.memory_space<hbm>>, %arg5: memref<512xi32, #tpu.memory_space<vmem>>, %arg6: memref<64x512xf32, #tpu.memory_space<vmem>>, %arg7: memref<64x512xf32, #tpu.memory_space<vmem>>, %arg8: memref<32x512xf32, #tpu.memory_space<vmem>>, %arg9: memref<32x512xf32, #tpu.memory_space<vmem>>, %arg10: memref<!tpu.dma_semaphore, #tpu.memory_space<semaphore_mem>>, %arg11: memref<!tpu.dma_semaphore, #tpu.memory_space<semaphore_mem>>, %arg12: memref<!tpu.dma_semaphore, #tpu.memory_space<semaphore_mem>>, %arg13: memref<!tpu.dma_semaphore, #tpu.memory_space<semaphore_mem>>) attributes {dimension_semantics = [#tpu.dimension_semantics<core_parallel>, #tpu.dimension_semantics<subcore_parallel>], iteration_bounds = array<i64: 2, 16>, scalar_prefetch = 0 : i64, scratch_operands = 9 : i64, tpu.core_type = #tpu.core_type<sc_vector_subcore>, window_params = [{transform_indices = #map}, {transform_indices = #map1}, {transform_indices = #map}]} {
    %mul3A = arith.constant 2 : i32
    %mul3A_0 = arith.muli %arg1, %mul3A : i32
    %add3A = arith.addi %mul3A_0, %arg0 : i32
    "tpu.region"() ({
      %run_scoped3A = tpu.sem_alloc : memref<!tpu.dma_semaphore, #tpu.memory_space<semaphore_mem>>
      tpu.enqueue_dma source(%arg3 : memref<512xi32, #tpu.memory_space<hbm>>) target(%arg5 : memref<512xi32, #tpu.memory_space<vmem>>) target_semaphore(%run_scoped3A : memref<!tpu.dma_semaphore, #tpu.memory_space<semaphore_mem>>)
      tpu.wait_dma2 semaphore(%run_scoped3A : memref<!tpu.dma_semaphore, #tpu.memory_space<semaphore_mem>>) src(%arg3 : memref<512xi32, #tpu.memory_space<hbm>>) dst(%arg5 : memref<512xi32, #tpu.memory_space<vmem>>)
      tpu.yield
    }) : () -> ()
    %mul3A_1 = arith.constant 2048 : i32
    %mul3A_2 = arith.muli %add3A, %mul3A_1 : i32
    %add3A_3 = arith.constant 0 : i32
    %add3A_4 = arith.addi %mul3A_2, %add3A_3 : i32
    %dma_start3A = arith.constant 0 : i32
    %dma_start3A_5 = tpu.memref_slice %arg2[%add3A_4, %dma_start3A] : memref<65536x512xf32, #tpu.memory_space<hbm>> -> memref<64x512xf32, #tpu.memory_space<hbm>>
    %dma_start3A_6 = arith.constant 0 : i32
    %dma_start3A_7 = tpu.memref_slice %arg2[%add3A_4, %dma_start3A_6] : memref<65536x512xf32, #tpu.memory_space<hbm>> -> memref<64x512xf32, #tpu.memory_space<hbm>>
    tpu.enqueue_dma source(%dma_start3A_7 : memref<64x512xf32, #tpu.memory_space<hbm>>) target(%arg6 : memref<64x512xf32, #tpu.memory_space<vmem>>) target_semaphore(%arg10 : memref<!tpu.dma_semaphore, #tpu.memory_space<semaphore_mem>>)
    %scan3A = arith.constant 0 : i32
    %scan3A_8 = arith.constant 0 : i32
    %scan3A_9 = arith.constant 16 : i32
    %scan3A_10 = arith.addi %scan3A_8, %scan3A_9 : i32
    %scan3A_11 = arith.constant 1 : i32
    scf.for %scan3A_24 = %scan3A_8 to %scan3A_10 step %scan3A_11  : i32 {
      %mul3A_25 = arith.constant 2 : i32
      %mul3A_26 = arith.muli %mul3A_25, %scan3A_24 : i32
      %add3A_27 = arith.constant 0 : i32
      %add3A_28 = arith.addi %mul3A_26, %add3A_27 : i32
      %dma_wait3A_29 = arith.constant 0 : i32
      %dma_wait3A_30 = arith.constant 0 : i32
      %dma_wait3A_31 = tpu.memref_slice %arg2[%dma_wait3A_29, %dma_wait3A_30] : memref<65536x512xf32, #tpu.memory_space<hbm>> -> memref<64x512xf32, #tpu.memory_space<hbm>>
      %dma_wait3A_32 = arith.constant 0 : i32
      %dma_wait3A_33 = arith.constant 0 : i32
      %dma_wait3A_34 = tpu.memref_slice %arg2[%dma_wait3A_32, %dma_wait3A_33] : memref<65536x512xf32, #tpu.memory_space<hbm>> -> memref<64x512xf32, #tpu.memory_space<hbm>>
      tpu.wait_dma2 semaphore(%arg10 : memref<!tpu.dma_semaphore, #tpu.memory_space<semaphore_mem>>) src(%dma_wait3A_34 : memref<64x512xf32, #tpu.memory_space<hbm>>) dst(%arg6 : memref<64x512xf32, #tpu.memory_space<vmem>>)
      %add3A_35 = arith.constant 1 : i32
      %add3A_36 = arith.addi %add3A_28, %add3A_35 : i32
      %lt3A = arith.constant 32 : i32
      %lt3A_37 = arith.cmpi slt, %add3A_36, %lt3A : i32
      %convert_element_type3A = arith.extui %lt3A_37 : i1 to i32
      %cond3A = arith.constant 0 : i32
      %cond3A_38 = arith.cmpi ne, %convert_element_type3A, %cond3A : i32
      scf.if %cond3A_38 {
        %add3A_377 = arith.constant 1 : i32
        %add3A_378 = arith.addi %add3A_28, %add3A_377 : i32
        %mul3A_379 = arith.constant 64 : i32
        %mul3A_380 = arith.muli %add3A_378, %mul3A_379 : i32
        %add3A_381 = arith.addi %mul3A_2, %mul3A_380 : i32
        %dma_start3A_382 = arith.constant 0 : i32
        %dma_start3A_383 = tpu.memref_slice %arg2[%add3A_381, %dma_start3A_382] : memref<65536x512xf32, #tpu.memory_space<hbm>> -> memref<64x512xf32, #tpu.memory_space<hbm>>
        %dma_start3A_384 = arith.constant 0 : i32
        %dma_start3A_385 = tpu.memref_slice %arg2[%add3A_381, %dma_start3A_384] : memref<65536x512xf32, #tpu.memory_space<hbm>> -> memref<64x512xf32, #tpu.memory_space<hbm>>
        tpu.enqueue_dma source(%dma_start3A_385 : memref<64x512xf32, #tpu.memory_space<hbm>>) target(%arg7 : memref<64x512xf32, #tpu.memory_space<vmem>>) target_semaphore(%arg11 : memref<!tpu.dma_semaphore, #tpu.memory_space<semaphore_mem>>)
      } else {
      }
      %ge3A = arith.constant 1 : i32
      %ge3A_39 = arith.cmpi sge, %add3A_28, %ge3A : i32
      %convert_element_type3A_40 = arith.extui %ge3A_39 : i1 to i32
      %cond3A_41 = arith.constant 0 : i32
      %cond3A_42 = arith.cmpi ne, %convert_element_type3A_40, %cond3A_41 : i32
      scf.if %cond3A_42 {
        %dma_wait3A_377 = arith.constant 0 : i32
        %dma_wait3A_378 = arith.constant 0 : i32
        %dma_wait3A_379 = tpu.memref_slice %arg4[%dma_wait3A_377, %dma_wait3A_378] : memref<65536x512xf32, #tpu.memory_space<hbm>> -> memref<32x512xf32, #tpu.memory_space<hbm>>
        %dma_wait3A_380 = arith.constant 0 : i32
        %dma_wait3A_381 = arith.constant 0 : i32
        %dma_wait3A_382 = tpu.memref_slice %arg4[%dma_wait3A_380, %dma_wait3A_381] : memref<65536x512xf32, #tpu.memory_space<hbm>> -> memref<32x512xf32, #tpu.memory_space<hbm>>
        tpu.wait_dma2 semaphore(%arg12 : memref<!tpu.dma_semaphore, #tpu.memory_space<semaphore_mem>>) src(%arg8 : memref<32x512xf32, #tpu.memory_space<vmem>>) dst(%dma_wait3A_382 : memref<32x512xf32, #tpu.memory_space<hbm>>)
      } else {
      }
      %get3A = arith.constant 0 : index
      %get3A_43 = tpu.vector_load %arg5[%get3A] {strides = array<i32>} : memref<512xi32, #tpu.memory_space<vmem>>, vector<16xi32>,
      %get3A_44 = arith.constant 16 : index
      %get3A_45 = tpu.vector_load %arg5[%get3A_44] {strides = array<i32>} : memref<512xi32, #tpu.memory_space<vmem>>, vector<16xi32>,
      %get3A_46 = arith.constant 32 : index
      %get3A_47 = tpu.vector_load %arg5[%get3A_46] {strides = array<i32>} : memref<512xi32, #tpu.memory_space<vmem>>, vector<16xi32>,
      %get3A_48 = arith.constant 48 : index
      %get3A_49 = tpu.vector_load %arg5[%get3A_48] {strides = array<i32>} : memref<512xi32, #tpu.memory_space<vmem>>, vector<16xi32>,
      %get3A_50 = arith.constant 64 : index
      %get3A_51 = tpu.vector_load %arg5[%get3A_50] {strides = array<i32>} : memref<512xi32, #tpu.memory_space<vmem>>, vector<16xi32>,
      %get3A_52 = arith.constant 80 : index
      %get3A_53 = tpu.vector_load %arg5[%get3A_52] {strides = array<i32>} : memref<512xi32, #tpu.memory_space<vmem>>, vector<16xi32>,
      %get3A_54 = arith.constant 96 : index
      %get3A_55 = tpu.vector_load %arg5[%get3A_54] {strides = array<i32>} : memref<512xi32, #tpu.memory_space<vmem>>, vector<16xi32>,
      %get3A_56 = arith.constant 112 : index
      %get3A_57 = tpu.vector_load %arg5[%get3A_56] {strides = array<i32>} : memref<512xi32, #tpu.memory_space<vmem>>, vector<16xi32>,
      %get3A_58 = arith.constant 128 : index
      %get3A_59 = tpu.vector_load %arg5[%get3A_58] {strides = array<i32>} : memref<512xi32, #tpu.memory_space<vmem>>, vector<16xi32>,
      %get3A_60 = arith.constant 144 : index
      %get3A_61 = tpu.vector_load %arg5[%get3A_60] {strides = array<i32>} : memref<512xi32, #tpu.memory_space<vmem>>, vector<16xi32>,
      %get3A_62 = arith.constant 160 : index
      %get3A_63 = tpu.vector_load %arg5[%get3A_62] {strides = array<i32>} : memref<512xi32, #tpu.memory_space<vmem>>, vector<16xi32>,
      %get3A_64 = arith.constant 176 : index
      %get3A_65 = tpu.vector_load %arg5[%get3A_64] {strides = array<i32>} : memref<512xi32, #tpu.memory_space<vmem>>, vector<16xi32>,
      %get3A_66 = arith.constant 192 : index
      %get3A_67 = tpu.vector_load %arg5[%get3A_66] {strides = array<i32>} : memref<512xi32, #tpu.memory_space<vmem>>, vector<16xi32>,
      %get3A_68 = arith.constant 208 : index
      %get3A_69 = tpu.vector_load %arg5[%get3A_68] {strides = array<i32>} : memref<512xi32, #tpu.memory_space<vmem>>, vector<16xi32>,
      %get3A_70 = arith.constant 224 : index
      %get3A_71 = tpu.vector_load %arg5[%get3A_70] {strides = array<i32>} : memref<512xi32, #tpu.memory_space<vmem>>, vector<16xi32>,
      %get3A_72 = arith.constant 240 : index
      %get3A_73 = tpu.vector_load %arg5[%get3A_72] {strides = array<i32>} : memref<512xi32, #tpu.memory_space<vmem>>, vector<16xi32>,
      %get3A_74 = arith.constant 256 : index
      %get3A_75 = tpu.vector_load %arg5[%get3A_74] {strides = array<i32>} : memref<512xi32, #tpu.memory_space<vmem>>, vector<16xi32>,
      %get3A_76 = arith.constant 272 : index
      %get3A_77 = tpu.vector_load %arg5[%get3A_76] {strides = array<i32>} : memref<512xi32, #tpu.memory_space<vmem>>, vector<16xi32>,
      %get3A_78 = arith.constant 288 : index
      %get3A_79 = tpu.vector_load %arg5[%get3A_78] {strides = array<i32>} : memref<512xi32, #tpu.memory_space<vmem>>, vector<16xi32>,
      %get3A_80 = arith.constant 304 : index
      %get3A_81 = tpu.vector_load %arg5[%get3A_80] {strides = array<i32>} : memref<512xi32, #tpu.memory_space<vmem>>, vector<16xi32>,
      %get3A_82 = arith.constant 320 : index
      %get3A_83 = tpu.vector_load %arg5[%get3A_82] {strides = array<i32>} : memref<512xi32, #tpu.memory_space<vmem>>, vector<16xi32>,
      %get3A_84 = arith.constant 336 : index
      %get3A_85 = tpu.vector_load %arg5[%get3A_84] {strides = array<i32>} : memref<512xi32, #tpu.memory_space<vmem>>, vector<16xi32>,
      %get3A_86 = arith.constant 352 : index
      %get3A_87 = tpu.vector_load %arg5[%get3A_86] {strides = array<i32>} : memref<512xi32, #tpu.memory_space<vmem>>, vector<16xi32>,
      %get3A_88 = arith.constant 368 : index
      %get3A_89 = tpu.vector_load %arg5[%get3A_88] {strides = array<i32>} : memref<512xi32, #tpu.memory_space<vmem>>, vector<16xi32>,
      %get3A_90 = arith.constant 384 : index
      %get3A_91 = tpu.vector_load %arg5[%get3A_90] {strides = array<i32>} : memref<512xi32, #tpu.memory_space<vmem>>, vector<16xi32>,
      %get3A_92 = arith.constant 400 : index
      %get3A_93 = tpu.vector_load %arg5[%get3A_92] {strides = array<i32>} : memref<512xi32, #tpu.memory_space<vmem>>, vector<16xi32>,
      %get3A_94 = arith.constant 416 : index
      %get3A_95 = tpu.vector_load %arg5[%get3A_94] {strides = array<i32>} : memref<512xi32, #tpu.memory_space<vmem>>, vector<16xi32>,
      %get3A_96 = arith.constant 432 : index
      %get3A_97 = tpu.vector_load %arg5[%get3A_96] {strides = array<i32>} : memref<512xi32, #tpu.memory_space<vmem>>, vector<16xi32>,
      %get3A_98 = arith.constant 448 : index
      %get3A_99 = tpu.vector_load %arg5[%get3A_98] {strides = array<i32>} : memref<512xi32, #tpu.memory_space<vmem>>, vector<16xi32>,
      %get3A_100 = arith.constant 464 : index
      %get3A_101 = tpu.vector_load %arg5[%get3A_100] {strides = array<i32>} : memref<512xi32, #tpu.memory_space<vmem>>, vector<16xi32>,
      %get3A_102 = arith.constant 480 : index
      %get3A_103 = tpu.vector_load %arg5[%get3A_102] {strides = array<i32>} : memref<512xi32, #tpu.memory_space<vmem>>, vector<16xi32>,
      %get3A_104 = arith.constant 496 : index
      %get3A_105 = tpu.vector_load %arg5[%get3A_104] {strides = array<i32>} : memref<512xi32, #tpu.memory_space<vmem>>, vector<16xi32>,
      %parallel_loop3A = arith.constant 0 : i32
      %parallel_loop3A_106 = arith.constant 32 : i32
      %parallel_loop3A_107 = arith.constant 1 : i32
      scf.for %parallel_loop3A_377 = %parallel_loop3A to %parallel_loop3A_106 step %parallel_loop3A_107  : i32 {
        %parallel_loop3A_378 = arith.constant 0 : i32
        %parallel_loop3A_379 = arith.addi %parallel_loop3A_378, %parallel_loop3A_377 : i32
        %parallel_loop3A_380 = vector.broadcast %parallel_loop3A_379 : i32 to vector<16xi32>
        %parallel_loop3A_381 = tpu.vector_load_idx %arg6[%parallel_loop3A_380, %get3A_43] : memref<64x512xf32, #tpu.memory_space<vmem>>[vector<16xi32>, vector<16xi32>], vector<16xf32>,
        %parallel_loop3A_382 = arith.index_cast %parallel_loop3A_377 : i32 to index
        %parallel_loop3A_383 = arith.constant 0 : index
        %parallel_loop3A_384 = tpu.vector_load %arg8[%parallel_loop3A_382, %parallel_loop3A_383] {strides = array<i32>} : memref<32x512xf32, #tpu.memory_space<vmem>>, vector<16xf32>,
        tpu.vector_store %arg8[%parallel_loop3A_382, %parallel_loop3A_383], %parallel_loop3A_381 {strides = array<i32>} : memref<32x512xf32, #tpu.memory_space<vmem>>, vector<16xf32>,
        %parallel_loop3A_385 = tpu.vector_load_idx %arg6[%parallel_loop3A_380, %get3A_45] : memref<64x512xf32, #tpu.memory_space<vmem>>[vector<16xi32>, vector<16xi32>], vector<16xf32>,
        %parallel_loop3A_386 = arith.index_cast %parallel_loop3A_377 : i32 to index
        %parallel_loop3A_387 = arith.constant 16 : index
        %parallel_loop3A_388 = tpu.vector_load %arg8[%parallel_loop3A_386, %parallel_loop3A_387] {strides = array<i32>} : memref<32x512xf32, #tpu.memory_space<vmem>>, vector<16xf32>,
        tpu.vector_store %arg8[%parallel_loop3A_386, %parallel_loop3A_387], %parallel_loop3A_385 {strides = array<i32>} : memref<32x512xf32, #tpu.memory_space<vmem>>, vector<16xf32>,
        %parallel_loop3A_389 = tpu.vector_load_idx %arg6[%parallel_loop3A_380, %get3A_47] : memref<64x512xf32, #tpu.memory_space<vmem>>[vector<16xi32>, vector<16xi32>], vector<16xf32>,
        %parallel_loop3A_390 = arith.index_cast %parallel_loop3A_377 : i32 to index
        %parallel_loop3A_391 = arith.constant 32 : index
        %parallel_loop3A_392 = tpu.vector_load %arg8[%parallel_loop3A_390, %parallel_loop3A_391] {strides = array<i32>} : memref<32x512xf32, #tpu.memory_space<vmem>>, vector<16xf32>,
        tpu.vector_store %arg8[%parallel_loop3A_390, %parallel_loop3A_391], %parallel_loop3A_389 {strides = array<i32>} : memref<32x512xf32, #tpu.memory_space<vmem>>, vector<16xf32>,
        %parallel_loop3A_393 = tpu.vector_load_idx %arg6[%parallel_loop3A_380, %get3A_49] : memref<64x512xf32, #tpu.memory_space<vmem>>[vector<16xi32>, vector<16xi32>], vector<16xf32>,
        %parallel_loop3A_394 = arith.index_cast %parallel_loop3A_377 : i32 to index
        %parallel_loop3A_395 = arith.constant 48 : index
        %parallel_loop3A_396 = tpu.vector_load %arg8[%parallel_loop3A_394, %parallel_loop3A_395] {strides = array<i32>} : memref<32x512xf32, #tpu.memory_space<vmem>>, vector<16xf32>,
        tpu.vector_store %arg8[%parallel_loop3A_394, %parallel_loop3A_395], %parallel_loop3A_393 {strides = array<i32>} : memref<32x512xf32, #tpu.memory_space<vmem>>, vector<16xf32>,
        %parallel_loop3A_397 = tpu.vector_load_idx %arg6[%parallel_loop3A_380, %get3A_51] : memref<64x512xf32, #tpu.memory_space<vmem>>[vector<16xi32>, vector<16xi32>], vector<16xf32>,
        %parallel_loop3A_398 = arith.index_cast %parallel_loop3A_377 : i32 to index
        %parallel_loop3A_399 = arith.constant 64 : index
        %parallel_loop3A_400 = tpu.vector_load %arg8[%parallel_loop3A_398, %parallel_loop3A_399] {strides = array<i32>} : memref<32x512xf32, #tpu.memory_space<vmem>>, vector<16xf32>,
        tpu.vector_store %arg8[%parallel_loop3A_398, %parallel_loop3A_399], %parallel_loop3A_397 {strides = array<i32>} : memref<32x512xf32, #tpu.memory_space<vmem>>, vector<16xf32>,
        %parallel_loop3A_401 = tpu.vector_load_idx %arg6[%parallel_loop3A_380, %get3A_53] : memref<64x512xf32, #tpu.memory_space<vmem>>[vector<16xi32>, vector<16xi32>], vector<16xf32>,
        %parallel_loop3A_402 = arith.index_cast %parallel_loop3A_377 : i32 to index
        %parallel_loop3A_403 = arith.constant 80 : index
        %parallel_loop3A_404 = tpu.vector_load %arg8[%parallel_loop3A_402, %parallel_loop3A_403] {strides = array<i32>} : memref<32x512xf32, #tpu.memory_space<vmem>>, vector<16xf32>,
        tpu.vector_store %arg8[%parallel_loop3A_402, %parallel_loop3A_403], %parallel_loop3A_401 {strides = array<i32>} : memref<32x512xf32, #tpu.memory_space<vmem>>, vector<16xf32>,
        %parallel_loop3A_405 = tpu.vector_load_idx %arg6[%parallel_loop3A_380, %get3A_55] : memref<64x512xf32, #tpu.memory_space<vmem>>[vector<16xi32>, vector<16xi32>], vector<16xf32>,
        %parallel_loop3A_406 = arith.index_cast %parallel_loop3A_377 : i32 to index
        %parallel_loop3A_407 = arith.constant 96 : index
        %parallel_loop3A_408 = tpu.vector_load %arg8[%parallel_loop3A_406, %parallel_loop3A_407] {strides = array<i32>} : memref<32x512xf32, #tpu.memory_space<vmem>>, vector<16xf32>,
        tpu.vector_store %arg8[%parallel_loop3A_406, %parallel_loop3A_407], %parallel_loop3A_405 {strides = array<i32>} : memref<32x512xf32, #tpu.memory_space<vmem>>, vector<16xf32>,
        %parallel_loop3A_409 = tpu.vector_load_idx %arg6[%parallel_loop3A_380, %get3A_57] : memref<64x512xf32, #tpu.memory_space<vmem>>[vector<16xi32>, vector<16xi32>], vector<16xf32>,
        %parallel_loop3A_410 = arith.index_cast %parallel_loop3A_377 : i32 to index
        %parallel_loop3A_411 = arith.constant 112 : index
        %parallel_loop3A_412 = tpu.vector_load %arg8[%parallel_loop3A_410, %parallel_loop3A_411] {strides = array<i32>} : memref<32x512xf32, #tpu.memory_space<vmem>>, vector<16xf32>,
        tpu.vector_store %arg8[%parallel_loop3A_410, %parallel_loop3A_411], %parallel_loop3A_409 {strides = array<i32>} : memref<32x512xf32, #tpu.memory_space<vmem>>, vector<16xf32>,
        %parallel_loop3A_413 = tpu.vector_load_idx %arg6[%parallel_loop3A_380, %get3A_59] : memref<64x512xf32, #tpu.memory_space<vmem>>[vector<16xi32>, vector<16xi32>], vector<16xf32>,
        %parallel_loop3A_414 = arith.index_cast %parallel_loop3A_377 : i32 to index
        %parallel_loop3A_415 = arith.constant 128 : index
        %parallel_loop3A_416 = tpu.vector_load %arg8[%parallel_loop3A_414, %parallel_loop3A_415] {strides = array<i32>} : memref<32x512xf32, #tpu.memory_space<vmem>>, vector<16xf32>,
        tpu.vector_store %arg8[%parallel_loop3A_414, %parallel_loop3A_415], %parallel_loop3A_413 {strides = array<i32>} : memref<32x512xf32, #tpu.memory_space<vmem>>, vector<16xf32>,
        %parallel_loop3A_417 = tpu.vector_load_idx %arg6[%parallel_loop3A_380, %get3A_61] : memref<64x512xf32, #tpu.memory_space<vmem>>[vector<16xi32>, vector<16xi32>], vector<16xf32>,
        %parallel_loop3A_418 = arith.index_cast %parallel_loop3A_377 : i32 to index
        %parallel_loop3A_419 = arith.constant 144 : index
        %parallel_loop3A_420 = tpu.vector_load %arg8[%parallel_loop3A_418, %parallel_loop3A_419] {strides = array<i32>} : memref<32x512xf32, #tpu.memory_space<vmem>>, vector<16xf32>,
        tpu.vector_store %arg8[%parallel_loop3A_418, %parallel_loop3A_419], %parallel_loop3A_417 {strides = array<i32>} : memref<32x512xf32, #tpu.memory_space<vmem>>, vector<16xf32>,
        %parallel_loop3A_421 = tpu.vector_load_idx %arg6[%parallel_loop3A_380, %get3A_63] : memref<64x512xf32, #tpu.memory_space<vmem>>[vector<16xi32>, vector<16xi32>], vector<16xf32>,
        %parallel_loop3A_422 = arith.index_cast %parallel_loop3A_377 : i32 to index
        %parallel_loop3A_423 = arith.constant 160 : index
        %parallel_loop3A_424 = tpu.vector_load %arg8[%parallel_loop3A_422, %parallel_loop3A_423] {strides = array<i32>} : memref<32x512xf32, #tpu.memory_space<vmem>>, vector<16xf32>,
        tpu.vector_store %arg8[%parallel_loop3A_422, %parallel_loop3A_423], %parallel_loop3A_421 {strides = array<i32>} : memref<32x512xf32, #tpu.memory_space<vmem>>, vector<16xf32>,
        %parallel_loop3A_425 = tpu.vector_load_idx %arg6[%parallel_loop3A_380, %get3A_65] : memref<64x512xf32, #tpu.memory_space<vmem>>[vector<16xi32>, vector<16xi32>], vector<16xf32>,
        %parallel_loop3A_426 = arith.index_cast %parallel_loop3A_377 : i32 to index
        %parallel_loop3A_427 = arith.constant 176 : index
        %parallel_loop3A_428 = tpu.vector_load %arg8[%parallel_loop3A_426, %parallel_loop3A_427] {strides = array<i32>} : memref<32x512xf32, #tpu.memory_space<vmem>>, vector<16xf32>,
        tpu.vector_store %arg8[%parallel_loop3A_426, %parallel_loop3A_427], %parallel_loop3A_425 {strides = array<i32>} : memref<32x512xf32, #tpu.memory_space<vmem>>, vector<16xf32>,
        %parallel_loop3A_429 = tpu.vector_load_idx %arg6[%parallel_loop3A_380, %get3A_67] : memref<64x512xf32, #tpu.memory_space<vmem>>[vector<16xi32>, vector<16xi32>], vector<16xf32>,
        %parallel_loop3A_430 = arith.index_cast %parallel_loop3A_377 : i32 to index
        %parallel_loop3A_431 = arith.constant 192 : index
        %parallel_loop3A_432 = tpu.vector_load %arg8[%parallel_loop3A_430, %parallel_loop3A_431] {strides = array<i32>} : memref<32x512xf32, #tpu.memory_space<vmem>>, vector<16xf32>,
        tpu.vector_store %arg8[%parallel_loop3A_430, %parallel_loop3A_431], %parallel_loop3A_429 {strides = array<i32>} : memref<32x512xf32, #tpu.memory_space<vmem>>, vector<16xf32>,
        %parallel_loop3A_433 = tpu.vector_load_idx %arg6[%parallel_loop3A_380, %get3A_69] : memref<64x512xf32, #tpu.memory_space<vmem>>[vector<16xi32>, vector<16xi32>], vector<16xf32>,
        %parallel_loop3A_434 = arith.index_cast %parallel_loop3A_377 : i32 to index
        %parallel_loop3A_435 = arith.constant 208 : index
        %parallel_loop3A_436 = tpu.vector_load %arg8[%parallel_loop3A_434, %parallel_loop3A_435] {strides = array<i32>} : memref<32x512xf32, #tpu.memory_space<vmem>>, vector<16xf32>,
        tpu.vector_store %arg8[%parallel_loop3A_434, %parallel_loop3A_435], %parallel_loop3A_433 {strides = array<i32>} : memref<32x512xf32, #tpu.memory_space<vmem>>, vector<16xf32>,
        %parallel_loop3A_437 = tpu.vector_load_idx %arg6[%parallel_loop3A_380, %get3A_71] : memref<64x512xf32, #tpu.memory_space<vmem>>[vector<16xi32>, vector<16xi32>], vector<16xf32>,
        %parallel_loop3A_438 = arith.index_cast %parallel_loop3A_377 : i32 to index
        %parallel_loop3A_439 = arith.constant 224 : index
        %parallel_loop3A_440 = tpu.vector_load %arg8[%parallel_loop3A_438, %parallel_loop3A_439] {strides = array<i32>} : memref<32x512xf32, #tpu.memory_space<vmem>>, vector<16xf32>,
        tpu.vector_store %arg8[%parallel_loop3A_438, %parallel_loop3A_439], %parallel_loop3A_437 {strides = array<i32>} : memref<32x512xf32, #tpu.memory_space<vmem>>, vector<16xf32>,
        %parallel_loop3A_441 = tpu.vector_load_idx %arg6[%parallel_loop3A_380, %get3A_73] : memref<64x512xf32, #tpu.memory_space<vmem>>[vector<16xi32>, vector<16xi32>], vector<16xf32>,
        %parallel_loop3A_442 = arith.index_cast %parallel_loop3A_377 : i32 to index
        %parallel_loop3A_443 = arith.constant 240 : index
        %parallel_loop3A_444 = tpu.vector_load %arg8[%parallel_loop3A_442, %parallel_loop3A_443] {strides = array<i32>} : memref<32x512xf32, #tpu.memory_space<vmem>>, vector<16xf32>,
        tpu.vector_store %arg8[%parallel_loop3A_442, %parallel_loop3A_443], %parallel_loop3A_441 {strides = array<i32>} : memref<32x512xf32, #tpu.memory_space<vmem>>, vector<16xf32>,
        %parallel_loop3A_445 = tpu.vector_load_idx %arg6[%parallel_loop3A_380, %get3A_75] : memref<64x512xf32, #tpu.memory_space<vmem>>[vector<16xi32>, vector<16xi32>], vector<16xf32>,
        %parallel_loop3A_446 = arith.index_cast %parallel_loop3A_377 : i32 to index
        %parallel_loop3A_447 = arith.constant 256 : index
        %parallel_loop3A_448 = tpu.vector_load %arg8[%parallel_loop3A_446, %parallel_loop3A_447] {strides = array<i32>} : memref<32x512xf32, #tpu.memory_space<vmem>>, vector<16xf32>,
        tpu.vector_store %arg8[%parallel_loop3A_446, %parallel_loop3A_447], %parallel_loop3A_445 {strides = array<i32>} : memref<32x512xf32, #tpu.memory_space<vmem>>, vector<16xf32>,
        %parallel_loop3A_449 = tpu.vector_load_idx %arg6[%parallel_loop3A_380, %get3A_77] : memref<64x512xf32, #tpu.memory_space<vmem>>[vector<16xi32>, vector<16xi32>], vector<16xf32>,
        %parallel_loop3A_450 = arith.index_cast %parallel_loop3A_377 : i32 to index
        %parallel_loop3A_451 = arith.constant 272 : index
        %parallel_loop3A_452 = tpu.vector_load %arg8[%parallel_loop3A_450, %parallel_loop3A_451] {strides = array<i32>} : memref<32x512xf32, #tpu.memory_space<vmem>>, vector<16xf32>,
        tpu.vector_store %arg8[%parallel_loop3A_450, %parallel_loop3A_451], %parallel_loop3A_449 {strides = array<i32>} : memref<32x512xf32, #tpu.memory_space<vmem>>, vector<16xf32>,
        %parallel_loop3A_453 = tpu.vector_load_idx %arg6[%parallel_loop3A_380, %get3A_79] : memref<64x512xf32, #tpu.memory_space<vmem>>[vector<16xi32>, vector<16xi32>], vector<16xf32>,
        %parallel_loop3A_454 = arith.index_cast %parallel_loop3A_377 : i32 to index
        %parallel_loop3A_455 = arith.constant 288 : index
        %parallel_loop3A_456 = tpu.vector_load %arg8[%parallel_loop3A_454, %parallel_loop3A_455] {strides = array<i32>} : memref<32x512xf32, #tpu.memory_space<vmem>>, vector<16xf32>,
        tpu.vector_store %arg8[%parallel_loop3A_454, %parallel_loop3A_455], %parallel_loop3A_453 {strides = array<i32>} : memref<32x512xf32, #tpu.memory_space<vmem>>, vector<16xf32>,
        %parallel_loop3A_457 = tpu.vector_load_idx %arg6[%parallel_loop3A_380, %get3A_81] : memref<64x512xf32, #tpu.memory_space<vmem>>[vector<16xi32>, vector<16xi32>], vector<16xf32>,
        %parallel_loop3A_458 = arith.index_cast %parallel_loop3A_377 : i32 to index
        %parallel_loop3A_459 = arith.constant 304 : index
        %parallel_loop3A_460 = tpu.vector_load %arg8[%parallel_loop3A_458, %parallel_loop3A_459] {strides = array<i32>} : memref<32x512xf32, #tpu.memory_space<vmem>>, vector<16xf32>,
        tpu.vector_store %arg8[%parallel_loop3A_458, %parallel_loop3A_459], %parallel_loop3A_457 {strides = array<i32>} : memref<32x512xf32, #tpu.memory_space<vmem>>, vector<16xf32>,
        %parallel_loop3A_461 = tpu.vector_load_idx %arg6[%parallel_loop3A_380, %get3A_83] : memref<64x512xf32, #tpu.memory_space<vmem>>[vector<16xi32>, vector<16xi32>], vector<16xf32>,
        %parallel_loop3A_462 = arith.index_cast %parallel_loop3A_377 : i32 to index
        %parallel_loop3A_463 = arith.constant 320 : index
        %parallel_loop3A_464 = tpu.vector_load %arg8[%parallel_loop3A_462, %parallel_loop3A_463] {strides = array<i32>} : memref<32x512xf32, #tpu.memory_space<vmem>>, vector<16xf32>,
        tpu.vector_store %arg8[%parallel_loop3A_462, %parallel_loop3A_463], %parallel_loop3A_461 {strides = array<i32>} : memref<32x512xf32, #tpu.memory_space<vmem>>, vector<16xf32>,
        %parallel_loop3A_465 = tpu.vector_load_idx %arg6[%parallel_loop3A_380, %get3A_85] : memref<64x512xf32, #tpu.memory_space<vmem>>[vector<16xi32>, vector<16xi32>], vector<16xf32>,
        %parallel_loop3A_466 = arith.index_cast %parallel_loop3A_377 : i32 to index
        %parallel_loop3A_467 = arith.constant 336 : index
        %parallel_loop3A_468 = tpu.vector_load %arg8[%parallel_loop3A_466, %parallel_loop3A_467] {strides = array<i32>} : memref<32x512xf32, #tpu.memory_space<vmem>>, vector<16xf32>,
        tpu.vector_store %arg8[%parallel_loop3A_466, %parallel_loop3A_467], %parallel_loop3A_465 {strides = array<i32>} : memref<32x512xf32, #tpu.memory_space<vmem>>, vector<16xf32>,
        %parallel_loop3A_469 = tpu.vector_load_idx %arg6[%parallel_loop3A_380, %get3A_87] : memref<64x512xf32, #tpu.memory_space<vmem>>[vector<16xi32>, vector<16xi32>], vector<16xf32>,
        %parallel_loop3A_470 = arith.index_cast %parallel_loop3A_377 : i32 to index
        %parallel_loop3A_471 = arith.constant 352 : index
        %parallel_loop3A_472 = tpu.vector_load %arg8[%parallel_loop3A_470, %parallel_loop3A_471] {strides = array<i32>} : memref<32x512xf32, #tpu.memory_space<vmem>>, vector<16xf32>,
        tpu.vector_store %arg8[%parallel_loop3A_470, %parallel_loop3A_471], %parallel_loop3A_469 {strides = array<i32>} : memref<32x512xf32, #tpu.memory_space<vmem>>, vector<16xf32>,
        %parallel_loop3A_473 = tpu.vector_load_idx %arg6[%parallel_loop3A_380, %get3A_89] : memref<64x512xf32, #tpu.memory_space<vmem>>[vector<16xi32>, vector<16xi32>], vector<16xf32>,
        %parallel_loop3A_474 = arith.index_cast %parallel_loop3A_377 : i32 to index
        %parallel_loop3A_475 = arith.constant 368 : index
        %parallel_loop3A_476 = tpu.vector_load %arg8[%parallel_loop3A_474, %parallel_loop3A_475] {strides = array<i32>} : memref<32x512xf32, #tpu.memory_space<vmem>>, vector<16xf32>,
        tpu.vector_store %arg8[%parallel_loop3A_474, %parallel_loop3A_475], %parallel_loop3A_473 {strides = array<i32>} : memref<32x512xf32, #tpu.memory_space<vmem>>, vector<16xf32>,
        %parallel_loop3A_477 = tpu.vector_load_idx %arg6[%parallel_loop3A_380, %get3A_91] : memref<64x512xf32, #tpu.memory_space<vmem>>[vector<16xi32>, vector<16xi32>], vector<16xf32>,
        %parallel_loop3A_478 = arith.index_cast %parallel_loop3A_377 : i32 to index
        %parallel_loop3A_479 = arith.constant 384 : index
        %parallel_loop3A_480 = tpu.vector_load %arg8[%parallel_loop3A_478, %parallel_loop3A_479] {strides = array<i32>} : memref<32x512xf32, #tpu.memory_space<vmem>>, vector<16xf32>,
        tpu.vector_store %arg8[%parallel_loop3A_478, %parallel_loop3A_479], %parallel_loop3A_477 {strides = array<i32>} : memref<32x512xf32, #tpu.memory_space<vmem>>, vector<16xf32>,
        %parallel_loop3A_481 = tpu.vector_load_idx %arg6[%parallel_loop3A_380, %get3A_93] : memref<64x512xf32, #tpu.memory_space<vmem>>[vector<16xi32>, vector<16xi32>], vector<16xf32>,
        %parallel_loop3A_482 = arith.index_cast %parallel_loop3A_377 : i32 to index
        %parallel_loop3A_483 = arith.constant 400 : index
        %parallel_loop3A_484 = tpu.vector_load %arg8[%parallel_loop3A_482, %parallel_loop3A_483] {strides = array<i32>} : memref<32x512xf32, #tpu.memory_space<vmem>>, vector<16xf32>,
        tpu.vector_store %arg8[%parallel_loop3A_482, %parallel_loop3A_483], %parallel_loop3A_481 {strides = array<i32>} : memref<32x512xf32, #tpu.memory_space<vmem>>, vector<16xf32>,
        %parallel_loop3A_485 = tpu.vector_load_idx %arg6[%parallel_loop3A_380, %get3A_95] : memref<64x512xf32, #tpu.memory_space<vmem>>[vector<16xi32>, vector<16xi32>], vector<16xf32>,
        %parallel_loop3A_486 = arith.index_cast %parallel_loop3A_377 : i32 to index
        %parallel_loop3A_487 = arith.constant 416 : index
        %parallel_loop3A_488 = tpu.vector_load %arg8[%parallel_loop3A_486, %parallel_loop3A_487] {strides = array<i32>} : memref<32x512xf32, #tpu.memory_space<vmem>>, vector<16xf32>,
        tpu.vector_store %arg8[%parallel_loop3A_486, %parallel_loop3A_487], %parallel_loop3A_485 {strides = array<i32>} : memref<32x512xf32, #tpu.memory_space<vmem>>, vector<16xf32>,
        %parallel_loop3A_489 = tpu.vector_load_idx %arg6[%parallel_loop3A_380, %get3A_97] : memref<64x512xf32, #tpu.memory_space<vmem>>[vector<16xi32>, vector<16xi32>], vector<16xf32>,
        %parallel_loop3A_490 = arith.index_cast %parallel_loop3A_377 : i32 to index
        %parallel_loop3A_491 = arith.constant 432 : index
        %parallel_loop3A_492 = tpu.vector_load %arg8[%parallel_loop3A_490, %parallel_loop3A_491] {strides = array<i32>} : memref<32x512xf32, #tpu.memory_space<vmem>>, vector<16xf32>,
        tpu.vector_store %arg8[%parallel_loop3A_490, %parallel_loop3A_491], %parallel_loop3A_489 {strides = array<i32>} : memref<32x512xf32, #tpu.memory_space<vmem>>, vector<16xf32>,
        %parallel_loop3A_493 = tpu.vector_load_idx %arg6[%parallel_loop3A_380, %get3A_99] : memref<64x512xf32, #tpu.memory_space<vmem>>[vector<16xi32>, vector<16xi32>], vector<16xf32>,
        %parallel_loop3A_494 = arith.index_cast %parallel_loop3A_377 : i32 to index
        %parallel_loop3A_495 = arith.constant 448 : index
        %parallel_loop3A_496 = tpu.vector_load %arg8[%parallel_loop3A_494, %parallel_loop3A_495] {strides = array<i32>} : memref<32x512xf32, #tpu.memory_space<vmem>>, vector<16xf32>,
        tpu.vector_store %arg8[%parallel_loop3A_494, %parallel_loop3A_495], %parallel_loop3A_493 {strides = array<i32>} : memref<32x512xf32, #tpu.memory_space<vmem>>, vector<16xf32>,
        %parallel_loop3A_497 = tpu.vector_load_idx %arg6[%parallel_loop3A_380, %get3A_101] : memref<64x512xf32, #tpu.memory_space<vmem>>[vector<16xi32>, vector<16xi32>], vector<16xf32>,
        %parallel_loop3A_498 = arith.index_cast %parallel_loop3A_377 : i32 to index
        %parallel_loop3A_499 = arith.constant 464 : index
        %parallel_loop3A_500 = tpu.vector_load %arg8[%parallel_loop3A_498, %parallel_loop3A_499] {strides = array<i32>} : memref<32x512xf32, #tpu.memory_space<vmem>>, vector<16xf32>,
        tpu.vector_store %arg8[%parallel_loop3A_498, %parallel_loop3A_499], %parallel_loop3A_497 {strides = array<i32>} : memref<32x512xf32, #tpu.memory_space<vmem>>, vector<16xf32>,
        %parallel_loop3A_501 = tpu.vector_load_idx %arg6[%parallel_loop3A_380, %get3A_103] : memref<64x512xf32, #tpu.memory_space<vmem>>[vector<16xi32>, vector<16xi32>], vector<16xf32>,
        %parallel_loop3A_502 = arith.index_cast %parallel_loop3A_377 : i32 to index
        %parallel_loop3A_503 = arith.constant 480 : index
        %parallel_loop3A_504 = tpu.vector_load %arg8[%parallel_loop3A_502, %parallel_loop3A_503] {strides = array<i32>} : memref<32x512xf32, #tpu.memory_space<vmem>>, vector<16xf32>,
        tpu.vector_store %arg8[%parallel_loop3A_502, %parallel_loop3A_503], %parallel_loop3A_501 {strides = array<i32>} : memref<32x512xf32, #tpu.memory_space<vmem>>, vector<16xf32>,
        %parallel_loop3A_505 = tpu.vector_load_idx %arg6[%parallel_loop3A_380, %get3A_105] : memref<64x512xf32, #tpu.memory_space<vmem>>[vector<16xi32>, vector<16xi32>], vector<16xf32>,
        %parallel_loop3A_506 = arith.index_cast %parallel_loop3A_377 : i32 to index
        %parallel_loop3A_507 = arith.constant 496 : index
        %parallel_loop3A_508 = tpu.vector_load %arg8[%parallel_loop3A_506, %parallel_loop3A_507] {strides = array<i32>} : memref<32x512xf32, #tpu.memory_space<vmem>>, vector<16xf32>,
        tpu.vector_store %arg8[%parallel_loop3A_506, %parallel_loop3A_507], %parallel_loop3A_505 {strides = array<i32>} : memref<32x512xf32, #tpu.memory_space<vmem>>, vector<16xf32>,
      } {sc.loop_unroll_factor = 1 : i64, sc.parallel_access}
      %mul3A_108 = arith.constant 64 : i32
      %mul3A_109 = arith.muli %add3A_28, %mul3A_108 : i32
      %add3A_110 = arith.addi %mul3A_2, %mul3A_109 : i32
      %add3A_111 = arith.constant 0 : i32
      %add3A_112 = arith.addi %add3A_110, %add3A_111 : i32
      %dma_start3A_113 = arith.constant 0 : i32
      %dma_start3A_114 = tpu.memref_slice %arg4[%add3A_112, %dma_start3A_113] : memref<65536x512xf32, #tpu.memory_space<hbm>> -> memref<32x512xf32, #tpu.memory_space<hbm>>
      %dma_start3A_115 = arith.constant 0 : i32
      %dma_start3A_116 = tpu.memref_slice %arg4[%add3A_112, %dma_start3A_115] : memref<65536x512xf32, #tpu.memory_space<hbm>> -> memref<32x512xf32, #tpu.memory_space<hbm>>
      tpu.enqueue_dma source(%arg8 : memref<32x512xf32, #tpu.memory_space<vmem>>) target(%dma_start3A_116 : memref<32x512xf32, #tpu.memory_space<hbm>>) target_semaphore(%arg12 : memref<!tpu.dma_semaphore, #tpu.memory_space<semaphore_mem>>)
      %ge3A_117 = arith.constant 1 : i32
      %ge3A_118 = arith.cmpi sge, %add3A_28, %ge3A_117 : i32
      %convert_element_type3A_119 = arith.extui %ge3A_118 : i1 to i32
      %cond3A_120 = arith.constant 0 : i32
      %cond3A_121 = arith.cmpi ne, %convert_element_type3A_119, %cond3A_120 : i32
      scf.if %cond3A_121 {
        %dma_wait3A_377 = arith.constant 0 : i32
        %dma_wait3A_378 = arith.constant 0 : i32
        %dma_wait3A_379 = tpu.memref_slice %arg4[%dma_wait3A_377, %dma_wait3A_378] : memref<65536x512xf32, #tpu.memory_space<hbm>> -> memref<32x512xf32, #tpu.memory_space<hbm>>
        %dma_wait3A_380 = arith.constant 0 : i32
        %dma_wait3A_381 = arith.constant 0 : i32
        %dma_wait3A_382 = tpu.memref_slice %arg4[%dma_wait3A_380, %dma_wait3A_381] : memref<65536x512xf32, #tpu.memory_space<hbm>> -> memref<32x512xf32, #tpu.memory_space<hbm>>
        tpu.wait_dma2 semaphore(%arg13 : memref<!tpu.dma_semaphore, #tpu.memory_space<semaphore_mem>>) src(%arg9 : memref<32x512xf32, #tpu.memory_space<vmem>>) dst(%dma_wait3A_382 : memref<32x512xf32, #tpu.memory_space<hbm>>)
      } else {
      }
      %get3A_122 = arith.constant 0 : index
      %get3A_123 = tpu.vector_load %arg5[%get3A_122] {strides = array<i32>} : memref<512xi32, #tpu.memory_space<vmem>>, vector<16xi32>,
      %get3A_124 = arith.constant 16 : index
      %get3A_125 = tpu.vector_load %arg5[%get3A_124] {strides = array<i32>} : memref<512xi32, #tpu.memory_space<vmem>>, vector<16xi32>,
      %get3A_126 = arith.constant 32 : index
      %get3A_127 = tpu.vector_load %arg5[%get3A_126] {strides = array<i32>} : memref<512xi32, #tpu.memory_space<vmem>>, vector<16xi32>,
      %get3A_128 = arith.constant 48 : index
      %get3A_129 = tpu.vector_load %arg5[%get3A_128] {strides = array<i32>} : memref<512xi32, #tpu.memory_space<vmem>>, vector<16xi32>,
      %get3A_130 = arith.constant 64 : index
      %get3A_131 = tpu.vector_load %arg5[%get3A_130] {strides = array<i32>} : memref<512xi32, #tpu.memory_space<vmem>>, vector<16xi32>,
      %get3A_132 = arith.constant 80 : index
      %get3A_133 = tpu.vector_load %arg5[%get3A_132] {strides = array<i32>} : memref<512xi32, #tpu.memory_space<vmem>>, vector<16xi32>,
      %get3A_134 = arith.constant 96 : index
      %get3A_135 = tpu.vector_load %arg5[%get3A_134] {strides = array<i32>} : memref<512xi32, #tpu.memory_space<vmem>>, vector<16xi32>,
      %get3A_136 = arith.constant 112 : index
      %get3A_137 = tpu.vector_load %arg5[%get3A_136] {strides = array<i32>} : memref<512xi32, #tpu.memory_space<vmem>>, vector<16xi32>,
      %get3A_138 = arith.constant 128 : index
      %get3A_139 = tpu.vector_load %arg5[%get3A_138] {strides = array<i32>} : memref<512xi32, #tpu.memory_space<vmem>>, vector<16xi32>,
      %get3A_140 = arith.constant 144 : index
      %get3A_141 = tpu.vector_load %arg5[%get3A_140] {strides = array<i32>} : memref<512xi32, #tpu.memory_space<vmem>>, vector<16xi32>,
      %get3A_142 = arith.constant 160 : index
      %get3A_143 = tpu.vector_load %arg5[%get3A_142] {strides = array<i32>} : memref<512xi32, #tpu.memory_space<vmem>>, vector<16xi32>,
      %get3A_144 = arith.constant 176 : index
      %get3A_145 = tpu.vector_load %arg5[%get3A_144] {strides = array<i32>} : memref<512xi32, #tpu.memory_space<vmem>>, vector<16xi32>,
      %get3A_146 = arith.constant 192 : index
      %get3A_147 = tpu.vector_load %arg5[%get3A_146] {strides = array<i32>} : memref<512xi32, #tpu.memory_space<vmem>>, vector<16xi32>,
      %get3A_148 = arith.constant 208 : index
      %get3A_149 = tpu.vector_load %arg5[%get3A_148] {strides = array<i32>} : memref<512xi32, #tpu.memory_space<vmem>>, vector<16xi32>,
      %get3A_150 = arith.constant 224 : index
      %get3A_151 = tpu.vector_load %arg5[%get3A_150] {strides = array<i32>} : memref<512xi32, #tpu.memory_space<vmem>>, vector<16xi32>,
      %get3A_152 = arith.constant 240 : index
      %get3A_153 = tpu.vector_load %arg5[%get3A_152] {strides = array<i32>} : memref<512xi32, #tpu.memory_space<vmem>>, vector<16xi32>,
      %get3A_154 = arith.constant 256 : index
      %get3A_155 = tpu.vector_load %arg5[%get3A_154] {strides = array<i32>} : memref<512xi32, #tpu.memory_space<vmem>>, vector<16xi32>,
      %get3A_156 = arith.constant 272 : index
      %get3A_157 = tpu.vector_load %arg5[%get3A_156] {strides = array<i32>} : memref<512xi32, #tpu.memory_space<vmem>>, vector<16xi32>,
      %get3A_158 = arith.constant 288 : index
      %get3A_159 = tpu.vector_load %arg5[%get3A_158] {strides = array<i32>} : memref<512xi32, #tpu.memory_space<vmem>>, vector<16xi32>,
      %get3A_160 = arith.constant 304 : index
      %get3A_161 = tpu.vector_load %arg5[%get3A_160] {strides = array<i32>} : memref<512xi32, #tpu.memory_space<vmem>>, vector<16xi32>,
      %get3A_162 = arith.constant 320 : index
      %get3A_163 = tpu.vector_load %arg5[%get3A_162] {strides = array<i32>} : memref<512xi32, #tpu.memory_space<vmem>>, vector<16xi32>,
      %get3A_164 = arith.constant 336 : index
      %get3A_165 = tpu.vector_load %arg5[%get3A_164] {strides = array<i32>} : memref<512xi32, #tpu.memory_space<vmem>>, vector<16xi32>,
      %get3A_166 = arith.constant 352 : index
      %get3A_167 = tpu.vector_load %arg5[%get3A_166] {strides = array<i32>} : memref<512xi32, #tpu.memory_space<vmem>>, vector<16xi32>,
      %get3A_168 = arith.constant 368 : index
      %get3A_169 = tpu.vector_load %arg5[%get3A_168] {strides = array<i32>} : memref<512xi32, #tpu.memory_space<vmem>>, vector<16xi32>,
      %get3A_170 = arith.constant 384 : index
      %get3A_171 = tpu.vector_load %arg5[%get3A_170] {strides = array<i32>} : memref<512xi32, #tpu.memory_space<vmem>>, vector<16xi32>,
      %get3A_172 = arith.constant 400 : index
      %get3A_173 = tpu.vector_load %arg5[%get3A_172] {strides = array<i32>} : memref<512xi32, #tpu.memory_space<vmem>>, vector<16xi32>,
      %get3A_174 = arith.constant 416 : index
      %get3A_175 = tpu.vector_load %arg5[%get3A_174] {strides = array<i32>} : memref<512xi32, #tpu.memory_space<vmem>>, vector<16xi32>,
      %get3A_176 = arith.constant 432 : index
      %get3A_177 = tpu.vector_load %arg5[%get3A_176] {strides = array<i32>} : memref<512xi32, #tpu.memory_space<vmem>>, vector<16xi32>,
      %get3A_178 = arith.constant 448 : index
      %get3A_179 = tpu.vector_load %arg5[%get3A_178] {strides = array<i32>} : memref<512xi32, #tpu.memory_space<vmem>>, vector<16xi32>,
      %get3A_180 = arith.constant 464 : index
      %get3A_181 = tpu.vector_load %arg5[%get3A_180] {strides = array<i32>} : memref<512xi32, #tpu.memory_space<vmem>>, vector<16xi32>,
      %get3A_182 = arith.constant 480 : index
      %get3A_183 = tpu.vector_load %arg5[%get3A_182] {strides = array<i32>} : memref<512xi32, #tpu.memory_space<vmem>>, vector<16xi32>,
      %get3A_184 = arith.constant 496 : index
      %get3A_185 = tpu.vector_load %arg5[%get3A_184] {strides = array<i32>} : memref<512xi32, #tpu.memory_space<vmem>>, vector<16xi32>,
      %parallel_loop3A_186 = arith.constant 0 : i32
      %parallel_loop3A_187 = arith.constant 32 : i32
      %parallel_loop3A_188 = arith.constant 1 : i32
      scf.for %parallel_loop3A_377 = %parallel_loop3A_186 to %parallel_loop3A_187 step %parallel_loop3A_188  : i32 {
        %parallel_loop3A_378 = arith.constant 32 : i32
        %parallel_loop3A_379 = arith.addi %parallel_loop3A_378, %parallel_loop3A_377 : i32
        %parallel_loop3A_380 = vector.broadcast %parallel_loop3A_379 : i32 to vector<16xi32>
        %parallel_loop3A_381 = tpu.vector_load_idx %arg6[%parallel_loop3A_380, %get3A_123] : memref<64x512xf32, #tpu.memory_space<vmem>>[vector<16xi32>, vector<16xi32>], vector<16xf32>,
        %parallel_loop3A_382 = arith.index_cast %parallel_loop3A_377 : i32 to index
        %parallel_loop3A_383 = arith.constant 0 : index
        %parallel_loop3A_384 = tpu.vector_load %arg9[%parallel_loop3A_382, %parallel_loop3A_383] {strides = array<i32>} : memref<32x512xf32, #tpu.memory_space<vmem>>, vector<16xf32>,
        tpu.vector_store %arg9[%parallel_loop3A_382, %parallel_loop3A_383], %parallel_loop3A_381 {strides = array<i32>} : memref<32x512xf32, #tpu.memory_space<vmem>>, vector<16xf32>,
        %parallel_loop3A_385 = tpu.vector_load_idx %arg6[%parallel_loop3A_380, %get3A_125] : memref<64x512xf32, #tpu.memory_space<vmem>>[vector<16xi32>, vector<16xi32>], vector<16xf32>,
        %parallel_loop3A_386 = arith.index_cast %parallel_loop3A_377 : i32 to index
        %parallel_loop3A_387 = arith.constant 16 : index
        %parallel_loop3A_388 = tpu.vector_load %arg9[%parallel_loop3A_386, %parallel_loop3A_387] {strides = array<i32>} : memref<32x512xf32, #tpu.memory_space<vmem>>, vector<16xf32>,
        tpu.vector_store %arg9[%parallel_loop3A_386, %parallel_loop3A_387], %parallel_loop3A_385 {strides = array<i32>} : memref<32x512xf32, #tpu.memory_space<vmem>>, vector<16xf32>,
        %parallel_loop3A_389 = tpu.vector_load_idx %arg6[%parallel_loop3A_380, %get3A_127] : memref<64x512xf32, #tpu.memory_space<vmem>>[vector<16xi32>, vector<16xi32>], vector<16xf32>,
        %parallel_loop3A_390 = arith.index_cast %parallel_loop3A_377 : i32 to index
        %parallel_loop3A_391 = arith.constant 32 : index
        %parallel_loop3A_392 = tpu.vector_load %arg9[%parallel_loop3A_390, %parallel_loop3A_391] {strides = array<i32>} : memref<32x512xf32, #tpu.memory_space<vmem>>, vector<16xf32>,
        tpu.vector_store %arg9[%parallel_loop3A_390, %parallel_loop3A_391], %parallel_loop3A_389 {strides = array<i32>} : memref<32x512xf32, #tpu.memory_space<vmem>>, vector<16xf32>,
        %parallel_loop3A_393 = tpu.vector_load_idx %arg6[%parallel_loop3A_380, %get3A_129] : memref<64x512xf32, #tpu.memory_space<vmem>>[vector<16xi32>, vector<16xi32>], vector<16xf32>,
        %parallel_loop3A_394 = arith.index_cast %parallel_loop3A_377 : i32 to index
        %parallel_loop3A_395 = arith.constant 48 : index
        %parallel_loop3A_396 = tpu.vector_load %arg9[%parallel_loop3A_394, %parallel_loop3A_395] {strides = array<i32>} : memref<32x512xf32, #tpu.memory_space<vmem>>, vector<16xf32>,
        tpu.vector_store %arg9[%parallel_loop3A_394, %parallel_loop3A_395], %parallel_loop3A_393 {strides = array<i32>} : memref<32x512xf32, #tpu.memory_space<vmem>>, vector<16xf32>,
        %parallel_loop3A_397 = tpu.vector_load_idx %arg6[%parallel_loop3A_380, %get3A_131] : memref<64x512xf32, #tpu.memory_space<vmem>>[vector<16xi32>, vector<16xi32>], vector<16xf32>,
        %parallel_loop3A_398 = arith.index_cast %parallel_loop3A_377 : i32 to index
        %parallel_loop3A_399 = arith.constant 64 : index
        %parallel_loop3A_400 = tpu.vector_load %arg9[%parallel_loop3A_398, %parallel_loop3A_399] {strides = array<i32>} : memref<32x512xf32, #tpu.memory_space<vmem>>, vector<16xf32>,
        tpu.vector_store %arg9[%parallel_loop3A_398, %parallel_loop3A_399], %parallel_loop3A_397 {strides = array<i32>} : memref<32x512xf32, #tpu.memory_space<vmem>>, vector<16xf32>,
        %parallel_loop3A_401 = tpu.vector_load_idx %arg6[%parallel_loop3A_380, %get3A_133] : memref<64x512xf32, #tpu.memory_space<vmem>>[vector<16xi32>, vector<16xi32>], vector<16xf32>,
        %parallel_loop3A_402 = arith.index_cast %parallel_loop3A_377 : i32 to index
        %parallel_loop3A_403 = arith.constant 80 : index
        %parallel_loop3A_404 = tpu.vector_load %arg9[%parallel_loop3A_402, %parallel_loop3A_403] {strides = array<i32>} : memref<32x512xf32, #tpu.memory_space<vmem>>, vector<16xf32>,
        tpu.vector_store %arg9[%parallel_loop3A_402, %parallel_loop3A_403], %parallel_loop3A_401 {strides = array<i32>} : memref<32x512xf32, #tpu.memory_space<vmem>>, vector<16xf32>,
        %parallel_loop3A_405 = tpu.vector_load_idx %arg6[%parallel_loop3A_380, %get3A_135] : memref<64x512xf32, #tpu.memory_space<vmem>>[vector<16xi32>, vector<16xi32>], vector<16xf32>,
        %parallel_loop3A_406 = arith.index_cast %parallel_loop3A_377 : i32 to index
        %parallel_loop3A_407 = arith.constant 96 : index
        %parallel_loop3A_408 = tpu.vector_load %arg9[%parallel_loop3A_406, %parallel_loop3A_407] {strides = array<i32>} : memref<32x512xf32, #tpu.memory_space<vmem>>, vector<16xf32>,
        tpu.vector_store %arg9[%parallel_loop3A_406, %parallel_loop3A_407], %parallel_loop3A_405 {strides = array<i32>} : memref<32x512xf32, #tpu.memory_space<vmem>>, vector<16xf32>,
        %parallel_loop3A_409 = tpu.vector_load_idx %arg6[%parallel_loop3A_380, %get3A_137] : memref<64x512xf32, #tpu.memory_space<vmem>>[vector<16xi32>, vector<16xi32>], vector<16xf32>,
        %parallel_loop3A_410 = arith.index_cast %parallel_loop3A_377 : i32 to index
        %parallel_loop3A_411 = arith.constant 112 : index
        %parallel_loop3A_412 = tpu.vector_load %arg9[%parallel_loop3A_410, %parallel_loop3A_411] {strides = array<i32>} : memref<32x512xf32, #tpu.memory_space<vmem>>, vector<16xf32>,
        tpu.vector_store %arg9[%parallel_loop3A_410, %parallel_loop3A_411], %parallel_loop3A_409 {strides = array<i32>} : memref<32x512xf32, #tpu.memory_space<vmem>>, vector<16xf32>,
        %parallel_loop3A_413 = tpu.vector_load_idx %arg6[%parallel_loop3A_380, %get3A_139] : memref<64x512xf32, #tpu.memory_space<vmem>>[vector<16xi32>, vector<16xi32>], vector<16xf32>,
        %parallel_loop3A_414 = arith.index_cast %parallel_loop3A_377 : i32 to index
        %parallel_loop3A_415 = arith.constant 128 : index
        %parallel_loop3A_416 = tpu.vector_load %arg9[%parallel_loop3A_414, %parallel_loop3A_415] {strides = array<i32>} : memref<32x512xf32, #tpu.memory_space<vmem>>, vector<16xf32>,
        tpu.vector_store %arg9[%parallel_loop3A_414, %parallel_loop3A_415], %parallel_loop3A_413 {strides = array<i32>} : memref<32x512xf32, #tpu.memory_space<vmem>>, vector<16xf32>,
        %parallel_loop3A_417 = tpu.vector_load_idx %arg6[%parallel_loop3A_380, %get3A_141] : memref<64x512xf32, #tpu.memory_space<vmem>>[vector<16xi32>, vector<16xi32>], vector<16xf32>,
        %parallel_loop3A_418 = arith.index_cast %parallel_loop3A_377 : i32 to index
        %parallel_loop3A_419 = arith.constant 144 : index
        %parallel_loop3A_420 = tpu.vector_load %arg9[%parallel_loop3A_418, %parallel_loop3A_419] {strides = array<i32>} : memref<32x512xf32, #tpu.memory_space<vmem>>, vector<16xf32>,
        tpu.vector_store %arg9[%parallel_loop3A_418, %parallel_loop3A_419], %parallel_loop3A_417 {strides = array<i32>} : memref<32x512xf32, #tpu.memory_space<vmem>>, vector<16xf32>,
        %parallel_loop3A_421 = tpu.vector_load_idx %arg6[%parallel_loop3A_380, %get3A_143] : memref<64x512xf32, #tpu.memory_space<vmem>>[vector<16xi32>, vector<16xi32>], vector<16xf32>,
        %parallel_loop3A_422 = arith.index_cast %parallel_loop3A_377 : i32 to index
        %parallel_loop3A_423 = arith.constant 160 : index
        %parallel_loop3A_424 = tpu.vector_load %arg9[%parallel_loop3A_422, %parallel_loop3A_423] {strides = array<i32>} : memref<32x512xf32, #tpu.memory_space<vmem>>, vector<16xf32>,
        tpu.vector_store %arg9[%parallel_loop3A_422, %parallel_loop3A_423], %parallel_loop3A_421 {strides = array<i32>} : memref<32x512xf32, #tpu.memory_space<vmem>>, vector<16xf32>,
        %parallel_loop3A_425 = tpu.vector_load_idx %arg6[%parallel_loop3A_380, %get3A_145] : memref<64x512xf32, #tpu.memory_space<vmem>>[vector<16xi32>, vector<16xi32>], vector<16xf32>,
        %parallel_loop3A_426 = arith.index_cast %parallel_loop3A_377 : i32 to index
        %parallel_loop3A_427 = arith.constant 176 : index
        %parallel_loop3A_428 = tpu.vector_load %arg9[%parallel_loop3A_426, %parallel_loop3A_427] {strides = array<i32>} : memref<32x512xf32, #tpu.memory_space<vmem>>, vector<16xf32>,
        tpu.vector_store %arg9[%parallel_loop3A_426, %parallel_loop3A_427], %parallel_loop3A_425 {strides = array<i32>} : memref<32x512xf32, #tpu.memory_space<vmem>>, vector<16xf32>,
        %parallel_loop3A_429 = tpu.vector_load_idx %arg6[%parallel_loop3A_380, %get3A_147] : memref<64x512xf32, #tpu.memory_space<vmem>>[vector<16xi32>, vector<16xi32>], vector<16xf32>,
        %parallel_loop3A_430 = arith.index_cast %parallel_loop3A_377 : i32 to index
        %parallel_loop3A_431 = arith.constant 192 : index
        %parallel_loop3A_432 = tpu.vector_load %arg9[%parallel_loop3A_430, %parallel_loop3A_431] {strides = array<i32>} : memref<32x512xf32, #tpu.memory_space<vmem>>, vector<16xf32>,
        tpu.vector_store %arg9[%parallel_loop3A_430, %parallel_loop3A_431], %parallel_loop3A_429 {strides = array<i32>} : memref<32x512xf32, #tpu.memory_space<vmem>>, vector<16xf32>,
        %parallel_loop3A_433 = tpu.vector_load_idx %arg6[%parallel_loop3A_380, %get3A_149] : memref<64x512xf32, #tpu.memory_space<vmem>>[vector<16xi32>, vector<16xi32>], vector<16xf32>,
        %parallel_loop3A_434 = arith.index_cast %parallel_loop3A_377 : i32 to index
        %parallel_loop3A_435 = arith.constant 208 : index
        %parallel_loop3A_436 = tpu.vector_load %arg9[%parallel_loop3A_434, %parallel_loop3A_435] {strides = array<i32>} : memref<32x512xf32, #tpu.memory_space<vmem>>, vector<16xf32>,
        tpu.vector_store %arg9[%parallel_loop3A_434, %parallel_loop3A_435], %parallel_loop3A_433 {strides = array<i32>} : memref<32x512xf32, #tpu.memory_space<vmem>>, vector<16xf32>,
        %parallel_loop3A_437 = tpu.vector_load_idx %arg6[%parallel_loop3A_380, %get3A_151] : memref<64x512xf32, #tpu.memory_space<vmem>>[vector<16xi32>, vector<16xi32>], vector<16xf32>,
        %parallel_loop3A_438 = arith.index_cast %parallel_loop3A_377 : i32 to index
        %parallel_loop3A_439 = arith.constant 224 : index
        %parallel_loop3A_440 = tpu.vector_load %arg9[%parallel_loop3A_438, %parallel_loop3A_439] {strides = array<i32>} : memref<32x512xf32, #tpu.memory_space<vmem>>, vector<16xf32>,
        tpu.vector_store %arg9[%parallel_loop3A_438, %parallel_loop3A_439], %parallel_loop3A_437 {strides = array<i32>} : memref<32x512xf32, #tpu.memory_space<vmem>>, vector<16xf32>,
        %parallel_loop3A_441 = tpu.vector_load_idx %arg6[%parallel_loop3A_380, %get3A_153] : memref<64x512xf32, #tpu.memory_space<vmem>>[vector<16xi32>, vector<16xi32>], vector<16xf32>,
        %parallel_loop3A_442 = arith.index_cast %parallel_loop3A_377 : i32 to index
        %parallel_loop3A_443 = arith.constant 240 : index
        %parallel_loop3A_444 = tpu.vector_load %arg9[%parallel_loop3A_442, %parallel_loop3A_443] {strides = array<i32>} : memref<32x512xf32, #tpu.memory_space<vmem>>, vector<16xf32>,
        tpu.vector_store %arg9[%parallel_loop3A_442, %parallel_loop3A_443], %parallel_loop3A_441 {strides = array<i32>} : memref<32x512xf32, #tpu.memory_space<vmem>>, vector<16xf32>,
        %parallel_loop3A_445 = tpu.vector_load_idx %arg6[%parallel_loop3A_380, %get3A_155] : memref<64x512xf32, #tpu.memory_space<vmem>>[vector<16xi32>, vector<16xi32>], vector<16xf32>,
        %parallel_loop3A_446 = arith.index_cast %parallel_loop3A_377 : i32 to index
        %parallel_loop3A_447 = arith.constant 256 : index
        %parallel_loop3A_448 = tpu.vector_load %arg9[%parallel_loop3A_446, %parallel_loop3A_447] {strides = array<i32>} : memref<32x512xf32, #tpu.memory_space<vmem>>, vector<16xf32>,
        tpu.vector_store %arg9[%parallel_loop3A_446, %parallel_loop3A_447], %parallel_loop3A_445 {strides = array<i32>} : memref<32x512xf32, #tpu.memory_space<vmem>>, vector<16xf32>,
        %parallel_loop3A_449 = tpu.vector_load_idx %arg6[%parallel_loop3A_380, %get3A_157] : memref<64x512xf32, #tpu.memory_space<vmem>>[vector<16xi32>, vector<16xi32>], vector<16xf32>,
        %parallel_loop3A_450 = arith.index_cast %parallel_loop3A_377 : i32 to index
        %parallel_loop3A_451 = arith.constant 272 : index
        %parallel_loop3A_452 = tpu.vector_load %arg9[%parallel_loop3A_450, %parallel_loop3A_451] {strides = array<i32>} : memref<32x512xf32, #tpu.memory_space<vmem>>, vector<16xf32>,
        tpu.vector_store %arg9[%parallel_loop3A_450, %parallel_loop3A_451], %parallel_loop3A_449 {strides = array<i32>} : memref<32x512xf32, #tpu.memory_space<vmem>>, vector<16xf32>,
        %parallel_loop3A_453 = tpu.vector_load_idx %arg6[%parallel_loop3A_380, %get3A_159] : memref<64x512xf32, #tpu.memory_space<vmem>>[vector<16xi32>, vector<16xi32>], vector<16xf32>,
        %parallel_loop3A_454 = arith.index_cast %parallel_loop3A_377 : i32 to index
        %parallel_loop3A_455 = arith.constant 288 : index
        %parallel_loop3A_456 = tpu.vector_load %arg9[%parallel_loop3A_454, %parallel_loop3A_455] {strides = array<i32>} : memref<32x512xf32, #tpu.memory_space<vmem>>, vector<16xf32>,
        tpu.vector_store %arg9[%parallel_loop3A_454, %parallel_loop3A_455], %parallel_loop3A_453 {strides = array<i32>} : memref<32x512xf32, #tpu.memory_space<vmem>>, vector<16xf32>,
        %parallel_loop3A_457 = tpu.vector_load_idx %arg6[%parallel_loop3A_380, %get3A_161] : memref<64x512xf32, #tpu.memory_space<vmem>>[vector<16xi32>, vector<16xi32>], vector<16xf32>,
        %parallel_loop3A_458 = arith.index_cast %parallel_loop3A_377 : i32 to index
        %parallel_loop3A_459 = arith.constant 304 : index
        %parallel_loop3A_460 = tpu.vector_load %arg9[%parallel_loop3A_458, %parallel_loop3A_459] {strides = array<i32>} : memref<32x512xf32, #tpu.memory_space<vmem>>, vector<16xf32>,
        tpu.vector_store %arg9[%parallel_loop3A_458, %parallel_loop3A_459], %parallel_loop3A_457 {strides = array<i32>} : memref<32x512xf32, #tpu.memory_space<vmem>>, vector<16xf32>,
        %parallel_loop3A_461 = tpu.vector_load_idx %arg6[%parallel_loop3A_380, %get3A_163] : memref<64x512xf32, #tpu.memory_space<vmem>>[vector<16xi32>, vector<16xi32>], vector<16xf32>,
        %parallel_loop3A_462 = arith.index_cast %parallel_loop3A_377 : i32 to index
        %parallel_loop3A_463 = arith.constant 320 : index
        %parallel_loop3A_464 = tpu.vector_load %arg9[%parallel_loop3A_462, %parallel_loop3A_463] {strides = array<i32>} : memref<32x512xf32, #tpu.memory_space<vmem>>, vector<16xf32>,
        tpu.vector_store %arg9[%parallel_loop3A_462, %parallel_loop3A_463], %parallel_loop3A_461 {strides = array<i32>} : memref<32x512xf32, #tpu.memory_space<vmem>>, vector<16xf32>,
        %parallel_loop3A_465 = tpu.vector_load_idx %arg6[%parallel_loop3A_380, %get3A_165] : memref<64x512xf32, #tpu.memory_space<vmem>>[vector<16xi32>, vector<16xi32>], vector<16xf32>,
        %parallel_loop3A_466 = arith.index_cast %parallel_loop3A_377 : i32 to index
        %parallel_loop3A_467 = arith.constant 336 : index
        %parallel_loop3A_468 = tpu.vector_load %arg9[%parallel_loop3A_466, %parallel_loop3A_467] {strides = array<i32>} : memref<32x512xf32, #tpu.memory_space<vmem>>, vector<16xf32>,
        tpu.vector_store %arg9[%parallel_loop3A_466, %parallel_loop3A_467], %parallel_loop3A_465 {strides = array<i32>} : memref<32x512xf32, #tpu.memory_space<vmem>>, vector<16xf32>,
        %parallel_loop3A_469 = tpu.vector_load_idx %arg6[%parallel_loop3A_380, %get3A_167] : memref<64x512xf32, #tpu.memory_space<vmem>>[vector<16xi32>, vector<16xi32>], vector<16xf32>,
        %parallel_loop3A_470 = arith.index_cast %parallel_loop3A_377 : i32 to index
        %parallel_loop3A_471 = arith.constant 352 : index
        %parallel_loop3A_472 = tpu.vector_load %arg9[%parallel_loop3A_470, %parallel_loop3A_471] {strides = array<i32>} : memref<32x512xf32, #tpu.memory_space<vmem>>, vector<16xf32>,
        tpu.vector_store %arg9[%parallel_loop3A_470, %parallel_loop3A_471], %parallel_loop3A_469 {strides = array<i32>} : memref<32x512xf32, #tpu.memory_space<vmem>>, vector<16xf32>,
        %parallel_loop3A_473 = tpu.vector_load_idx %arg6[%parallel_loop3A_380, %get3A_169] : memref<64x512xf32, #tpu.memory_space<vmem>>[vector<16xi32>, vector<16xi32>], vector<16xf32>,
        %parallel_loop3A_474 = arith.index_cast %parallel_loop3A_377 : i32 to index
        %parallel_loop3A_475 = arith.constant 368 : index
        %parallel_loop3A_476 = tpu.vector_load %arg9[%parallel_loop3A_474, %parallel_loop3A_475] {strides = array<i32>} : memref<32x512xf32, #tpu.memory_space<vmem>>, vector<16xf32>,
        tpu.vector_store %arg9[%parallel_loop3A_474, %parallel_loop3A_475], %parallel_loop3A_473 {strides = array<i32>} : memref<32x512xf32, #tpu.memory_space<vmem>>, vector<16xf32>,
        %parallel_loop3A_477 = tpu.vector_load_idx %arg6[%parallel_loop3A_380, %get3A_171] : memref<64x512xf32, #tpu.memory_space<vmem>>[vector<16xi32>, vector<16xi32>], vector<16xf32>,
        %parallel_loop3A_478 = arith.index_cast %parallel_loop3A_377 : i32 to index
        %parallel_loop3A_479 = arith.constant 384 : index
        %parallel_loop3A_480 = tpu.vector_load %arg9[%parallel_loop3A_478, %parallel_loop3A_479] {strides = array<i32>} : memref<32x512xf32, #tpu.memory_space<vmem>>, vector<16xf32>,
        tpu.vector_store %arg9[%parallel_loop3A_478, %parallel_loop3A_479], %parallel_loop3A_477 {strides = array<i32>} : memref<32x512xf32, #tpu.memory_space<vmem>>, vector<16xf32>,
        %parallel_loop3A_481 = tpu.vector_load_idx %arg6[%parallel_loop3A_380, %get3A_173] : memref<64x512xf32, #tpu.memory_space<vmem>>[vector<16xi32>, vector<16xi32>], vector<16xf32>,
        %parallel_loop3A_482 = arith.index_cast %parallel_loop3A_377 : i32 to index
        %parallel_loop3A_483 = arith.constant 400 : index
        %parallel_loop3A_484 = tpu.vector_load %arg9[%parallel_loop3A_482, %parallel_loop3A_483] {strides = array<i32>} : memref<32x512xf32, #tpu.memory_space<vmem>>, vector<16xf32>,
        tpu.vector_store %arg9[%parallel_loop3A_482, %parallel_loop3A_483], %parallel_loop3A_481 {strides = array<i32>} : memref<32x512xf32, #tpu.memory_space<vmem>>, vector<16xf32>,
        %parallel_loop3A_485 = tpu.vector_load_idx %arg6[%parallel_loop3A_380, %get3A_175] : memref<64x512xf32, #tpu.memory_space<vmem>>[vector<16xi32>, vector<16xi32>], vector<16xf32>,
        %parallel_loop3A_486 = arith.index_cast %parallel_loop3A_377 : i32 to index
        %parallel_loop3A_487 = arith.constant 416 : index
        %parallel_loop3A_488 = tpu.vector_load %arg9[%parallel_loop3A_486, %parallel_loop3A_487] {strides = array<i32>} : memref<32x512xf32, #tpu.memory_space<vmem>>, vector<16xf32>,
        tpu.vector_store %arg9[%parallel_loop3A_486, %parallel_loop3A_487], %parallel_loop3A_485 {strides = array<i32>} : memref<32x512xf32, #tpu.memory_space<vmem>>, vector<16xf32>,
        %parallel_loop3A_489 = tpu.vector_load_idx %arg6[%parallel_loop3A_380, %get3A_177] : memref<64x512xf32, #tpu.memory_space<vmem>>[vector<16xi32>, vector<16xi32>], vector<16xf32>,
        %parallel_loop3A_490 = arith.index_cast %parallel_loop3A_377 : i32 to index
        %parallel_loop3A_491 = arith.constant 432 : index
        %parallel_loop3A_492 = tpu.vector_load %arg9[%parallel_loop3A_490, %parallel_loop3A_491] {strides = array<i32>} : memref<32x512xf32, #tpu.memory_space<vmem>>, vector<16xf32>,
        tpu.vector_store %arg9[%parallel_loop3A_490, %parallel_loop3A_491], %parallel_loop3A_489 {strides = array<i32>} : memref<32x512xf32, #tpu.memory_space<vmem>>, vector<16xf32>,
        %parallel_loop3A_493 = tpu.vector_load_idx %arg6[%parallel_loop3A_380, %get3A_179] : memref<64x512xf32, #tpu.memory_space<vmem>>[vector<16xi32>, vector<16xi32>], vector<16xf32>,
        %parallel_loop3A_494 = arith.index_cast %parallel_loop3A_377 : i32 to index
        %parallel_loop3A_495 = arith.constant 448 : index
        %parallel_loop3A_496 = tpu.vector_load %arg9[%parallel_loop3A_494, %parallel_loop3A_495] {strides = array<i32>} : memref<32x512xf32, #tpu.memory_space<vmem>>, vector<16xf32>,
        tpu.vector_store %arg9[%parallel_loop3A_494, %parallel_loop3A_495], %parallel_loop3A_493 {strides = array<i32>} : memref<32x512xf32, #tpu.memory_space<vmem>>, vector<16xf32>,
        %parallel_loop3A_497 = tpu.vector_load_idx %arg6[%parallel_loop3A_380, %get3A_181] : memref<64x512xf32, #tpu.memory_space<vmem>>[vector<16xi32>, vector<16xi32>], vector<16xf32>,
        %parallel_loop3A_498 = arith.index_cast %parallel_loop3A_377 : i32 to index
        %parallel_loop3A_499 = arith.constant 464 : index
        %parallel_loop3A_500 = tpu.vector_load %arg9[%parallel_loop3A_498, %parallel_loop3A_499] {strides = array<i32>} : memref<32x512xf32, #tpu.memory_space<vmem>>, vector<16xf32>,
        tpu.vector_store %arg9[%parallel_loop3A_498, %parallel_loop3A_499], %parallel_loop3A_497 {strides = array<i32>} : memref<32x512xf32, #tpu.memory_space<vmem>>, vector<16xf32>,
        %parallel_loop3A_501 = tpu.vector_load_idx %arg6[%parallel_loop3A_380, %get3A_183] : memref<64x512xf32, #tpu.memory_space<vmem>>[vector<16xi32>, vector<16xi32>], vector<16xf32>,
        %parallel_loop3A_502 = arith.index_cast %parallel_loop3A_377 : i32 to index
        %parallel_loop3A_503 = arith.constant 480 : index
        %parallel_loop3A_504 = tpu.vector_load %arg9[%parallel_loop3A_502, %parallel_loop3A_503] {strides = array<i32>} : memref<32x512xf32, #tpu.memory_space<vmem>>, vector<16xf32>,
        tpu.vector_store %arg9[%parallel_loop3A_502, %parallel_loop3A_503], %parallel_loop3A_501 {strides = array<i32>} : memref<32x512xf32, #tpu.memory_space<vmem>>, vector<16xf32>,
        %parallel_loop3A_505 = tpu.vector_load_idx %arg6[%parallel_loop3A_380, %get3A_185] : memref<64x512xf32, #tpu.memory_space<vmem>>[vector<16xi32>, vector<16xi32>], vector<16xf32>,
        %parallel_loop3A_506 = arith.index_cast %parallel_loop3A_377 : i32 to index
        %parallel_loop3A_507 = arith.constant 496 : index
        %parallel_loop3A_508 = tpu.vector_load %arg9[%parallel_loop3A_506, %parallel_loop3A_507] {strides = array<i32>} : memref<32x512xf32, #tpu.memory_space<vmem>>, vector<16xf32>,
        tpu.vector_store %arg9[%parallel_loop3A_506, %parallel_loop3A_507], %parallel_loop3A_505 {strides = array<i32>} : memref<32x512xf32, #tpu.memory_space<vmem>>, vector<16xf32>,
      } {sc.loop_unroll_factor = 1 : i64, sc.parallel_access}
      %mul3A_189 = arith.constant 64 : i32
      %mul3A_190 = arith.muli %add3A_28, %mul3A_189 : i32
      %add3A_191 = arith.addi %mul3A_2, %mul3A_190 : i32
      %add3A_192 = arith.constant 32 : i32
      %add3A_193 = arith.addi %add3A_191, %add3A_192 : i32
      %dma_start3A_194 = arith.constant 0 : i32
      %dma_start3A_195 = tpu.memref_slice %arg4[%add3A_193, %dma_start3A_194] : memref<65536x512xf32, #tpu.memory_space<hbm>> -> memref<32x512xf32, #tpu.memory_space<hbm>>
      %dma_start3A_196 = arith.constant 0 : i32
      %dma_start3A_197 = tpu.memref_slice %arg4[%add3A_193, %dma_start3A_196] : memref<65536x512xf32, #tpu.memory_space<hbm>> -> memref<32x512xf32, #tpu.memory_space<hbm>>
      tpu.enqueue_dma source(%arg9 : memref<32x512xf32, #tpu.memory_space<vmem>>) target(%dma_start3A_197 : memref<32x512xf32, #tpu.memory_space<hbm>>) target_semaphore(%arg13 : memref<!tpu.dma_semaphore, #tpu.memory_space<semaphore_mem>>)
      %mul3A_198 = arith.constant 2 : i32
      %mul3A_199 = arith.muli %mul3A_198, %scan3A_24 : i32
      %add3A_200 = arith.constant 1 : i32
      %add3A_201 = arith.addi %mul3A_199, %add3A_200 : i32
      %dma_wait3A_202 = arith.constant 0 : i32
      %dma_wait3A_203 = arith.constant 0 : i32
      %dma_wait3A_204 = tpu.memref_slice %arg2[%dma_wait3A_202, %dma_wait3A_203] : memref<65536x512xf32, #tpu.memory_space<hbm>> -> memref<64x512xf32, #tpu.memory_space<hbm>>
      %dma_wait3A_205 = arith.constant 0 : i32
      %dma_wait3A_206 = arith.constant 0 : i32
      %dma_wait3A_207 = tpu.memref_slice %arg2[%dma_wait3A_205, %dma_wait3A_206] : memref<65536x512xf32, #tpu.memory_space<hbm>> -> memref<64x512xf32, #tpu.memory_space<hbm>>
      tpu.wait_dma2 semaphore(%arg11 : memref<!tpu.dma_semaphore, #tpu.memory_space<semaphore_mem>>) src(%dma_wait3A_207 : memref<64x512xf32, #tpu.memory_space<hbm>>) dst(%arg7 : memref<64x512xf32, #tpu.memory_space<vmem>>)
      %add3A_208 = arith.constant 1 : i32
      %add3A_209 = arith.addi %add3A_201, %add3A_208 : i32
      %lt3A_210 = arith.constant 32 : i32
      %lt3A_211 = arith.cmpi slt, %add3A_209, %lt3A_210 : i32
      %convert_element_type3A_212 = arith.extui %lt3A_211 : i1 to i32
      %cond3A_213 = arith.constant 0 : i32
      %cond3A_214 = arith.cmpi ne, %convert_element_type3A_212, %cond3A_213 : i32
      scf.if %cond3A_214 {
        %add3A_377 = arith.constant 1 : i32
        %add3A_378 = arith.addi %add3A_201, %add3A_377 : i32
        %mul3A_379 = arith.constant 64 : i32
        %mul3A_380 = arith.muli %add3A_378, %mul3A_379 : i32
        %add3A_381 = arith.addi %mul3A_2, %mul3A_380 : i32
        %dma_start3A_382 = arith.constant 0 : i32
        %dma_start3A_383 = tpu.memref_slice %arg2[%add3A_381, %dma_start3A_382] : memref<65536x512xf32, #tpu.memory_space<hbm>> -> memref<64x512xf32, #tpu.memory_space<hbm>>
        %dma_start3A_384 = arith.constant 0 : i32
        %dma_start3A_385 = tpu.memref_slice %arg2[%add3A_381, %dma_start3A_384] : memref<65536x512xf32, #tpu.memory_space<hbm>> -> memref<64x512xf32, #tpu.memory_space<hbm>>
        tpu.enqueue_dma source(%dma_start3A_385 : memref<64x512xf32, #tpu.memory_space<hbm>>) target(%arg6 : memref<64x512xf32, #tpu.memory_space<vmem>>) target_semaphore(%arg10 : memref<!tpu.dma_semaphore, #tpu.memory_space<semaphore_mem>>)
      } else {
      }
      %ge3A_215 = arith.constant 1 : i32
      %ge3A_216 = arith.cmpi sge, %add3A_201, %ge3A_215 : i32
      %convert_element_type3A_217 = arith.extui %ge3A_216 : i1 to i32
      %cond3A_218 = arith.constant 0 : i32
      %cond3A_219 = arith.cmpi ne, %convert_element_type3A_217, %cond3A_218 : i32
      scf.if %cond3A_219 {
        %dma_wait3A_377 = arith.constant 0 : i32
        %dma_wait3A_378 = arith.constant 0 : i32
        %dma_wait3A_379 = tpu.memref_slice %arg4[%dma_wait3A_377, %dma_wait3A_378] : memref<65536x512xf32, #tpu.memory_space<hbm>> -> memref<32x512xf32, #tpu.memory_space<hbm>>
        %dma_wait3A_380 = arith.constant 0 : i32
        %dma_wait3A_381 = arith.constant 0 : i32
        %dma_wait3A_382 = tpu.memref_slice %arg4[%dma_wait3A_380, %dma_wait3A_381] : memref<65536x512xf32, #tpu.memory_space<hbm>> -> memref<32x512xf32, #tpu.memory_space<hbm>>
        tpu.wait_dma2 semaphore(%arg12 : memref<!tpu.dma_semaphore, #tpu.memory_space<semaphore_mem>>) src(%arg8 : memref<32x512xf32, #tpu.memory_space<vmem>>) dst(%dma_wait3A_382 : memref<32x512xf32, #tpu.memory_space<hbm>>)
      } else {
      }
      %get3A_220 = arith.constant 0 : index
      %get3A_221 = tpu.vector_load %arg5[%get3A_220] {strides = array<i32>} : memref<512xi32, #tpu.memory_space<vmem>>, vector<16xi32>,
      %get3A_222 = arith.constant 16 : index
      %get3A_223 = tpu.vector_load %arg5[%get3A_222] {strides = array<i32>} : memref<512xi32, #tpu.memory_space<vmem>>, vector<16xi32>,
      %get3A_224 = arith.constant 32 : index
      %get3A_225 = tpu.vector_load %arg5[%get3A_224] {strides = array<i32>} : memref<512xi32, #tpu.memory_space<vmem>>, vector<16xi32>,
      %get3A_226 = arith.constant 48 : index
      %get3A_227 = tpu.vector_load %arg5[%get3A_226] {strides = array<i32>} : memref<512xi32, #tpu.memory_space<vmem>>, vector<16xi32>,
      %get3A_228 = arith.constant 64 : index
      %get3A_229 = tpu.vector_load %arg5[%get3A_228] {strides = array<i32>} : memref<512xi32, #tpu.memory_space<vmem>>, vector<16xi32>,
      %get3A_230 = arith.constant 80 : index
      %get3A_231 = tpu.vector_load %arg5[%get3A_230] {strides = array<i32>} : memref<512xi32, #tpu.memory_space<vmem>>, vector<16xi32>,
      %get3A_232 = arith.constant 96 : index
      %get3A_233 = tpu.vector_load %arg5[%get3A_232] {strides = array<i32>} : memref<512xi32, #tpu.memory_space<vmem>>, vector<16xi32>,
      %get3A_234 = arith.constant 112 : index
      %get3A_235 = tpu.vector_load %arg5[%get3A_234] {strides = array<i32>} : memref<512xi32, #tpu.memory_space<vmem>>, vector<16xi32>,
      %get3A_236 = arith.constant 128 : index
      %get3A_237 = tpu.vector_load %arg5[%get3A_236] {strides = array<i32>} : memref<512xi32, #tpu.memory_space<vmem>>, vector<16xi32>,
      %get3A_238 = arith.constant 144 : index
      %get3A_239 = tpu.vector_load %arg5[%get3A_238] {strides = array<i32>} : memref<512xi32, #tpu.memory_space<vmem>>, vector<16xi32>,
      %get3A_240 = arith.constant 160 : index
      %get3A_241 = tpu.vector_load %arg5[%get3A_240] {strides = array<i32>} : memref<512xi32, #tpu.memory_space<vmem>>, vector<16xi32>,
      %get3A_242 = arith.constant 176 : index
      %get3A_243 = tpu.vector_load %arg5[%get3A_242] {strides = array<i32>} : memref<512xi32, #tpu.memory_space<vmem>>, vector<16xi32>,
      %get3A_244 = arith.constant 192 : index
      %get3A_245 = tpu.vector_load %arg5[%get3A_244] {strides = array<i32>} : memref<512xi32, #tpu.memory_space<vmem>>, vector<16xi32>,
      %get3A_246 = arith.constant 208 : index
      %get3A_247 = tpu.vector_load %arg5[%get3A_246] {strides = array<i32>} : memref<512xi32, #tpu.memory_space<vmem>>, vector<16xi32>,
      %get3A_248 = arith.constant 224 : index
      %get3A_249 = tpu.vector_load %arg5[%get3A_248] {strides = array<i32>} : memref<512xi32, #tpu.memory_space<vmem>>, vector<16xi32>,
      %get3A_250 = arith.constant 240 : index
      %get3A_251 = tpu.vector_load %arg5[%get3A_250] {strides = array<i32>} : memref<512xi32, #tpu.memory_space<vmem>>, vector<16xi32>,
      %get3A_252 = arith.constant 256 : index
      %get3A_253 = tpu.vector_load %arg5[%get3A_252] {strides = array<i32>} : memref<512xi32, #tpu.memory_space<vmem>>, vector<16xi32>,
      %get3A_254 = arith.constant 272 : index
      %get3A_255 = tpu.vector_load %arg5[%get3A_254] {strides = array<i32>} : memref<512xi32, #tpu.memory_space<vmem>>, vector<16xi32>,
      %get3A_256 = arith.constant 288 : index
      %get3A_257 = tpu.vector_load %arg5[%get3A_256] {strides = array<i32>} : memref<512xi32, #tpu.memory_space<vmem>>, vector<16xi32>,
      %get3A_258 = arith.constant 304 : index
      %get3A_259 = tpu.vector_load %arg5[%get3A_258] {strides = array<i32>} : memref<512xi32, #tpu.memory_space<vmem>>, vector<16xi32>,
      %get3A_260 = arith.constant 320 : index
      %get3A_261 = tpu.vector_load %arg5[%get3A_260] {strides = array<i32>} : memref<512xi32, #tpu.memory_space<vmem>>, vector<16xi32>,
      %get3A_262 = arith.constant 336 : index
      %get3A_263 = tpu.vector_load %arg5[%get3A_262] {strides = array<i32>} : memref<512xi32, #tpu.memory_space<vmem>>, vector<16xi32>,
      %get3A_264 = arith.constant 352 : index
      %get3A_265 = tpu.vector_load %arg5[%get3A_264] {strides = array<i32>} : memref<512xi32, #tpu.memory_space<vmem>>, vector<16xi32>,
      %get3A_266 = arith.constant 368 : index
      %get3A_267 = tpu.vector_load %arg5[%get3A_266] {strides = array<i32>} : memref<512xi32, #tpu.memory_space<vmem>>, vector<16xi32>,
      %get3A_268 = arith.constant 384 : index
      %get3A_269 = tpu.vector_load %arg5[%get3A_268] {strides = array<i32>} : memref<512xi32, #tpu.memory_space<vmem>>, vector<16xi32>,
      %get3A_270 = arith.constant 400 : index
      %get3A_271 = tpu.vector_load %arg5[%get3A_270] {strides = array<i32>} : memref<512xi32, #tpu.memory_space<vmem>>, vector<16xi32>,
      %get3A_272 = arith.constant 416 : index
      %get3A_273 = tpu.vector_load %arg5[%get3A_272] {strides = array<i32>} : memref<512xi32, #tpu.memory_space<vmem>>, vector<16xi32>,
      %get3A_274 = arith.constant 432 : index
      %get3A_275 = tpu.vector_load %arg5[%get3A_274] {strides = array<i32>} : memref<512xi32, #tpu.memory_space<vmem>>, vector<16xi32>,
      %get3A_276 = arith.constant 448 : index
      %get3A_277 = tpu.vector_load %arg5[%get3A_276] {strides = array<i32>} : memref<512xi32, #tpu.memory_space<vmem>>, vector<16xi32>,
      %get3A_278 = arith.constant 464 : index
      %get3A_279 = tpu.vector_load %arg5[%get3A_278] {strides = array<i32>} : memref<512xi32, #tpu.memory_space<vmem>>, vector<16xi32>,
      %get3A_280 = arith.constant 480 : index
      %get3A_281 = tpu.vector_load %arg5[%get3A_280] {strides = array<i32>} : memref<512xi32, #tpu.memory_space<vmem>>, vector<16xi32>,
      %get3A_282 = arith.constant 496 : index
      %get3A_283 = tpu.vector_load %arg5[%get3A_282] {strides = array<i32>} : memref<512xi32, #tpu.memory_space<vmem>>, vector<16xi32>,
      %parallel_loop3A_284 = arith.constant 0 : i32
      %parallel_loop3A_285 = arith.constant 32 : i32
      %parallel_loop3A_286 = arith.constant 1 : i32
      scf.for %parallel_loop3A_377 = %parallel_loop3A_284 to %parallel_loop3A_285 step %parallel_loop3A_286  : i32 {
        %parallel_loop3A_378 = arith.constant 0 : i32
        %parallel_loop3A_379 = arith.addi %parallel_loop3A_378, %parallel_loop3A_377 : i32
        %parallel_loop3A_380 = vector.broadcast %parallel_loop3A_379 : i32 to vector<16xi32>
        %parallel_loop3A_381 = tpu.vector_load_idx %arg7[%parallel_loop3A_380, %get3A_221] : memref<64x512xf32, #tpu.memory_space<vmem>>[vector<16xi32>, vector<16xi32>], vector<16xf32>,
        %parallel_loop3A_382 = arith.index_cast %parallel_loop3A_377 : i32 to index
        %parallel_loop3A_383 = arith.constant 0 : index
        %parallel_loop3A_384 = tpu.vector_load %arg8[%parallel_loop3A_382, %parallel_loop3A_383] {strides = array<i32>} : memref<32x512xf32, #tpu.memory_space<vmem>>, vector<16xf32>,
        tpu.vector_store %arg8[%parallel_loop3A_382, %parallel_loop3A_383], %parallel_loop3A_381 {strides = array<i32>} : memref<32x512xf32, #tpu.memory_space<vmem>>, vector<16xf32>,
        %parallel_loop3A_385 = tpu.vector_load_idx %arg7[%parallel_loop3A_380, %get3A_223] : memref<64x512xf32, #tpu.memory_space<vmem>>[vector<16xi32>, vector<16xi32>], vector<16xf32>,
        %parallel_loop3A_386 = arith.index_cast %parallel_loop3A_377 : i32 to index
        %parallel_loop3A_387 = arith.constant 16 : index
        %parallel_loop3A_388 = tpu.vector_load %arg8[%parallel_loop3A_386, %parallel_loop3A_387] {strides = array<i32>} : memref<32x512xf32, #tpu.memory_space<vmem>>, vector<16xf32>,
        tpu.vector_store %arg8[%parallel_loop3A_386, %parallel_loop3A_387], %parallel_loop3A_385 {strides = array<i32>} : memref<32x512xf32, #tpu.memory_space<vmem>>, vector<16xf32>,
        %parallel_loop3A_389 = tpu.vector_load_idx %arg7[%parallel_loop3A_380, %get3A_225] : memref<64x512xf32, #tpu.memory_space<vmem>>[vector<16xi32>, vector<16xi32>], vector<16xf32>,
        %parallel_loop3A_390 = arith.index_cast %parallel_loop3A_377 : i32 to index
        %parallel_loop3A_391 = arith.constant 32 : index
        %parallel_loop3A_392 = tpu.vector_load %arg8[%parallel_loop3A_390, %parallel_loop3A_391] {strides = array<i32>} : memref<32x512xf32, #tpu.memory_space<vmem>>, vector<16xf32>,
        tpu.vector_store %arg8[%parallel_loop3A_390, %parallel_loop3A_391], %parallel_loop3A_389 {strides = array<i32>} : memref<32x512xf32, #tpu.memory_space<vmem>>, vector<16xf32>,
        %parallel_loop3A_393 = tpu.vector_load_idx %arg7[%parallel_loop3A_380, %get3A_227] : memref<64x512xf32, #tpu.memory_space<vmem>>[vector<16xi32>, vector<16xi32>], vector<16xf32>,
        %parallel_loop3A_394 = arith.index_cast %parallel_loop3A_377 : i32 to index
        %parallel_loop3A_395 = arith.constant 48 : index
        %parallel_loop3A_396 = tpu.vector_load %arg8[%parallel_loop3A_394, %parallel_loop3A_395] {strides = array<i32>} : memref<32x512xf32, #tpu.memory_space<vmem>>, vector<16xf32>,
        tpu.vector_store %arg8[%parallel_loop3A_394, %parallel_loop3A_395], %parallel_loop3A_393 {strides = array<i32>} : memref<32x512xf32, #tpu.memory_space<vmem>>, vector<16xf32>,
        %parallel_loop3A_397 = tpu.vector_load_idx %arg7[%parallel_loop3A_380, %get3A_229] : memref<64x512xf32, #tpu.memory_space<vmem>>[vector<16xi32>, vector<16xi32>], vector<16xf32>,
        %parallel_loop3A_398 = arith.index_cast %parallel_loop3A_377 : i32 to index
        %parallel_loop3A_399 = arith.constant 64 : index
        %parallel_loop3A_400 = tpu.vector_load %arg8[%parallel_loop3A_398, %parallel_loop3A_399] {strides = array<i32>} : memref<32x512xf32, #tpu.memory_space<vmem>>, vector<16xf32>,
        tpu.vector_store %arg8[%parallel_loop3A_398, %parallel_loop3A_399], %parallel_loop3A_397 {strides = array<i32>} : memref<32x512xf32, #tpu.memory_space<vmem>>, vector<16xf32>,
        %parallel_loop3A_401 = tpu.vector_load_idx %arg7[%parallel_loop3A_380, %get3A_231] : memref<64x512xf32, #tpu.memory_space<vmem>>[vector<16xi32>, vector<16xi32>], vector<16xf32>,
        %parallel_loop3A_402 = arith.index_cast %parallel_loop3A_377 : i32 to index
        %parallel_loop3A_403 = arith.constant 80 : index
        %parallel_loop3A_404 = tpu.vector_load %arg8[%parallel_loop3A_402, %parallel_loop3A_403] {strides = array<i32>} : memref<32x512xf32, #tpu.memory_space<vmem>>, vector<16xf32>,
        tpu.vector_store %arg8[%parallel_loop3A_402, %parallel_loop3A_403], %parallel_loop3A_401 {strides = array<i32>} : memref<32x512xf32, #tpu.memory_space<vmem>>, vector<16xf32>,
        %parallel_loop3A_405 = tpu.vector_load_idx %arg7[%parallel_loop3A_380, %get3A_233] : memref<64x512xf32, #tpu.memory_space<vmem>>[vector<16xi32>, vector<16xi32>], vector<16xf32>,
        %parallel_loop3A_406 = arith.index_cast %parallel_loop3A_377 : i32 to index
        %parallel_loop3A_407 = arith.constant 96 : index
        %parallel_loop3A_408 = tpu.vector_load %arg8[%parallel_loop3A_406, %parallel_loop3A_407] {strides = array<i32>} : memref<32x512xf32, #tpu.memory_space<vmem>>, vector<16xf32>,
        tpu.vector_store %arg8[%parallel_loop3A_406, %parallel_loop3A_407], %parallel_loop3A_405 {strides = array<i32>} : memref<32x512xf32, #tpu.memory_space<vmem>>, vector<16xf32>,
        %parallel_loop3A_409 = tpu.vector_load_idx %arg7[%parallel_loop3A_380, %get3A_235] : memref<64x512xf32, #tpu.memory_space<vmem>>[vector<16xi32>, vector<16xi32>], vector<16xf32>,
        %parallel_loop3A_410 = arith.index_cast %parallel_loop3A_377 : i32 to index
        %parallel_loop3A_411 = arith.constant 112 : index
        %parallel_loop3A_412 = tpu.vector_load %arg8[%parallel_loop3A_410, %parallel_loop3A_411] {strides = array<i32>} : memref<32x512xf32, #tpu.memory_space<vmem>>, vector<16xf32>,
        tpu.vector_store %arg8[%parallel_loop3A_410, %parallel_loop3A_411], %parallel_loop3A_409 {strides = array<i32>} : memref<32x512xf32, #tpu.memory_space<vmem>>, vector<16xf32>,
        %parallel_loop3A_413 = tpu.vector_load_idx %arg7[%parallel_loop3A_380, %get3A_237] : memref<64x512xf32, #tpu.memory_space<vmem>>[vector<16xi32>, vector<16xi32>], vector<16xf32>,
        %parallel_loop3A_414 = arith.index_cast %parallel_loop3A_377 : i32 to index
        %parallel_loop3A_415 = arith.constant 128 : index
        %parallel_loop3A_416 = tpu.vector_load %arg8[%parallel_loop3A_414, %parallel_loop3A_415] {strides = array<i32>} : memref<32x512xf32, #tpu.memory_space<vmem>>, vector<16xf32>,
        tpu.vector_store %arg8[%parallel_loop3A_414, %parallel_loop3A_415], %parallel_loop3A_413 {strides = array<i32>} : memref<32x512xf32, #tpu.memory_space<vmem>>, vector<16xf32>,
        %parallel_loop3A_417 = tpu.vector_load_idx %arg7[%parallel_loop3A_380, %get3A_239] : memref<64x512xf32, #tpu.memory_space<vmem>>[vector<16xi32>, vector<16xi32>], vector<16xf32>,
        %parallel_loop3A_418 = arith.index_cast %parallel_loop3A_377 : i32 to index
        %parallel_loop3A_419 = arith.constant 144 : index
        %parallel_loop3A_420 = tpu.vector_load %arg8[%parallel_loop3A_418, %parallel_loop3A_419] {strides = array<i32>} : memref<32x512xf32, #tpu.memory_space<vmem>>, vector<16xf32>,
        tpu.vector_store %arg8[%parallel_loop3A_418, %parallel_loop3A_419], %parallel_loop3A_417 {strides = array<i32>} : memref<32x512xf32, #tpu.memory_space<vmem>>, vector<16xf32>,
        %parallel_loop3A_421 = tpu.vector_load_idx %arg7[%parallel_loop3A_380, %get3A_241] : memref<64x512xf32, #tpu.memory_space<vmem>>[vector<16xi32>, vector<16xi32>], vector<16xf32>,
        %parallel_loop3A_422 = arith.index_cast %parallel_loop3A_377 : i32 to index
        %parallel_loop3A_423 = arith.constant 160 : index
        %parallel_loop3A_424 = tpu.vector_load %arg8[%parallel_loop3A_422, %parallel_loop3A_423] {strides = array<i32>} : memref<32x512xf32, #tpu.memory_space<vmem>>, vector<16xf32>,
        tpu.vector_store %arg8[%parallel_loop3A_422, %parallel_loop3A_423], %parallel_loop3A_421 {strides = array<i32>} : memref<32x512xf32, #tpu.memory_space<vmem>>, vector<16xf32>,
        %parallel_loop3A_425 = tpu.vector_load_idx %arg7[%parallel_loop3A_380, %get3A_243] : memref<64x512xf32, #tpu.memory_space<vmem>>[vector<16xi32>, vector<16xi32>], vector<16xf32>,
        %parallel_loop3A_426 = arith.index_cast %parallel_loop3A_377 : i32 to index
        %parallel_loop3A_427 = arith.constant 176 : index
        %parallel_loop3A_428 = tpu.vector_load %arg8[%parallel_loop3A_426, %parallel_loop3A_427] {strides = array<i32>} : memref<32x512xf32, #tpu.memory_space<vmem>>, vector<16xf32>,
        tpu.vector_store %arg8[%parallel_loop3A_426, %parallel_loop3A_427], %parallel_loop3A_425 {strides = array<i32>} : memref<32x512xf32, #tpu.memory_space<vmem>>, vector<16xf32>,
        %parallel_loop3A_429 = tpu.vector_load_idx %arg7[%parallel_loop3A_380, %get3A_245] : memref<64x512xf32, #tpu.memory_space<vmem>>[vector<16xi32>, vector<16xi32>], vector<16xf32>,
        %parallel_loop3A_430 = arith.index_cast %parallel_loop3A_377 : i32 to index
        %parallel_loop3A_431 = arith.constant 192 : index
        %parallel_loop3A_432 = tpu.vector_load %arg8[%parallel_loop3A_430, %parallel_loop3A_431] {strides = array<i32>} : memref<32x512xf32, #tpu.memory_space<vmem>>, vector<16xf32>,
        tpu.vector_store %arg8[%parallel_loop3A_430, %parallel_loop3A_431], %parallel_loop3A_429 {strides = array<i32>} : memref<32x512xf32, #tpu.memory_space<vmem>>, vector<16xf32>,
        %parallel_loop3A_433 = tpu.vector_load_idx %arg7[%parallel_loop3A_380, %get3A_247] : memref<64x512xf32, #tpu.memory_space<vmem>>[vector<16xi32>, vector<16xi32>], vector<16xf32>,
        %parallel_loop3A_434 = arith.index_cast %parallel_loop3A_377 : i32 to index
        %parallel_loop3A_435 = arith.constant 208 : index
        %parallel_loop3A_436 = tpu.vector_load %arg8[%parallel_loop3A_434, %parallel_loop3A_435] {strides = array<i32>} : memref<32x512xf32, #tpu.memory_space<vmem>>, vector<16xf32>,
        tpu.vector_store %arg8[%parallel_loop3A_434, %parallel_loop3A_435], %parallel_loop3A_433 {strides = array<i32>} : memref<32x512xf32, #tpu.memory_space<vmem>>, vector<16xf32>,
        %parallel_loop3A_437 = tpu.vector_load_idx %arg7[%parallel_loop3A_380, %get3A_249] : memref<64x512xf32, #tpu.memory_space<vmem>>[vector<16xi32>, vector<16xi32>], vector<16xf32>,
        %parallel_loop3A_438 = arith.index_cast %parallel_loop3A_377 : i32 to index
        %parallel_loop3A_439 = arith.constant 224 : index
        %parallel_loop3A_440 = tpu.vector_load %arg8[%parallel_loop3A_438, %parallel_loop3A_439] {strides = array<i32>} : memref<32x512xf32, #tpu.memory_space<vmem>>, vector<16xf32>,
        tpu.vector_store %arg8[%parallel_loop3A_438, %parallel_loop3A_439], %parallel_loop3A_437 {strides = array<i32>} : memref<32x512xf32, #tpu.memory_space<vmem>>, vector<16xf32>,
        %parallel_loop3A_441 = tpu.vector_load_idx %arg7[%parallel_loop3A_380, %get3A_251] : memref<64x512xf32, #tpu.memory_space<vmem>>[vector<16xi32>, vector<16xi32>], vector<16xf32>,
        %parallel_loop3A_442 = arith.index_cast %parallel_loop3A_377 : i32 to index
        %parallel_loop3A_443 = arith.constant 240 : index
        %parallel_loop3A_444 = tpu.vector_load %arg8[%parallel_loop3A_442, %parallel_loop3A_443] {strides = array<i32>} : memref<32x512xf32, #tpu.memory_space<vmem>>, vector<16xf32>,
        tpu.vector_store %arg8[%parallel_loop3A_442, %parallel_loop3A_443], %parallel_loop3A_441 {strides = array<i32>} : memref<32x512xf32, #tpu.memory_space<vmem>>, vector<16xf32>,
        %parallel_loop3A_445 = tpu.vector_load_idx %arg7[%parallel_loop3A_380, %get3A_253] : memref<64x512xf32, #tpu.memory_space<vmem>>[vector<16xi32>, vector<16xi32>], vector<16xf32>,
        %parallel_loop3A_446 = arith.index_cast %parallel_loop3A_377 : i32 to index
        %parallel_loop3A_447 = arith.constant 256 : index
        %parallel_loop3A_448 = tpu.vector_load %arg8[%parallel_loop3A_446, %parallel_loop3A_447] {strides = array<i32>} : memref<32x512xf32, #tpu.memory_space<vmem>>, vector<16xf32>,
        tpu.vector_store %arg8[%parallel_loop3A_446, %parallel_loop3A_447], %parallel_loop3A_445 {strides = array<i32>} : memref<32x512xf32, #tpu.memory_space<vmem>>, vector<16xf32>,
        %parallel_loop3A_449 = tpu.vector_load_idx %arg7[%parallel_loop3A_380, %get3A_255] : memref<64x512xf32, #tpu.memory_space<vmem>>[vector<16xi32>, vector<16xi32>], vector<16xf32>,
        %parallel_loop3A_450 = arith.index_cast %parallel_loop3A_377 : i32 to index
        %parallel_loop3A_451 = arith.constant 272 : index
        %parallel_loop3A_452 = tpu.vector_load %arg8[%parallel_loop3A_450, %parallel_loop3A_451] {strides = array<i32>} : memref<32x512xf32, #tpu.memory_space<vmem>>, vector<16xf32>,
        tpu.vector_store %arg8[%parallel_loop3A_450, %parallel_loop3A_451], %parallel_loop3A_449 {strides = array<i32>} : memref<32x512xf32, #tpu.memory_space<vmem>>, vector<16xf32>,
        %parallel_loop3A_453 = tpu.vector_load_idx %arg7[%parallel_loop3A_380, %get3A_257] : memref<64x512xf32, #tpu.memory_space<vmem>>[vector<16xi32>, vector<16xi32>], vector<16xf32>,
        %parallel_loop3A_454 = arith.index_cast %parallel_loop3A_377 : i32 to index
        %parallel_loop3A_455 = arith.constant 288 : index
        %parallel_loop3A_456 = tpu.vector_load %arg8[%parallel_loop3A_454, %parallel_loop3A_455] {strides = array<i32>} : memref<32x512xf32, #tpu.memory_space<vmem>>, vector<16xf32>,
        tpu.vector_store %arg8[%parallel_loop3A_454, %parallel_loop3A_455], %parallel_loop3A_453 {strides = array<i32>} : memref<32x512xf32, #tpu.memory_space<vmem>>, vector<16xf32>,
        %parallel_loop3A_457 = tpu.vector_load_idx %arg7[%parallel_loop3A_380, %get3A_259] : memref<64x512xf32, #tpu.memory_space<vmem>>[vector<16xi32>, vector<16xi32>], vector<16xf32>,
        %parallel_loop3A_458 = arith.index_cast %parallel_loop3A_377 : i32 to index
        %parallel_loop3A_459 = arith.constant 304 : index
        %parallel_loop3A_460 = tpu.vector_load %arg8[%parallel_loop3A_458, %parallel_loop3A_459] {strides = array<i32>} : memref<32x512xf32, #tpu.memory_space<vmem>>, vector<16xf32>,
        tpu.vector_store %arg8[%parallel_loop3A_458, %parallel_loop3A_459], %parallel_loop3A_457 {strides = array<i32>} : memref<32x512xf32, #tpu.memory_space<vmem>>, vector<16xf32>,
        %parallel_loop3A_461 = tpu.vector_load_idx %arg7[%parallel_loop3A_380, %get3A_261] : memref<64x512xf32, #tpu.memory_space<vmem>>[vector<16xi32>, vector<16xi32>], vector<16xf32>,
        %parallel_loop3A_462 = arith.index_cast %parallel_loop3A_377 : i32 to index
        %parallel_loop3A_463 = arith.constant 320 : index
        %parallel_loop3A_464 = tpu.vector_load %arg8[%parallel_loop3A_462, %parallel_loop3A_463] {strides = array<i32>} : memref<32x512xf32, #tpu.memory_space<vmem>>, vector<16xf32>,
        tpu.vector_store %arg8[%parallel_loop3A_462, %parallel_loop3A_463], %parallel_loop3A_461 {strides = array<i32>} : memref<32x512xf32, #tpu.memory_space<vmem>>, vector<16xf32>,
        %parallel_loop3A_465 = tpu.vector_load_idx %arg7[%parallel_loop3A_380, %get3A_263] : memref<64x512xf32, #tpu.memory_space<vmem>>[vector<16xi32>, vector<16xi32>], vector<16xf32>,
        %parallel_loop3A_466 = arith.index_cast %parallel_loop3A_377 : i32 to index
        %parallel_loop3A_467 = arith.constant 336 : index
        %parallel_loop3A_468 = tpu.vector_load %arg8[%parallel_loop3A_466, %parallel_loop3A_467] {strides = array<i32>} : memref<32x512xf32, #tpu.memory_space<vmem>>, vector<16xf32>,
        tpu.vector_store %arg8[%parallel_loop3A_466, %parallel_loop3A_467], %parallel_loop3A_465 {strides = array<i32>} : memref<32x512xf32, #tpu.memory_space<vmem>>, vector<16xf32>,
        %parallel_loop3A_469 = tpu.vector_load_idx %arg7[%parallel_loop3A_380, %get3A_265] : memref<64x512xf32, #tpu.memory_space<vmem>>[vector<16xi32>, vector<16xi32>], vector<16xf32>,
        %parallel_loop3A_470 = arith.index_cast %parallel_loop3A_377 : i32 to index
        %parallel_loop3A_471 = arith.constant 352 : index
        %parallel_loop3A_472 = tpu.vector_load %arg8[%parallel_loop3A_470, %parallel_loop3A_471] {strides = array<i32>} : memref<32x512xf32, #tpu.memory_space<vmem>>, vector<16xf32>,
        tpu.vector_store %arg8[%parallel_loop3A_470, %parallel_loop3A_471], %parallel_loop3A_469 {strides = array<i32>} : memref<32x512xf32, #tpu.memory_space<vmem>>, vector<16xf32>,
        %parallel_loop3A_473 = tpu.vector_load_idx %arg7[%parallel_loop3A_380, %get3A_267] : memref<64x512xf32, #tpu.memory_space<vmem>>[vector<16xi32>, vector<16xi32>], vector<16xf32>,
        %parallel_loop3A_474 = arith.index_cast %parallel_loop3A_377 : i32 to index
        %parallel_loop3A_475 = arith.constant 368 : index
        %parallel_loop3A_476 = tpu.vector_load %arg8[%parallel_loop3A_474, %parallel_loop3A_475] {strides = array<i32>} : memref<32x512xf32, #tpu.memory_space<vmem>>, vector<16xf32>,
        tpu.vector_store %arg8[%parallel_loop3A_474, %parallel_loop3A_475], %parallel_loop3A_473 {strides = array<i32>} : memref<32x512xf32, #tpu.memory_space<vmem>>, vector<16xf32>,
        %parallel_loop3A_477 = tpu.vector_load_idx %arg7[%parallel_loop3A_380, %get3A_269] : memref<64x512xf32, #tpu.memory_space<vmem>>[vector<16xi32>, vector<16xi32>], vector<16xf32>,
        %parallel_loop3A_478 = arith.index_cast %parallel_loop3A_377 : i32 to index
        %parallel_loop3A_479 = arith.constant 384 : index
        %parallel_loop3A_480 = tpu.vector_load %arg8[%parallel_loop3A_478, %parallel_loop3A_479] {strides = array<i32>} : memref<32x512xf32, #tpu.memory_space<vmem>>, vector<16xf32>,
        tpu.vector_store %arg8[%parallel_loop3A_478, %parallel_loop3A_479], %parallel_loop3A_477 {strides = array<i32>} : memref<32x512xf32, #tpu.memory_space<vmem>>, vector<16xf32>,
        %parallel_loop3A_481 = tpu.vector_load_idx %arg7[%parallel_loop3A_380, %get3A_271] : memref<64x512xf32, #tpu.memory_space<vmem>>[vector<16xi32>, vector<16xi32>], vector<16xf32>,
        %parallel_loop3A_482 = arith.index_cast %parallel_loop3A_377 : i32 to index
        %parallel_loop3A_483 = arith.constant 400 : index
        %parallel_loop3A_484 = tpu.vector_load %arg8[%parallel_loop3A_482, %parallel_loop3A_483] {strides = array<i32>} : memref<32x512xf32, #tpu.memory_space<vmem>>, vector<16xf32>,
        tpu.vector_store %arg8[%parallel_loop3A_482, %parallel_loop3A_483], %parallel_loop3A_481 {strides = array<i32>} : memref<32x512xf32, #tpu.memory_space<vmem>>, vector<16xf32>,
        %parallel_loop3A_485 = tpu.vector_load_idx %arg7[%parallel_loop3A_380, %get3A_273] : memref<64x512xf32, #tpu.memory_space<vmem>>[vector<16xi32>, vector<16xi32>], vector<16xf32>,
        %parallel_loop3A_486 = arith.index_cast %parallel_loop3A_377 : i32 to index
        %parallel_loop3A_487 = arith.constant 416 : index
        %parallel_loop3A_488 = tpu.vector_load %arg8[%parallel_loop3A_486, %parallel_loop3A_487] {strides = array<i32>} : memref<32x512xf32, #tpu.memory_space<vmem>>, vector<16xf32>,
        tpu.vector_store %arg8[%parallel_loop3A_486, %parallel_loop3A_487], %parallel_loop3A_485 {strides = array<i32>} : memref<32x512xf32, #tpu.memory_space<vmem>>, vector<16xf32>,
        %parallel_loop3A_489 = tpu.vector_load_idx %arg7[%parallel_loop3A_380, %get3A_275] : memref<64x512xf32, #tpu.memory_space<vmem>>[vector<16xi32>, vector<16xi32>], vector<16xf32>,
        %parallel_loop3A_490 = arith.index_cast %parallel_loop3A_377 : i32 to index
        %parallel_loop3A_491 = arith.constant 432 : index
        %parallel_loop3A_492 = tpu.vector_load %arg8[%parallel_loop3A_490, %parallel_loop3A_491] {strides = array<i32>} : memref<32x512xf32, #tpu.memory_space<vmem>>, vector<16xf32>,
        tpu.vector_store %arg8[%parallel_loop3A_490, %parallel_loop3A_491], %parallel_loop3A_489 {strides = array<i32>} : memref<32x512xf32, #tpu.memory_space<vmem>>, vector<16xf32>,
        %parallel_loop3A_493 = tpu.vector_load_idx %arg7[%parallel_loop3A_380, %get3A_277] : memref<64x512xf32, #tpu.memory_space<vmem>>[vector<16xi32>, vector<16xi32>], vector<16xf32>,
        %parallel_loop3A_494 = arith.index_cast %parallel_loop3A_377 : i32 to index
        %parallel_loop3A_495 = arith.constant 448 : index
        %parallel_loop3A_496 = tpu.vector_load %arg8[%parallel_loop3A_494, %parallel_loop3A_495] {strides = array<i32>} : memref<32x512xf32, #tpu.memory_space<vmem>>, vector<16xf32>,
        tpu.vector_store %arg8[%parallel_loop3A_494, %parallel_loop3A_495], %parallel_loop3A_493 {strides = array<i32>} : memref<32x512xf32, #tpu.memory_space<vmem>>, vector<16xf32>,
        %parallel_loop3A_497 = tpu.vector_load_idx %arg7[%parallel_loop3A_380, %get3A_279] : memref<64x512xf32, #tpu.memory_space<vmem>>[vector<16xi32>, vector<16xi32>], vector<16xf32>,
        %parallel_loop3A_498 = arith.index_cast %parallel_loop3A_377 : i32 to index
        %parallel_loop3A_499 = arith.constant 464 : index
        %parallel_loop3A_500 = tpu.vector_load %arg8[%parallel_loop3A_498, %parallel_loop3A_499] {strides = array<i32>} : memref<32x512xf32, #tpu.memory_space<vmem>>, vector<16xf32>,
        tpu.vector_store %arg8[%parallel_loop3A_498, %parallel_loop3A_499], %parallel_loop3A_497 {strides = array<i32>} : memref<32x512xf32, #tpu.memory_space<vmem>>, vector<16xf32>,
        %parallel_loop3A_501 = tpu.vector_load_idx %arg7[%parallel_loop3A_380, %get3A_281] : memref<64x512xf32, #tpu.memory_space<vmem>>[vector<16xi32>, vector<16xi32>], vector<16xf32>,
        %parallel_loop3A_502 = arith.index_cast %parallel_loop3A_377 : i32 to index
        %parallel_loop3A_503 = arith.constant 480 : index
        %parallel_loop3A_504 = tpu.vector_load %arg8[%parallel_loop3A_502, %parallel_loop3A_503] {strides = array<i32>} : memref<32x512xf32, #tpu.memory_space<vmem>>, vector<16xf32>,
        tpu.vector_store %arg8[%parallel_loop3A_502, %parallel_loop3A_503], %parallel_loop3A_501 {strides = array<i32>} : memref<32x512xf32, #tpu.memory_space<vmem>>, vector<16xf32>,
        %parallel_loop3A_505 = tpu.vector_load_idx %arg7[%parallel_loop3A_380, %get3A_283] : memref<64x512xf32, #tpu.memory_space<vmem>>[vector<16xi32>, vector<16xi32>], vector<16xf32>,
        %parallel_loop3A_506 = arith.index_cast %parallel_loop3A_377 : i32 to index
        %parallel_loop3A_507 = arith.constant 496 : index
        %parallel_loop3A_508 = tpu.vector_load %arg8[%parallel_loop3A_506, %parallel_loop3A_507] {strides = array<i32>} : memref<32x512xf32, #tpu.memory_space<vmem>>, vector<16xf32>,
        tpu.vector_store %arg8[%parallel_loop3A_506, %parallel_loop3A_507], %parallel_loop3A_505 {strides = array<i32>} : memref<32x512xf32, #tpu.memory_space<vmem>>, vector<16xf32>,
      } {sc.loop_unroll_factor = 1 : i64, sc.parallel_access}
      %mul3A_287 = arith.constant 64 : i32
      %mul3A_288 = arith.muli %add3A_201, %mul3A_287 : i32
      %add3A_289 = arith.addi %mul3A_2, %mul3A_288 : i32
      %add3A_290 = arith.constant 0 : i32
      %add3A_291 = arith.addi %add3A_289, %add3A_290 : i32
      %dma_start3A_292 = arith.constant 0 : i32
      %dma_start3A_293 = tpu.memref_slice %arg4[%add3A_291, %dma_start3A_292] : memref<65536x512xf32, #tpu.memory_space<hbm>> -> memref<32x512xf32, #tpu.memory_space<hbm>>
      %dma_start3A_294 = arith.constant 0 : i32
      %dma_start3A_295 = tpu.memref_slice %arg4[%add3A_291, %dma_start3A_294] : memref<65536x512xf32, #tpu.memory_space<hbm>> -> memref<32x512xf32, #tpu.memory_space<hbm>>
      tpu.enqueue_dma source(%arg8 : memref<32x512xf32, #tpu.memory_space<vmem>>) target(%dma_start3A_295 : memref<32x512xf32, #tpu.memory_space<hbm>>) target_semaphore(%arg12 : memref<!tpu.dma_semaphore, #tpu.memory_space<semaphore_mem>>)
      %ge3A_296 = arith.constant 1 : i32
      %ge3A_297 = arith.cmpi sge, %add3A_201, %ge3A_296 : i32
      %convert_element_type3A_298 = arith.extui %ge3A_297 : i1 to i32
      %cond3A_299 = arith.constant 0 : i32
      %cond3A_300 = arith.cmpi ne, %convert_element_type3A_298, %cond3A_299 : i32
      scf.if %cond3A_300 {
        %dma_wait3A_377 = arith.constant 0 : i32
        %dma_wait3A_378 = arith.constant 0 : i32
        %dma_wait3A_379 = tpu.memref_slice %arg4[%dma_wait3A_377, %dma_wait3A_378] : memref<65536x512xf32, #tpu.memory_space<hbm>> -> memref<32x512xf32, #tpu.memory_space<hbm>>
        %dma_wait3A_380 = arith.constant 0 : i32
        %dma_wait3A_381 = arith.constant 0 : i32
        %dma_wait3A_382 = tpu.memref_slice %arg4[%dma_wait3A_380, %dma_wait3A_381] : memref<65536x512xf32, #tpu.memory_space<hbm>> -> memref<32x512xf32, #tpu.memory_space<hbm>>
        tpu.wait_dma2 semaphore(%arg13 : memref<!tpu.dma_semaphore, #tpu.memory_space<semaphore_mem>>) src(%arg9 : memref<32x512xf32, #tpu.memory_space<vmem>>) dst(%dma_wait3A_382 : memref<32x512xf32, #tpu.memory_space<hbm>>)
      } else {
      }
      %get3A_301 = arith.constant 0 : index
      %get3A_302 = tpu.vector_load %arg5[%get3A_301] {strides = array<i32>} : memref<512xi32, #tpu.memory_space<vmem>>, vector<16xi32>,
      %get3A_303 = arith.constant 16 : index
      %get3A_304 = tpu.vector_load %arg5[%get3A_303] {strides = array<i32>} : memref<512xi32, #tpu.memory_space<vmem>>, vector<16xi32>,
      %get3A_305 = arith.constant 32 : index
      %get3A_306 = tpu.vector_load %arg5[%get3A_305] {strides = array<i32>} : memref<512xi32, #tpu.memory_space<vmem>>, vector<16xi32>,
      %get3A_307 = arith.constant 48 : index
      %get3A_308 = tpu.vector_load %arg5[%get3A_307] {strides = array<i32>} : memref<512xi32, #tpu.memory_space<vmem>>, vector<16xi32>,
      %get3A_309 = arith.constant 64 : index
      %get3A_310 = tpu.vector_load %arg5[%get3A_309] {strides = array<i32>} : memref<512xi32, #tpu.memory_space<vmem>>, vector<16xi32>,
      %get3A_311 = arith.constant 80 : index
      %get3A_312 = tpu.vector_load %arg5[%get3A_311] {strides = array<i32>} : memref<512xi32, #tpu.memory_space<vmem>>, vector<16xi32>,
      %get3A_313 = arith.constant 96 : index
      %get3A_314 = tpu.vector_load %arg5[%get3A_313] {strides = array<i32>} : memref<512xi32, #tpu.memory_space<vmem>>, vector<16xi32>,
      %get3A_315 = arith.constant 112 : index
      %get3A_316 = tpu.vector_load %arg5[%get3A_315] {strides = array<i32>} : memref<512xi32, #tpu.memory_space<vmem>>, vector<16xi32>,
      %get3A_317 = arith.constant 128 : index
      %get3A_318 = tpu.vector_load %arg5[%get3A_317] {strides = array<i32>} : memref<512xi32, #tpu.memory_space<vmem>>, vector<16xi32>,
      %get3A_319 = arith.constant 144 : index
      %get3A_320 = tpu.vector_load %arg5[%get3A_319] {strides = array<i32>} : memref<512xi32, #tpu.memory_space<vmem>>, vector<16xi32>,
      %get3A_321 = arith.constant 160 : index
      %get3A_322 = tpu.vector_load %arg5[%get3A_321] {strides = array<i32>} : memref<512xi32, #tpu.memory_space<vmem>>, vector<16xi32>,
      %get3A_323 = arith.constant 176 : index
      %get3A_324 = tpu.vector_load %arg5[%get3A_323] {strides = array<i32>} : memref<512xi32, #tpu.memory_space<vmem>>, vector<16xi32>,
      %get3A_325 = arith.constant 192 : index
      %get3A_326 = tpu.vector_load %arg5[%get3A_325] {strides = array<i32>} : memref<512xi32, #tpu.memory_space<vmem>>, vector<16xi32>,
      %get3A_327 = arith.constant 208 : index
      %get3A_328 = tpu.vector_load %arg5[%get3A_327] {strides = array<i32>} : memref<512xi32, #tpu.memory_space<vmem>>, vector<16xi32>,
      %get3A_329 = arith.constant 224 : index
      %get3A_330 = tpu.vector_load %arg5[%get3A_329] {strides = array<i32>} : memref<512xi32, #tpu.memory_space<vmem>>, vector<16xi32>,
      %get3A_331 = arith.constant 240 : index
      %get3A_332 = tpu.vector_load %arg5[%get3A_331] {strides = array<i32>} : memref<512xi32, #tpu.memory_space<vmem>>, vector<16xi32>,
      %get3A_333 = arith.constant 256 : index
      %get3A_334 = tpu.vector_load %arg5[%get3A_333] {strides = array<i32>} : memref<512xi32, #tpu.memory_space<vmem>>, vector<16xi32>,
      %get3A_335 = arith.constant 272 : index
      %get3A_336 = tpu.vector_load %arg5[%get3A_335] {strides = array<i32>} : memref<512xi32, #tpu.memory_space<vmem>>, vector<16xi32>,
      %get3A_337 = arith.constant 288 : index
      %get3A_338 = tpu.vector_load %arg5[%get3A_337] {strides = array<i32>} : memref<512xi32, #tpu.memory_space<vmem>>, vector<16xi32>,
      %get3A_339 = arith.constant 304 : index
      %get3A_340 = tpu.vector_load %arg5[%get3A_339] {strides = array<i32>} : memref<512xi32, #tpu.memory_space<vmem>>, vector<16xi32>,
      %get3A_341 = arith.constant 320 : index
      %get3A_342 = tpu.vector_load %arg5[%get3A_341] {strides = array<i32>} : memref<512xi32, #tpu.memory_space<vmem>>, vector<16xi32>,
      %get3A_343 = arith.constant 336 : index
      %get3A_344 = tpu.vector_load %arg5[%get3A_343] {strides = array<i32>} : memref<512xi32, #tpu.memory_space<vmem>>, vector<16xi32>,
      %get3A_345 = arith.constant 352 : index
      %get3A_346 = tpu.vector_load %arg5[%get3A_345] {strides = array<i32>} : memref<512xi32, #tpu.memory_space<vmem>>, vector<16xi32>,
      %get3A_347 = arith.constant 368 : index
      %get3A_348 = tpu.vector_load %arg5[%get3A_347] {strides = array<i32>} : memref<512xi32, #tpu.memory_space<vmem>>, vector<16xi32>,
      %get3A_349 = arith.constant 384 : index
      %get3A_350 = tpu.vector_load %arg5[%get3A_349] {strides = array<i32>} : memref<512xi32, #tpu.memory_space<vmem>>, vector<16xi32>,
      %get3A_351 = arith.constant 400 : index
      %get3A_352 = tpu.vector_load %arg5[%get3A_351] {strides = array<i32>} : memref<512xi32, #tpu.memory_space<vmem>>, vector<16xi32>,
      %get3A_353 = arith.constant 416 : index
      %get3A_354 = tpu.vector_load %arg5[%get3A_353] {strides = array<i32>} : memref<512xi32, #tpu.memory_space<vmem>>, vector<16xi32>,
      %get3A_355 = arith.constant 432 : index
      %get3A_356 = tpu.vector_load %arg5[%get3A_355] {strides = array<i32>} : memref<512xi32, #tpu.memory_space<vmem>>, vector<16xi32>,
      %get3A_357 = arith.constant 448 : index
      %get3A_358 = tpu.vector_load %arg5[%get3A_357] {strides = array<i32>} : memref<512xi32, #tpu.memory_space<vmem>>, vector<16xi32>,
      %get3A_359 = arith.constant 464 : index
      %get3A_360 = tpu.vector_load %arg5[%get3A_359] {strides = array<i32>} : memref<512xi32, #tpu.memory_space<vmem>>, vector<16xi32>,
      %get3A_361 = arith.constant 480 : index
      %get3A_362 = tpu.vector_load %arg5[%get3A_361] {strides = array<i32>} : memref<512xi32, #tpu.memory_space<vmem>>, vector<16xi32>,
      %get3A_363 = arith.constant 496 : index
      %get3A_364 = tpu.vector_load %arg5[%get3A_363] {strides = array<i32>} : memref<512xi32, #tpu.memory_space<vmem>>, vector<16xi32>,
      %parallel_loop3A_365 = arith.constant 0 : i32
      %parallel_loop3A_366 = arith.constant 32 : i32
      %parallel_loop3A_367 = arith.constant 1 : i32
      scf.for %parallel_loop3A_377 = %parallel_loop3A_365 to %parallel_loop3A_366 step %parallel_loop3A_367  : i32 {
        %parallel_loop3A_378 = arith.constant 32 : i32
        %parallel_loop3A_379 = arith.addi %parallel_loop3A_378, %parallel_loop3A_377 : i32
        %parallel_loop3A_380 = vector.broadcast %parallel_loop3A_379 : i32 to vector<16xi32>
        %parallel_loop3A_381 = tpu.vector_load_idx %arg7[%parallel_loop3A_380, %get3A_302] : memref<64x512xf32, #tpu.memory_space<vmem>>[vector<16xi32>, vector<16xi32>], vector<16xf32>,
        %parallel_loop3A_382 = arith.index_cast %parallel_loop3A_377 : i32 to index
        %parallel_loop3A_383 = arith.constant 0 : index
        %parallel_loop3A_384 = tpu.vector_load %arg9[%parallel_loop3A_382, %parallel_loop3A_383] {strides = array<i32>} : memref<32x512xf32, #tpu.memory_space<vmem>>, vector<16xf32>,
        tpu.vector_store %arg9[%parallel_loop3A_382, %parallel_loop3A_383], %parallel_loop3A_381 {strides = array<i32>} : memref<32x512xf32, #tpu.memory_space<vmem>>, vector<16xf32>,
        %parallel_loop3A_385 = tpu.vector_load_idx %arg7[%parallel_loop3A_380, %get3A_304] : memref<64x512xf32, #tpu.memory_space<vmem>>[vector<16xi32>, vector<16xi32>], vector<16xf32>,
        %parallel_loop3A_386 = arith.index_cast %parallel_loop3A_377 : i32 to index
        %parallel_loop3A_387 = arith.constant 16 : index
        %parallel_loop3A_388 = tpu.vector_load %arg9[%parallel_loop3A_386, %parallel_loop3A_387] {strides = array<i32>} : memref<32x512xf32, #tpu.memory_space<vmem>>, vector<16xf32>,
        tpu.vector_store %arg9[%parallel_loop3A_386, %parallel_loop3A_387], %parallel_loop3A_385 {strides = array<i32>} : memref<32x512xf32, #tpu.memory_space<vmem>>, vector<16xf32>,
        %parallel_loop3A_389 = tpu.vector_load_idx %arg7[%parallel_loop3A_380, %get3A_306] : memref<64x512xf32, #tpu.memory_space<vmem>>[vector<16xi32>, vector<16xi32>], vector<16xf32>,
        %parallel_loop3A_390 = arith.index_cast %parallel_loop3A_377 : i32 to index
        %parallel_loop3A_391 = arith.constant 32 : index
        %parallel_loop3A_392 = tpu.vector_load %arg9[%parallel_loop3A_390, %parallel_loop3A_391] {strides = array<i32>} : memref<32x512xf32, #tpu.memory_space<vmem>>, vector<16xf32>,
        tpu.vector_store %arg9[%parallel_loop3A_390, %parallel_loop3A_391], %parallel_loop3A_389 {strides = array<i32>} : memref<32x512xf32, #tpu.memory_space<vmem>>, vector<16xf32>,
        %parallel_loop3A_393 = tpu.vector_load_idx %arg7[%parallel_loop3A_380, %get3A_308] : memref<64x512xf32, #tpu.memory_space<vmem>>[vector<16xi32>, vector<16xi32>], vector<16xf32>,
        %parallel_loop3A_394 = arith.index_cast %parallel_loop3A_377 : i32 to index
        %parallel_loop3A_395 = arith.constant 48 : index
        %parallel_loop3A_396 = tpu.vector_load %arg9[%parallel_loop3A_394, %parallel_loop3A_395] {strides = array<i32>} : memref<32x512xf32, #tpu.memory_space<vmem>>, vector<16xf32>,
        tpu.vector_store %arg9[%parallel_loop3A_394, %parallel_loop3A_395], %parallel_loop3A_393 {strides = array<i32>} : memref<32x512xf32, #tpu.memory_space<vmem>>, vector<16xf32>,
        %parallel_loop3A_397 = tpu.vector_load_idx %arg7[%parallel_loop3A_380, %get3A_310] : memref<64x512xf32, #tpu.memory_space<vmem>>[vector<16xi32>, vector<16xi32>], vector<16xf32>,
        %parallel_loop3A_398 = arith.index_cast %parallel_loop3A_377 : i32 to index
        %parallel_loop3A_399 = arith.constant 64 : index
        %parallel_loop3A_400 = tpu.vector_load %arg9[%parallel_loop3A_398, %parallel_loop3A_399] {strides = array<i32>} : memref<32x512xf32, #tpu.memory_space<vmem>>, vector<16xf32>,
        tpu.vector_store %arg9[%parallel_loop3A_398, %parallel_loop3A_399], %parallel_loop3A_397 {strides = array<i32>} : memref<32x512xf32, #tpu.memory_space<vmem>>, vector<16xf32>,
        %parallel_loop3A_401 = tpu.vector_load_idx %arg7[%parallel_loop3A_380, %get3A_312] : memref<64x512xf32, #tpu.memory_space<vmem>>[vector<16xi32>, vector<16xi32>], vector<16xf32>,
        %parallel_loop3A_402 = arith.index_cast %parallel_loop3A_377 : i32 to index
        %parallel_loop3A_403 = arith.constant 80 : index
        %parallel_loop3A_404 = tpu.vector_load %arg9[%parallel_loop3A_402, %parallel_loop3A_403] {strides = array<i32>} : memref<32x512xf32, #tpu.memory_space<vmem>>, vector<16xf32>,
        tpu.vector_store %arg9[%parallel_loop3A_402, %parallel_loop3A_403], %parallel_loop3A_401 {strides = array<i32>} : memref<32x512xf32, #tpu.memory_space<vmem>>, vector<16xf32>,
        %parallel_loop3A_405 = tpu.vector_load_idx %arg7[%parallel_loop3A_380, %get3A_314] : memref<64x512xf32, #tpu.memory_space<vmem>>[vector<16xi32>, vector<16xi32>], vector<16xf32>,
        %parallel_loop3A_406 = arith.index_cast %parallel_loop3A_377 : i32 to index
        %parallel_loop3A_407 = arith.constant 96 : index
        %parallel_loop3A_408 = tpu.vector_load %arg9[%parallel_loop3A_406, %parallel_loop3A_407] {strides = array<i32>} : memref<32x512xf32, #tpu.memory_space<vmem>>, vector<16xf32>,
        tpu.vector_store %arg9[%parallel_loop3A_406, %parallel_loop3A_407], %parallel_loop3A_405 {strides = array<i32>} : memref<32x512xf32, #tpu.memory_space<vmem>>, vector<16xf32>,
        %parallel_loop3A_409 = tpu.vector_load_idx %arg7[%parallel_loop3A_380, %get3A_316] : memref<64x512xf32, #tpu.memory_space<vmem>>[vector<16xi32>, vector<16xi32>], vector<16xf32>,
        %parallel_loop3A_410 = arith.index_cast %parallel_loop3A_377 : i32 to index
        %parallel_loop3A_411 = arith.constant 112 : index
        %parallel_loop3A_412 = tpu.vector_load %arg9[%parallel_loop3A_410, %parallel_loop3A_411] {strides = array<i32>} : memref<32x512xf32, #tpu.memory_space<vmem>>, vector<16xf32>,
        tpu.vector_store %arg9[%parallel_loop3A_410, %parallel_loop3A_411], %parallel_loop3A_409 {strides = array<i32>} : memref<32x512xf32, #tpu.memory_space<vmem>>, vector<16xf32>,
        %parallel_loop3A_413 = tpu.vector_load_idx %arg7[%parallel_loop3A_380, %get3A_318] : memref<64x512xf32, #tpu.memory_space<vmem>>[vector<16xi32>, vector<16xi32>], vector<16xf32>,
        %parallel_loop3A_414 = arith.index_cast %parallel_loop3A_377 : i32 to index
        %parallel_loop3A_415 = arith.constant 128 : index
        %parallel_loop3A_416 = tpu.vector_load %arg9[%parallel_loop3A_414, %parallel_loop3A_415] {strides = array<i32>} : memref<32x512xf32, #tpu.memory_space<vmem>>, vector<16xf32>,
        tpu.vector_store %arg9[%parallel_loop3A_414, %parallel_loop3A_415], %parallel_loop3A_413 {strides = array<i32>} : memref<32x512xf32, #tpu.memory_space<vmem>>, vector<16xf32>,
        %parallel_loop3A_417 = tpu.vector_load_idx %arg7[%parallel_loop3A_380, %get3A_320] : memref<64x512xf32, #tpu.memory_space<vmem>>[vector<16xi32>, vector<16xi32>], vector<16xf32>,
        %parallel_loop3A_418 = arith.index_cast %parallel_loop3A_377 : i32 to index
        %parallel_loop3A_419 = arith.constant 144 : index
        %parallel_loop3A_420 = tpu.vector_load %arg9[%parallel_loop3A_418, %parallel_loop3A_419] {strides = array<i32>} : memref<32x512xf32, #tpu.memory_space<vmem>>, vector<16xf32>,
        tpu.vector_store %arg9[%parallel_loop3A_418, %parallel_loop3A_419], %parallel_loop3A_417 {strides = array<i32>} : memref<32x512xf32, #tpu.memory_space<vmem>>, vector<16xf32>,
        %parallel_loop3A_421 = tpu.vector_load_idx %arg7[%parallel_loop3A_380, %get3A_322] : memref<64x512xf32, #tpu.memory_space<vmem>>[vector<16xi32>, vector<16xi32>], vector<16xf32>,
        %parallel_loop3A_422 = arith.index_cast %parallel_loop3A_377 : i32 to index
        %parallel_loop3A_423 = arith.constant 160 : index
        %parallel_loop3A_424 = tpu.vector_load %arg9[%parallel_loop3A_422, %parallel_loop3A_423] {strides = array<i32>} : memref<32x512xf32, #tpu.memory_space<vmem>>, vector<16xf32>,
        tpu.vector_store %arg9[%parallel_loop3A_422, %parallel_loop3A_423], %parallel_loop3A_421 {strides = array<i32>} : memref<32x512xf32, #tpu.memory_space<vmem>>, vector<16xf32>,
        %parallel_loop3A_425 = tpu.vector_load_idx %arg7[%parallel_loop3A_380, %get3A_324] : memref<64x512xf32, #tpu.memory_space<vmem>>[vector<16xi32>, vector<16xi32>], vector<16xf32>,
        %parallel_loop3A_426 = arith.index_cast %parallel_loop3A_377 : i32 to index
        %parallel_loop3A_427 = arith.constant 176 : index
        %parallel_loop3A_428 = tpu.vector_load %arg9[%parallel_loop3A_426, %parallel_loop3A_427] {strides = array<i32>} : memref<32x512xf32, #tpu.memory_space<vmem>>, vector<16xf32>,
        tpu.vector_store %arg9[%parallel_loop3A_426, %parallel_loop3A_427], %parallel_loop3A_425 {strides = array<i32>} : memref<32x512xf32, #tpu.memory_space<vmem>>, vector<16xf32>,
        %parallel_loop3A_429 = tpu.vector_load_idx %arg7[%parallel_loop3A_380, %get3A_326] : memref<64x512xf32, #tpu.memory_space<vmem>>[vector<16xi32>, vector<16xi32>], vector<16xf32>,
        %parallel_loop3A_430 = arith.index_cast %parallel_loop3A_377 : i32 to index
        %parallel_loop3A_431 = arith.constant 192 : index
        %parallel_loop3A_432 = tpu.vector_load %arg9[%parallel_loop3A_430, %parallel_loop3A_431] {strides = array<i32>} : memref<32x512xf32, #tpu.memory_space<vmem>>, vector<16xf32>,
        tpu.vector_store %arg9[%parallel_loop3A_430, %parallel_loop3A_431], %parallel_loop3A_429 {strides = array<i32>} : memref<32x512xf32, #tpu.memory_space<vmem>>, vector<16xf32>,
        %parallel_loop3A_433 = tpu.vector_load_idx %arg7[%parallel_loop3A_380, %get3A_328] : memref<64x512xf32, #tpu.memory_space<vmem>>[vector<16xi32>, vector<16xi32>], vector<16xf32>,
        %parallel_loop3A_434 = arith.index_cast %parallel_loop3A_377 : i32 to index
        %parallel_loop3A_435 = arith.constant 208 : index
        %parallel_loop3A_436 = tpu.vector_load %arg9[%parallel_loop3A_434, %parallel_loop3A_435] {strides = array<i32>} : memref<32x512xf32, #tpu.memory_space<vmem>>, vector<16xf32>,
        tpu.vector_store %arg9[%parallel_loop3A_434, %parallel_loop3A_435], %parallel_loop3A_433 {strides = array<i32>} : memref<32x512xf32, #tpu.memory_space<vmem>>, vector<16xf32>,
        %parallel_loop3A_437 = tpu.vector_load_idx %arg7[%parallel_loop3A_380, %get3A_330] : memref<64x512xf32, #tpu.memory_space<vmem>>[vector<16xi32>, vector<16xi32>], vector<16xf32>,
        %parallel_loop3A_438 = arith.index_cast %parallel_loop3A_377 : i32 to index
        %parallel_loop3A_439 = arith.constant 224 : index
        %parallel_loop3A_440 = tpu.vector_load %arg9[%parallel_loop3A_438, %parallel_loop3A_439] {strides = array<i32>} : memref<32x512xf32, #tpu.memory_space<vmem>>, vector<16xf32>,
        tpu.vector_store %arg9[%parallel_loop3A_438, %parallel_loop3A_439], %parallel_loop3A_437 {strides = array<i32>} : memref<32x512xf32, #tpu.memory_space<vmem>>, vector<16xf32>,
        %parallel_loop3A_441 = tpu.vector_load_idx %arg7[%parallel_loop3A_380, %get3A_332] : memref<64x512xf32, #tpu.memory_space<vmem>>[vector<16xi32>, vector<16xi32>], vector<16xf32>,
        %parallel_loop3A_442 = arith.index_cast %parallel_loop3A_377 : i32 to index
        %parallel_loop3A_443 = arith.constant 240 : index
        %parallel_loop3A_444 = tpu.vector_load %arg9[%parallel_loop3A_442, %parallel_loop3A_443] {strides = array<i32>} : memref<32x512xf32, #tpu.memory_space<vmem>>, vector<16xf32>,
        tpu.vector_store %arg9[%parallel_loop3A_442, %parallel_loop3A_443], %parallel_loop3A_441 {strides = array<i32>} : memref<32x512xf32, #tpu.memory_space<vmem>>, vector<16xf32>,
        %parallel_loop3A_445 = tpu.vector_load_idx %arg7[%parallel_loop3A_380, %get3A_334] : memref<64x512xf32, #tpu.memory_space<vmem>>[vector<16xi32>, vector<16xi32>], vector<16xf32>,
        %parallel_loop3A_446 = arith.index_cast %parallel_loop3A_377 : i32 to index
        %parallel_loop3A_447 = arith.constant 256 : index
        %parallel_loop3A_448 = tpu.vector_load %arg9[%parallel_loop3A_446, %parallel_loop3A_447] {strides = array<i32>} : memref<32x512xf32, #tpu.memory_space<vmem>>, vector<16xf32>,
        tpu.vector_store %arg9[%parallel_loop3A_446, %parallel_loop3A_447], %parallel_loop3A_445 {strides = array<i32>} : memref<32x512xf32, #tpu.memory_space<vmem>>, vector<16xf32>,
        %parallel_loop3A_449 = tpu.vector_load_idx %arg7[%parallel_loop3A_380, %get3A_336] : memref<64x512xf32, #tpu.memory_space<vmem>>[vector<16xi32>, vector<16xi32>], vector<16xf32>,
        %parallel_loop3A_450 = arith.index_cast %parallel_loop3A_377 : i32 to index
        %parallel_loop3A_451 = arith.constant 272 : index
        %parallel_loop3A_452 = tpu.vector_load %arg9[%parallel_loop3A_450, %parallel_loop3A_451] {strides = array<i32>} : memref<32x512xf32, #tpu.memory_space<vmem>>, vector<16xf32>,
        tpu.vector_store %arg9[%parallel_loop3A_450, %parallel_loop3A_451], %parallel_loop3A_449 {strides = array<i32>} : memref<32x512xf32, #tpu.memory_space<vmem>>, vector<16xf32>,
        %parallel_loop3A_453 = tpu.vector_load_idx %arg7[%parallel_loop3A_380, %get3A_338] : memref<64x512xf32, #tpu.memory_space<vmem>>[vector<16xi32>, vector<16xi32>], vector<16xf32>,
        %parallel_loop3A_454 = arith.index_cast %parallel_loop3A_377 : i32 to index
        %parallel_loop3A_455 = arith.constant 288 : index
        %parallel_loop3A_456 = tpu.vector_load %arg9[%parallel_loop3A_454, %parallel_loop3A_455] {strides = array<i32>} : memref<32x512xf32, #tpu.memory_space<vmem>>, vector<16xf32>,
        tpu.vector_store %arg9[%parallel_loop3A_454, %parallel_loop3A_455], %parallel_loop3A_453 {strides = array<i32>} : memref<32x512xf32, #tpu.memory_space<vmem>>, vector<16xf32>,
        %parallel_loop3A_457 = tpu.vector_load_idx %arg7[%parallel_loop3A_380, %get3A_340] : memref<64x512xf32, #tpu.memory_space<vmem>>[vector<16xi32>, vector<16xi32>], vector<16xf32>,
        %parallel_loop3A_458 = arith.index_cast %parallel_loop3A_377 : i32 to index
        %parallel_loop3A_459 = arith.constant 304 : index
        %parallel_loop3A_460 = tpu.vector_load %arg9[%parallel_loop3A_458, %parallel_loop3A_459] {strides = array<i32>} : memref<32x512xf32, #tpu.memory_space<vmem>>, vector<16xf32>,
        tpu.vector_store %arg9[%parallel_loop3A_458, %parallel_loop3A_459], %parallel_loop3A_457 {strides = array<i32>} : memref<32x512xf32, #tpu.memory_space<vmem>>, vector<16xf32>,
        %parallel_loop3A_461 = tpu.vector_load_idx %arg7[%parallel_loop3A_380, %get3A_342] : memref<64x512xf32, #tpu.memory_space<vmem>>[vector<16xi32>, vector<16xi32>], vector<16xf32>,
        %parallel_loop3A_462 = arith.index_cast %parallel_loop3A_377 : i32 to index
        %parallel_loop3A_463 = arith.constant 320 : index
        %parallel_loop3A_464 = tpu.vector_load %arg9[%parallel_loop3A_462, %parallel_loop3A_463] {strides = array<i32>} : memref<32x512xf32, #tpu.memory_space<vmem>>, vector<16xf32>,
        tpu.vector_store %arg9[%parallel_loop3A_462, %parallel_loop3A_463], %parallel_loop3A_461 {strides = array<i32>} : memref<32x512xf32, #tpu.memory_space<vmem>>, vector<16xf32>,
        %parallel_loop3A_465 = tpu.vector_load_idx %arg7[%parallel_loop3A_380, %get3A_344] : memref<64x512xf32, #tpu.memory_space<vmem>>[vector<16xi32>, vector<16xi32>], vector<16xf32>,
        %parallel_loop3A_466 = arith.index_cast %parallel_loop3A_377 : i32 to index
        %parallel_loop3A_467 = arith.constant 336 : index
        %parallel_loop3A_468 = tpu.vector_load %arg9[%parallel_loop3A_466, %parallel_loop3A_467] {strides = array<i32>} : memref<32x512xf32, #tpu.memory_space<vmem>>, vector<16xf32>,
        tpu.vector_store %arg9[%parallel_loop3A_466, %parallel_loop3A_467], %parallel_loop3A_465 {strides = array<i32>} : memref<32x512xf32, #tpu.memory_space<vmem>>, vector<16xf32>,
        %parallel_loop3A_469 = tpu.vector_load_idx %arg7[%parallel_loop3A_380, %get3A_346] : memref<64x512xf32, #tpu.memory_space<vmem>>[vector<16xi32>, vector<16xi32>], vector<16xf32>,
        %parallel_loop3A_470 = arith.index_cast %parallel_loop3A_377 : i32 to index
        %parallel_loop3A_471 = arith.constant 352 : index
        %parallel_loop3A_472 = tpu.vector_load %arg9[%parallel_loop3A_470, %parallel_loop3A_471] {strides = array<i32>} : memref<32x512xf32, #tpu.memory_space<vmem>>, vector<16xf32>,
        tpu.vector_store %arg9[%parallel_loop3A_470, %parallel_loop3A_471], %parallel_loop3A_469 {strides = array<i32>} : memref<32x512xf32, #tpu.memory_space<vmem>>, vector<16xf32>,
        %parallel_loop3A_473 = tpu.vector_load_idx %arg7[%parallel_loop3A_380, %get3A_348] : memref<64x512xf32, #tpu.memory_space<vmem>>[vector<16xi32>, vector<16xi32>], vector<16xf32>,
        %parallel_loop3A_474 = arith.index_cast %parallel_loop3A_377 : i32 to index
        %parallel_loop3A_475 = arith.constant 368 : index
        %parallel_loop3A_476 = tpu.vector_load %arg9[%parallel_loop3A_474, %parallel_loop3A_475] {strides = array<i32>} : memref<32x512xf32, #tpu.memory_space<vmem>>, vector<16xf32>,
        tpu.vector_store %arg9[%parallel_loop3A_474, %parallel_loop3A_475], %parallel_loop3A_473 {strides = array<i32>} : memref<32x512xf32, #tpu.memory_space<vmem>>, vector<16xf32>,
        %parallel_loop3A_477 = tpu.vector_load_idx %arg7[%parallel_loop3A_380, %get3A_350] : memref<64x512xf32, #tpu.memory_space<vmem>>[vector<16xi32>, vector<16xi32>], vector<16xf32>,
        %parallel_loop3A_478 = arith.index_cast %parallel_loop3A_377 : i32 to index
        %parallel_loop3A_479 = arith.constant 384 : index
        %parallel_loop3A_480 = tpu.vector_load %arg9[%parallel_loop3A_478, %parallel_loop3A_479] {strides = array<i32>} : memref<32x512xf32, #tpu.memory_space<vmem>>, vector<16xf32>,
        tpu.vector_store %arg9[%parallel_loop3A_478, %parallel_loop3A_479], %parallel_loop3A_477 {strides = array<i32>} : memref<32x512xf32, #tpu.memory_space<vmem>>, vector<16xf32>,
        %parallel_loop3A_481 = tpu.vector_load_idx %arg7[%parallel_loop3A_380, %get3A_352] : memref<64x512xf32, #tpu.memory_space<vmem>>[vector<16xi32>, vector<16xi32>], vector<16xf32>,
        %parallel_loop3A_482 = arith.index_cast %parallel_loop3A_377 : i32 to index
        %parallel_loop3A_483 = arith.constant 400 : index
        %parallel_loop3A_484 = tpu.vector_load %arg9[%parallel_loop3A_482, %parallel_loop3A_483] {strides = array<i32>} : memref<32x512xf32, #tpu.memory_space<vmem>>, vector<16xf32>,
        tpu.vector_store %arg9[%parallel_loop3A_482, %parallel_loop3A_483], %parallel_loop3A_481 {strides = array<i32>} : memref<32x512xf32, #tpu.memory_space<vmem>>, vector<16xf32>,
        %parallel_loop3A_485 = tpu.vector_load_idx %arg7[%parallel_loop3A_380, %get3A_354] : memref<64x512xf32, #tpu.memory_space<vmem>>[vector<16xi32>, vector<16xi32>], vector<16xf32>,
        %parallel_loop3A_486 = arith.index_cast %parallel_loop3A_377 : i32 to index
        %parallel_loop3A_487 = arith.constant 416 : index
        %parallel_loop3A_488 = tpu.vector_load %arg9[%parallel_loop3A_486, %parallel_loop3A_487] {strides = array<i32>} : memref<32x512xf32, #tpu.memory_space<vmem>>, vector<16xf32>,
        tpu.vector_store %arg9[%parallel_loop3A_486, %parallel_loop3A_487], %parallel_loop3A_485 {strides = array<i32>} : memref<32x512xf32, #tpu.memory_space<vmem>>, vector<16xf32>,
        %parallel_loop3A_489 = tpu.vector_load_idx %arg7[%parallel_loop3A_380, %get3A_356] : memref<64x512xf32, #tpu.memory_space<vmem>>[vector<16xi32>, vector<16xi32>], vector<16xf32>,
        %parallel_loop3A_490 = arith.index_cast %parallel_loop3A_377 : i32 to index
        %parallel_loop3A_491 = arith.constant 432 : index
        %parallel_loop3A_492 = tpu.vector_load %arg9[%parallel_loop3A_490, %parallel_loop3A_491] {strides = array<i32>} : memref<32x512xf32, #tpu.memory_space<vmem>>, vector<16xf32>,
        tpu.vector_store %arg9[%parallel_loop3A_490, %parallel_loop3A_491], %parallel_loop3A_489 {strides = array<i32>} : memref<32x512xf32, #tpu.memory_space<vmem>>, vector<16xf32>,
        %parallel_loop3A_493 = tpu.vector_load_idx %arg7[%parallel_loop3A_380, %get3A_358] : memref<64x512xf32, #tpu.memory_space<vmem>>[vector<16xi32>, vector<16xi32>], vector<16xf32>,
        %parallel_loop3A_494 = arith.index_cast %parallel_loop3A_377 : i32 to index
        %parallel_loop3A_495 = arith.constant 448 : index
        %parallel_loop3A_496 = tpu.vector_load %arg9[%parallel_loop3A_494, %parallel_loop3A_495] {strides = array<i32>} : memref<32x512xf32, #tpu.memory_space<vmem>>, vector<16xf32>,
        tpu.vector_store %arg9[%parallel_loop3A_494, %parallel_loop3A_495], %parallel_loop3A_493 {strides = array<i32>} : memref<32x512xf32, #tpu.memory_space<vmem>>, vector<16xf32>,
        %parallel_loop3A_497 = tpu.vector_load_idx %arg7[%parallel_loop3A_380, %get3A_360] : memref<64x512xf32, #tpu.memory_space<vmem>>[vector<16xi32>, vector<16xi32>], vector<16xf32>,
        %parallel_loop3A_498 = arith.index_cast %parallel_loop3A_377 : i32 to index
        %parallel_loop3A_499 = arith.constant 464 : index
        %parallel_loop3A_500 = tpu.vector_load %arg9[%parallel_loop3A_498, %parallel_loop3A_499] {strides = array<i32>} : memref<32x512xf32, #tpu.memory_space<vmem>>, vector<16xf32>,
        tpu.vector_store %arg9[%parallel_loop3A_498, %parallel_loop3A_499], %parallel_loop3A_497 {strides = array<i32>} : memref<32x512xf32, #tpu.memory_space<vmem>>, vector<16xf32>,
        %parallel_loop3A_501 = tpu.vector_load_idx %arg7[%parallel_loop3A_380, %get3A_362] : memref<64x512xf32, #tpu.memory_space<vmem>>[vector<16xi32>, vector<16xi32>], vector<16xf32>,
        %parallel_loop3A_502 = arith.index_cast %parallel_loop3A_377 : i32 to index
        %parallel_loop3A_503 = arith.constant 480 : index
        %parallel_loop3A_504 = tpu.vector_load %arg9[%parallel_loop3A_502, %parallel_loop3A_503] {strides = array<i32>} : memref<32x512xf32, #tpu.memory_space<vmem>>, vector<16xf32>,
        tpu.vector_store %arg9[%parallel_loop3A_502, %parallel_loop3A_503], %parallel_loop3A_501 {strides = array<i32>} : memref<32x512xf32, #tpu.memory_space<vmem>>, vector<16xf32>,
        %parallel_loop3A_505 = tpu.vector_load_idx %arg7[%parallel_loop3A_380, %get3A_364] : memref<64x512xf32, #tpu.memory_space<vmem>>[vector<16xi32>, vector<16xi32>], vector<16xf32>,
        %parallel_loop3A_506 = arith.index_cast %parallel_loop3A_377 : i32 to index
        %parallel_loop3A_507 = arith.constant 496 : index
        %parallel_loop3A_508 = tpu.vector_load %arg9[%parallel_loop3A_506, %parallel_loop3A_507] {strides = array<i32>} : memref<32x512xf32, #tpu.memory_space<vmem>>, vector<16xf32>,
        tpu.vector_store %arg9[%parallel_loop3A_506, %parallel_loop3A_507], %parallel_loop3A_505 {strides = array<i32>} : memref<32x512xf32, #tpu.memory_space<vmem>>, vector<16xf32>,
      } {sc.loop_unroll_factor = 1 : i64, sc.parallel_access}
      %mul3A_368 = arith.constant 64 : i32
      %mul3A_369 = arith.muli %add3A_201, %mul3A_368 : i32
      %add3A_370 = arith.addi %mul3A_2, %mul3A_369 : i32
      %add3A_371 = arith.constant 32 : i32
      %add3A_372 = arith.addi %add3A_370, %add3A_371 : i32
      %dma_start3A_373 = arith.constant 0 : i32
      %dma_start3A_374 = tpu.memref_slice %arg4[%add3A_372, %dma_start3A_373] : memref<65536x512xf32, #tpu.memory_space<hbm>> -> memref<32x512xf32, #tpu.memory_space<hbm>>
      %dma_start3A_375 = arith.constant 0 : i32
      %dma_start3A_376 = tpu.memref_slice %arg4[%add3A_372, %dma_start3A_375] : memref<65536x512xf32, #tpu.memory_space<hbm>> -> memref<32x512xf32, #tpu.memory_space<hbm>>
      tpu.enqueue_dma source(%arg9 : memref<32x512xf32, #tpu.memory_space<vmem>>) target(%dma_start3A_376 : memref<32x512xf32, #tpu.memory_space<hbm>>) target_semaphore(%arg13 : memref<!tpu.dma_semaphore, #tpu.memory_space<semaphore_mem>>)
    }
    %scan3A_12 = arith.constant 16 : i32
    %dma_wait3A = arith.constant 0 : i32
    %dma_wait3A_13 = arith.constant 0 : i32
    %dma_wait3A_14 = tpu.memref_slice %arg4[%dma_wait3A, %dma_wait3A_13] : memref<65536x512xf32, #tpu.memory_space<hbm>> -> memref<32x512xf32, #tpu.memory_space<hbm>>
    %dma_wait3A_15 = arith.constant 0 : i32
    %dma_wait3A_16 = arith.constant 0 : i32
    %dma_wait3A_17 = tpu.memref_slice %arg4[%dma_wait3A_15, %dma_wait3A_16] : memref<65536x512xf32, #tpu.memory_space<hbm>> -> memref<32x512xf32, #tpu.memory_space<hbm>>
    tpu.wait_dma2 semaphore(%arg12 : memref<!tpu.dma_semaphore, #tpu.memory_space<semaphore_mem>>) src(%arg8 : memref<32x512xf32, #tpu.memory_space<vmem>>) dst(%dma_wait3A_17 : memref<32x512xf32, #tpu.memory_space<hbm>>)
    %dma_wait3A_18 = arith.constant 0 : i32
    %dma_wait3A_19 = arith.constant 0 : i32
    %dma_wait3A_20 = tpu.memref_slice %arg4[%dma_wait3A_18, %dma_wait3A_19] : memref<65536x512xf32, #tpu.memory_space<hbm>> -> memref<32x512xf32, #tpu.memory_space<hbm>>
    %dma_wait3A_21 = arith.constant 0 : i32
    %dma_wait3A_22 = arith.constant 0 : i32
    %dma_wait3A_23 = tpu.memref_slice %arg4[%dma_wait3A_21, %dma_wait3A_22] : memref<65536x512xf32, #tpu.memory_space<hbm>> -> memref<32x512xf32, #tpu.memory_space<hbm>>
    tpu.wait_dma2 semaphore(%arg13 : memref<!tpu.dma_semaphore, #tpu.memory_space<semaphore_mem>>) src(%arg9 : memref<32x512xf32, #tpu.memory_space<vmem>>) dst(%dma_wait3A_23 : memref<32x512xf32, #tpu.memory_space<hbm>>)
    return
  }
}

</mosaic_0001>

<sc_bundles>
// kernel: kernel.3.cloned.1.call-start
scs
__scs_entry_jumppad:
0x0: {  	(pc) =	sbr.rel $0x88, $3  }
0x1: {  	(tag) =	ssettag $0x0;
	lr =	simm.s32 $0x1  }
0x2: {  	[smem:$0x3F9F] =	sst lr;
	_ =	strace $0xD0000000  }
0x3: {  	_ = 	snop  }
0x4: {  	_ = 	snop  }
0x5: {  	_ = 	snop  }
0x6: {  	_ = 	snop  }
0x7: {  	_ = 	snop  }
__scs_overlays_trampoline_lowered:
0x8: {  	[smem:$0x3FAE] =	sst s0  }
0x9: {  	[smem:$0x3FAF] =	sst s1  }
0xa: {  	[smem:$0x3FB0] =	sst s2  }
0xb: {  	[smem:$0x3FB1] =	sst s3  }
0xc: {  	[smem:$0x3FB2] =	sst s4  }
0xd: {  	[smem:$0x3FB3] =	sst s5  }
0xe: {  	[smem:$0x3FB4] =	sst s6  }
0xf: {  	[smem:$0x3FB5] =	sst s7  }
0x10: {  	[smem:$0x3FB6] =	sst s8  }
0x11: {  	[smem:$0x3FB7] =	sst s9;
	s0 =	simm.s32 @!p0 $0x0  }
0x12: {  	s1 =	sld [smem:$0x3F9D];
	s0 =	simm.s32 @p0 $0x1  }
0x13: {  	[smem:$0x3FB8] =	sst s0;
	s0 =	simm.s32 @!p1 $0x0  }
0x14: {  	s2 =	sld [smem:$0x3F9C];
	s0 =	simm.s32 @p1 $0x1  }
0x15: {  	[smem:$0x3FB9] =	sst s0;
	s0 =	simm.s32 @!p2 $0x0  }
0x16: {  	s3 =	sld [smem:$0x3FDB];
	s0 =	simm.s32 @p2 $0x1  }
0x17: {  	s4 =	simm.s32 $0x1BF5;
	[smem:$0x3FBB] =	sst s0  }
0x18: {  	s0 =	sld [smem:$0x3F9E];
	_ =	swait.ge [sflag:s4], $0x0  }
0x19: {  	s7 =	sld [smem:$0x3F9F]  }
0x1a: {  	s8 =	sadd.s32 $0xFFFFE003, lr  }
0x1b: {  	s9 =	sadd.s32 $0xFFFFFEF7, lr;
	s5 =	simm.s32 $0xFFFFFFFF;
	p2 =	slt.u32 s8, $0xFFFFF086  }
0x1c: {  	p1 =	slt.u32 s9, $0xF7A;
	s5 =	simm.s32 @!p2 $0x0  }
0x1d: {  	s5 =	simm.s32 @p1 $0x1;
	p0 =	seq.s32 s7, s2  }
0x1e: {  	s7 =	smul.u32 @!p0 $0xF7A, s2;
	p2 =	seq.s32 @!p0 s5, $0x0  }
0x1f: {  	s9 =	smul.u32 $0xF7A, s1;
	s8 =	simm.s32 @!p0 $0x1BF5;
	p2 =	por !p2, p0  }
0x20: {  	[sflag:s8] =	ssyncset.s32 @!p0 $0xFFFFF086;
	s6 =	sadd.s32 @!p0 s3, s7;
	s7 =	simm.s32 @!p0 $0x108  }
0x21: {  	s3 =	sadd.s32 s3, s9;
	s6 =	sadd.s32 @!p0 $0x88, s6;
	s7 =	simm.s32 @p2 $0x1082  }
0x22: {  	[simem:s7], [sflag:s8] =	dma.local @!p0 [hbm:s6], $0xF7A  }
0x23: {  	s9 =	sor.u32 $0xD0000000, s2;
	s6 =	simm.s32 $0x108;
	_ =	swait.ge @!p0 [sflag:s8], $0x0  }
0x24: {  	s3 =	sadd.s32 $0x88, s3;
	s6 =	simm.s32 @!p1 $0x1082;
	[sflag:s4] =	ssyncset.s32 $0xFFFFF086  }
0x25: {  	[simem:s6], [sflag:s4] =	dma.local [hbm:s3], $0xF7A  }
0x26: {  	[smem:$0x3F9F] =	sst s1;
	(tag) =	ssettag s2;
	_ =	strace s9  }
0x27: {  	s1 =	sld [smem:$0x3FAF]  }
0x28: {  	s2 =	sld [smem:$0x3FB0]  }
0x29: {  	s4 =	sld [smem:$0x3FB2]  }
0x2a: {  	p0 =	seq.s32 s5, $0x0;
	s5 =	sld [smem:$0x3FB3]  }
0x2b: {  	s6 =	sld [smem:$0x3FB4]  }
0x2c: {  	s7 =	sld [smem:$0x3FB5]  }
0x2d: {  	s3 =	simm.s32 $0x108;
	s8 =	sld [smem:$0x3FB6]  }
0x2e: {  	s3 =	simm.s32 @!p0 $0x1082;
	s9 =	sld [smem:$0x3FB7]  }
0x2f: {  	lr =	sadd.s32 s0, s3;
	s0 =	sld [smem:$0x3FAE]  }
0x30: {  	s3 =	sld [smem:$0x3FB1]  }
0x31: {  	[smem:$0x3FBA] =	sst s10  }
0x32: {  	s10 =	sld [smem:$0x3FB8];
	_ =	sdelay $0x3  }
0x33: {  	p0 =	seq.s32 s10, $0x1;
	s10 =	sld [smem:$0x3FBA];
	_ =	sdelay $0x3  }
0x34: {  	[smem:$0x3FBA] =	sst s10  }
0x35: {  	s10 =	sld [smem:$0x3FB9];
	_ =	sdelay $0x3  }
0x36: {  	p1 =	seq.s32 s10, $0x1;
	s10 =	sld [smem:$0x3FBA];
	_ =	sdelay $0x3  }
0x37: {  	[smem:$0x3FBA] =	sst s10  }
0x38: {  	s10 =	sld [smem:$0x3FBB]  }
0x39: {  	_ = 	snop;
	(pc) =	sbr.ind lr, $3  }
0x3a: {  	_ = 	snop  }
0x3b: {  	_ = 	snop  }
0x3c: {  	p2 =	seq.s32 s10, $0x1;
	s10 =	sld [smem:$0x3FBA]  }
0x3d: {  	_ =	shalt  }
0x3e: {  	_ =	shalt  }
0x3f: {  	_ =	shalt  }
0x40: {  	_ =	shalt  }
0x41: {  	_ =	shalt  }
0x42: {  	_ =	shalt  }
0x43: {  	_ =	shalt  }
0x44: {  	_ =	shalt  }
0x45: {  	_ =	shalt  }
0x46: {  	_ =	shalt  }
0x47: {  	_ =	shalt  }
0x48: {  	_ =	shalt  }
0x49: {  	_ =	shalt  }
0x4a: {  	_ =	shalt  }
0x4b: {  	_ =	shalt  }
0x4c: {  	_ =	shalt  }
0x4d: {  	_ =	shalt  }
0x4e: {  	_ =	shalt  }
0x4f: {  	_ =	shalt  }
0x50: {  	_ =	shalt  }
0x51: {  	_ =	shalt  }
0x52: {  	_ =	shalt  }
0x53: {  	_ =	shalt  }
0x54: {  	_ =	shalt  }
0x55: {  	_ =	shalt  }
0x56: {  	_ =	shalt  }
0x57: {  	_ =	shalt  }
0x58: {  	_ =	shalt  }
0x59: {  	_ =	shalt  }
0x5a: {  	_ =	shalt  }
0x5b: {  	_ =	shalt  }
0x5c: {  	_ =	shalt  }
0x5d: {  	_ =	shalt  }
0x5e: {  	_ =	shalt  }
0x5f: {  	_ =	shalt  }
0x60: {  	_ =	shalt  }
0x61: {  	_ =	shalt  }
0x62: {  	_ =	shalt  }
0x63: {  	_ =	shalt  }
0x64: {  	_ =	shalt  }
0x65: {  	_ =	shalt  }
0x66: {  	_ =	shalt  }
0x67: {  	_ =	shalt  }
0x68: {  	_ =	shalt  }
0x69: {  	_ =	shalt  }
0x6a: {  	_ =	shalt  }
0x6b: {  	_ =	shalt  }
0x6c: {  	_ =	shalt  }
0x6d: {  	_ =	shalt  }
0x6e: {  	_ =	shalt  }
0x6f: {  	_ =	shalt  }
0x70: {  	_ =	shalt  }
0x71: {  	_ =	shalt  }
0x72: {  	_ =	shalt  }
0x73: {  	_ =	shalt  }
0x74: {  	_ =	shalt  }
0x75: {  	_ =	shalt  }
0x76: {  	_ =	shalt  }
0x77: {  	_ =	shalt  }
0x78: {  	_ =	shalt  }
0x79: {  	_ =	shalt  }
0x7a: {  	_ =	shalt  }
0x7b: {  	_ =	shalt  }
0x7c: {  	_ =	shalt  }
0x7d: {  	_ =	shalt  }
0x7e: {  	_ =	shalt  }
0x7f: {  	_ =	shalt  }
0x80: {  	_ =	shalt  }
0x81: {  	_ =	shalt  }
0x82: {  	_ =	shalt  }
0x83: {  	_ =	shalt  }
0x84: {  	_ =	shalt  }
0x85: {  	_ =	shalt  }
0x86: {  	_ =	shalt  }
0x87: {  	_ =	shalt  }
.Lfunc_end0:
.L_simem_size_0:
called_computation_lowered:
.L_overlay_start_0:
0x88: {  	s2 =	sld [smem:$0x3FD9]  }
0x89: {  	s3 =	sld [smem:$0x3FFE];
	_ =	sdelay $0x1  }
0x8a: {  	s1 =	srdreg.scid  }
0x8b: {  	s0 =	sand.u32 $0x1, s1  }
0x8c: {  	s18 =	sshll.u32 s0, $0xA;
	s2 =	sadd.s32 s3, s2  }
0x8d: {  	s2 =	sadd.s32 s2, s18  }
0x8e: {  	[smem:$0x3FC6] =	sst s2  }
0x8f: {  	_ = 	snop  }
0x90: {  	s2 =	sld [smem:$0x3FC9]  }
0x91: {  	s19 =	sld [smem:$0x3FC8]  }
0x92: {  	s4 =	sld [smem:$0x3FD0];
	(tm) =	ssettm $0x1  }
0x93: {  	s5 =	sld [smem:$0x3FFB];
	_ =	sdelay $0x3  }
0x94: {  	_ =	strace s5  }
0x95: {  	s5 =	sld [smem:$0x3FFC];
	_ =	sdelay $0x3  }
0x96: {  	_ =	strace s5  }
0x97: {  	s5 =	sld [smem:$0x3FFD];
	_ =	sdelay $0x3  }
0x98: {  	_ =	strace s5  }
0x99: {  	_ =	strace $0x8FFFFFFF  }
0x9a: {  	s20 =	sld [smem:$0x3FDB];
	_ =	sdelay $0x1  }
0x9b: {  	s6 =	simm.s32 $_scs_section_size  }
0x9c: {  	s7 =	simm.s32 $_size__tile_overlayer_lowered;
	s8 =	simm.s32 $_tile_overlayer_lowered  }
0x9d: {  	s23 =	simm.s32 $0x1BFF;
	s22 =	sshll.u32 s8, $0x1;
	s5 =	sadd.s32 s6, s20  }
0x9e: {  	s9 =	simm.s32 $0x0;
	s21 =	sshll.u32 s7, $0x1;
	s7 =	sadd.s32 s22, s5  }
0x9f: {  	[timem:s9], [sflag:s23] =	dma.local [hbm:s7], s21  }
0xa0: {  	_ =	swait.ge [sflag:s23], s21  }
0xa1: {  	s6 =	ssub.s32 $0x0, s21;
	[sflag:s23] =	ssyncset.done $0x0  }
0xa2: {  	[sflag:s23] =	ssyncadd.s32 s6;
	_ =	sdelay $0x1  }
0xa3: {  	s24 =	simm.s32 $0x1B8B  }
0xa4: {  	_ =	swait.ge [sflag:s24], $0x1  }
0xa5: {  	[sflag:s24] =	ssyncset.done $0x0  }
0xa6: {  	s25 =	simm.s32 $0x1B8E;
	[sflag:s24] =	ssyncadd.s32 $0xFFFFFFFF  }
0xa7: {  	s26 =	simm.s32 $execute0_lowered;
	[smem:$0x3FD2] =	sst s25  }
0xa8: {  	s6 =	sshll.u32 s26, $0x1;
	_ =	strace $0x80000046;
	[dreg:$0x1] =	wrdreg $0xFFFFFFFF  }
0xa9: {  	s28 =	simm.s32 $_size_execute0_lowered;
	s5 =	sadd.s32 s5, s6;
	[dreg:$0x0] =	wrdreg $0x0  }
0xaa: {  	s6 =	sshll.u32 s28, $0x1;
	[dreg:$0x2] =	wrdreg s5  }
0xab: {  	[dreg:$0x3] =	wrdreg s6  }
0xac: {  	[dreg:$0x4] =	wrdreg $0xC0  }
0xad: {  	_ =	task [dreg:s9], $0x5FFFF  }
0xae: {  	[dreg:$0x1] =	wrdreg $0xFFFFFFFF  }
0xaf: {  	[dreg:$0x0] =	wrdreg $0x60  }
0xb0: {  	[dreg:$0x2] =	wrdreg s2  }
0xb1: {  	[dreg:$0x3] =	wrdreg s19  }
0xb2: {  	[dreg:$0x4] =	wrdreg s4  }
0xb3: {  	[dreg:$0x5] =	wrdreg $0x9  }
0xb4: {  	_ =	task.clear_ibuf [dreg:s9], $0x6FFFF;
	_ =	strace $0x90000046  }
0xb5: {  	s29 =	simm.s32 $0x9;
	_ =	strace $0x80000048  }
0xb6: {  	_ =	swait.ge [sflag:s29], $0x1  }
0xb7: {  	[sflag:s29] =	ssyncadd.s32 $0xFFFFFFFF  }
0xb8: {  	_ =	strace $0x90000048  }
0xb9: {  	_ =	sfence  }
0xba: {  	s30 =	sld [smem:$0x0];
	_ =	sdelay $0x2  }
0xbb: {  	s31 =	sshll.u32 s1, $0xD;
	s1 =	sshrl.u32 s1, $0x2  }
0xbc: {  	s3 =	sand.u32 $0x4000, s31;
	s1 =	sadd.s32 s1, s30  }
0xbd: {  	s0 =	sor.u32 s3, s0;
	s1 =	sshll.u32 s1, $0x11  }
0xbe: {  	s0 =	sor.u32 s1, s0  }
0xbf: {  	s0 =	sadd.s32 $0x8F2B, s0  }
0xc0: {  	[sflag:s0] =	ssyncadd.remote.s32 $0x1  }
0xc1: {  	_ =	sfence.sel $0xFFFF  }
0xc2: {  	[dreg:$0x0] =	wrdreg $0xFFFFFFFF;
	(pc) =	sbr.abs _section_cstart, $3  }
0xc3: {  	[dreg:$0x1] =	wrdreg $0xFFFFFFFF  }
0xc4: {  	_ =	task.clear_ibuf [dreg:s9], $0x2FFFF;
	_ =	strace $0x9FFFFFFF  }
0xc5: {  	(tm) =	ssettm $0x7FFFFFFF  }
tec
execute0_lowered:
.L_overlay_start_1:
0x0: {  	(tag) =	ssettag $0x1  }
0x1: {  	s0 =	rddreg [dreg:$0x0]  }
0x2: {  	s2 =	rddreg [dreg:$0x2]  }
0x3: {  	s4 =	simm.s32 $0x0;
	s1 =	srdreg.scid;
	s5 =	stileid.u32  }
0x4: {  	s10 =	simm.s32 $0x5;
	s11 =	simm.s32 $0x200;
	s12 =	simm.s32 $0x1  }
0x5: {  	s13 =	simm.s32 $0x8200;
	s14 =	simm.s32 $0x10200;
	s15 =	simm.s32 $0x14200  }
0x6: {  	s16 =	simm.s32 $0x2;
	s17 =	simm.s32 $0x3;
	s1 =	sand.u32 $0x1, s1  }
0x7: {  	s18 =	simm.s32 $0x4;
	s19 =	simm.s32 $0x0;
	s3 =	ssub.s32 $0x2, s1  }
0x8: {  	s5 =	sshll.u32 s5, $0x12;
	s1 =	sshll.u32 s1, $0x11;
	s6 =	sshrl.u32 s3, $0x1  }
0x9: {  	[smem:$0x7FF] =	sst s4;
	s5 =	sor.u32 s1, s5;
	s30 =	ssub.s32 s3, s6  }
0xa: {  	s7 =	sadd.s32 $0x800, s2;
	s6 =	sadd.s32 s0, s5;
	s31 =	smax.u32 s30, $0x1  }
0xb: {  	_ =	strace $0x80000047;
	s8 =	sadd.s32 $0x2000, s6;
	[dreg:$0x4] =	wrdreg s31  }
.LBB2_1:
0xc: {  	s0 =	rddreg [dreg:$0x1]  }
0xd: {  	[tilespmem:s4], [sflag:$0x5] =	stream.linear.gather [hbm4b:s0+s4], $0x200, $0x38;
	[tilespmem:$0x18200] =	vst v63  }
0xe: {  	_ =	swait.ge [sflag:s10], $0x200  }
0xf: {  	[sflag:s10] =	ssyncset.done $0x0  }
0x10: {  	s20 =	simm.s32 $0x0;
	[sflag:s10] =	ssyncadd.s32 $0xFFFFFE00  }
0x11: {  	[tilespmem:s11], [sflag:$0x1] =	stream.linear.gather [hbm4b:s6+s4], $0x8000, $0x38;
	[tilespmem:$0x18200] =	vst v63  }
.LBB2_2:
0x12: {  	s22 =	sshll.u32 s20, $0xD;
	_ =	swait.ge [sflag:s12], $0x8000  }
0x13: {  	[sflag:s12] =	ssyncset.done $0x0;
	s21 =	sor.u32 $0x1000, s22  }
0x14: {  	p0 =	seq.s32 s20, $0x0;
	[sflag:s12] =	ssyncadd.s32 $0xFFFF8000;
	s0 =	sadd.s32 s21, s6  }
0x15: {  	[tilespmem:s13], [sflag:$0x2] =	stream.linear.gather [hbm4b:s0+s4], $0x8000, $0x38;
	[tilespmem:$0x18200] =	vst v63  }
0x16: {  	s0 =	simm.s32 @!p0 $0x3  }
0x17: {  	_ =	swait.ge @!p0 [sflag:s0], $0x4000  }
0x18: {  	[sflag:s0] =	ssyncset.done @!p0 $0x0  }
0x19: {  	[sflag:s0] =	ssyncadd.s32 @!p0 $0xFFFFC000  }
0x1a: {  	v1 =	vld [tilespmem:$0x0]  }
0x1b: {  	v2 =	vld [tilespmem:$0x10]  }
0x1c: {  	v3 =	vld [tilespmem:$0x20]  }
0x1d: {  	v8 =	vld [tilespmem:$0x30]  }
0x1e: {  	v12 =	vld [tilespmem:$0x40]  }
0x1f: {  	v18 =	vld [tilespmem:$0x50]  }
0x20: {  	v21 =	vld [tilespmem:$0x60]  }
0x21: {  	v24 =	vld [tilespmem:$0x70]  }
0x22: {  	v26 =	vld [tilespmem:$0x80]  }
0x23: {  	v0 =	vld [tilespmem:$0x90]  }
0x24: {  	v29 =	vld [tilespmem:$0xA0]  }
0x25: {  	v32 =	vld [tilespmem:$0xB0]  }
0x26: {  	v34 =	vld [tilespmem:$0xC0]  }
0x27: {  	v33 =	vld [tilespmem:$0xD0]  }
0x28: {  	v5 =	vld [tilespmem:$0xE0]  }
0x29: {  	v4 =	vld [tilespmem:$0xF0]  }
0x2a: {  	v31 =	vld [tilespmem:$0x100]  }
0x2b: {  	s3 =	simm.s32 $0x0;
	v30 =	vld [tilespmem:$0x110]  }
0x2c: {  	v7 =	vmov s3;
	v28 =	vld [tilespmem:$0x120];
	v6 =	vshll.u32 v1, $0x3  }
0x2d: {  	v9 =	vshll.u32 v7, $0x9;
	v23 =	vld [tilespmem:$0x130];
	v1 =	vand.u32 $0x7F, v1;
	v6 =	vand.u32 $0xFFFFFC00, v6  }
0x2e: {  	v45 =	vand.u32 $0x3000, v9;
	v20 =	vld [tilespmem:$0x140];
	v27 =	vor.u32 v1, v6;
	v1 =	vshll.u32 v7, $0x7  }
0x2f: {  	v19 =	vld [tilespmem:$0x150];
	v44 =	vand.u32 $0x380, v1;
	v1 =	vadd.s32 v27, v45  }
0x30: {  	v16 =	vld [tilespmem:$0x160];
	v1 =	vor.u32 v44, v1  }
0x31: {  	v15 =	vld [tilespmem:$0x190]  }
0x32: {  	v13 =	vld [tilespmem:$0x1A0];
	v9 =	vshll.u32 v2, $0x3  }
0x33: {  	v14 =	vld [tilespmem:$0x1B0];
	v2 =	vand.u32 $0x7F, v2;
	v9 =	vand.u32 $0xFFFFFC00, v9  }
0x34: {  	v11 =	vld [tilespmem:$0x1C0];
	v22 =	vor.u32 v2, v9  }
0x35: {  	v2 =	vadd.s32 v22, v45;
	v1 =	vld.idx.msk [tilespmem:v1+s11+$0x0], $0xffff  }
0x36: {  	v25 =	vld [tilespmem:$0x1E0];
	v2 =	vor.u32 v44, v2  }
0x37: {  	v43 =	vld [tilespmem:$0x1F0]  }
0x38: {  	s1 =	sand.u32 $0x3000, s3;
	s0 =	sand.u32 $0x380, s3;
	v10 =	vshll.u32 v3, $0x3;
	v7 =	vld [tilespmem:$0x170]  }
0x39: {  	s0 =	sor.u32 s0, s1;
	v3 =	vand.u32 $0x7F, v3;
	v10 =	vand.u32 $0xFFFFFC00, v10;
	v6 =	vld [tilespmem:$0x180]  }
0x3a: {  	v9 =	vld [tilespmem:$0x1D0];
	v17 =	vor.u32 v3, v10;
	[tilespmem:s0+$0x10200] =	vst v1  }
0x3b: {  	v1 =	vld.idx.msk [tilespmem:v2+s11+$0x0], $0xffff;
	v2 =	vadd.s32 v17, v45  }
0x3c: {  	v2 =	vor.u32 v44, v2;
	_ =	sdelay $0x1  }
0x3d: {  	v3 =	vshll.u32 v8, $0x3  }
0x3e: {  	s29 =	sadd.s32 $0x10200, s0;
	v8 =	vand.u32 $0x7F, v8;
	v3 =	vand.u32 $0xFFFFFC00, v3  }
0x3f: {  	v10 =	vor.u32 v8, v3;
	[tilespmem:s29+$0x10] =	vst v1  }
0x40: {  	v1 =	vld.idx.msk [tilespmem:v2+s11+$0x0], $0xffff;
	v2 =	vadd.s32 v10, v45  }
0x41: {  	v2 =	vor.u32 v44, v2;
	_ =	sdelay $0x1  }
0x42: {  	v3 =	vshll.u32 v12, $0x3  }
0x43: {  	v8 =	vand.u32 $0x7F, v12;
	v3 =	vand.u32 $0xFFFFFC00, v3  }
0x44: {  	s9 =	simm.s32 $0x1;
	v8 =	vor.u32 v8, v3;
	[tilespmem:s29+$0x20] =	vst v1  }
0x45: {  	v3 =	vadd.s32 v8, v45;
	v1 =	vld.idx.msk [tilespmem:v2+s11+$0x0], $0xffff;
	v2 =	vmov s9  }
0x46: {  	v35 =	vor.u32 v44, v3;
	v3 =	vshll.u32 v2, $0x9  }
0x47: {  	v12 =	vshll.u32 v2, $0x7;
	v2 =	vand.u32 $0x3000, v3  }
0x48: {  	v36 =	vshll.u32 v18, $0x3;
	v3 =	vand.u32 $0x380, v12;
	v12 =	vadd.s32 v27, v2  }
0x49: {  	v18 =	vand.u32 $0x7F, v18;
	v36 =	vand.u32 $0xFFFFFC00, v36;
	v37 =	vor.u32 v3, v12  }
0x4a: {  	v12 =	vor.u32 v18, v36;
	[tilespmem:s29+$0x30] =	vst v1  }
0x4b: {  	v18 =	vadd.s32 v12, v45;
	v1 =	vld.idx.msk [tilespmem:v35+s11+$0x0], $0xffff  }
0x4c: {  	v41 =	vor.u32 v44, v18;
	_ =	sdelay $0x1  }
0x4d: {  	v46 =	vadd.s32 v22, v2;
	v18 =	vshll.u32 v21, $0x3;
	v42 =	vld.idx.msk [tilespmem:v37+s11+$0x0], $0xffff  }
0x4e: {  	v21 =	vand.u32 $0x7F, v21;
	v18 =	vand.u32 $0xFFFFFC00, v18;
	v37 =	vor.u32 v3, v46  }
0x4f: {  	s23 =	simm.s32 $0x80;
	s24 =	simm.s32 $0x200;
	v18 =	vor.u32 v21, v18;
	[tilespmem:s29+$0x40] =	vst v1  }
0x50: {  	s1 =	sand.u32 $0x3000, s24;
	s0 =	sand.u32 $0x380, s23;
	v21 =	vadd.s32 v18, v45;
	v1 =	vld.idx.msk [tilespmem:v41+s11+$0x0], $0xffff  }
0x51: {  	s0 =	sor.u32 s0, s1;
	v47 =	vor.u32 v44, v21  }
0x52: {  	[tilespmem:s0+$0x10200] =	vst v42  }
0x53: {  	v48 =	vadd.s32 v17, v2;
	v21 =	vshll.u32 v24, $0x3;
	v36 =	vld.idx.msk [tilespmem:v37+s11+$0x0], $0xffff  }
0x54: {  	v24 =	vand.u32 $0x7F, v24;
	v21 =	vand.u32 $0xFFFFFC00, v21;
	v37 =	vor.u32 v3, v48  }
0x55: {  	v21 =	vor.u32 v24, v21;
	[tilespmem:s29+$0x50] =	vst v1  }
0x56: {  	v24 =	vadd.s32 v21, v45;
	v1 =	vld.idx.msk [tilespmem:v47+s11+$0x0], $0xffff  }
0x57: {  	s24 =	sadd.s32 $0x10200, s0;
	v49 =	vor.u32 v44, v24  }
0x58: {  	[tilespmem:s24+$0x10] =	vst v36  }
0x59: {  	v50 =	vadd.s32 v10, v2;
	v24 =	vshll.u32 v26, $0x3;
	v36 =	vld.idx.msk [tilespmem:v37+s11+$0x0], $0xffff  }
0x5a: {  	v26 =	vand.u32 $0x7F, v26;
	v24 =	vand.u32 $0xFFFFFC00, v24;
	v37 =	vor.u32 v3, v50  }
0x5b: {  	v24 =	vor.u32 v26, v24;
	[tilespmem:s29+$0x60] =	vst v1  }
0x5c: {  	v26 =	vadd.s32 v24, v45;
	v1 =	vld.idx.msk [tilespmem:v49+s11+$0x0], $0xffff  }
0x5d: {  	v51 =	vor.u32 v44, v26  }
0x5e: {  	[tilespmem:s24+$0x20] =	vst v36  }
0x5f: {  	s25 =	simm.s32 $0x2;
	v52 =	vadd.s32 v8, v2;
	v26 =	vand.u32 $0x7F, v0;
	v0 =	vshll.u32 v0, $0x3;
	v36 =	vld.idx.msk [tilespmem:v37+s11+$0x0], $0xffff  }
0x60: {  	v38 =	vmov s25;
	v0 =	vand.u32 $0xFFFFFC00, v0;
	v37 =	vor.u32 v3, v52  }
0x61: {  	v26 =	vor.u32 v26, v0;
	v0 =	vshll.u32 v38, $0x9;
	[tilespmem:s29+$0x70] =	vst v1  }
0x62: {  	v0 =	vand.u32 $0x3000, v0;
	v53 =	vadd.s32 v26, v45;
	v1 =	vshll.u32 v38, $0x7;
	v35 =	vld.idx.msk [tilespmem:v51+s11+$0x0], $0xffff  }
0x63: {  	v39 =	vadd.s32 v27, v0;
	v38 =	vor.u32 v44, v53;
	v1 =	vand.u32 $0x380, v1  }
0x64: {  	v39 =	vor.u32 v1, v39;
	[tilespmem:s24+$0x30] =	vst v36  }
0x65: {  	v54 =	vshll.u32 v29, $0x3;
	v40 =	vadd.s32 v12, v2;
	v37 =	vld.idx.msk [tilespmem:v37+s11+$0x0], $0xffff  }
0x66: {  	v29 =	vand.u32 $0x7F, v29;
	v40 =	vor.u32 v3, v40;
	v36 =	vand.u32 $0xFFFFFC00, v54  }
0x67: {  	v29 =	vor.u32 v29, v36;
	[tilespmem:s29+$0x400] =	vst v35  }
0x68: {  	v36 =	vadd.s32 v29, v45;
	v35 =	vld.idx.msk [tilespmem:v38+s11+$0x0], $0xffff  }
0x69: {  	v56 =	vadd.s32 v22, v0;
	v36 =	vor.u32 v44, v36;
	v55 =	vld.idx.msk [tilespmem:v39+s11+$0x0], $0xffff  }
0x6a: {  	v39 =	vor.u32 v1, v56;
	[tilespmem:s24+$0x40] =	vst v37  }
0x6b: {  	s26 =	simm.s32 $0x100;
	s3 =	simm.s32 $0x400;
	v57 =	vshll.u32 v32, $0x3;
	v41 =	vadd.s32 v18, v2;
	v40 =	vld.idx.msk [tilespmem:v40+s11+$0x0], $0xffff  }
0x6c: {  	v32 =	vand.u32 $0x7F, v32;
	s1 =	sand.u32 $0x3000, s3;
	v41 =	vor.u32 v3, v41;
	s0 =	sand.u32 $0x380, s26;
	v37 =	vand.u32 $0xFFFFFC00, v57  }
0x6d: {  	s0 =	sor.u32 s0, s1;
	v32 =	vor.u32 v32, v37;
	[tilespmem:s29+$0x410] =	vst v35  }
0x6e: {  	v58 =	vadd.s32 v32, v45;
	[tilespmem:s0+$0x10200] =	vst v55;
	v35 =	vld.idx.msk [tilespmem:v36+s11+$0x0], $0xffff  }
0x6f: {  	v59 =	vadd.s32 v17, v0;
	v38 =	vld.idx.msk [tilespmem:v39+s11+$0x0], $0xffff;
	v36 =	vor.u32 v44, v58  }
0x70: {  	v60 =	vor.u32 v1, v59;
	[tilespmem:s24+$0x50] =	vst v40  }
0x71: {  	v61 =	vshll.u32 v34, $0x3;
	v62 =	vadd.s32 v21, v2;
	v40 =	vld.idx.msk [tilespmem:v41+s11+$0x0], $0xffff  }
0x72: {  	v34 =	vand.u32 $0x7F, v34;
	v37 =	vand.u32 $0xFFFFFC00, v61;
	v41 =	vor.u32 v3, v62  }
0x73: {  	s23 =	sadd.s32 $0x10200, s0;
	v37 =	vor.u32 v34, v37;
	[tilespmem:s29+$0x420] =	vst v35  }
0x74: {  	v48 =	vadd.s32 v37, v45;
	[tilespmem:s23+$0x10] =	vst v38;
	v63 =	vld.idx.msk [tilespmem:v36+s11+$0x0], $0xffff  }
0x75: {  	v50 =	vadd.s32 v10, v0;
	v51 =	vor.u32 v44, v48;
	v49 =	vld.idx.msk [tilespmem:v60+s11+$0x0], $0xffff  }
0x76: {  	v52 =	vand.u32 $0x7F, v33;
	v33 =	vshll.u32 v33, $0x3;
	v42 =	vor.u32 v1, v50;
	[tilespmem:s24+$0x60] =	vst v40  }
0x77: {  	v33 =	vand.u32 $0xFFFFFC00, v33;
	v54 =	vadd.s32 v24, v2;
	v40 =	vld.idx.msk [tilespmem:v41+s11+$0x0], $0xffff  }
0x78: {  	v53 =	vshll.u32 v5, $0x3;
	v5 =	vand.u32 $0x7F, v5;
	v41 =	vor.u32 v3, v54  }
0x79: {  	s9 =	simm.s32 $0x3;
	v46 =	vand.u32 $0xFFFFFC00, v53;
	v57 =	vadd.s32 v8, v0;
	v38 =	vor.u32 v52, v33;
	[tilespmem:s29+$0x430] =	vst v63  }
0x7a: {  	v56 =	vmov s9;
	v35 =	vor.u32 v5, v46;
	v5 =	vadd.s32 v38, v45;
	[tilespmem:s23+$0x20] =	vst v49;
	v34 =	vld.idx.msk [tilespmem:v51+s11+$0x0], $0xffff  }
0x7b: {  	v55 =	vand.u32 $0x7F, v4;
	v4 =	vshll.u32 v4, $0x3;
	v58 =	vor.u32 v44, v5;
	v36 =	vld.idx.msk [tilespmem:v42+s11+$0x0], $0xffff  }
0x7c: {  	v47 =	vand.u32 $0xFFFFFC00, v4;
	v4 =	vshll.u32 v56, $0x9;
	v42 =	vor.u32 v1, v57;
	[tilespmem:s24+$0x70] =	vst v40  }
0x7d: {  	v59 =	vadd.s32 v26, v2;
	v4 =	vand.u32 $0x3000, v4;
	v5 =	vshll.u32 v56, $0x7;
	v40 =	vld.idx.msk [tilespmem:v41+s11+$0x0], $0xffff  }
0x7e: {  	v48 =	vor.u32 v3, v59;
	v60 =	vadd.s32 v27, v4;
	v5 =	vand.u32 $0x380, v5  }
0x7f: {  	v53 =	vadd.s32 v12, v0;
	v61 =	vshll.u32 v31, $0x3;
	v62 =	vor.u32 v5, v60;
	[tilespmem:s29+$0x440] =	vst v34  }
0x80: {  	v31 =	vand.u32 $0x7F, v31;
	v39 =	vor.u32 v55, v47;
	v51 =	vadd.s32 v35, v45;
	[tilespmem:s23+$0x30] =	vst v36;
	v63 =	vld.idx.msk [tilespmem:v58+s11+$0x0], $0xffff  }
0x81: {  	v55 =	vor.u32 v1, v53;
	v52 =	vshll.u32 v30, $0x3;
	v49 =	vor.u32 v44, v51;
	v42 =	vld.idx.msk [tilespmem:v42+s11+$0x0], $0xffff  }
0x82: {  	v33 =	vand.u32 $0xFFFFFC00, v61;
	v30 =	vand.u32 $0x7F, v30;
	v54 =	vand.u32 $0xFFFFFC00, v52;
	[tilespmem:s24+$0x400] =	vst v40  }
0x83: {  	v36 =	vor.u32 v30, v54;
	v40 =	vor.u32 v31, v33;
	v31 =	vadd.s32 v29, v2;
	v30 =	vld.idx.msk [tilespmem:v48+s11+$0x0], $0xffff  }
0x84: {  	v56 =	vshll.u32 v28, $0x3;
	v57 =	vadd.s32 v22, v4;
	v34 =	vld.idx.msk [tilespmem:v62+s11+$0x0], $0xffff;
	v58 =	vor.u32 v3, v31  }
0x85: {  	v28 =	vand.u32 $0x7F, v28;
	v59 =	vor.u32 v5, v57;
	v31 =	vand.u32 $0xFFFFFC00, v56;
	[tilespmem:s29+$0x450] =	vst v63  }
0x86: {  	s25 =	simm.s32 $0x180;
	s26 =	simm.s32 $0x600;
	v60 =	vadd.s32 v39, v45;
	v31 =	vor.u32 v28, v31;
	[tilespmem:s23+$0x40] =	vst v42;
	v28 =	vld.idx.msk [tilespmem:v49+s11+$0x0], $0xffff  }
0x87: {  	s1 =	sand.u32 $0x3000, s26;
	s0 =	sand.u32 $0x380, s25;
	v61 =	vshll.u32 v23, $0x3;
	v62 =	vadd.s32 v18, v0;
	v63 =	vor.u32 v44, v60;
	v46 =	vld.idx.msk [tilespmem:v55+s11+$0x0], $0xffff  }
0x88: {  	s0 =	sor.u32 s0, s1;
	v23 =	vand.u32 $0x7F, v23;
	v51 =	vand.u32 $0xFFFFFC00, v61;
	v52 =	vor.u32 v1, v62;
	[tilespmem:s24+$0x410] =	vst v30  }
0x89: {  	v53 =	vshll.u32 v20, $0x3;
	v33 =	vor.u32 v23, v51;
	[tilespmem:s0+$0x10200] =	vst v34;
	v30 =	vadd.s32 v32, v2;
	v23 =	vld.idx.msk [tilespmem:v58+s11+$0x0], $0xffff  }
0x8a: {  	v20 =	vand.u32 $0x7F, v20;
	v54 =	vadd.s32 v17, v4;
	v41 =	vld.idx.msk [tilespmem:v59+s11+$0x0], $0xffff;
	v55 =	vor.u32 v3, v30  }
0x8b: {  	v50 =	vadd.s32 v10, v4;
	v30 =	vand.u32 $0xFFFFFC00, v53;
	[tilespmem:s29+$0x460] =	vst v28;
	v28 =	vor.u32 v5, v54  }
0x8c: {  	v56 =	vadd.s32 v40, v45;
	v30 =	vor.u32 v20, v30;
	[tilespmem:s23+$0x50] =	vst v46;
	v20 =	vld.idx.msk [tilespmem:v63+s11+$0x0], $0xffff  }
0x8d: {  	v57 =	vshll.u32 v19, $0x3;
	v59 =	vor.u32 v44, v56;
	v58 =	vadd.s32 v21, v0;
	v42 =	vld.idx.msk [tilespmem:v52+s11+$0x0], $0xffff  }
0x8e: {  	s25 =	sadd.s32 $0x10200, s0;
	v19 =	vand.u32 $0x7F, v19;
	v60 =	vand.u32 $0xFFFFFC00, v57;
	v61 =	vor.u32 v1, v58;
	[tilespmem:s24+$0x420] =	vst v23  }
0x8f: {  	[tilespmem:s25+$0x10] =	vst v41;
	v63 =	vadd.s32 v37, v2;
	v23 =	vand.u32 $0x7F, v16;
	v16 =	vshll.u32 v16, $0x3;
	v62 =	vld.idx.msk [tilespmem:v55+s11+$0x0], $0xffff  }
0x90: {  	v56 =	vand.u32 $0x7F, v15;
	v47 =	vor.u32 v3, v63;
	v16 =	vand.u32 $0xFFFFFC00, v16;
	v52 =	vld.idx.msk [tilespmem:v28+s11+$0x0], $0xffff  }
0x91: {  	v34 =	vor.u32 v19, v60;
	v28 =	vor.u32 v23, v16;
	v16 =	vor.u32 v5, v50;
	[tilespmem:s29+$0x470] =	vst v20  }
0x92: {  	v19 =	vand.u32 $0x7F, v7;
	v7 =	vshll.u32 v7, $0x3;
	v23 =	vadd.s32 v36, v45;
	[tilespmem:s23+$0x60] =	vst v42;
	v20 =	vld.idx.msk [tilespmem:v59+s11+$0x0], $0xffff  }
0x93: {  	v7 =	vand.u32 $0xFFFFFC00, v7;
	v53 =	vadd.s32 v24, v0;
	v54 =	vor.u32 v44, v23;
	v42 =	vld.idx.msk [tilespmem:v61+s11+$0x0], $0xffff  }
0x94: {  	v46 =	vor.u32 v1, v53;
	v23 =	vor.u32 v19, v7;
	v7 =	vshll.u32 v6, $0x3;
	[tilespmem:s24+$0x430] =	vst v62  }
0x95: {  	v55 =	vadd.s32 v38, v2;
	v6 =	vand.u32 $0x7F, v6;
	v7 =	vand.u32 $0xFFFFFC00, v7;
	[tilespmem:s25+$0x20] =	vst v52;
	v41 =	vld.idx.msk [tilespmem:v47+s11+$0x0], $0xffff  }
0x96: {  	s3 =	simm.s32 $0x4;
	v19 =	vor.u32 v6, v7;
	v6 =	vadd.s32 v8, v4;
	v47 =	vor.u32 v3, v55;
	v16 =	vld.idx.msk [tilespmem:v16+s11+$0x0], $0xffff  }
0x97: {  	v15 =	vshll.u32 v15, $0x3;
	v7 =	vmov s3;
	[tilespmem:s29+$0x800] =	vst v20;
	v20 =	vor.u32 v5, v6  }
0x98: {  	v57 =	vshll.u32 v7, $0x7;
	[tilespmem:s23+$0x70] =	vst v42;
	v6 =	vshll.u32 v7, $0x9;
	v7 =	vadd.s32 v31, v45;
	v58 =	vld.idx.msk [tilespmem:v54+s11+$0x0], $0xffff  }
0x99: {  	v59 =	vadd.s32 v26, v0;
	v46 =	vld.idx.msk [tilespmem:v46+s11+$0x0], $0xffff;
	v6 =	vand.u32 $0x3000, v6;
	v51 =	vor.u32 v44, v7  }
0x9a: {  	v49 =	vor.u32 v1, v59;
	v7 =	vand.u32 $0x380, v57;
	v60 =	vadd.s32 v27, v6;
	[tilespmem:s24+$0x440] =	vst v41  }
0x9b: {  	v15 =	vand.u32 $0xFFFFFC00, v15;
	v62 =	vadd.s32 v35, v2;
	v61 =	vor.u32 v7, v60;
	[tilespmem:s25+$0x30] =	vst v16;
	v16 =	vld.idx.msk [tilespmem:v47+s11+$0x0], $0xffff  }
0x9c: {  	v59 =	vadd.s32 v29, v0;
	v52 =	vadd.s32 v12, v4;
	v47 =	vor.u32 v3, v62;
	v63 =	vld.idx.msk [tilespmem:v20+s11+$0x0], $0xffff  }
0x9d: {  	v20 =	vor.u32 v56, v15;
	v15 =	vshll.u32 v13, $0x3;
	v56 =	vor.u32 v5, v52;
	[tilespmem:s29+$0x810] =	vst v58  }
0x9e: {  	v13 =	vand.u32 $0x7F, v13;
	v15 =	vand.u32 $0xFFFFFC00, v15;
	[tilespmem:s23+$0x400] =	vst v46;
	v58 =	vadd.s32 v33, v45;
	v57 =	vld.idx.msk [tilespmem:v51+s11+$0x0], $0xffff  }
0x9f: {  	v54 =	vadd.s32 v26, v4;
	v13 =	vor.u32 v13, v15;
	v15 =	vld.idx.msk [tilespmem:v49+s11+$0x0], $0xffff;
	v48 =	vor.u32 v44, v58  }
0xa0: {  	v60 =	vadd.s32 v22, v6;
	v49 =	vor.u32 v1, v59;
	v41 =	vld.idx.msk [tilespmem:v61+s11+$0x0], $0xffff;
	[tilespmem:s24+$0x450] =	vst v16  }
0xa1: {  	v62 =	vshll.u32 v14, $0x3;
	v61 =	vadd.s32 v39, v2;
	v16 =	vor.u32 v7, v60;
	[tilespmem:s25+$0x40] =	vst v63;
	v47 =	vld.idx.msk [tilespmem:v47+s11+$0x0], $0xffff  }
0xa2: {  	s26 =	simm.s32 $0x800;
	s9 =	simm.s32 $0x200;
	v14 =	vand.u32 $0x7F, v14;
	v50 =	vor.u32 v3, v61;
	v63 =	vadd.s32 v18, v4;
	v42 =	vld.idx.msk [tilespmem:v56+s11+$0x0], $0xffff  }
0xa3: {  	s1 =	sand.u32 $0x3000, s26;
	s0 =	sand.u32 $0x380, s9;
	v51 =	vand.u32 $0xFFFFFC00, v62;
	v58 =	vadd.s32 v30, v45;
	v55 =	vor.u32 v5, v63;
	[tilespmem:s29+$0x820] =	vst v57  }
0xa4: {  	s0 =	sor.u32 s0, s1;
	v14 =	vor.u32 v14, v51;
	v60 =	vadd.s32 v32, v0;
	[tilespmem:s23+$0x410] =	vst v15;
	v15 =	vld.idx.msk [tilespmem:v48+s11+$0x0], $0xffff  }
0xa5: {  	v61 =	vadd.s32 v17, v6;
	[tilespmem:s0+$0x10200] =	vst v41;
	v59 =	vld.idx.msk [tilespmem:v49+s11+$0x0], $0xffff;
	v48 =	vor.u32 v44, v58  }
0xa6: {  	v62 =	vor.u32 v7, v61;
	v49 =	vor.u32 v1, v60;
	v16 =	vld.idx.msk [tilespmem:v16+s11+$0x0], $0xffff;
	[tilespmem:s24+$0x460] =	vst v47  }
0xa7: {  	v61 =	vadd.s32 v10, v6;
	v56 =	vadd.s32 v40, v2;
	v57 =	vshll.u32 v11, $0x3;
	[tilespmem:s25+$0x50] =	vst v42;
	v63 =	vld.idx.msk [tilespmem:v50+s11+$0x0], $0xffff  }
0xa8: {  	v11 =	vand.u32 $0x7F, v11;
	v58 =	vadd.s32 v21, v4;
	v50 =	vor.u32 v3, v56;
	v46 =	vld.idx.msk [tilespmem:v55+s11+$0x0], $0xffff  }
0xa9: {  	v51 =	vand.u32 $0xFFFFFC00, v57;
	v52 =	vor.u32 v5, v58;
	v55 =	vadd.s32 v12, v6;
	[tilespmem:s29+$0x830] =	vst v15  }
0xaa: {  	s26 =	sadd.s32 $0x10200, s0;
	v15 =	vor.u32 v11, v51;
	[tilespmem:s23+$0x420] =	vst v59;
	v59 =	vadd.s32 v34, v45;
	v11 =	vld.idx.msk [tilespmem:v48+s11+$0x0], $0xffff  }
0xab: {  	[tilespmem:s26+$0x10] =	vst v16;
	v60 =	vld.idx.msk [tilespmem:v49+s11+$0x0], $0xffff;
	v16 =	vadd.s32 v37, v0;
	v41 =	vor.u32 v44, v59  }
0xac: {  	v57 =	vshll.u32 v9, $0x3;
	v59 =	vadd.s32 v24, v4;
	v47 =	vld.idx.msk [tilespmem:v62+s11+$0x0], $0xffff;
	v62 =	vor.u32 v1, v16;
	[tilespmem:s24+$0x470] =	vst v63  }
0xad: {  	v9 =	vand.u32 $0x7F, v9;
	v16 =	vadd.s32 v36, v2;
	v63 =	vor.u32 v7, v61;
	[tilespmem:s25+$0x60] =	vst v46;
	v56 =	vld.idx.msk [tilespmem:v50+s11+$0x0], $0xffff  }
0xae: {  	v53 =	vor.u32 v3, v16;
	v16 =	vand.u32 $0xFFFFFC00, v57;
	v57 =	vadd.s32 v31, v2;
	v58 =	vld.idx.msk [tilespmem:v52+s11+$0x0], $0xffff  }
0xaf: {  	v16 =	vor.u32 v9, v16;
	v9 =	vadd.s32 v28, v45;
	[tilespmem:s29+$0x840] =	vst v11;
	v11 =	vor.u32 v5, v59  }
0xb0: {  	v61 =	vor.u32 v44, v9;
	v52 =	vor.u32 v3, v57;
	[tilespmem:s23+$0x430] =	vst v60;
	v41 =	vld.idx.msk [tilespmem:v41+s11+$0x0], $0xffff  }
0xb1: {  	s1 =	simm.s32 $0x5;
	v57 =	vor.u32 v7, v55;
	v60 =	vadd.s32 v38, v0;
	[tilespmem:s26+$0x20] =	vst v47;
	v47 =	vld.idx.msk [tilespmem:v62+s11+$0x0], $0xffff  }
0xb2: {  	v9 =	vmov s1;
	v62 =	vadd.s32 v8, v6;
	v48 =	vor.u32 v1, v60;
	v42 =	vld.idx.msk [tilespmem:v63+s11+$0x0], $0xffff;
	[tilespmem:s24+$0x800] =	vst v56  }
0xb3: {  	v63 =	vshll.u32 v9, $0x7;
	v51 =	vor.u32 v7, v62;
	v9 =	vshll.u32 v9, $0x9;
	[tilespmem:s25+$0x70] =	vst v58;
	v50 =	vld.idx.msk [tilespmem:v53+s11+$0x0], $0xffff  }
0xb4: {  	v59 =	vor.u32 v5, v54;
	v60 =	vadd.s32 v23, v45;
	v9 =	vand.u32 $0x3000, v9;
	v53 =	vld.idx.msk [tilespmem:v11+s11+$0x0], $0xffff  }
0xb5: {  	v49 =	vor.u32 v44, v60;
	v58 =	vadd.s32 v27, v9;
	v11 =	vand.u32 $0x380, v63;
	[tilespmem:s29+$0x850] =	vst v41  }
0xb6: {  	v56 =	vadd.s32 v13, v45;
	[tilespmem:s23+$0x440] =	vst v47;
	v41 =	vor.u32 v11, v58;
	v47 =	vld.idx.msk [tilespmem:v61+s11+$0x0], $0xffff  }
0xb7: {  	v60 =	vadd.s32 v22, v9;
	v63 =	vadd.s32 v35, v0;
	[tilespmem:s26+$0x30] =	vst v42;
	v62 =	vld.idx.msk [tilespmem:v48+s11+$0x0], $0xffff  }
0xb8: {  	v58 =	vadd.s32 v33, v2;
	v48 =	vor.u32 v1, v63;
	v51 =	vld.idx.msk [tilespmem:v51+s11+$0x0], $0xffff;
	[tilespmem:s24+$0x810] =	vst v50  }
0xb9: {  	v61 =	vand.u32 $0x7F, v25;
	v25 =	vshll.u32 v25, $0x3;
	v63 =	vadd.s32 v18, v6;
	[tilespmem:s25+$0x400] =	vst v53;
	v52 =	vld.idx.msk [tilespmem:v52+s11+$0x0], $0xffff  }
0xba: {  	v25 =	vand.u32 $0xFFFFFC00, v25;
	v53 =	vor.u32 v3, v58;
	v46 =	vld.idx.msk [tilespmem:v59+s11+$0x0], $0xffff;
	v59 =	vadd.s32 v29, v4  }
0xbb: {  	v25 =	vor.u32 v61, v25;
	v41 =	vld.idx.msk [tilespmem:v41+s11+$0x0], $0xffff;
	[tilespmem:s29+$0x860] =	vst v47;
	v54 =	vor.u32 v5, v59  }
0xbc: {  	v61 =	vadd.s32 v19, v45;
	[tilespmem:s23+$0x450] =	vst v62;
	v47 =	vor.u32 v11, v60;
	v42 =	vld.idx.msk [tilespmem:v49+s11+$0x0], $0xffff  }
0xbd: {  	s9 =	simm.s32 $0xA00;
	s3 =	simm.s32 $0x280;
	v62 =	vadd.s32 v39, v0;
	[tilespmem:s26+$0x40] =	vst v51;
	v48 =	vld.idx.msk [tilespmem:v48+s11+$0x0], $0xffff;
	v49 =	vor.u32 v44, v61  }
0xbe: {  	s0 =	sand.u32 $0x380, s3;
	s1 =	sand.u32 $0x3000, s9;
	v58 =	vadd.s32 v30, v2;
	v51 =	vor.u32 v1, v62;
	v50 =	vld.idx.msk [tilespmem:v57+s11+$0x0], $0xffff;
	[tilespmem:s24+$0x820] =	vst v52  }
0xbf: {  	s0 =	sor.u32 s0, s1;
	v60 =	vadd.s32 v32, v4;
	v57 =	vor.u32 v7, v63;
	[tilespmem:s25+$0x410] =	vst v46;
	v46 =	vld.idx.msk [tilespmem:v53+s11+$0x0], $0xffff  }
0xc0: {  	v61 =	vadd.s32 v17, v9;
	[tilespmem:s0+$0x10200] =	vst v41;
	v53 =	vor.u32 v3, v58;
	v59 =	vld.idx.msk [tilespmem:v54+s11+$0x0], $0xffff  }
0xc1: {  	v62 =	vadd.s32 v20, v45;
	v47 =	vld.idx.msk [tilespmem:v47+s11+$0x0], $0xffff;
	v54 =	vor.u32 v5, v60;
	[tilespmem:s29+$0x870] =	vst v42  }
0xc2: {  	v63 =	vadd.s32 v40, v0;
	[tilespmem:s23+$0x460] =	vst v48;
	v42 =	vor.u32 v11, v61;
	v48 =	vld.idx.msk [tilespmem:v49+s11+$0x0], $0xffff  }
0xc3: {  	v60 =	vadd.s32 v34, v2;
	[tilespmem:s26+$0x50] =	vst v50;
	v50 =	vld.idx.msk [tilespmem:v51+s11+$0x0], $0xffff;
	v49 =	vor.u32 v44, v62  }
0xc4: {  	v51 =	vor.u32 v1, v63;
	v52 =	vld.idx.msk [tilespmem:v57+s11+$0x0], $0xffff;
	v57 =	vadd.s32 v21, v6;
	[tilespmem:s24+$0x830] =	vst v46  }
0xc5: {  	s28 =	sadd.s32 $0x10200, s0;
	v62 =	vadd.s32 v37, v4;
	v58 =	vor.u32 v7, v57;
	[tilespmem:s25+$0x420] =	vst v59;
	v59 =	vld.idx.msk [tilespmem:v53+s11+$0x0], $0xffff  }
0xc6: {  	v63 =	vadd.s32 v10, v9;
	[tilespmem:s28+$0x10] =	vst v47;
	v53 =	vor.u32 v3, v60;
	v61 =	vld.idx.msk [tilespmem:v54+s11+$0x0], $0xffff  }
0xc7: {  	v57 =	vadd.s32 v36, v0;
	v42 =	vld.idx.msk [tilespmem:v42+s11+$0x0], $0xffff;
	v54 =	vor.u32 v5, v62;
	[tilespmem:s29+$0xC00] =	vst v48  }
0xc8: {  	v60 =	vadd.s32 v38, v4;
	[tilespmem:s23+$0x470] =	vst v50;
	v48 =	vor.u32 v11, v63;
	v49 =	vld.idx.msk [tilespmem:v49+s11+$0x0], $0xffff  }
0xc9: {  	v62 =	vadd.s32 v8, v9;
	v50 =	vor.u32 v44, v56;
	[tilespmem:s26+$0x60] =	vst v52;
	v51 =	vld.idx.msk [tilespmem:v51+s11+$0x0], $0xffff  }
0xca: {  	v52 =	vor.u32 v1, v57;
	v46 =	vld.idx.msk [tilespmem:v58+s11+$0x0], $0xffff;
	v58 =	vadd.s32 v24, v6;
	[tilespmem:s24+$0x840] =	vst v59  }
0xcb: {  	v41 =	vor.u32 v7, v58;
	v59 =	vadd.s32 v28, v2;
	[tilespmem:s25+$0x430] =	vst v61;
	v47 =	vld.idx.msk [tilespmem:v53+s11+$0x0], $0xffff  }
0xcc: {  	v56 =	vor.u32 v5, v60;
	[tilespmem:s28+$0x20] =	vst v42;
	v53 =	vor.u32 v3, v59;
	v54 =	vld.idx.msk [tilespmem:v54+s11+$0x0], $0xffff  }
0xcd: {  	s3 =	simm.s32 $0x6;
	v60 =	vadd.s32 v31, v0;
	v58 =	vadd.s32 v35, v4;
	v48 =	vld.idx.msk [tilespmem:v48+s11+$0x0], $0xffff;
	[tilespmem:s29+$0xC10] =	vst v49  }
0xce: {  	v61 =	vmov s3;
	v59 =	vadd.s32 v14, v45;
	[tilespmem:s23+$0x800] =	vst v51;
	v51 =	vor.u32 v11, v62;
	v50 =	vld.idx.msk [tilespmem:v50+s11+$0x0], $0xffff  }
0xcf: {  	v63 =	vshll.u32 v61, $0x7;
	v55 =	vor.u32 v44, v59;
	v49 =	vshll.u32 v61, $0x9;
	[tilespmem:s26+$0x70] =	vst v46;
	v46 =	vld.idx.msk [tilespmem:v52+s11+$0x0], $0xffff  }
0xd0: {  	v61 =	vadd.s32 v26, v6;
	v52 =	vor.u32 v1, v60;
	v57 =	vld.idx.msk [tilespmem:v41+s11+$0x0], $0xffff;
	v41 =	vand.u32 $0x3000, v49;
	[tilespmem:s24+$0x850] =	vst v47  }
0xd1: {  	v42 =	vand.u32 $0x380, v63;
	v49 =	vor.u32 v7, v61;
	v62 =	vadd.s32 v27, v41;
	[tilespmem:s25+$0x440] =	vst v54;
	v53 =	vld.idx.msk [tilespmem:v53+s11+$0x0], $0xffff  }
0xd2: {  	v63 =	vadd.s32 v23, v2;
	v47 =	vor.u32 v42, v62;
	[tilespmem:s28+$0x30] =	vst v48;
	v48 =	vld.idx.msk [tilespmem:v56+s11+$0x0], $0xffff  }
0xd3: {  	v58 =	vor.u32 v5, v58;
	v54 =	vor.u32 v3, v63;
	v51 =	vld.idx.msk [tilespmem:v51+s11+$0x0], $0xffff;
	[tilespmem:s29+$0xC20] =	vst v50  }
0xd4: {  	v60 =	vand.u32 $0x7F, v43;
	v43 =	vshll.u32 v43, $0x3;
	v61 =	vadd.s32 v12, v9;
	[tilespmem:s23+$0x810] =	vst v46;
	v46 =	vld.idx.msk [tilespmem:v55+s11+$0x0], $0xffff  }
0xd5: {  	v43 =	vand.u32 $0xFFFFFC00, v43;
	v62 =	vadd.s32 v15, v45;
	v50 =	vor.u32 v11, v61;
	[tilespmem:s26+$0x400] =	vst v57;
	v52 =	vld.idx.msk [tilespmem:v52+s11+$0x0], $0xffff  }
0xd6: {  	v43 =	vor.u32 v60, v43;
	v63 =	vadd.s32 v33, v0;
	v55 =	vor.u32 v44, v62;
	v49 =	vld.idx.msk [tilespmem:v49+s11+$0x0], $0xffff  }
0xd7: {  	v60 =	vadd.s32 v29, v6;
	v56 =	vor.u32 v1, v63;
	v47 =	vld.idx.msk [tilespmem:v47+s11+$0x0], $0xffff;
	[tilespmem:s24+$0x860] =	vst v53  }
0xd8: {  	v61 =	vadd.s32 v22, v41;
	v57 =	vor.u32 v7, v60;
	[tilespmem:s25+$0x450] =	vst v48;
	v48 =	vld.idx.msk [tilespmem:v54+s11+$0x0], $0xffff  }
0xd9: {  	v62 =	vadd.s32 v19, v2;
	v53 =	vor.u32 v42, v61;
	[tilespmem:s28+$0x40] =	vst v51;
	v51 =	vld.idx.msk [tilespmem:v58+s11+$0x0], $0xffff  }
0xda: {  	s0 =	simm.s32 $0x300;
	s3 =	simm.s32 $0xC00;
	v63 =	vadd.s32 v39, v4;
	v54 =	vor.u32 v3, v62;
	v50 =	vld.idx.msk [tilespmem:v50+s11+$0x0], $0xffff;
	[tilespmem:s29+$0xC30] =	vst v46  }
0xdb: {  	s30 =	sand.u32 $0x380, s0;
	s9 =	sand.u32 $0x3000, s3;
	v60 =	vadd.s32 v18, v9;
	v58 =	vor.u32 v5, v63;
	[tilespmem:s23+$0x820] =	vst v52;
	v52 =	vld.idx.msk [tilespmem:v55+s11+$0x0], $0xffff  }
0xdc: {  	s1 =	sor.u32 s30, s9;
	v61 =	vadd.s32 v16, v45;
	v46 =	vor.u32 v11, v60;
	[tilespmem:s26+$0x410] =	vst v49;
	v49 =	vld.idx.msk [tilespmem:v56+s11+$0x0], $0xffff  }
0xdd: {  	v62 =	vadd.s32 v30, v0;
	v55 =	vor.u32 v44, v61;
	[tilespmem:s1+$0x10200] =	vst v47;
	v47 =	vld.idx.msk [tilespmem:v57+s11+$0x0], $0xffff  }
0xde: {  	v63 =	vadd.s32 v32, v6;
	v56 =	vor.u32 v1, v62;
	v53 =	vld.idx.msk [tilespmem:v53+s11+$0x0], $0xffff;
	[tilespmem:s24+$0x870] =	vst v48  }
0xdf: {  	v60 =	vadd.s32 v17, v41;
	v57 =	vor.u32 v7, v63;
	[tilespmem:s25+$0x460] =	vst v51;
	v51 =	vld.idx.msk [tilespmem:v54+s11+$0x0], $0xffff  }
0xe0: {  	v61 =	vadd.s32 v20, v2;
	v48 =	vor.u32 v42, v60;
	[tilespmem:s28+$0x50] =	vst v50;
	v50 =	vld.idx.msk [tilespmem:v58+s11+$0x0], $0xffff  }
0xe1: {  	v62 =	vadd.s32 v40, v4;
	v54 =	vor.u32 v3, v61;
	v46 =	vld.idx.msk [tilespmem:v46+s11+$0x0], $0xffff;
	[tilespmem:s29+$0xC40] =	vst v52  }
0xe2: {  	v63 =	vadd.s32 v21, v9;
	v58 =	vor.u32 v5, v62;
	[tilespmem:s23+$0x830] =	vst v49;
	v49 =	vld.idx.msk [tilespmem:v55+s11+$0x0], $0xffff  }
0xe3: {  	s30 =	sadd.s32 $0x10200, s1;
	v60 =	vadd.s32 v25, v45;
	v52 =	vor.u32 v11, v63;
	[tilespmem:s26+$0x420] =	vst v47;
	v47 =	vld.idx.msk [tilespmem:v56+s11+$0x0], $0xffff  }
0xe4: {  	v61 =	vadd.s32 v34, v0;
	v55 =	vor.u32 v44, v60;
	[tilespmem:s30+$0x10] =	vst v53;
	v56 =	vld.idx.msk [tilespmem:v57+s11+$0x0], $0xffff  }
0xe5: {  	v62 =	vadd.s32 v37, v6;
	v59 =	vor.u32 v1, v61;
	v57 =	vld.idx.msk [tilespmem:v48+s11+$0x0], $0xffff;
	[tilespmem:s24+$0xC00] =	vst v51  }
0xe6: {  	v60 =	vor.u32 v7, v62;
	v51 =	vadd.s32 v10, v41;
	[tilespmem:s25+$0x470] =	vst v50;
	v50 =	vld.idx.msk [tilespmem:v54+s11+$0x0], $0xffff  }
0xe7: {  	v63 =	vadd.s32 v13, v2;
	v51 =	vor.u32 v42, v51;
	[tilespmem:s28+$0x60] =	vst v46;
	v58 =	vld.idx.msk [tilespmem:v58+s11+$0x0], $0xffff  }
0xe8: {  	v61 =	vor.u32 v3, v63;
	v53 =	vadd.s32 v36, v4;
	v52 =	vld.idx.msk [tilespmem:v52+s11+$0x0], $0xffff;
	[tilespmem:s29+$0xC50] =	vst v49  }
0xe9: {  	v62 =	vor.u32 v5, v53;
	v54 =	vadd.s32 v24, v9;
	[tilespmem:s23+$0x840] =	vst v47;
	v49 =	vld.idx.msk [tilespmem:v55+s11+$0x0], $0xffff  }
0xea: {  	v45 =	vadd.s32 v43, v45;
	v53 =	vor.u32 v11, v54;
	[tilespmem:s26+$0x430] =	vst v56;
	v48 =	vld.idx.msk [tilespmem:v59+s11+$0x0], $0xffff  }
0xeb: {  	v45 =	vor.u32 v44, v45;
	v59 =	vadd.s32 v28, v0;
	[tilespmem:s30+$0x20] =	vst v57;
	v46 =	vld.idx.msk [tilespmem:v60+s11+$0x0], $0xffff  }
0xec: {  	s9 =	simm.s32 $0x7;
	v60 =	vadd.s32 v38, v6;
	v47 =	vld.idx.msk [tilespmem:v51+s11+$0x0], $0xffff;
	v51 =	vor.u32 v1, v59;
	[tilespmem:s24+$0xC10] =	vst v50  }
0xed: {  	v63 =	vadd.s32 v8, v41;
	v57 =	vmov s9;
	v54 =	vor.u32 v7, v60;
	[tilespmem:s25+$0x800] =	vst v58;
	v50 =	vld.idx.msk [tilespmem:v61+s11+$0x0], $0xffff  }
0xee: {  	s31 =	simm.s32 $0x8;
	v44 =	vadd.s32 v14, v2;
	v55 =	vor.u32 v42, v63;
	v56 =	vshll.u32 v57, $0x7;
	[tilespmem:s28+$0x70] =	vst v52;
	v52 =	vld.idx.msk [tilespmem:v62+s11+$0x0], $0xffff  }
.LBB2_3:
0xef: {  	p1 =	sne.s32 s31, $0x1F;
	v57 =	vshll.u32 v57, $0x9;
	v53 =	vld.idx.msk [tilespmem:v53+s11+$0x0], $0xffff;
	v58 =	vadd.s32 v31, v4;
	v59 =	vor.u32 v3, v44;
	[tilespmem:s29+$0xC60] =	vst v49  }
0xf0: {  	v60 =	vadd.s32 v26, v9;
	v49 =	vand.u32 $0x3000, v57;
	v57 =	vor.u32 v5, v58;
	[tilespmem:s23+$0x850] =	vst v48;
	v48 =	vld.idx.msk [tilespmem:v45+s11+$0x0], $0xffff  }
0xf1: {  	v56 =	vand.u32 $0x380, v56;
	v58 =	vor.u32 v11, v60;
	v45 =	vadd.s32 v27, v49;
	[tilespmem:s26+$0x440] =	vst v46;
	v46 =	vld.idx.msk [tilespmem:v51+s11+$0x0], $0xffff  }
0xf2: {  	v44 =	vmov v9;
	v51 =	vor.u32 v56, v45;
	[tilespmem:s30+$0x30] =	vst v47;
	v47 =	vld.idx.msk [tilespmem:v54+s11+$0x0], $0xffff;
	v45 =	vadd.s32 v23, v0  }
0xf3: {  	v9 =	vmov v41;
	v54 =	vld.idx.msk [tilespmem:v55+s11+$0x0], $0xffff;
	v55 =	vadd.s32 v35, v6;
	v60 =	vor.u32 v1, v45;
	[tilespmem:s24+$0xC20] =	vst v50  }
0xf4: {  	v61 =	vadd.s32 v12, v9;
	v41 =	vmov v49;
	v50 =	vor.u32 v7, v55;
	[tilespmem:s25+$0x810] =	vst v52;
	v52 =	vld.idx.msk [tilespmem:v59+s11+$0x0], $0xffff  }
0xf5: {  	v49 =	vor.u32 v42, v61;
	v55 =	vadd.s32 v15, v2;
	[tilespmem:s28+$0x400] =	vst v53;
	v53 =	vld.idx.msk [tilespmem:v57+s11+$0x0], $0xffff;
	v45 =	vmov v3  }
0xf6: {  	v3 =	vmov v1;
	v57 =	vld.idx.msk [tilespmem:v58+s11+$0x0], $0xffff;
	v58 =	vadd.s32 v33, v4;
	v55 =	vor.u32 v45, v55;
	[tilespmem:s29+$0xC70] =	vst v48;
	s29 =	smov.u32 s24;
	s24 =	smov.u32 s23;
	s23 =	smov.u32 s25  }
0xf7: {  	v1 =	vmov v5;
	s25 =	smov.u32 s26;
	s26 =	smov.u32 s28;
	s28 =	smov.u32 s30;
	v48 =	vld.idx.msk [tilespmem:v51+s11+$0x0], $0xffff;
	v51 =	vadd.s32 v29, v44;
	v58 =	vor.u32 v5, v58;
	[tilespmem:s24+$0x860] =	vst v46  }
0xf8: {  	v46 =	vadd.s32 v22, v41;
	v5 =	vmov v7;
	v51 =	vor.u32 v11, v51;
	[tilespmem:s25+$0x450] =	vst v47;
	v47 =	vld.idx.msk [tilespmem:v60+s11+$0x0], $0xffff  }
0xf9: {  	v7 =	vmov v11;
	v46 =	vor.u32 v56, v46;
	[tilespmem:s28+$0x40] =	vst v54;
	v50 =	vld.idx.msk [tilespmem:v50+s11+$0x0], $0xffff;
	v54 =	vadd.s32 v19, v0  }
0xfa: {  	s0 =	sadd.s32 $0x80, s0;
	s3 =	sadd.s32 $0x200, s3;
	v59 =	vadd.s32 v39, v6;
	v11 =	vmov v42;
	v49 =	vld.idx.msk [tilespmem:v49+s11+$0x0], $0xffff;
	v54 =	vor.u32 v3, v54;
	[tilespmem:s29+$0xC30] =	vst v52  }
0xfb: {  	s1 =	sand.u32 $0x3000, s3;
	s30 =	sand.u32 $0x380, s0;
	v59 =	vor.u32 v5, v59;
	v42 =	vmov v56;
	v52 =	vadd.s32 v18, v9;
	[tilespmem:s23+$0x820] =	vst v53;
	v53 =	vld.idx.msk [tilespmem:v55+s11+$0x0], $0xffff  }
0xfc: {  	s1 =	sor.u32 s30, s1;
	v56 =	vadd.s32 v16, v2;
	v52 =	vor.u32 v11, v52;
	[tilespmem:s26+$0x410] =	vst v57;
	v55 =	vld.idx.msk [tilespmem:v58+s11+$0x0], $0xffff  }
0xfd: {  	v56 =	vor.u32 v45, v56;
	[tilespmem:s1+$0x10200] =	vst v48;
	v48 =	vld.idx.msk [tilespmem:v51+s11+$0x0], $0xffff;
	v51 =	vadd.s32 v30, v4  }
0xfe: {  	v57 =	vadd.s32 v32, v44;
	v46 =	vld.idx.msk [tilespmem:v46+s11+$0x0], $0xffff;
	v51 =	vor.u32 v1, v51;
	[tilespmem:s24+$0x870] =	vst v47  }
0xff: {  	v57 =	vor.u32 v7, v57;
	v47 =	vadd.s32 v17, v41;
	[tilespmem:s25+$0x460] =	vst v50;
	v50 =	vld.idx.msk [tilespmem:v54+s11+$0x0], $0xffff  }
0x100: {  	v47 =	vor.u32 v42, v47;
	v54 =	vadd.s32 v20, v0;
	[tilespmem:s28+$0x50] =	vst v49;
	v49 =	vld.idx.msk [tilespmem:v59+s11+$0x0], $0xffff  }
0x101: {  	v58 =	vadd.s32 v40, v6;
	v54 =	vor.u32 v3, v54;
	v52 =	vld.idx.msk [tilespmem:v52+s11+$0x0], $0xffff;
	[tilespmem:s29+$0xC40] =	vst v53  }
0x102: {  	v58 =	vor.u32 v5, v58;
	v53 =	vadd.s32 v21, v9;
	[tilespmem:s23+$0x830] =	vst v55;
	v55 =	vld.idx.msk [tilespmem:v56+s11+$0x0], $0xffff  }
0x103: {  	s30 =	sadd.s32 $0x10200, s1;
	v53 =	vor.u32 v11, v53;
	[tilespmem:s26+$0x420] =	vst v48;
	v48 =	vld.idx.msk [tilespmem:v51+s11+$0x0], $0xffff;
	v51 =	vadd.s32 v25, v2  }
0x104: {  	v56 =	vadd.s32 v34, v4;
	[tilespmem:s30+$0x10] =	vst v46;
	v46 =	vld.idx.msk [tilespmem:v57+s11+$0x0], $0xffff;
	v51 =	vor.u32 v45, v51  }
0x105: {  	v56 =	vor.u32 v1, v56;
	v57 =	vadd.s32 v37, v44;
	v47 =	vld.idx.msk [tilespmem:v47+s11+$0x0], $0xffff;
	[tilespmem:s24+$0xC00] =	vst v50  }
0x106: {  	v50 =	vadd.s32 v10, v41;
	v57 =	vor.u32 v7, v57;
	[tilespmem:s25+$0x470] =	vst v49;
	v54 =	vld.idx.msk [tilespmem:v54+s11+$0x0], $0xffff  }
0x107: {  	v50 =	vor.u32 v42, v50;
	v49 =	vadd.s32 v13, v0;
	[tilespmem:s28+$0x60] =	vst v52;
	v52 =	vld.idx.msk [tilespmem:v58+s11+$0x0], $0xffff  }
0x108: {  	v59 =	vor.u32 v3, v49;
	v58 =	vld.idx.msk [tilespmem:v53+s11+$0x0], $0xffff;
	v53 =	vadd.s32 v36, v6;
	[tilespmem:s29+$0xC50] =	vst v55  }
0x109: {  	v55 =	vadd.s32 v24, v9;
	v60 =	vor.u32 v5, v53;
	[tilespmem:s23+$0x840] =	vst v48;
	v49 =	vld.idx.msk [tilespmem:v51+s11+$0x0], $0xffff  }
.Ltmp0:
0x10a: {  	v53 =	vor.u32 v11, v55;
	v51 =	vadd.s32 v43, v2;
	v2 =	vmov v0;
	[tilespmem:s26+$0x430] =	vst v46;
	v48 =	vld.idx.msk [tilespmem:v56+s11+$0x0], $0xffff;
	(pc) =	sbr.rel @p1 .LBB2_3-.Ltmp0, $4  }
0x10b: {  	v55 =	vadd.s32 v28, v4;
	v0 =	vmov v4;
	v45 =	vor.u32 v45, v51;
	[tilespmem:s30+$0x20] =	vst v47;
	v46 =	vld.idx.msk [tilespmem:v57+s11+$0x0], $0xffff  }
0x10c: {  	v4 =	vmov v6;
	v51 =	vor.u32 v1, v55;
	v47 =	vld.idx.msk [tilespmem:v50+s11+$0x0], $0xffff;
	v50 =	vadd.s32 v38, v44;
	[tilespmem:s24+$0xC10] =	vst v54  }
0x10d: {  	v6 =	vmovc v44;
	v55 =	vadd.s32 v8, v41;
	v57 =	vmov s31;
	v54 =	vor.u32 v7, v50;
	[tilespmem:s25+$0x800] =	vst v52;
	v50 =	vld.idx.msk [tilespmem:v59+s11+$0x0], $0xffff  }
0x10e: {  	s31 =	sadd.s32 $0x1, s31;
	v55 =	vor.u32 v42, v55;
	v56 =	vshll.u32 v57, $0x7;
	v44 =	vadd.s32 v14, v2;
	[tilespmem:s28+$0x70] =	vst v58;
	v52 =	vld.idx.msk [tilespmem:v60+s11+$0x0], $0xffff  }
0x10f: {  	_ =	sdelay $0x2  }
0x110: {  	v57 =	vshll.u32 v57, $0x9  }
0x111: {  	[tilespmem:s29+$0xC60] =	vst v49;
	v49 =	vld.idx.msk [tilespmem:v53+s11+$0x0], $0xffff;
	v58 =	vor.u32 v3, v44;
	v44 =	vand.u32 $0x3000, v57  }
0x112: {  	[tilespmem:s23+$0x850] =	vst v48;
	v53 =	vld.idx.msk [tilespmem:v45+s11+$0x0], $0xffff;
	v45 =	vand.u32 $0x380, v56;
	v27 =	vadd.s32 v27, v44  }
0x113: {  	v63 =	vadd.s32 v31, v4;
	[tilespmem:s26+$0x440] =	vst v46;
	v27 =	vor.u32 v45, v27  }
0x114: {  	v59 =	vadd.s32 v26, v9;
	v48 =	vor.u32 v5, v63;
	v51 =	vld.idx.msk [tilespmem:v51+s11+$0x0], $0xffff;
	[tilespmem:s30+$0x30] =	vst v47  }
0x115: {  	v61 =	vadd.s32 v23, v0;
	v46 =	vor.u32 v11, v59;
	v60 =	vld.idx.msk [tilespmem:v54+s11+$0x0], $0xffff;
	[tilespmem:s24+$0xC20] =	vst v50  }
0x116: {  	v62 =	vadd.s32 v35, v6;
	v54 =	vor.u32 v1, v61;
	v50 =	vld.idx.msk [tilespmem:v55+s11+$0x0], $0xffff;
	[tilespmem:s25+$0x810] =	vst v52  }
0x117: {  	v63 =	vadd.s32 v12, v41;
	v55 =	vor.u32 v7, v62;
	v56 =	vld.idx.msk [tilespmem:v58+s11+$0x0], $0xffff;
	[tilespmem:s28+$0x400] =	vst v49  }
0x118: {  	v57 =	vor.u32 v42, v63;
	v22 =	vadd.s32 v22, v44;
	[tilespmem:s29+$0xC70] =	vst v53;
	v27 =	vld.idx.msk [tilespmem:v27+s11+$0x0], $0xffff  }
0x119: {  	v22 =	vor.u32 v45, v22;
	v58 =	vadd.s32 v15, v2;
	v48 =	vld.idx.msk [tilespmem:v48+s11+$0x0], $0xffff;
	[tilespmem:s23+$0x860] =	vst v51  }
0x11a: {  	s0 =	sadd.s32 $0x80, s0;
	s1 =	sadd.s32 $0x200, s3;
	v59 =	vadd.s32 v33, v4;
	v52 =	vor.u32 v3, v58;
	v46 =	vld.idx.msk [tilespmem:v46+s11+$0x0], $0xffff;
	[tilespmem:s26+$0x450] =	vst v60  }
0x11b: {  	s1 =	sand.u32 $0x3000, s1;
	s0 =	sand.u32 $0x380, s0;
	v51 =	vor.u32 v5, v59;
	v60 =	vadd.s32 v29, v9;
	v61 =	vld.idx.msk [tilespmem:v54+s11+$0x0], $0xffff;
	[tilespmem:s30+$0x40] =	vst v50  }
0x11c: {  	v63 =	vadd.s32 v19, v0;
	s0 =	sor.u32 s0, s1;
	v47 =	vor.u32 v11, v60;
	v62 =	vld.idx.msk [tilespmem:v55+s11+$0x0], $0xffff;
	[tilespmem:s24+$0xC30] =	vst v56  }
0x11d: {  	v54 =	vor.u32 v1, v63;
	v49 =	vld.idx.msk [tilespmem:v57+s11+$0x0], $0xffff;
	v57 =	vadd.s32 v39, v6;
	[tilespmem:s0+$0x10200] =	vst v27  }
0x11e: {  	v17 =	vadd.s32 v17, v44;
	v55 =	vor.u32 v7, v57;
	[tilespmem:s25+$0x820] =	vst v48;
	v22 =	vld.idx.msk [tilespmem:v22+s11+$0x0], $0xffff  }
0x11f: {  	v17 =	vor.u32 v45, v17;
	v58 =	vadd.s32 v18, v41;
	v52 =	vld.idx.msk [tilespmem:v52+s11+$0x0], $0xffff;
	[tilespmem:s28+$0x410] =	vst v46  }
0x120: {  	v60 =	vadd.s32 v30, v4;
	v46 =	vld.idx.msk [tilespmem:v51+s11+$0x0], $0xffff;
	[tilespmem:s23+$0x870] =	vst v61;
	v27 =	vor.u32 v42, v58  }
0x121: {  	v61 =	vadd.s32 v32, v9;
	v51 =	vor.u32 v5, v60;
	v47 =	vld.idx.msk [tilespmem:v47+s11+$0x0], $0xffff;
	[tilespmem:s26+$0x460] =	vst v62  }
0x122: {  	v59 =	vadd.s32 v16, v2;
	s29 =	sadd.s32 $0x10200, s0;
	v53 =	vld.idx.msk [tilespmem:v54+s11+$0x0], $0xffff;
	v62 =	vor.u32 v11, v61;
	[tilespmem:s30+$0x50] =	vst v49  }
0x123: {  	v57 =	vadd.s32 v20, v0;
	v48 =	vor.u32 v3, v59;
	v63 =	vld.idx.msk [tilespmem:v55+s11+$0x0], $0xffff;
	[tilespmem:s29+$0x10] =	vst v22  }
0x124: {  	v10 =	vadd.s32 v10, v44;
	v58 =	vor.u32 v1, v57;
	[tilespmem:s24+$0xC40] =	vst v52;
	v59 =	vld.idx.msk [tilespmem:v17+s11+$0x0], $0xffff  }
0x125: {  	v60 =	vor.u32 v45, v10;
	[tilespmem:s25+$0x830] =	vst v46;
	v27 =	vld.idx.msk [tilespmem:v27+s11+$0x0], $0xffff  }
0x126: {  	[tilespmem:s28+$0x420] =	vst v47;
	v22 =	vld.idx.msk [tilespmem:v51+s11+$0x0], $0xffff  }
0x127: {  	[tilespmem:s23+$0xC00] =	vst v53;
	v61 =	vld.idx.msk [tilespmem:v62+s11+$0x0], $0xffff  }
0x128: {  	v17 =	vld.idx.msk [tilespmem:v48+s11+$0x0], $0xffff;
	[tilespmem:s26+$0x470] =	vst v63  }
0x129: {  	v10 =	vld.idx.msk [tilespmem:v58+s11+$0x0], $0xffff;
	[tilespmem:s29+$0x20] =	vst v59  }
0x12a: {  	v8 =	vadd.s32 v8, v44;
	v46 =	vld.idx.msk [tilespmem:v60+s11+$0x0], $0xffff  }
0x12b: {  	v8 =	vor.u32 v45, v8;
	_ =	sdelay $0x3  }
0x12c: {  	[tilespmem:s29+$0x30] =	vst v46  }
0x12d: {  	v12 =	vadd.s32 v12, v44;
	v8 =	vld.idx.msk [tilespmem:v8+s11+$0x0], $0xffff  }
0x12e: {  	v12 =	vor.u32 v45, v12;
	_ =	sdelay $0x3  }
0x12f: {  	[tilespmem:s29+$0x40] =	vst v8  }
0x130: {  	v8 =	vld.idx.msk [tilespmem:v12+s11+$0x0], $0xffff;
	v12 =	vadd.s32 v18, v44  }
0x131: {  	v12 =	vor.u32 v45, v12;
	_ =	sdelay $0x3  }
0x132: {  	v18 =	vadd.s32 v21, v41;
	[tilespmem:s29+$0x50] =	vst v8  }
0x133: {  	v8 =	vor.u32 v42, v18;
	v18 =	vadd.s32 v21, v44;
	v12 =	vld.idx.msk [tilespmem:v12+s11+$0x0], $0xffff  }
0x134: {  	v18 =	vor.u32 v45, v18;
	_ =	sdelay $0x2  }
0x135: {  	[tilespmem:s30+$0x60] =	vst v27  }
0x136: {  	v21 =	vadd.s32 v24, v41;
	v8 =	vld.idx.msk [tilespmem:v8+s11+$0x0], $0xffff;
	[tilespmem:s29+$0x60] =	vst v12  }
0x137: {  	v12 =	vor.u32 v42, v21;
	v21 =	vadd.s32 v24, v44;
	v18 =	vld.idx.msk [tilespmem:v18+s11+$0x0], $0xffff  }
0x138: {  	v21 =	vor.u32 v45, v21;
	_ =	sdelay $0x2  }
0x139: {  	[tilespmem:s30+$0x70] =	vst v8  }
0x13a: {  	v8 =	vld.idx.msk [tilespmem:v12+s11+$0x0], $0xffff;
	v12 =	vadd.s32 v26, v41;
	[tilespmem:s29+$0x70] =	vst v18  }
0x13b: {  	v12 =	vor.u32 v42, v12;
	v18 =	vld.idx.msk [tilespmem:v21+s11+$0x0], $0xffff;
	v21 =	vadd.s32 v26, v44  }
0x13c: {  	v21 =	vor.u32 v45, v21;
	_ =	sdelay $0x2  }
0x13d: {  	[tilespmem:s30+$0x400] =	vst v8  }
0x13e: {  	v8 =	vld.idx.msk [tilespmem:v12+s11+$0x0], $0xffff;
	v12 =	vadd.s32 v29, v41;
	[tilespmem:s29+$0x400] =	vst v18  }
0x13f: {  	v12 =	vor.u32 v42, v12;
	v18 =	vld.idx.msk [tilespmem:v21+s11+$0x0], $0xffff;
	v21 =	vadd.s32 v29, v44  }
0x140: {  	v21 =	vor.u32 v45, v21;
	_ =	sdelay $0x2  }
0x141: {  	[tilespmem:s30+$0x410] =	vst v8  }
0x142: {  	v8 =	vld.idx.msk [tilespmem:v12+s11+$0x0], $0xffff;
	v12 =	vadd.s32 v32, v41;
	[tilespmem:s29+$0x410] =	vst v18  }
0x143: {  	v12 =	vor.u32 v42, v12;
	v18 =	vld.idx.msk [tilespmem:v21+s11+$0x0], $0xffff;
	v21 =	vadd.s32 v32, v44  }
0x144: {  	v21 =	vor.u32 v45, v21;
	_ =	sdelay $0x2  }
0x145: {  	v24 =	vadd.s32 v37, v9;
	[tilespmem:s30+$0x420] =	vst v8  }
0x146: {  	v8 =	vor.u32 v11, v24;
	v24 =	vadd.s32 v37, v41;
	v12 =	vld.idx.msk [tilespmem:v12+s11+$0x0], $0xffff;
	[tilespmem:s29+$0x420] =	vst v18  }
0x147: {  	v18 =	vor.u32 v42, v24;
	v24 =	vadd.s32 v37, v44;
	v21 =	vld.idx.msk [tilespmem:v21+s11+$0x0], $0xffff  }
0x148: {  	v24 =	vor.u32 v45, v24;
	_ =	sdelay $0x1  }
0x149: {  	[tilespmem:s28+$0x430] =	vst v61  }
0x14a: {  	v26 =	vadd.s32 v38, v9;
	v8 =	vld.idx.msk [tilespmem:v8+s11+$0x0], $0xffff;
	[tilespmem:s30+$0x430] =	vst v12  }
0x14b: {  	v12 =	vor.u32 v11, v26;
	v26 =	vadd.s32 v38, v41;
	v18 =	vld.idx.msk [tilespmem:v18+s11+$0x0], $0xffff;
	[tilespmem:s29+$0x430] =	vst v21  }
0x14c: {  	v21 =	vor.u32 v42, v26;
	v26 =	vadd.s32 v38, v44;
	v24 =	vld.idx.msk [tilespmem:v24+s11+$0x0], $0xffff  }
0x14d: {  	v26 =	vor.u32 v45, v26;
	_ =	sdelay $0x1  }
0x14e: {  	[tilespmem:s28+$0x440] =	vst v8  }
0x14f: {  	v8 =	vld.idx.msk [tilespmem:v12+s11+$0x0], $0xffff;
	v12 =	vadd.s32 v35, v9;
	[tilespmem:s30+$0x440] =	vst v18  }
0x150: {  	v12 =	vor.u32 v11, v12;
	v18 =	vld.idx.msk [tilespmem:v21+s11+$0x0], $0xffff;
	v21 =	vadd.s32 v35, v41;
	[tilespmem:s29+$0x440] =	vst v24  }
0x151: {  	v21 =	vor.u32 v42, v21;
	v24 =	vld.idx.msk [tilespmem:v26+s11+$0x0], $0xffff;
	v26 =	vadd.s32 v35, v44  }
0x152: {  	v26 =	vor.u32 v45, v26;
	_ =	sdelay $0x1  }
0x153: {  	[tilespmem:s28+$0x450] =	vst v8  }
0x154: {  	v8 =	vld.idx.msk [tilespmem:v12+s11+$0x0], $0xffff;
	v12 =	vadd.s32 v39, v9;
	[tilespmem:s30+$0x450] =	vst v18  }
0x155: {  	v12 =	vor.u32 v11, v12;
	v18 =	vld.idx.msk [tilespmem:v21+s11+$0x0], $0xffff;
	v21 =	vadd.s32 v39, v41;
	[tilespmem:s29+$0x450] =	vst v24  }
0x156: {  	v21 =	vor.u32 v42, v21;
	v24 =	vld.idx.msk [tilespmem:v26+s11+$0x0], $0xffff;
	v26 =	vadd.s32 v39, v44  }
0x157: {  	v26 =	vor.u32 v45, v26;
	_ =	sdelay $0x1  }
0x158: {  	v27 =	vadd.s32 v40, v6;
	[tilespmem:s28+$0x460] =	vst v8  }
0x159: {  	v8 =	vor.u32 v7, v27;
	v27 =	vadd.s32 v40, v9;
	v12 =	vld.idx.msk [tilespmem:v12+s11+$0x0], $0xffff;
	[tilespmem:s30+$0x460] =	vst v18  }
0x15a: {  	v18 =	vor.u32 v11, v27;
	v27 =	vadd.s32 v40, v41;
	v21 =	vld.idx.msk [tilespmem:v21+s11+$0x0], $0xffff;
	[tilespmem:s29+$0x460] =	vst v24  }
0x15b: {  	v24 =	vor.u32 v42, v27;
	v27 =	vadd.s32 v40, v44;
	v26 =	vld.idx.msk [tilespmem:v26+s11+$0x0], $0xffff  }
0x15c: {  	v27 =	vor.u32 v45, v27;
	_ =	sdelay $0x1  }
0x15d: {  	v29 =	vadd.s32 v36, v6;
	v8 =	vld.idx.msk [tilespmem:v8+s11+$0x0], $0xffff;
	[tilespmem:s28+$0x470] =	vst v12  }
0x15e: {  	v12 =	vor.u32 v7, v29;
	v29 =	vadd.s32 v36, v9;
	v18 =	vld.idx.msk [tilespmem:v18+s11+$0x0], $0xffff;
	[tilespmem:s30+$0x470] =	vst v21  }
0x15f: {  	v21 =	vor.u32 v11, v29;
	v29 =	vadd.s32 v36, v41;
	v24 =	vld.idx.msk [tilespmem:v24+s11+$0x0], $0xffff;
	[tilespmem:s29+$0x470] =	vst v26  }
0x160: {  	v26 =	vor.u32 v42, v29;
	v29 =	vadd.s32 v36, v44;
	v27 =	vld.idx.msk [tilespmem:v27+s11+$0x0], $0xffff  }
0x161: {  	v29 =	vor.u32 v45, v29  }
0x162: {  	[tilespmem:s26+$0x800] =	vst v8  }
0x163: {  	v8 =	vld.idx.msk [tilespmem:v12+s11+$0x0], $0xffff;
	v12 =	vadd.s32 v31, v6;
	[tilespmem:s28+$0x800] =	vst v18  }
0x164: {  	v12 =	vor.u32 v7, v12;
	v18 =	vld.idx.msk [tilespmem:v21+s11+$0x0], $0xffff;
	v21 =	vadd.s32 v31, v9;
	[tilespmem:s30+$0x800] =	vst v24  }
0x165: {  	v21 =	vor.u32 v11, v21;
	v24 =	vld.idx.msk [tilespmem:v26+s11+$0x0], $0xffff;
	v26 =	vadd.s32 v31, v41;
	[tilespmem:s29+$0x800] =	vst v27  }
0x166: {  	v26 =	vor.u32 v42, v26;
	v27 =	vld.idx.msk [tilespmem:v29+s11+$0x0], $0xffff;
	v29 =	vadd.s32 v31, v44  }
0x167: {  	v29 =	vor.u32 v45, v29  }
0x168: {  	[tilespmem:s26+$0x810] =	vst v8  }
0x169: {  	v8 =	vld.idx.msk [tilespmem:v12+s11+$0x0], $0xffff;
	v12 =	vadd.s32 v33, v6;
	[tilespmem:s28+$0x810] =	vst v18  }
0x16a: {  	v12 =	vor.u32 v7, v12;
	v18 =	vld.idx.msk [tilespmem:v21+s11+$0x0], $0xffff;
	v21 =	vadd.s32 v33, v9;
	[tilespmem:s30+$0x810] =	vst v24  }
0x16b: {  	v21 =	vor.u32 v11, v21;
	v24 =	vld.idx.msk [tilespmem:v26+s11+$0x0], $0xffff;
	v26 =	vadd.s32 v33, v41;
	[tilespmem:s29+$0x810] =	vst v27  }
0x16c: {  	v26 =	vor.u32 v42, v26;
	v27 =	vld.idx.msk [tilespmem:v29+s11+$0x0], $0xffff;
	v29 =	vadd.s32 v33, v44  }
0x16d: {  	v29 =	vor.u32 v45, v29  }
0x16e: {  	[tilespmem:s26+$0x820] =	vst v8  }
0x16f: {  	v8 =	vld.idx.msk [tilespmem:v12+s11+$0x0], $0xffff;
	v12 =	vadd.s32 v30, v6;
	[tilespmem:s28+$0x820] =	vst v18  }
0x170: {  	v12 =	vor.u32 v7, v12;
	v18 =	vld.idx.msk [tilespmem:v21+s11+$0x0], $0xffff;
	v21 =	vadd.s32 v30, v9;
	[tilespmem:s30+$0x820] =	vst v24  }
0x171: {  	v21 =	vor.u32 v11, v21;
	v24 =	vld.idx.msk [tilespmem:v26+s11+$0x0], $0xffff;
	v26 =	vadd.s32 v30, v41;
	[tilespmem:s29+$0x820] =	vst v27  }
0x172: {  	v26 =	vor.u32 v42, v26;
	v27 =	vld.idx.msk [tilespmem:v29+s11+$0x0], $0xffff;
	v29 =	vadd.s32 v30, v44  }
0x173: {  	v29 =	vor.u32 v45, v29  }
0x174: {  	[tilespmem:s26+$0x830] =	vst v8;
	v30 =	vadd.s32 v34, v4  }
0x175: {  	v12 =	vld.idx.msk [tilespmem:v12+s11+$0x0], $0xffff;
	v8 =	vor.u32 v5, v30;
	v30 =	vadd.s32 v34, v6;
	[tilespmem:s28+$0x830] =	vst v18  }
0x176: {  	v18 =	vor.u32 v7, v30;
	v21 =	vld.idx.msk [tilespmem:v21+s11+$0x0], $0xffff;
	v30 =	vadd.s32 v34, v9;
	[tilespmem:s30+$0x830] =	vst v24  }
0x177: {  	v24 =	vor.u32 v11, v30;
	v30 =	vadd.s32 v34, v41;
	v26 =	vld.idx.msk [tilespmem:v26+s11+$0x0], $0xffff;
	[tilespmem:s29+$0x830] =	vst v27  }
0x178: {  	v27 =	vor.u32 v42, v30;
	v30 =	vadd.s32 v34, v44;
	v29 =	vld.idx.msk [tilespmem:v29+s11+$0x0], $0xffff  }
0x179: {  	[tilespmem:s25+$0x840] =	vst v22;
	v22 =	vor.u32 v45, v30  }
0x17a: {  	[tilespmem:s26+$0x840] =	vst v12;
	v8 =	vld.idx.msk [tilespmem:v8+s11+$0x0], $0xffff;
	v30 =	vadd.s32 v28, v4  }
0x17b: {  	v12 =	vor.u32 v5, v30;
	v18 =	vld.idx.msk [tilespmem:v18+s11+$0x0], $0xffff;
	v30 =	vadd.s32 v28, v6;
	[tilespmem:s28+$0x840] =	vst v21  }
0x17c: {  	v21 =	vor.u32 v7, v30;
	v24 =	vld.idx.msk [tilespmem:v24+s11+$0x0], $0xffff;
	v30 =	vadd.s32 v28, v9;
	[tilespmem:s30+$0x840] =	vst v26  }
0x17d: {  	v26 =	vor.u32 v11, v30;
	v30 =	vadd.s32 v28, v41;
	v27 =	vld.idx.msk [tilespmem:v27+s11+$0x0], $0xffff;
	[tilespmem:s29+$0x840] =	vst v29  }
0x17e: {  	v28 =	vadd.s32 v28, v44;
	v29 =	vor.u32 v42, v30;
	v22 =	vld.idx.msk [tilespmem:v22+s11+$0x0], $0xffff  }
0x17f: {  	[tilespmem:s25+$0x850] =	vst v8;
	v8 =	vor.u32 v45, v28  }
0x180: {  	v28 =	vadd.s32 v23, v4;
	v12 =	vld.idx.msk [tilespmem:v12+s11+$0x0], $0xffff;
	[tilespmem:s26+$0x850] =	vst v18  }
0x181: {  	v18 =	vor.u32 v5, v28;
	v28 =	vadd.s32 v23, v6;
	v21 =	vld.idx.msk [tilespmem:v21+s11+$0x0], $0xffff;
	[tilespmem:s28+$0x850] =	vst v24  }
0x182: {  	v24 =	vor.u32 v7, v28;
	v28 =	vadd.s32 v23, v9;
	v26 =	vld.idx.msk [tilespmem:v26+s11+$0x0], $0xffff;
	[tilespmem:s30+$0x850] =	vst v27  }
0x183: {  	v27 =	vor.u32 v11, v28;
	v28 =	vld.idx.msk [tilespmem:v29+s11+$0x0], $0xffff;
	v29 =	vadd.s32 v23, v41;
	[tilespmem:s29+$0x850] =	vst v22  }
0x184: {  	[tilespmem:s24+$0xC50] =	vst v17;
	v17 =	vor.u32 v42, v29;
	v22 =	vadd.s32 v23, v44;
	v8 =	vld.idx.msk [tilespmem:v8+s11+$0x0], $0xffff  }
0x185: {  	v23 =	vadd.s32 v25, v2;
	[tilespmem:s25+$0x860] =	vst v12;
	v12 =	vor.u32 v45, v22  }
0x186: {  	v22 =	vor.u32 v3, v23;
	v18 =	vld.idx.msk [tilespmem:v18+s11+$0x0], $0xffff;
	v23 =	vadd.s32 v19, v4;
	[tilespmem:s26+$0x860] =	vst v21  }
0x187: {  	v21 =	vor.u32 v5, v23;
	v23 =	vld.idx.msk [tilespmem:v24+s11+$0x0], $0xffff;
	v24 =	vadd.s32 v19, v6;
	[tilespmem:s28+$0x860] =	vst v26  }
0x188: {  	v24 =	vor.u32 v7, v24;
	v26 =	vld.idx.msk [tilespmem:v27+s11+$0x0], $0xffff;
	v27 =	vadd.s32 v19, v9;
	[tilespmem:s30+$0x860] =	vst v28  }
0x189: {  	v27 =	vor.u32 v11, v27;
	v28 =	vadd.s32 v19, v41;
	v17 =	vld.idx.msk [tilespmem:v17+s11+$0x0], $0xffff;
	[tilespmem:s29+$0x860] =	vst v8  }
0x18a: {  	[tilespmem:s23+$0xC10] =	vst v10;
	v8 =	vor.u32 v42, v28;
	v10 =	vld.idx.msk [tilespmem:v12+s11+$0x0], $0xffff;
	v12 =	vadd.s32 v19, v44  }
0x18b: {  	v22 =	vld.idx.msk [tilespmem:v22+s11+$0x0], $0xffff;
	[tilespmem:s25+$0x870] =	vst v18;
	v19 =	vadd.s32 v13, v0;
	v12 =	vor.u32 v45, v12  }
0x18c: {  	[tilespmem:s26+$0x870] =	vst v23;
	v18 =	vor.u32 v1, v19;
	v19 =	vld.idx.msk [tilespmem:v21+s11+$0x0], $0xffff;
	v21 =	vadd.s32 v20, v4  }
0x18d: {  	v23 =	vld.idx.msk [tilespmem:v24+s11+$0x0], $0xffff;
	v24 =	vadd.s32 v20, v6;
	[tilespmem:s28+$0x870] =	vst v26;
	v21 =	vor.u32 v5, v21  }
0x18e: {  	v24 =	vor.u32 v7, v24;
	v26 =	vld.idx.msk [tilespmem:v27+s11+$0x0], $0xffff;
	v27 =	vadd.s32 v20, v9;
	[tilespmem:s30+$0x870] =	vst v17  }
0x18f: {  	v17 =	vor.u32 v11, v27;
	v27 =	vadd.s32 v20, v41;
	v8 =	vld.idx.msk [tilespmem:v8+s11+$0x0], $0xffff;
	[tilespmem:s29+$0x870] =	vst v10  }
0x190: {  	v20 =	vadd.s32 v20, v44;
	[tilespmem:s24+$0xC60] =	vst v22;
	v10 =	vor.u32 v42, v27;
	v12 =	vld.idx.msk [tilespmem:v12+s11+$0x0], $0xffff  }
0x191: {  	v2 =	vadd.s32 v43, v2;
	v18 =	vld.idx.msk [tilespmem:v18+s11+$0x0], $0xffff;
	[tilespmem:s25+$0xC00] =	vst v19;
	v19 =	vor.u32 v45, v20  }
0x192: {  	v2 =	vor.u32 v3, v2;
	v20 =	vadd.s32 v13, v4;
	[tilespmem:s26+$0xC00] =	vst v23;
	v3 =	vld.idx.msk [tilespmem:v21+s11+$0x0], $0xffff  }
0x193: {  	v22 =	vadd.s32 v13, v6;
	v20 =	vor.u32 v5, v20;
	v21 =	vld.idx.msk [tilespmem:v24+s11+$0x0], $0xffff;
	[tilespmem:s28+$0xC00] =	vst v26  }
0x194: {  	v22 =	vor.u32 v7, v22;
	v23 =	vadd.s32 v13, v9;
	v17 =	vld.idx.msk [tilespmem:v17+s11+$0x0], $0xffff;
	[tilespmem:s30+$0xC00] =	vst v8  }
0x195: {  	v8 =	vor.u32 v11, v23;
	v23 =	vadd.s32 v13, v41;
	v10 =	vld.idx.msk [tilespmem:v10+s11+$0x0], $0xffff;
	[tilespmem:s29+$0xC00] =	vst v12  }
0x196: {  	v13 =	vadd.s32 v13, v44;
	[tilespmem:s23+$0xC20] =	vst v18;
	v12 =	vor.u32 v42, v23;
	v18 =	vld.idx.msk [tilespmem:v19+s11+$0x0], $0xffff  }
0x197: {  	v2 =	vld.idx.msk [tilespmem:v2+s11+$0x0], $0xffff;
	v19 =	vadd.s32 v14, v0;
	[tilespmem:s25+$0xC10] =	vst v3;
	v3 =	vor.u32 v45, v13  }
0x198: {  	[tilespmem:s26+$0xC10] =	vst v21;
	v13 =	vor.u32 v1, v19;
	v19 =	vld.idx.msk [tilespmem:v20+s11+$0x0], $0xffff;
	v20 =	vadd.s32 v14, v4  }
0x199: {  	v21 =	vld.idx.msk [tilespmem:v22+s11+$0x0], $0xffff;
	v22 =	vadd.s32 v14, v6;
	[tilespmem:s28+$0xC10] =	vst v17;
	v20 =	vor.u32 v5, v20  }
0x19a: {  	v17 =	vor.u32 v7, v22;
	v8 =	vld.idx.msk [tilespmem:v8+s11+$0x0], $0xffff;
	v22 =	vadd.s32 v14, v9;
	[tilespmem:s30+$0xC10] =	vst v10  }
0x19b: {  	v10 =	vor.u32 v11, v22;
	v22 =	vadd.s32 v14, v41;
	v12 =	vld.idx.msk [tilespmem:v12+s11+$0x0], $0xffff;
	[tilespmem:s29+$0xC10] =	vst v18  }
0x19c: {  	[tilespmem:s24+$0xC70] =	vst v2;
	v14 =	vadd.s32 v14, v44;
	v2 =	vor.u32 v42, v22;
	v3 =	vld.idx.msk [tilespmem:v3+s11+$0x0], $0xffff  }
0x19d: {  	v14 =	vor.u32 v45, v14;
	v18 =	vadd.s32 v15, v0;
	v13 =	vld.idx.msk [tilespmem:v13+s11+$0x0], $0xffff;
	[tilespmem:s25+$0xC20] =	vst v19  }
0x19e: {  	v18 =	vor.u32 v1, v18;
	[tilespmem:s26+$0xC20] =	vst v21;
	v19 =	vld.idx.msk [tilespmem:v20+s11+$0x0], $0xffff;
	v20 =	vadd.s32 v15, v4  }
0x19f: {  	v21 =	vadd.s32 v15, v6;
	v17 =	vld.idx.msk [tilespmem:v17+s11+$0x0], $0xffff;
	[tilespmem:s28+$0xC20] =	vst v8;
	v20 =	vor.u32 v5, v20  }
0x1a0: {  	v8 =	vor.u32 v7, v21;
	v21 =	vadd.s32 v15, v9;
	v10 =	vld.idx.msk [tilespmem:v10+s11+$0x0], $0xffff;
	[tilespmem:s30+$0xC20] =	vst v12  }
0x1a1: {  	v12 =	vor.u32 v11, v21;
	v21 =	vadd.s32 v15, v41;
	v2 =	vld.idx.msk [tilespmem:v2+s11+$0x0], $0xffff;
	[tilespmem:s29+$0xC20] =	vst v3  }
0x1a2: {  	[tilespmem:s23+$0xC30] =	vst v13;
	v3 =	vor.u32 v42, v21;
	v13 =	vld.idx.msk [tilespmem:v14+s11+$0x0], $0xffff;
	v14 =	vadd.s32 v15, v44  }
0x1a3: {  	v15 =	vld.idx.msk [tilespmem:v18+s11+$0x0], $0xffff;
	v18 =	vadd.s32 v16, v0;
	[tilespmem:s25+$0xC30] =	vst v19;
	v14 =	vor.u32 v45, v14  }
0x1a4: {  	[tilespmem:s26+$0xC30] =	vst v17;
	v18 =	vor.u32 v1, v18;
	v19 =	vld.idx.msk [tilespmem:v20+s11+$0x0], $0xffff;
	v20 =	vadd.s32 v16, v4  }
0x1a5: {  	v8 =	vld.idx.msk [tilespmem:v8+s11+$0x0], $0xffff;
	[tilespmem:s28+$0xC30] =	vst v10;
	v17 =	vor.u32 v5, v20;
	v20 =	vadd.s32 v16, v6  }
0x1a6: {  	v12 =	vld.idx.msk [tilespmem:v12+s11+$0x0], $0xffff;
	v10 =	vor.u32 v7, v20;
	v20 =	vadd.s32 v16, v9;
	[tilespmem:s30+$0xC30] =	vst v2  }
0x1a7: {  	v2 =	vor.u32 v11, v20;
	v3 =	vld.idx.msk [tilespmem:v3+s11+$0x0], $0xffff;
	v20 =	vadd.s32 v16, v41;
	[tilespmem:s29+$0xC30] =	vst v13  }
0x1a8: {  	[tilespmem:s23+$0xC40] =	vst v15;
	v13 =	vor.u32 v42, v20;
	v15 =	vadd.s32 v16, v44;
	v14 =	vld.idx.msk [tilespmem:v14+s11+$0x0], $0xffff  }
0x1a9: {  	v16 =	vld.idx.msk [tilespmem:v18+s11+$0x0], $0xffff;
	v18 =	vadd.s32 v25, v0;
	[tilespmem:s25+$0xC40] =	vst v19;
	v15 =	vor.u32 v45, v15  }
0x1aa: {  	v19 =	vadd.s32 v25, v4;
	[tilespmem:s26+$0xC40] =	vst v8;
	v18 =	vor.u32 v1, v18;
	v17 =	vld.idx.msk [tilespmem:v17+s11+$0x0], $0xffff  }
0x1ab: {  	v8 =	vor.u32 v5, v19;
	v19 =	vadd.s32 v25, v6;
	[tilespmem:s28+$0xC40] =	vst v12;
	v10 =	vld.idx.msk [tilespmem:v10+s11+$0x0], $0xffff  }
0x1ac: {  	v12 =	vor.u32 v7, v19;
	v19 =	vadd.s32 v25, v9;
	v2 =	vld.idx.msk [tilespmem:v2+s11+$0x0], $0xffff;
	[tilespmem:s30+$0xC40] =	vst v3  }
0x1ad: {  	v3 =	vor.u32 v11, v19;
	v19 =	vadd.s32 v25, v41;
	v13 =	vld.idx.msk [tilespmem:v13+s11+$0x0], $0xffff;
	[tilespmem:s29+$0xC40] =	vst v14  }
0x1ae: {  	[tilespmem:s23+$0xC50] =	vst v16;
	v14 =	vor.u32 v42, v19;
	v16 =	vadd.s32 v25, v44;
	v15 =	vld.idx.msk [tilespmem:v15+s11+$0x0], $0xffff  }
0x1af: {  	v0 =	vadd.s32 v43, v0;
	v18 =	vld.idx.msk [tilespmem:v18+s11+$0x0], $0xffff;
	[tilespmem:s25+$0xC50] =	vst v17;
	v16 =	vor.u32 v45, v16  }
0x1b0: {  	v4 =	vadd.s32 v43, v4;
	v0 =	vor.u32 v1, v0;
	v1 =	vld.idx.msk [tilespmem:v8+s11+$0x0], $0xffff;
	[tilespmem:s26+$0xC50] =	vst v10  }
0x1b1: {  	v4 =	vor.u32 v5, v4;
	v6 =	vadd.s32 v43, v6;
	v5 =	vld.idx.msk [tilespmem:v12+s11+$0x0], $0xffff;
	[tilespmem:s28+$0xC50] =	vst v2  }
0x1b2: {  	v2 =	vor.u32 v7, v6;
	v6 =	vadd.s32 v43, v9;
	v3 =	vld.idx.msk [tilespmem:v3+s11+$0x0], $0xffff;
	[tilespmem:s30+$0xC50] =	vst v13  }
0x1b3: {  	v8 =	vadd.s32 v43, v41;
	v6 =	vor.u32 v11, v6;
	v7 =	vld.idx.msk [tilespmem:v14+s11+$0x0], $0xffff;
	[tilespmem:s29+$0xC50] =	vst v15  }
0x1b4: {  	v10 =	vadd.s32 v43, v44;
	v8 =	vor.u32 v42, v8;
	[tilespmem:s23+$0xC60] =	vst v18;
	v9 =	vld.idx.msk [tilespmem:v16+s11+$0x0], $0xffff  }
0x1b5: {  	v0 =	vld.idx.msk [tilespmem:v0+s11+$0x0], $0xffff;
	[tilespmem:s25+$0xC60] =	vst v1;
	v1 =	vor.u32 v45, v10  }
0x1b6: {  	v4 =	vld.idx.msk [tilespmem:v4+s11+$0x0], $0xffff;
	[tilespmem:s26+$0xC60] =	vst v5  }
0x1b7: {  	v2 =	vld.idx.msk [tilespmem:v2+s11+$0x0], $0xffff;
	[tilespmem:s28+$0xC60] =	vst v3  }
0x1b8: {  	v3 =	vld.idx.msk [tilespmem:v6+s11+$0x0], $0xffff;
	[tilespmem:s30+$0xC60] =	vst v7  }
0x1b9: {  	v5 =	vld.idx.msk [tilespmem:v8+s11+$0x0], $0xffff;
	[tilespmem:s29+$0xC60] =	vst v9  }
0x1ba: {  	[tilespmem:s23+$0xC70] =	vst v0;
	v0 =	vld.idx.msk [tilespmem:v1+s11+$0x0], $0xffff  }
0x1bb: {  	[tilespmem:s25+$0xC70] =	vst v4  }
0x1bc: {  	[tilespmem:s26+$0xC70] =	vst v2  }
0x1bd: {  	[tilespmem:s28+$0xC70] =	vst v3  }
0x1be: {  	s23 =	sadd.s32 s5, s22;
	[tilespmem:s30+$0xC70] =	vst v5  }
0x1bf: {  	s0 =	simm.s32 @!p0 $0x4;
	s1 =	sadd.s32 s2, s23;
	[tilespmem:s29+$0xC70] =	vst v0  }
0x1c0: {  	[hbm4b:s1+s4] =	stream.linear.scatter [tilespmem:s14], [sflag:$0x3], $0x4000, $0x38;
	[tilespmem:$0x18200] =	vst v63  }
0x1c1: {  	_ =	swait.ge @!p0 [sflag:s0], $0x4000  }
0x1c2: {  	[sflag:s0] =	ssyncset.done @!p0 $0x0  }
0x1c3: {  	[sflag:s0] =	ssyncadd.s32 @!p0 $0xFFFFC000  }
0x1c4: {  	v1 =	vld [tilespmem:$0x0]  }
0x1c5: {  	v2 =	vld [tilespmem:$0x10]  }
0x1c6: {  	v3 =	vld [tilespmem:$0x20]  }
0x1c7: {  	v8 =	vld [tilespmem:$0x30]  }
0x1c8: {  	v11 =	vld [tilespmem:$0x40]  }
0x1c9: {  	v14 =	vld [tilespmem:$0x50]  }
0x1ca: {  	v20 =	vld [tilespmem:$0x60]  }
0x1cb: {  	v23 =	vld [tilespmem:$0x70]  }
0x1cc: {  	v26 =	vld [tilespmem:$0x80]  }
0x1cd: {  	v0 =	vld [tilespmem:$0x90]  }
0x1ce: {  	v29 =	vld [tilespmem:$0xA0]  }
0x1cf: {  	v31 =	vld [tilespmem:$0xB0]  }
0x1d0: {  	v34 =	vld [tilespmem:$0xC0]  }
0x1d1: {  	v33 =	vld [tilespmem:$0xD0]  }
0x1d2: {  	v5 =	vld [tilespmem:$0xE0]  }
0x1d3: {  	v4 =	vld [tilespmem:$0xF0]  }
0x1d4: {  	v32 =	vld [tilespmem:$0x100]  }
0x1d5: {  	s3 =	simm.s32 $0x20;
	v30 =	vld [tilespmem:$0x110]  }
0x1d6: {  	v7 =	vmov s3;
	v28 =	vld [tilespmem:$0x120];
	v6 =	vshll.u32 v1, $0x3  }
0x1d7: {  	v9 =	vshll.u32 v7, $0x9;
	v24 =	vld [tilespmem:$0x130];
	v1 =	vand.u32 $0x7F, v1;
	v6 =	vand.u32 $0xFFFFFC00, v6  }
0x1d8: {  	v45 =	vand.u32 $0x7000, v9;
	v22 =	vld [tilespmem:$0x140];
	v27 =	vor.u32 v1, v6;
	v1 =	vshll.u32 v7, $0x7  }
0x1d9: {  	v19 =	vld [tilespmem:$0x150];
	v44 =	vand.u32 $0x380, v1;
	v1 =	vadd.s32 v27, v45  }
0x1da: {  	v18 =	vld [tilespmem:$0x160];
	v1 =	vor.u32 v44, v1  }
0x1db: {  	v17 =	vld [tilespmem:$0x190]  }
0x1dc: {  	v15 =	vld [tilespmem:$0x1A0];
	v9 =	vshll.u32 v2, $0x3  }
0x1dd: {  	v16 =	vld [tilespmem:$0x1B0];
	v2 =	vand.u32 $0x7F, v2;
	v9 =	vand.u32 $0xFFFFFC00, v9  }
0x1de: {  	v12 =	vld [tilespmem:$0x1C0];
	v21 =	vor.u32 v2, v9  }
0x1df: {  	v2 =	vadd.s32 v21, v45;
	v1 =	vld.idx.msk [tilespmem:v1+s11+$0x0], $0xffff  }
0x1e0: {  	v10 =	vld [tilespmem:$0x1D0];
	v2 =	vor.u32 v44, v2  }
0x1e1: {  	s9 =	simm.s32 $0x0;
	v25 =	vld [tilespmem:$0x1E0]  }
0x1e2: {  	s24 =	sand.u32 $0x3000, s9;
	s0 =	sand.u32 $0x380, s9;
	v43 =	vld [tilespmem:$0x1F0];
	v9 =	vshll.u32 v3, $0x3  }
0x1e3: {  	s0 =	sor.u32 s0, s24;
	v7 =	vld [tilespmem:$0x170];
	v3 =	vand.u32 $0x7F, v3;
	v9 =	vand.u32 $0xFFFFFC00, v9  }
0x1e4: {  	v6 =	vld [tilespmem:$0x180];
	v13 =	vor.u32 v3, v9;
	[tilespmem:s0+$0x14200] =	vst v1  }
0x1e5: {  	v1 =	vld.idx.msk [tilespmem:v2+s11+$0x0], $0xffff;
	v2 =	vadd.s32 v13, v45  }
0x1e6: {  	v2 =	vor.u32 v44, v2;
	_ =	sdelay $0x1  }
0x1e7: {  	v3 =	vshll.u32 v8, $0x3  }
0x1e8: {  	s30 =	sadd.s32 $0x14200, s0;
	v8 =	vand.u32 $0x7F, v8;
	v3 =	vand.u32 $0xFFFFFC00, v3  }
0x1e9: {  	v9 =	vor.u32 v8, v3;
	[tilespmem:s30+$0x10] =	vst v1  }
0x1ea: {  	v1 =	vld.idx.msk [tilespmem:v2+s11+$0x0], $0xffff;
	v2 =	vadd.s32 v9, v45  }
0x1eb: {  	v2 =	vor.u32 v44, v2;
	_ =	sdelay $0x1  }
0x1ec: {  	v3 =	vshll.u32 v11, $0x3  }
0x1ed: {  	v8 =	vand.u32 $0x7F, v11;
	v3 =	vand.u32 $0xFFFFFC00, v3  }
0x1ee: {  	s25 =	simm.s32 $0x21;
	v8 =	vor.u32 v8, v3;
	[tilespmem:s30+$0x20] =	vst v1  }
0x1ef: {  	v3 =	vadd.s32 v8, v45;
	v1 =	vld.idx.msk [tilespmem:v2+s11+$0x0], $0xffff;
	v2 =	vmov s25  }
0x1f0: {  	v62 =	vor.u32 v44, v3;
	v3 =	vshll.u32 v2, $0x9  }
0x1f1: {  	v11 =	vshll.u32 v2, $0x7;
	v2 =	vand.u32 $0x7000, v3  }
0x1f2: {  	v63 =	vshll.u32 v14, $0x3;
	v3 =	vand.u32 $0x380, v11;
	v11 =	vadd.s32 v27, v2  }
0x1f3: {  	v14 =	vand.u32 $0x7F, v14;
	v36 =	vand.u32 $0xFFFFFC00, v63;
	v40 =	vor.u32 v3, v11  }
0x1f4: {  	v11 =	vor.u32 v14, v36;
	[tilespmem:s30+$0x30] =	vst v1  }
0x1f5: {  	v14 =	vadd.s32 v11, v45;
	v1 =	vld.idx.msk [tilespmem:v62+s11+$0x0], $0xffff  }
0x1f6: {  	v41 =	vor.u32 v44, v14;
	_ =	sdelay $0x1  }
0x1f7: {  	v46 =	vadd.s32 v21, v2;
	v14 =	vshll.u32 v20, $0x3;
	v42 =	vld.idx.msk [tilespmem:v40+s11+$0x0], $0xffff  }
0x1f8: {  	v37 =	vor.u32 v3, v46;
	v20 =	vand.u32 $0x7F, v20;
	v14 =	vand.u32 $0xFFFFFC00, v14  }
0x1f9: {  	s3 =	simm.s32 $0x200;
	s26 =	simm.s32 $0x80;
	v14 =	vor.u32 v20, v14;
	[tilespmem:s30+$0x40] =	vst v1  }
0x1fa: {  	s1 =	sand.u32 $0x3000, s3;
	s0 =	sand.u32 $0x380, s26;
	v20 =	vadd.s32 v14, v45;
	v1 =	vld.idx.msk [tilespmem:v41+s11+$0x0], $0xffff  }
0x1fb: {  	s0 =	sor.u32 s0, s1;
	v47 =	vor.u32 v44, v20  }
0x1fc: {  	[tilespmem:s0+$0x14200] =	vst v42  }
0x1fd: {  	v48 =	vadd.s32 v13, v2;
	v20 =	vshll.u32 v23, $0x3;
	v36 =	vld.idx.msk [tilespmem:v37+s11+$0x0], $0xffff  }
0x1fe: {  	v23 =	vand.u32 $0x7F, v23;
	v20 =	vand.u32 $0xFFFFFC00, v20;
	v37 =	vor.u32 v3, v48  }
0x1ff: {  	v20 =	vor.u32 v23, v20;
	[tilespmem:s30+$0x50] =	vst v1  }
0x200: {  	v23 =	vadd.s32 v20, v45;
	v1 =	vld.idx.msk [tilespmem:v47+s11+$0x0], $0xffff  }
0x201: {  	s25 =	sadd.s32 $0x14200, s0;
	v49 =	vor.u32 v44, v23  }
0x202: {  	[tilespmem:s25+$0x10] =	vst v36  }
0x203: {  	v50 =	vadd.s32 v9, v2;
	v23 =	vshll.u32 v26, $0x3;
	v36 =	vld.idx.msk [tilespmem:v37+s11+$0x0], $0xffff  }
0x204: {  	v26 =	vand.u32 $0x7F, v26;
	v23 =	vand.u32 $0xFFFFFC00, v23;
	v37 =	vor.u32 v3, v50  }
0x205: {  	v23 =	vor.u32 v26, v23;
	[tilespmem:s30+$0x60] =	vst v1  }
0x206: {  	v26 =	vadd.s32 v23, v45;
	v1 =	vld.idx.msk [tilespmem:v49+s11+$0x0], $0xffff  }
0x207: {  	v51 =	vor.u32 v44, v26  }
0x208: {  	[tilespmem:s25+$0x20] =	vst v36  }
0x209: {  	s9 =	simm.s32 $0x22;
	v52 =	vadd.s32 v8, v2;
	v26 =	vand.u32 $0x7F, v0;
	v0 =	vshll.u32 v0, $0x3;
	v36 =	vld.idx.msk [tilespmem:v37+s11+$0x0], $0xffff  }
0x20a: {  	v53 =	vmov s9;
	v0 =	vand.u32 $0xFFFFFC00, v0;
	v37 =	vor.u32 v3, v52  }
0x20b: {  	v26 =	vor.u32 v26, v0;
	v0 =	vshll.u32 v53, $0x9;
	[tilespmem:s30+$0x70] =	vst v1  }
0x20c: {  	v0 =	vand.u32 $0x7000, v0;
	v54 =	vadd.s32 v26, v45;
	v1 =	vshll.u32 v53, $0x7;
	v35 =	vld.idx.msk [tilespmem:v51+s11+$0x0], $0xffff  }
0x20d: {  	v55 =	vadd.s32 v27, v0;
	v38 =	vor.u32 v44, v54;
	v1 =	vand.u32 $0x380, v1  }
0x20e: {  	v39 =	vor.u32 v1, v55;
	[tilespmem:s25+$0x30] =	vst v36  }
0x20f: {  	v56 =	vshll.u32 v29, $0x3;
	v57 =	vadd.s32 v11, v2;
	v37 =	vld.idx.msk [tilespmem:v37+s11+$0x0], $0xffff  }
0x210: {  	v29 =	vand.u32 $0x7F, v29;
	v40 =	vor.u32 v3, v57;
	v36 =	vand.u32 $0xFFFFFC00, v56  }
0x211: {  	v29 =	vor.u32 v29, v36;
	[tilespmem:s30+$0x400] =	vst v35  }
0x212: {  	v36 =	vadd.s32 v29, v45;
	v35 =	vld.idx.msk [tilespmem:v38+s11+$0x0], $0xffff  }
0x213: {  	v59 =	vadd.s32 v21, v0;
	v36 =	vor.u32 v44, v36;
	v58 =	vld.idx.msk [tilespmem:v39+s11+$0x0], $0xffff  }
0x214: {  	v39 =	vor.u32 v1, v59;
	[tilespmem:s25+$0x40] =	vst v37  }
0x215: {  	s24 =	simm.s32 $0x100;
	v60 =	vshll.u32 v31, $0x3;
	s26 =	simm.s32 $0x400;
	v61 =	vadd.s32 v14, v2;
	v40 =	vld.idx.msk [tilespmem:v40+s11+$0x0], $0xffff  }
0x216: {  	v31 =	vand.u32 $0x7F, v31;
	s1 =	sand.u32 $0x3000, s26;
	v41 =	vor.u32 v3, v61;
	s0 =	sand.u32 $0x380, s24;
	v37 =	vand.u32 $0xFFFFFC00, v60  }
0x217: {  	s0 =	sor.u32 s0, s1;
	v31 =	vor.u32 v31, v37;
	[tilespmem:s30+$0x410] =	vst v35  }
0x218: {  	v62 =	vadd.s32 v31, v45;
	[tilespmem:s0+$0x14200] =	vst v58;
	v35 =	vld.idx.msk [tilespmem:v36+s11+$0x0], $0xffff  }
0x219: {  	v46 =	vadd.s32 v13, v0;
	v47 =	vor.u32 v44, v62;
	v63 =	vld.idx.msk [tilespmem:v39+s11+$0x0], $0xffff  }
0x21a: {  	v38 =	vor.u32 v1, v46;
	[tilespmem:s25+$0x50] =	vst v40  }
0x21b: {  	v48 =	vshll.u32 v34, $0x3;
	v49 =	vadd.s32 v20, v2;
	v40 =	vld.idx.msk [tilespmem:v41+s11+$0x0], $0xffff  }
0x21c: {  	v34 =	vand.u32 $0x7F, v34;
	v36 =	vand.u32 $0xFFFFFC00, v48;
	v41 =	vor.u32 v3, v49  }
0x21d: {  	s24 =	sadd.s32 $0x14200, s0;
	v36 =	vor.u32 v34, v36;
	[tilespmem:s30+$0x420] =	vst v35  }
0x21e: {  	v51 =	vadd.s32 v36, v45;
	[tilespmem:s24+$0x10] =	vst v63;
	v50 =	vld.idx.msk [tilespmem:v47+s11+$0x0], $0xffff  }
0x21f: {  	v52 =	vadd.s32 v9, v0;
	v53 =	vor.u32 v44, v51;
	v37 =	vld.idx.msk [tilespmem:v38+s11+$0x0], $0xffff  }
0x220: {  	v57 =	vadd.s32 v23, v2;
	v55 =	vor.u32 v1, v52;
	[tilespmem:s25+$0x60] =	vst v40  }
0x221: {  	v54 =	vand.u32 $0x7F, v33;
	v33 =	vshll.u32 v33, $0x3;
	v61 =	vadd.s32 v8, v0;
	v40 =	vld.idx.msk [tilespmem:v41+s11+$0x0], $0xffff  }
0x222: {  	v33 =	vand.u32 $0xFFFFFC00, v33;
	v56 =	vshll.u32 v5, $0x3;
	v41 =	vor.u32 v3, v57  }
0x223: {  	v5 =	vand.u32 $0x7F, v5;
	v58 =	vand.u32 $0xFFFFFC00, v56;
	v38 =	vor.u32 v54, v33;
	[tilespmem:s30+$0x430] =	vst v50  }
0x224: {  	s3 =	simm.s32 $0x23;
	v59 =	vand.u32 $0x7F, v4;
	v35 =	vor.u32 v5, v58;
	v5 =	vadd.s32 v38, v45;
	[tilespmem:s24+$0x20] =	vst v37;
	v34 =	vld.idx.msk [tilespmem:v53+s11+$0x0], $0xffff  }
0x225: {  	v4 =	vshll.u32 v4, $0x3;
	v60 =	vmov s3;
	v62 =	vor.u32 v44, v5;
	v37 =	vld.idx.msk [tilespmem:v55+s11+$0x0], $0xffff  }
0x226: {  	v42 =	vor.u32 v1, v61;
	v63 =	vand.u32 $0xFFFFFC00, v4;
	v4 =	vshll.u32 v60, $0x9;
	[tilespmem:s25+$0x70] =	vst v40  }
0x227: {  	v52 =	vadd.s32 v26, v2;
	v4 =	vand.u32 $0x7000, v4;
	v5 =	vshll.u32 v60, $0x7;
	v40 =	vld.idx.msk [tilespmem:v41+s11+$0x0], $0xffff  }
0x228: {  	v54 =	vor.u32 v3, v52;
	v5 =	vand.u32 $0x380, v5;
	v53 =	vadd.s32 v27, v4  }
0x229: {  	v51 =	vadd.s32 v29, v2;
	v39 =	vor.u32 v59, v63;
	v56 =	vor.u32 v5, v53;
	[tilespmem:s30+$0x440] =	vst v34  }
0x22a: {  	v58 =	vadd.s32 v35, v45;
	v59 =	vshll.u32 v30, $0x3;
	v30 =	vand.u32 $0x7F, v30;
	[tilespmem:s24+$0x30] =	vst v37;
	v57 =	vld.idx.msk [tilespmem:v62+s11+$0x0], $0xffff  }
0x22b: {  	v52 =	vshll.u32 v28, $0x3;
	v61 =	vor.u32 v44, v58;
	v60 =	vadd.s32 v11, v0;
	v42 =	vld.idx.msk [tilespmem:v42+s11+$0x0], $0xffff  }
0x22c: {  	v28 =	vand.u32 $0x7F, v28;
	v63 =	vor.u32 v1, v60;
	v62 =	vand.u32 $0xFFFFFC00, v59;
	[tilespmem:s25+$0x400] =	vst v40  }
0x22d: {  	v55 =	vshll.u32 v32, $0x3;
	v32 =	vand.u32 $0x7F, v32;
	v37 =	vor.u32 v30, v62;
	v30 =	vld.idx.msk [tilespmem:v54+s11+$0x0], $0xffff  }
0x22e: {  	v33 =	vand.u32 $0xFFFFFC00, v55;
	v53 =	vadd.s32 v21, v4;
	v34 =	vld.idx.msk [tilespmem:v56+s11+$0x0], $0xffff;
	v54 =	vor.u32 v3, v51  }
0x22f: {  	v55 =	vand.u32 $0xFFFFFC00, v52;
	v56 =	vor.u32 v5, v53;
	v40 =	vor.u32 v32, v33;
	[tilespmem:s30+$0x450] =	vst v57  }
0x230: {  	s9 =	simm.s32 $0x180;
	s26 =	simm.s32 $0x600;
	v32 =	vor.u32 v28, v55;
	[tilespmem:s24+$0x40] =	vst v42;
	v57 =	vadd.s32 v39, v45;
	v28 =	vld.idx.msk [tilespmem:v61+s11+$0x0], $0xffff  }
0x231: {  	s1 =	sand.u32 $0x3000, s26;
	s0 =	sand.u32 $0x380, s9;
	v58 =	vshll.u32 v24, $0x3;
	v59 =	vadd.s32 v14, v0;
	v46 =	vld.idx.msk [tilespmem:v63+s11+$0x0], $0xffff;
	v60 =	vor.u32 v44, v57  }
0x232: {  	s0 =	sor.u32 s0, s1;
	v24 =	vand.u32 $0x7F, v24;
	v62 =	vor.u32 v1, v59;
	v61 =	vand.u32 $0xFFFFFC00, v58;
	[tilespmem:s25+$0x410] =	vst v30  }
0x233: {  	[tilespmem:s0+$0x14200] =	vst v34;
	v33 =	vor.u32 v24, v61;
	v30 =	vadd.s32 v31, v2;
	v24 =	vld.idx.msk [tilespmem:v54+s11+$0x0], $0xffff  }
0x234: {  	v52 =	vadd.s32 v13, v4;
	v63 =	vshll.u32 v22, $0x3;
	v41 =	vld.idx.msk [tilespmem:v56+s11+$0x0], $0xffff;
	v53 =	vor.u32 v3, v30  }
0x235: {  	v22 =	vand.u32 $0x7F, v22;
	v30 =	vand.u32 $0xFFFFFC00, v63;
	[tilespmem:s30+$0x460] =	vst v28;
	v28 =	vor.u32 v5, v52  }
0x236: {  	v54 =	vadd.s32 v40, v45;
	v30 =	vor.u32 v22, v30;
	[tilespmem:s24+$0x50] =	vst v46;
	v22 =	vld.idx.msk [tilespmem:v60+s11+$0x0], $0xffff  }
0x237: {  	v55 =	vshll.u32 v19, $0x3;
	v56 =	vadd.s32 v20, v0;
	v57 =	vor.u32 v44, v54;
	v42 =	vld.idx.msk [tilespmem:v62+s11+$0x0], $0xffff  }
0x238: {  	s26 =	sadd.s32 $0x14200, s0;
	v19 =	vand.u32 $0x7F, v19;
	v58 =	vand.u32 $0xFFFFFC00, v55;
	v59 =	vor.u32 v1, v56;
	[tilespmem:s25+$0x420] =	vst v24  }
0x239: {  	v61 =	vadd.s32 v36, v2;
	[tilespmem:s26+$0x10] =	vst v41;
	v24 =	vand.u32 $0x7F, v18;
	v18 =	vshll.u32 v18, $0x3;
	v60 =	vld.idx.msk [tilespmem:v53+s11+$0x0], $0xffff  }
0x23a: {  	v47 =	vor.u32 v3, v61;
	v63 =	vadd.s32 v9, v4;
	v18 =	vand.u32 $0xFFFFFC00, v18;
	v62 =	vld.idx.msk [tilespmem:v28+s11+$0x0], $0xffff  }
0x23b: {  	v34 =	vor.u32 v19, v58;
	v28 =	vor.u32 v24, v18;
	v18 =	vor.u32 v5, v63;
	[tilespmem:s30+$0x470] =	vst v22  }
0x23c: {  	v19 =	vand.u32 $0x7F, v7;
	v7 =	vshll.u32 v7, $0x3;
	v24 =	vadd.s32 v37, v45;
	[tilespmem:s24+$0x60] =	vst v42;
	v22 =	vld.idx.msk [tilespmem:v57+s11+$0x0], $0xffff  }
0x23d: {  	v7 =	vand.u32 $0xFFFFFC00, v7;
	v52 =	vadd.s32 v23, v0;
	v53 =	vor.u32 v44, v24;
	v42 =	vld.idx.msk [tilespmem:v59+s11+$0x0], $0xffff  }
0x23e: {  	v46 =	vor.u32 v1, v52;
	v24 =	vor.u32 v19, v7;
	v7 =	vshll.u32 v6, $0x3;
	[tilespmem:s25+$0x430] =	vst v60  }
0x23f: {  	v54 =	vadd.s32 v38, v2;
	v6 =	vand.u32 $0x7F, v6;
	v7 =	vand.u32 $0xFFFFFC00, v7;
	[tilespmem:s26+$0x20] =	vst v62;
	v41 =	vld.idx.msk [tilespmem:v47+s11+$0x0], $0xffff  }
0x240: {  	s1 =	simm.s32 $0x24;
	v19 =	vor.u32 v6, v7;
	v6 =	vadd.s32 v8, v4;
	v47 =	vor.u32 v3, v54;
	v18 =	vld.idx.msk [tilespmem:v18+s11+$0x0], $0xffff  }
0x241: {  	v48 =	vand.u32 $0x7F, v17;
	v7 =	vmov s1;
	[tilespmem:s30+$0x800] =	vst v22;
	v22 =	vor.u32 v5, v6  }
0x242: {  	v55 =	vshll.u32 v7, $0x7;
	[tilespmem:s24+$0x70] =	vst v42;
	v6 =	vshll.u32 v7, $0x9;
	v7 =	vadd.s32 v32, v45;
	v56 =	vld.idx.msk [tilespmem:v53+s11+$0x0], $0xffff  }
0x243: {  	v57 =	vadd.s32 v26, v0;
	v46 =	vld.idx.msk [tilespmem:v46+s11+$0x0], $0xffff;
	v6 =	vand.u32 $0x7000, v6;
	v58 =	vor.u32 v44, v7  }
0x244: {  	v49 =	vor.u32 v1, v57;
	v7 =	vand.u32 $0x380, v55;
	v59 =	vadd.s32 v27, v6;
	[tilespmem:s25+$0x440] =	vst v41  }
0x245: {  	v17 =	vshll.u32 v17, $0x3;
	v61 =	vadd.s32 v35, v2;
	v60 =	vor.u32 v7, v59;
	[tilespmem:s26+$0x30] =	vst v18;
	v18 =	vld.idx.msk [tilespmem:v47+s11+$0x0], $0xffff  }
0x246: {  	v17 =	vand.u32 $0xFFFFFC00, v17;
	v63 =	vadd.s32 v11, v4;
	v47 =	vor.u32 v3, v61;
	v62 =	vld.idx.msk [tilespmem:v22+s11+$0x0], $0xffff  }
0x247: {  	v22 =	vor.u32 v48, v17;
	v17 =	vshll.u32 v15, $0x3;
	[tilespmem:s30+$0x810] =	vst v56;
	v56 =	vor.u32 v5, v63  }
0x248: {  	v15 =	vand.u32 $0x7F, v15;
	v17 =	vand.u32 $0xFFFFFC00, v17;
	[tilespmem:s24+$0x400] =	vst v46;
	v57 =	vld.idx.msk [tilespmem:v58+s11+$0x0], $0xffff;
	v58 =	vadd.s32 v33, v45  }
0x249: {  	v59 =	vadd.s32 v29, v0;
	v15 =	vor.u32 v15, v17;
	v17 =	vld.idx.msk [tilespmem:v49+s11+$0x0], $0xffff;
	v48 =	vor.u32 v44, v58  }
0x24a: {  	v49 =	vor.u32 v1, v59;
	v41 =	vld.idx.msk [tilespmem:v60+s11+$0x0], $0xffff;
	v60 =	vadd.s32 v21, v6;
	[tilespmem:s25+$0x450] =	vst v18  }
0x24b: {  	v61 =	vadd.s32 v39, v2;
	v18 =	vor.u32 v7, v60;
	[tilespmem:s26+$0x40] =	vst v62;
	v47 =	vld.idx.msk [tilespmem:v47+s11+$0x0], $0xffff  }
0x24c: {  	s3 =	simm.s32 $0x200;
	s9 =	simm.s32 $0x800;
	v50 =	vor.u32 v3, v61;
	v63 =	vadd.s32 v14, v4;
	v42 =	vld.idx.msk [tilespmem:v56+s11+$0x0], $0xffff  }
0x24d: {  	s0 =	sand.u32 $0x380, s3;
	s1 =	sand.u32 $0x3000, s9;
	v55 =	vor.u32 v5, v63;
	v59 =	vadd.s32 v31, v0;
	v63 =	vadd.s32 v40, v2;
	[tilespmem:s30+$0x820] =	vst v57  }
0x24e: {  	s0 =	sor.u32 s0, s1;
	v60 =	vadd.s32 v13, v6;
	[tilespmem:s24+$0x410] =	vst v17;
	v57 =	vadd.s32 v30, v45;
	v17 =	vld.idx.msk [tilespmem:v48+s11+$0x0], $0xffff  }
0x24f: {  	v62 =	vshll.u32 v16, $0x3;
	v16 =	vand.u32 $0x7F, v16;
	[tilespmem:s0+$0x14200] =	vst v41;
	v58 =	vld.idx.msk [tilespmem:v49+s11+$0x0], $0xffff;
	v48 =	vor.u32 v44, v57  }
0x250: {  	v61 =	vor.u32 v7, v60;
	v51 =	vand.u32 $0xFFFFFC00, v62;
	v49 =	vor.u32 v1, v59;
	v18 =	vld.idx.msk [tilespmem:v18+s11+$0x0], $0xffff;
	[tilespmem:s25+$0x460] =	vst v47  }
0x251: {  	v56 =	vshll.u32 v12, $0x3;
	v12 =	vand.u32 $0x7F, v12;
	v16 =	vor.u32 v16, v51;
	[tilespmem:s26+$0x50] =	vst v42;
	v62 =	vld.idx.msk [tilespmem:v50+s11+$0x0], $0xffff  }
0x252: {  	v51 =	vand.u32 $0xFFFFFC00, v56;
	v57 =	vadd.s32 v20, v4;
	v50 =	vor.u32 v3, v63;
	v46 =	vld.idx.msk [tilespmem:v55+s11+$0x0], $0xffff  }
0x253: {  	v59 =	vadd.s32 v9, v6;
	v52 =	vor.u32 v5, v57;
	v57 =	vadd.s32 v23, v4;
	[tilespmem:s30+$0x830] =	vst v17  }
0x254: {  	s28 =	sadd.s32 $0x14200, s0;
	v17 =	vor.u32 v12, v51;
	[tilespmem:s24+$0x420] =	vst v58;
	v58 =	vadd.s32 v34, v45;
	v12 =	vld.idx.msk [tilespmem:v48+s11+$0x0], $0xffff  }
0x255: {  	[tilespmem:s28+$0x10] =	vst v18;
	v48 =	vld.idx.msk [tilespmem:v49+s11+$0x0], $0xffff;
	v18 =	vadd.s32 v36, v0;
	v41 =	vor.u32 v44, v58  }
0x256: {  	v63 =	vshll.u32 v10, $0x3;
	v47 =	vld.idx.msk [tilespmem:v61+s11+$0x0], $0xffff;
	v60 =	vor.u32 v1, v18;
	v61 =	vor.u32 v7, v59;
	[tilespmem:s25+$0x470] =	vst v62  }
0x257: {  	v10 =	vand.u32 $0x7F, v10;
	v18 =	vadd.s32 v37, v2;
	v59 =	vadd.s32 v38, v0;
	[tilespmem:s26+$0x60] =	vst v46;
	v62 =	vld.idx.msk [tilespmem:v50+s11+$0x0], $0xffff  }
0x258: {  	v58 =	vor.u32 v3, v18;
	v18 =	vand.u32 $0xFFFFFC00, v63;
	v63 =	vadd.s32 v32, v2;
	v56 =	vld.idx.msk [tilespmem:v52+s11+$0x0], $0xffff  }
0x259: {  	v18 =	vor.u32 v10, v18;
	v10 =	vadd.s32 v28, v45;
	[tilespmem:s30+$0x840] =	vst v12;
	v12 =	vor.u32 v5, v57  }
0x25a: {  	v52 =	vor.u32 v3, v63;
	v63 =	vadd.s32 v11, v6;
	[tilespmem:s24+$0x430] =	vst v48;
	v41 =	vld.idx.msk [tilespmem:v41+s11+$0x0], $0xffff  }
0x25b: {  	s1 =	simm.s32 $0x25;
	v48 =	vor.u32 v1, v59;
	[tilespmem:s28+$0x20] =	vst v47;
	v47 =	vld.idx.msk [tilespmem:v60+s11+$0x0], $0xffff;
	v60 =	vor.u32 v44, v10  }
0x25c: {  	v57 =	vadd.s32 v26, v4;
	v10 =	vmov s1;
	v42 =	vld.idx.msk [tilespmem:v61+s11+$0x0], $0xffff;
	v61 =	vadd.s32 v8, v6;
	[tilespmem:s25+$0x800] =	vst v62  }
0x25d: {  	v62 =	vshll.u32 v10, $0x7;
	v51 =	vor.u32 v7, v61;
	v10 =	vshll.u32 v10, $0x9;
	[tilespmem:s26+$0x70] =	vst v56;
	v50 =	vld.idx.msk [tilespmem:v58+s11+$0x0], $0xffff  }
0x25e: {  	v59 =	vadd.s32 v24, v45;
	v46 =	vor.u32 v5, v57;
	v10 =	vand.u32 $0x7000, v10;
	v53 =	vld.idx.msk [tilespmem:v12+s11+$0x0], $0xffff  }
0x25f: {  	v49 =	vor.u32 v44, v59;
	v12 =	vand.u32 $0x380, v62;
	v58 =	vadd.s32 v27, v10;
	[tilespmem:s30+$0x850] =	vst v41  }
0x260: {  	v57 =	vor.u32 v7, v63;
	[tilespmem:s24+$0x440] =	vst v47;
	v41 =	vor.u32 v12, v58;
	v47 =	vld.idx.msk [tilespmem:v60+s11+$0x0], $0xffff  }
0x261: {  	v59 =	vadd.s32 v29, v4;
	v62 =	vadd.s32 v35, v0;
	[tilespmem:s28+$0x30] =	vst v42;
	v61 =	vld.idx.msk [tilespmem:v48+s11+$0x0], $0xffff  }
0x262: {  	v63 =	vadd.s32 v14, v6;
	v48 =	vor.u32 v1, v62;
	v51 =	vld.idx.msk [tilespmem:v51+s11+$0x0], $0xffff;
	[tilespmem:s25+$0x810] =	vst v50  }
0x263: {  	v58 =	vadd.s32 v33, v2;
	v60 =	vand.u32 $0x7F, v25;
	v25 =	vshll.u32 v25, $0x3;
	[tilespmem:s26+$0x400] =	vst v53;
	v52 =	vld.idx.msk [tilespmem:v52+s11+$0x0], $0xffff  }
0x264: {  	v54 =	vor.u32 v5, v59;
	v25 =	vand.u32 $0xFFFFFC00, v25;
	v53 =	vor.u32 v3, v58;
	v46 =	vld.idx.msk [tilespmem:v46+s11+$0x0], $0xffff  }
0x265: {  	v25 =	vor.u32 v60, v25;
	v60 =	vadd.s32 v21, v10;
	v41 =	vld.idx.msk [tilespmem:v41+s11+$0x0], $0xffff;
	[tilespmem:s30+$0x860] =	vst v47  }
0x266: {  	[tilespmem:s24+$0x450] =	vst v61;
	v47 =	vor.u32 v12, v60;
	v61 =	vadd.s32 v19, v45;
	v42 =	vld.idx.msk [tilespmem:v49+s11+$0x0], $0xffff  }
0x267: {  	s3 =	simm.s32 $0x280;
	s9 =	simm.s32 $0xA00;
	v62 =	vadd.s32 v39, v0;
	[tilespmem:s28+$0x40] =	vst v51;
	v48 =	vld.idx.msk [tilespmem:v48+s11+$0x0], $0xffff;
	v49 =	vor.u32 v44, v61  }
0x268: {  	s0 =	sand.u32 $0x380, s3;
	s1 =	sand.u32 $0x3000, s9;
	v56 =	vadd.s32 v15, v45;
	v51 =	vor.u32 v1, v62;
	v50 =	vld.idx.msk [tilespmem:v57+s11+$0x0], $0xffff;
	[tilespmem:s25+$0x820] =	vst v52  }
0x269: {  	s0 =	sor.u32 s0, s1;
	v58 =	vadd.s32 v30, v2;
	v57 =	vor.u32 v7, v63;
	[tilespmem:s26+$0x410] =	vst v46;
	v46 =	vld.idx.msk [tilespmem:v53+s11+$0x0], $0xffff  }
0x26a: {  	v60 =	vadd.s32 v31, v4;
	[tilespmem:s0+$0x14200] =	vst v41;
	v53 =	vor.u32 v3, v58;
	v59 =	vld.idx.msk [tilespmem:v54+s11+$0x0], $0xffff  }
0x26b: {  	v61 =	vadd.s32 v13, v10;
	v47 =	vld.idx.msk [tilespmem:v47+s11+$0x0], $0xffff;
	v54 =	vor.u32 v5, v60;
	[tilespmem:s30+$0x870] =	vst v42  }
0x26c: {  	v62 =	vadd.s32 v22, v45;
	[tilespmem:s24+$0x460] =	vst v48;
	v42 =	vor.u32 v12, v61;
	v48 =	vld.idx.msk [tilespmem:v49+s11+$0x0], $0xffff  }
0x26d: {  	v63 =	vadd.s32 v40, v0;
	[tilespmem:s28+$0x50] =	vst v50;
	v50 =	vld.idx.msk [tilespmem:v51+s11+$0x0], $0xffff;
	v49 =	vor.u32 v44, v62  }
0x26e: {  	v51 =	vor.u32 v1, v63;
	v52 =	vld.idx.msk [tilespmem:v57+s11+$0x0], $0xffff;
	v57 =	vadd.s32 v20, v6;
	[tilespmem:s25+$0x830] =	vst v46  }
0x26f: {  	s29 =	sadd.s32 $0x14200, s0;
	v60 =	vadd.s32 v34, v2;
	v58 =	vor.u32 v7, v57;
	[tilespmem:s26+$0x420] =	vst v59;
	v59 =	vld.idx.msk [tilespmem:v53+s11+$0x0], $0xffff  }
0x270: {  	v62 =	vadd.s32 v36, v4;
	[tilespmem:s29+$0x10] =	vst v47;
	v53 =	vor.u32 v3, v60;
	v61 =	vld.idx.msk [tilespmem:v54+s11+$0x0], $0xffff  }
0x271: {  	v63 =	vadd.s32 v9, v10;
	v42 =	vld.idx.msk [tilespmem:v42+s11+$0x0], $0xffff;
	v54 =	vor.u32 v5, v62;
	[tilespmem:s30+$0xC00] =	vst v48  }
0x272: {  	v57 =	vadd.s32 v37, v0;
	[tilespmem:s24+$0x470] =	vst v50;
	v48 =	vor.u32 v12, v63;
	v49 =	vld.idx.msk [tilespmem:v49+s11+$0x0], $0xffff  }
0x273: {  	v60 =	vadd.s32 v38, v4;
	v50 =	vor.u32 v44, v56;
	[tilespmem:s28+$0x60] =	vst v52;
	v51 =	vld.idx.msk [tilespmem:v51+s11+$0x0], $0xffff  }
0x274: {  	v52 =	vor.u32 v1, v57;
	v46 =	vld.idx.msk [tilespmem:v58+s11+$0x0], $0xffff;
	v58 =	vadd.s32 v23, v6;
	[tilespmem:s25+$0x840] =	vst v59  }
0x275: {  	v41 =	vor.u32 v7, v58;
	v59 =	vadd.s32 v28, v2;
	[tilespmem:s26+$0x430] =	vst v61;
	v47 =	vld.idx.msk [tilespmem:v53+s11+$0x0], $0xffff  }
0x276: {  	v62 =	vadd.s32 v8, v10;
	[tilespmem:s29+$0x20] =	vst v42;
	v53 =	vor.u32 v3, v59;
	v54 =	vld.idx.msk [tilespmem:v54+s11+$0x0], $0xffff  }
0x277: {  	s3 =	simm.s32 $0x26;
	v56 =	vor.u32 v5, v60;
	v60 =	vadd.s32 v32, v0;
	v48 =	vld.idx.msk [tilespmem:v48+s11+$0x0], $0xffff;
	[tilespmem:s30+$0xC10] =	vst v49  }
0x278: {  	v61 =	vmov s3;
	v59 =	vadd.s32 v16, v45;
	[tilespmem:s24+$0x800] =	vst v51;
	v51 =	vor.u32 v12, v62;
	v50 =	vld.idx.msk [tilespmem:v50+s11+$0x0], $0xffff  }
0x279: {  	v63 =	vshll.u32 v61, $0x7;
	v55 =	vor.u32 v44, v59;
	v49 =	vshll.u32 v61, $0x9;
	[tilespmem:s28+$0x70] =	vst v46;
	v46 =	vld.idx.msk [tilespmem:v52+s11+$0x0], $0xffff  }
0x27a: {  	v61 =	vadd.s32 v26, v6;
	v52 =	vor.u32 v1, v60;
	v57 =	vld.idx.msk [tilespmem:v41+s11+$0x0], $0xffff;
	v41 =	vand.u32 $0x7000, v49;
	[tilespmem:s25+$0x850] =	vst v47  }
0x27b: {  	v42 =	vand.u32 $0x380, v63;
	v49 =	vor.u32 v7, v61;
	v62 =	vadd.s32 v27, v41;
	[tilespmem:s26+$0x440] =	vst v54;
	v53 =	vld.idx.msk [tilespmem:v53+s11+$0x0], $0xffff  }
0x27c: {  	v63 =	vadd.s32 v24, v2;
	v47 =	vor.u32 v42, v62;
	[tilespmem:s29+$0x30] =	vst v48;
	v48 =	vld.idx.msk [tilespmem:v56+s11+$0x0], $0xffff  }
0x27d: {  	v60 =	vand.u32 $0x7F, v43;
	v61 =	vadd.s32 v35, v4;
	v54 =	vor.u32 v3, v63;
	v51 =	vld.idx.msk [tilespmem:v51+s11+$0x0], $0xffff;
	[tilespmem:s30+$0xC20] =	vst v50  }
0x27e: {  	v43 =	vshll.u32 v43, $0x3;
	v58 =	vor.u32 v5, v61;
	v62 =	vadd.s32 v11, v10;
	[tilespmem:s24+$0x810] =	vst v46;
	v46 =	vld.idx.msk [tilespmem:v55+s11+$0x0], $0xffff  }
0x27f: {  	v43 =	vand.u32 $0xFFFFFC00, v43;
	v63 =	vadd.s32 v17, v45;
	v50 =	vor.u32 v12, v62;
	[tilespmem:s28+$0x400] =	vst v57;
	v52 =	vld.idx.msk [tilespmem:v52+s11+$0x0], $0xffff  }
0x280: {  	v43 =	vor.u32 v60, v43;
	v60 =	vadd.s32 v33, v0;
	v55 =	vor.u32 v44, v63;
	v49 =	vld.idx.msk [tilespmem:v49+s11+$0x0], $0xffff  }
0x281: {  	v61 =	vadd.s32 v29, v6;
	v56 =	vor.u32 v1, v60;
	v47 =	vld.idx.msk [tilespmem:v47+s11+$0x0], $0xffff;
	[tilespmem:s25+$0x860] =	vst v53  }
0x282: {  	v62 =	vadd.s32 v21, v41;
	v57 =	vor.u32 v7, v61;
	[tilespmem:s26+$0x450] =	vst v48;
	v48 =	vld.idx.msk [tilespmem:v54+s11+$0x0], $0xffff  }
0x283: {  	v63 =	vadd.s32 v19, v2;
	v53 =	vor.u32 v42, v62;
	[tilespmem:s29+$0x40] =	vst v51;
	v51 =	vld.idx.msk [tilespmem:v58+s11+$0x0], $0xffff  }
0x284: {  	s0 =	simm.s32 $0x300;
	s3 =	simm.s32 $0xC00;
	v60 =	vadd.s32 v39, v4;
	v54 =	vor.u32 v3, v63;
	v50 =	vld.idx.msk [tilespmem:v50+s11+$0x0], $0xffff;
	[tilespmem:s30+$0xC30] =	vst v46  }
0x285: {  	s31 =	sand.u32 $0x380, s0;
	s9 =	sand.u32 $0x3000, s3;
	v61 =	vadd.s32 v14, v10;
	v58 =	vor.u32 v5, v60;
	[tilespmem:s24+$0x820] =	vst v52;
	v52 =	vld.idx.msk [tilespmem:v55+s11+$0x0], $0xffff  }
0x286: {  	s1 =	sor.u32 s31, s9;
	v62 =	vadd.s32 v18, v45;
	v46 =	vor.u32 v12, v61;
	[tilespmem:s28+$0x410] =	vst v49;
	v49 =	vld.idx.msk [tilespmem:v56+s11+$0x0], $0xffff  }
0x287: {  	v63 =	vadd.s32 v30, v0;
	v55 =	vor.u32 v44, v62;
	[tilespmem:s1+$0x14200] =	vst v47;
	v47 =	vld.idx.msk [tilespmem:v57+s11+$0x0], $0xffff  }
0x288: {  	v60 =	vadd.s32 v31, v6;
	v56 =	vor.u32 v1, v63;
	v53 =	vld.idx.msk [tilespmem:v53+s11+$0x0], $0xffff;
	[tilespmem:s25+$0x870] =	vst v48  }
0x289: {  	v61 =	vadd.s32 v13, v41;
	v57 =	vor.u32 v7, v60;
	[tilespmem:s26+$0x460] =	vst v51;
	v51 =	vld.idx.msk [tilespmem:v54+s11+$0x0], $0xffff  }
0x28a: {  	v62 =	vadd.s32 v22, v2;
	v48 =	vor.u32 v42, v61;
	[tilespmem:s29+$0x50] =	vst v50;
	v50 =	vld.idx.msk [tilespmem:v58+s11+$0x0], $0xffff  }
0x28b: {  	v63 =	vadd.s32 v40, v4;
	v54 =	vor.u32 v3, v62;
	v46 =	vld.idx.msk [tilespmem:v46+s11+$0x0], $0xffff;
	[tilespmem:s30+$0xC40] =	vst v52  }
0x28c: {  	v60 =	vadd.s32 v20, v10;
	v58 =	vor.u32 v5, v63;
	[tilespmem:s24+$0x830] =	vst v49;
	v49 =	vld.idx.msk [tilespmem:v55+s11+$0x0], $0xffff  }
0x28d: {  	s31 =	sadd.s32 $0x14200, s1;
	v61 =	vadd.s32 v25, v45;
	v52 =	vor.u32 v12, v60;
	[tilespmem:s28+$0x420] =	vst v47;
	v47 =	vld.idx.msk [tilespmem:v56+s11+$0x0], $0xffff  }
0x28e: {  	v62 =	vadd.s32 v34, v0;
	v55 =	vor.u32 v44, v61;
	[tilespmem:s31+$0x10] =	vst v53;
	v56 =	vld.idx.msk [tilespmem:v57+s11+$0x0], $0xffff  }
0x28f: {  	v63 =	vadd.s32 v36, v6;
	v59 =	vor.u32 v1, v62;
	v57 =	vld.idx.msk [tilespmem:v48+s11+$0x0], $0xffff;
	[tilespmem:s25+$0xC00] =	vst v51  }
0x290: {  	v60 =	vor.u32 v7, v63;
	v51 =	vadd.s32 v9, v41;
	[tilespmem:s26+$0x470] =	vst v50;
	v50 =	vld.idx.msk [tilespmem:v54+s11+$0x0], $0xffff  }
0x291: {  	v51 =	vor.u32 v42, v51;
	[tilespmem:s29+$0x60] =	vst v46;
	v54 =	vadd.s32 v15, v2;
	v58 =	vld.idx.msk [tilespmem:v58+s11+$0x0], $0xffff  }
0x292: {  	v53 =	vadd.s32 v37, v4;
	v61 =	vld.idx.msk [tilespmem:v52+s11+$0x0], $0xffff;
	v62 =	vor.u32 v3, v54;
	[tilespmem:s30+$0xC50] =	vst v49  }
0x293: {  	v63 =	vor.u32 v5, v53;
	v54 =	vadd.s32 v23, v10;
	[tilespmem:s24+$0x840] =	vst v47;
	v49 =	vld.idx.msk [tilespmem:v55+s11+$0x0], $0xffff  }
0x294: {  	v45 =	vadd.s32 v43, v45;
	v53 =	vor.u32 v12, v54;
	[tilespmem:s28+$0x430] =	vst v56;
	v48 =	vld.idx.msk [tilespmem:v59+s11+$0x0], $0xffff  }
0x295: {  	v45 =	vor.u32 v44, v45;
	v59 =	vadd.s32 v28, v0;
	[tilespmem:s31+$0x20] =	vst v57;
	v46 =	vld.idx.msk [tilespmem:v60+s11+$0x0], $0xffff  }
0x296: {  	s9 =	simm.s32 $0x27;
	v44 =	vadd.s32 v38, v6;
	v52 =	vor.u32 v1, v59;
	v47 =	vld.idx.msk [tilespmem:v51+s11+$0x0], $0xffff;
	[tilespmem:s25+$0xC10] =	vst v50  }
0x297: {  	v54 =	vor.u32 v7, v44;
	v57 =	vmov s9;
	v60 =	vadd.s32 v8, v41;
	[tilespmem:s26+$0x800] =	vst v58;
	v50 =	vld.idx.msk [tilespmem:v62+s11+$0x0], $0xffff  }
0x298: {  	s1 =	simm.s32 $0x28;
	v44 =	vadd.s32 v16, v2;
	v56 =	vshll.u32 v57, $0x7;
	v55 =	vor.u32 v42, v60;
	[tilespmem:s29+$0x70] =	vst v61;
	v51 =	vld.idx.msk [tilespmem:v63+s11+$0x0], $0xffff  }
.LBB2_5:
0x299: {  	p0 =	sne.s32 s1, $0x3F;
	v57 =	vshll.u32 v57, $0x9;
	v53 =	vld.idx.msk [tilespmem:v53+s11+$0x0], $0xffff;
	v58 =	vadd.s32 v32, v4;
	v59 =	vor.u32 v3, v44;
	[tilespmem:s30+$0xC60] =	vst v49  }
0x29a: {  	v60 =	vadd.s32 v26, v10;
	v49 =	vand.u32 $0x7000, v57;
	v57 =	vor.u32 v5, v58;
	[tilespmem:s24+$0x850] =	vst v48;
	v48 =	vld.idx.msk [tilespmem:v45+s11+$0x0], $0xffff  }
0x29b: {  	v56 =	vand.u32 $0x380, v56;
	v58 =	vor.u32 v12, v60;
	v45 =	vadd.s32 v27, v49;
	[tilespmem:s28+$0x440] =	vst v46;
	v46 =	vld.idx.msk [tilespmem:v52+s11+$0x0], $0xffff  }
0x29c: {  	v44 =	vmov v10;
	v52 =	vor.u32 v56, v45;
	[tilespmem:s31+$0x30] =	vst v47;
	v47 =	vld.idx.msk [tilespmem:v54+s11+$0x0], $0xffff;
	v45 =	vadd.s32 v24, v0  }
0x29d: {  	v10 =	vmov v41;
	v54 =	vld.idx.msk [tilespmem:v55+s11+$0x0], $0xffff;
	v55 =	vadd.s32 v35, v6;
	v60 =	vor.u32 v1, v45;
	[tilespmem:s25+$0xC20] =	vst v50  }
0x29e: {  	v61 =	vadd.s32 v11, v10;
	v41 =	vmov v49;
	v50 =	vor.u32 v7, v55;
	[tilespmem:s26+$0x810] =	vst v51;
	v51 =	vld.idx.msk [tilespmem:v59+s11+$0x0], $0xffff  }
0x29f: {  	v49 =	vor.u32 v42, v61;
	v55 =	vadd.s32 v17, v2;
	[tilespmem:s29+$0x400] =	vst v53;
	v53 =	vld.idx.msk [tilespmem:v57+s11+$0x0], $0xffff;
	v45 =	vmov v3  }
0x2a0: {  	v3 =	vmov v1;
	v57 =	vld.idx.msk [tilespmem:v58+s11+$0x0], $0xffff;
	v58 =	vadd.s32 v33, v4;
	v55 =	vor.u32 v45, v55;
	[tilespmem:s30+$0xC70] =	vst v48;
	s30 =	smov.u32 s25;
	s25 =	smov.u32 s24;
	s24 =	smov.u32 s26  }
0x2a1: {  	v1 =	vmov v5;
	s26 =	smov.u32 s28;
	s28 =	smov.u32 s29;
	s29 =	smov.u32 s31;
	v48 =	vld.idx.msk [tilespmem:v52+s11+$0x0], $0xffff;
	v52 =	vadd.s32 v29, v44;
	v58 =	vor.u32 v5, v58;
	[tilespmem:s25+$0x860] =	vst v46  }
0x2a2: {  	v46 =	vadd.s32 v21, v41;
	v5 =	vmov v7;
	v52 =	vor.u32 v12, v52;
	[tilespmem:s26+$0x450] =	vst v47;
	v47 =	vld.idx.msk [tilespmem:v60+s11+$0x0], $0xffff  }
0x2a3: {  	v7 =	vmov v12;
	v46 =	vor.u32 v56, v46;
	[tilespmem:s29+$0x40] =	vst v54;
	v50 =	vld.idx.msk [tilespmem:v50+s11+$0x0], $0xffff;
	v54 =	vadd.s32 v19, v0  }
0x2a4: {  	s0 =	sadd.s32 $0x80, s0;
	s3 =	sadd.s32 $0x200, s3;
	v59 =	vadd.s32 v39, v6;
	v12 =	vmov v42;
	v49 =	vld.idx.msk [tilespmem:v49+s11+$0x0], $0xffff;
	v54 =	vor.u32 v3, v54;
	[tilespmem:s30+$0xC30] =	vst v51  }
0x2a5: {  	s9 =	sand.u32 $0x380, s0;
	s31 =	sand.u32 $0x3000, s3;
	v59 =	vor.u32 v5, v59;
	v42 =	vmov v56;
	v51 =	vadd.s32 v14, v10;
	[tilespmem:s24+$0x820] =	vst v53;
	v53 =	vld.idx.msk [tilespmem:v55+s11+$0x0], $0xffff  }
0x2a6: {  	s9 =	sor.u32 s9, s31;
	v56 =	vadd.s32 v18, v2;
	v51 =	vor.u32 v12, v51;
	[tilespmem:s28+$0x410] =	vst v57;
	v55 =	vld.idx.msk [tilespmem:v58+s11+$0x0], $0xffff  }
0x2a7: {  	v56 =	vor.u32 v45, v56;
	[tilespmem:s9+$0x14200] =	vst v48;
	v48 =	vld.idx.msk [tilespmem:v52+s11+$0x0], $0xffff;
	v52 =	vadd.s32 v30, v4  }
0x2a8: {  	v57 =	vadd.s32 v31, v44;
	v46 =	vld.idx.msk [tilespmem:v46+s11+$0x0], $0xffff;
	v52 =	vor.u32 v1, v52;
	[tilespmem:s25+$0x870] =	vst v47  }
0x2a9: {  	v57 =	vor.u32 v7, v57;
	v47 =	vadd.s32 v13, v41;
	[tilespmem:s26+$0x460] =	vst v50;
	v50 =	vld.idx.msk [tilespmem:v54+s11+$0x0], $0xffff  }
0x2aa: {  	v47 =	vor.u32 v42, v47;
	v54 =	vadd.s32 v22, v0;
	[tilespmem:s29+$0x50] =	vst v49;
	v49 =	vld.idx.msk [tilespmem:v59+s11+$0x0], $0xffff  }
0x2ab: {  	v58 =	vadd.s32 v40, v6;
	v54 =	vor.u32 v3, v54;
	v51 =	vld.idx.msk [tilespmem:v51+s11+$0x0], $0xffff;
	[tilespmem:s30+$0xC40] =	vst v53  }
0x2ac: {  	v58 =	vor.u32 v5, v58;
	v53 =	vadd.s32 v20, v10;
	[tilespmem:s24+$0x830] =	vst v55;
	v55 =	vld.idx.msk [tilespmem:v56+s11+$0x0], $0xffff  }
0x2ad: {  	s31 =	sadd.s32 $0x14200, s9;
	v53 =	vor.u32 v12, v53;
	[tilespmem:s28+$0x420] =	vst v48;
	v48 =	vld.idx.msk [tilespmem:v52+s11+$0x0], $0xffff;
	v52 =	vadd.s32 v25, v2  }
0x2ae: {  	v56 =	vadd.s32 v34, v4;
	[tilespmem:s31+$0x10] =	vst v46;
	v46 =	vld.idx.msk [tilespmem:v57+s11+$0x0], $0xffff;
	v52 =	vor.u32 v45, v52  }
0x2af: {  	v56 =	vor.u32 v1, v56;
	v57 =	vadd.s32 v36, v44;
	v47 =	vld.idx.msk [tilespmem:v47+s11+$0x0], $0xffff;
	[tilespmem:s25+$0xC00] =	vst v50  }
0x2b0: {  	v50 =	vadd.s32 v9, v41;
	v57 =	vor.u32 v7, v57;
	[tilespmem:s26+$0x470] =	vst v49;
	v54 =	vld.idx.msk [tilespmem:v54+s11+$0x0], $0xffff  }
0x2b1: {  	v50 =	vor.u32 v42, v50;
	v49 =	vadd.s32 v15, v0;
	[tilespmem:s29+$0x60] =	vst v51;
	v51 =	vld.idx.msk [tilespmem:v58+s11+$0x0], $0xffff  }
0x2b2: {  	v59 =	vor.u32 v3, v49;
	v58 =	vld.idx.msk [tilespmem:v53+s11+$0x0], $0xffff;
	v53 =	vadd.s32 v37, v6;
	[tilespmem:s30+$0xC50] =	vst v55  }
0x2b3: {  	v55 =	vadd.s32 v23, v10;
	v60 =	vor.u32 v5, v53;
	[tilespmem:s24+$0x840] =	vst v48;
	v49 =	vld.idx.msk [tilespmem:v52+s11+$0x0], $0xffff  }
.Ltmp1:
0x2b4: {  	v53 =	vor.u32 v12, v55;
	v52 =	vadd.s32 v43, v2;
	v2 =	vmov v0;
	[tilespmem:s28+$0x430] =	vst v46;
	v48 =	vld.idx.msk [tilespmem:v56+s11+$0x0], $0xffff;
	(pc) =	sbr.rel @p0 .LBB2_5-.Ltmp1, $4  }
0x2b5: {  	v55 =	vadd.s32 v28, v4;
	v0 =	vmov v4;
	v45 =	vor.u32 v45, v52;
	[tilespmem:s31+$0x20] =	vst v47;
	v46 =	vld.idx.msk [tilespmem:v57+s11+$0x0], $0xffff  }
0x2b6: {  	v4 =	vmov v6;
	v52 =	vor.u32 v1, v55;
	v47 =	vld.idx.msk [tilespmem:v50+s11+$0x0], $0xffff;
	v50 =	vadd.s32 v38, v44;
	[tilespmem:s25+$0xC10] =	vst v54  }
0x2b7: {  	v6 =	vmovc v44;
	v55 =	vadd.s32 v8, v41;
	v57 =	vmov s1;
	v54 =	vor.u32 v7, v50;
	[tilespmem:s26+$0x800] =	vst v51;
	v50 =	vld.idx.msk [tilespmem:v59+s11+$0x0], $0xffff  }
0x2b8: {  	s1 =	sadd.s32 $0x1, s1;
	v55 =	vor.u32 v42, v55;
	v56 =	vshll.u32 v57, $0x7;
	v44 =	vadd.s32 v16, v2;
	[tilespmem:s29+$0x70] =	vst v58;
	v51 =	vld.idx.msk [tilespmem:v60+s11+$0x0], $0xffff  }
0x2b9: {  	_ =	sdelay $0x2  }
0x2ba: {  	[tilespmem:s30+$0xC60] =	vst v49  }
0x2bb: {  	v57 =	vshll.u32 v57, $0x9;
	v53 =	vld.idx.msk [tilespmem:v53+s11+$0x0], $0xffff;
	v58 =	vadd.s32 v32, v4;
	v59 =	vor.u32 v3, v44;
	[tilespmem:s24+$0x850] =	vst v48  }
0x2bc: {  	v62 =	vadd.s32 v26, v10;
	v44 =	vand.u32 $0x7000, v57;
	v63 =	vor.u32 v5, v58;
	v48 =	vld.idx.msk [tilespmem:v45+s11+$0x0], $0xffff;
	[tilespmem:s28+$0x440] =	vst v46  }
0x2bd: {  	v45 =	vand.u32 $0x380, v56;
	v49 =	vor.u32 v12, v62;
	v46 =	vld.idx.msk [tilespmem:v52+s11+$0x0], $0xffff;
	v27 =	vadd.s32 v27, v44;
	[tilespmem:s31+$0x30] =	vst v47  }
0x2be: {  	v58 =	vadd.s32 v24, v0;
	v47 =	vld.idx.msk [tilespmem:v54+s11+$0x0], $0xffff;
	v27 =	vor.u32 v45, v27;
	[tilespmem:s25+$0xC20] =	vst v50  }
0x2bf: {  	v60 =	vadd.s32 v35, v6;
	v52 =	vor.u32 v1, v58;
	v54 =	vld.idx.msk [tilespmem:v55+s11+$0x0], $0xffff;
	[tilespmem:s26+$0x810] =	vst v51  }
0x2c0: {  	v61 =	vadd.s32 v11, v41;
	v55 =	vor.u32 v7, v60;
	v51 =	vld.idx.msk [tilespmem:v59+s11+$0x0], $0xffff;
	[tilespmem:s29+$0x400] =	vst v53  }
0x2c1: {  	v62 =	vadd.s32 v17, v2;
	v50 =	vor.u32 v42, v61;
	v53 =	vld.idx.msk [tilespmem:v63+s11+$0x0], $0xffff;
	[tilespmem:s30+$0xC70] =	vst v48  }
0x2c2: {  	v56 =	vor.u32 v3, v62;
	v49 =	vld.idx.msk [tilespmem:v49+s11+$0x0], $0xffff;
	v63 =	vadd.s32 v33, v4;
	[tilespmem:s24+$0x860] =	vst v46  }
0x2c3: {  	v21 =	vadd.s32 v21, v44;
	v57 =	vor.u32 v5, v63;
	[tilespmem:s28+$0x450] =	vst v47;
	v27 =	vld.idx.msk [tilespmem:v27+s11+$0x0], $0xffff  }
0x2c4: {  	v60 =	vadd.s32 v29, v10;
	v21 =	vor.u32 v45, v21;
	v62 =	vld.idx.msk [tilespmem:v52+s11+$0x0], $0xffff;
	[tilespmem:s31+$0x40] =	vst v54  }
0x2c5: {  	s0 =	sadd.s32 $0x80, s0;
	s1 =	sadd.s32 $0x200, s3;
	v61 =	vor.u32 v12, v60;
	v63 =	vadd.s32 v19, v0;
	v48 =	vld.idx.msk [tilespmem:v55+s11+$0x0], $0xffff;
	[tilespmem:s25+$0xC30] =	vst v51  }
0x2c6: {  	s1 =	sand.u32 $0x3000, s1;
	s0 =	sand.u32 $0x380, s0;
	v58 =	vadd.s32 v39, v6;
	v52 =	vor.u32 v1, v63;
	v50 =	vld.idx.msk [tilespmem:v50+s11+$0x0], $0xffff;
	[tilespmem:s26+$0x820] =	vst v53  }
0x2c7: {  	s0 =	sor.u32 s0, s1;
	v59 =	vadd.s32 v14, v41;
	v54 =	vor.u32 v7, v58;
	v53 =	vld.idx.msk [tilespmem:v56+s11+$0x0], $0xffff;
	[tilespmem:s29+$0x410] =	vst v49  }
0x2c8: {  	v60 =	vadd.s32 v18, v2;
	v51 =	vor.u32 v42, v59;
	v49 =	vld.idx.msk [tilespmem:v57+s11+$0x0], $0xffff;
	[tilespmem:s0+$0x14200] =	vst v27  }
0x2c9: {  	v13 =	vadd.s32 v13, v44;
	v55 =	vor.u32 v3, v60;
	[tilespmem:s24+$0x870] =	vst v62;
	v56 =	vld.idx.msk [tilespmem:v21+s11+$0x0], $0xffff  }
0x2ca: {  	v63 =	vor.u32 v45, v13;
	v27 =	vld.idx.msk [tilespmem:v61+s11+$0x0], $0xffff;
	v61 =	vadd.s32 v30, v4;
	[tilespmem:s28+$0x460] =	vst v48  }
0x2cb: {  	v62 =	vadd.s32 v31, v10;
	v47 =	vld.idx.msk [tilespmem:v52+s11+$0x0], $0xffff;
	v21 =	vor.u32 v5, v61;
	[tilespmem:s31+$0x50] =	vst v50  }
0x2cc: {  	v13 =	vadd.s32 v22, v0;
	v46 =	vor.u32 v12, v62;
	v57 =	vld.idx.msk [tilespmem:v54+s11+$0x0], $0xffff;
	[tilespmem:s25+$0xC40] =	vst v53  }
0x2cd: {  	s9 =	sadd.s32 $0x14200, s0;
	v58 =	vadd.s32 v40, v6;
	v59 =	vor.u32 v1, v13;
	v51 =	vld.idx.msk [tilespmem:v51+s11+$0x0], $0xffff;
	[tilespmem:s26+$0x830] =	vst v49  }
0x2ce: {  	v60 =	vadd.s32 v20, v41;
	v52 =	vor.u32 v7, v58;
	v13 =	vld.idx.msk [tilespmem:v55+s11+$0x0], $0xffff;
	[tilespmem:s9+$0x10] =	vst v56  }
0x2cf: {  	v9 =	vadd.s32 v9, v44;
	v61 =	vor.u32 v42, v60;
	[tilespmem:s29+$0x420] =	vst v27;
	v27 =	vld.idx.msk [tilespmem:v63+s11+$0x0], $0xffff  }
0x2d0: {  	v62 =	vor.u32 v45, v9;
	v21 =	vld.idx.msk [tilespmem:v21+s11+$0x0], $0xffff  }
0x2d1: {  	[tilespmem:s24+$0xC00] =	vst v47;
	v46 =	vld.idx.msk [tilespmem:v46+s11+$0x0], $0xffff  }
0x2d2: {  	[tilespmem:s28+$0x470] =	vst v57;
	v9 =	vld.idx.msk [tilespmem:v59+s11+$0x0], $0xffff  }
0x2d3: {  	[tilespmem:s31+$0x60] =	vst v51;
	v63 =	vld.idx.msk [tilespmem:v52+s11+$0x0], $0xffff  }
0x2d4: {  	v49 =	vld.idx.msk [tilespmem:v61+s11+$0x0], $0xffff;
	[tilespmem:s9+$0x20] =	vst v27  }
0x2d5: {  	v8 =	vadd.s32 v8, v44;
	v27 =	vld.idx.msk [tilespmem:v62+s11+$0x0], $0xffff  }
0x2d6: {  	v8 =	vor.u32 v45, v8;
	_ =	sdelay $0x3  }
0x2d7: {  	[tilespmem:s9+$0x30] =	vst v27  }
0x2d8: {  	v11 =	vadd.s32 v11, v44;
	v8 =	vld.idx.msk [tilespmem:v8+s11+$0x0], $0xffff  }
0x2d9: {  	v11 =	vor.u32 v45, v11;
	_ =	sdelay $0x3  }
0x2da: {  	[tilespmem:s9+$0x40] =	vst v8  }
0x2db: {  	v8 =	vld.idx.msk [tilespmem:v11+s11+$0x0], $0xffff;
	v11 =	vadd.s32 v14, v44  }
0x2dc: {  	v11 =	vor.u32 v45, v11;
	_ =	sdelay $0x3  }
0x2dd: {  	[tilespmem:s9+$0x50] =	vst v8  }
0x2de: {  	v8 =	vld.idx.msk [tilespmem:v11+s11+$0x0], $0xffff;
	v11 =	vadd.s32 v20, v44  }
0x2df: {  	v11 =	vor.u32 v45, v11;
	_ =	sdelay $0x3  }
0x2e0: {  	v14 =	vadd.s32 v23, v41;
	[tilespmem:s9+$0x60] =	vst v8  }
0x2e1: {  	v8 =	vor.u32 v42, v14;
	v14 =	vadd.s32 v23, v44;
	v11 =	vld.idx.msk [tilespmem:v11+s11+$0x0], $0xffff  }
0x2e2: {  	v14 =	vor.u32 v45, v14;
	_ =	sdelay $0x2  }
0x2e3: {  	[tilespmem:s31+$0x70] =	vst v49  }
0x2e4: {  	v20 =	vadd.s32 v26, v41;
	v8 =	vld.idx.msk [tilespmem:v8+s11+$0x0], $0xffff;
	[tilespmem:s9+$0x70] =	vst v11  }
0x2e5: {  	v11 =	vor.u32 v42, v20;
	v20 =	vadd.s32 v26, v44;
	v14 =	vld.idx.msk [tilespmem:v14+s11+$0x0], $0xffff  }
0x2e6: {  	v20 =	vor.u32 v45, v20;
	_ =	sdelay $0x2  }
0x2e7: {  	[tilespmem:s31+$0x400] =	vst v8  }
0x2e8: {  	v8 =	vld.idx.msk [tilespmem:v11+s11+$0x0], $0xffff;
	v11 =	vadd.s32 v29, v41;
	[tilespmem:s9+$0x400] =	vst v14  }
0x2e9: {  	v11 =	vor.u32 v42, v11;
	v14 =	vld.idx.msk [tilespmem:v20+s11+$0x0], $0xffff;
	v20 =	vadd.s32 v29, v44  }
0x2ea: {  	v20 =	vor.u32 v45, v20;
	_ =	sdelay $0x2  }
0x2eb: {  	[tilespmem:s31+$0x410] =	vst v8  }
0x2ec: {  	v8 =	vld.idx.msk [tilespmem:v11+s11+$0x0], $0xffff;
	v11 =	vadd.s32 v31, v41;
	[tilespmem:s9+$0x410] =	vst v14  }
0x2ed: {  	v11 =	vor.u32 v42, v11;
	v14 =	vld.idx.msk [tilespmem:v20+s11+$0x0], $0xffff;
	v20 =	vadd.s32 v31, v44  }
0x2ee: {  	v20 =	vor.u32 v45, v20;
	_ =	sdelay $0x2  }
0x2ef: {  	v23 =	vadd.s32 v36, v10;
	[tilespmem:s31+$0x420] =	vst v8  }
0x2f0: {  	v8 =	vor.u32 v12, v23;
	v23 =	vadd.s32 v36, v41;
	v11 =	vld.idx.msk [tilespmem:v11+s11+$0x0], $0xffff;
	[tilespmem:s9+$0x420] =	vst v14  }
0x2f1: {  	v14 =	vor.u32 v42, v23;
	v23 =	vadd.s32 v36, v44;
	v20 =	vld.idx.msk [tilespmem:v20+s11+$0x0], $0xffff  }
0x2f2: {  	v23 =	vor.u32 v45, v23;
	_ =	sdelay $0x1  }
0x2f3: {  	[tilespmem:s29+$0x430] =	vst v46  }
0x2f4: {  	v26 =	vadd.s32 v38, v10;
	v8 =	vld.idx.msk [tilespmem:v8+s11+$0x0], $0xffff;
	[tilespmem:s31+$0x430] =	vst v11  }
0x2f5: {  	v11 =	vor.u32 v12, v26;
	v26 =	vadd.s32 v38, v41;
	v14 =	vld.idx.msk [tilespmem:v14+s11+$0x0], $0xffff;
	[tilespmem:s9+$0x430] =	vst v20  }
0x2f6: {  	v20 =	vor.u32 v42, v26;
	v26 =	vadd.s32 v38, v44;
	v23 =	vld.idx.msk [tilespmem:v23+s11+$0x0], $0xffff  }
0x2f7: {  	v26 =	vor.u32 v45, v26;
	_ =	sdelay $0x1  }
0x2f8: {  	[tilespmem:s29+$0x440] =	vst v8  }
0x2f9: {  	v8 =	vld.idx.msk [tilespmem:v11+s11+$0x0], $0xffff;
	v11 =	vadd.s32 v35, v10;
	[tilespmem:s31+$0x440] =	vst v14  }
0x2fa: {  	v11 =	vor.u32 v12, v11;
	v14 =	vld.idx.msk [tilespmem:v20+s11+$0x0], $0xffff;
	v20 =	vadd.s32 v35, v41;
	[tilespmem:s9+$0x440] =	vst v23  }
0x2fb: {  	v20 =	vor.u32 v42, v20;
	v23 =	vld.idx.msk [tilespmem:v26+s11+$0x0], $0xffff;
	v26 =	vadd.s32 v35, v44  }
0x2fc: {  	v26 =	vor.u32 v45, v26;
	_ =	sdelay $0x1  }
0x2fd: {  	[tilespmem:s29+$0x450] =	vst v8  }
0x2fe: {  	v8 =	vld.idx.msk [tilespmem:v11+s11+$0x0], $0xffff;
	v11 =	vadd.s32 v39, v10;
	[tilespmem:s31+$0x450] =	vst v14  }
0x2ff: {  	v11 =	vor.u32 v12, v11;
	v14 =	vld.idx.msk [tilespmem:v20+s11+$0x0], $0xffff;
	v20 =	vadd.s32 v39, v41;
	[tilespmem:s9+$0x450] =	vst v23  }
0x300: {  	v20 =	vor.u32 v42, v20;
	v23 =	vld.idx.msk [tilespmem:v26+s11+$0x0], $0xffff;
	v26 =	vadd.s32 v39, v44  }
0x301: {  	v26 =	vor.u32 v45, v26;
	_ =	sdelay $0x1  }
0x302: {  	[tilespmem:s29+$0x460] =	vst v8  }
0x303: {  	v8 =	vld.idx.msk [tilespmem:v11+s11+$0x0], $0xffff;
	v11 =	vadd.s32 v40, v10;
	[tilespmem:s31+$0x460] =	vst v14  }
0x304: {  	v11 =	vor.u32 v12, v11;
	v14 =	vld.idx.msk [tilespmem:v20+s11+$0x0], $0xffff;
	v20 =	vadd.s32 v40, v41;
	[tilespmem:s9+$0x460] =	vst v23  }
0x305: {  	v20 =	vor.u32 v42, v20;
	v23 =	vld.idx.msk [tilespmem:v26+s11+$0x0], $0xffff;
	v26 =	vadd.s32 v40, v44  }
0x306: {  	v26 =	vor.u32 v45, v26;
	_ =	sdelay $0x1  }
0x307: {  	v27 =	vadd.s32 v37, v6;
	[tilespmem:s29+$0x470] =	vst v8  }
0x308: {  	v8 =	vor.u32 v7, v27;
	v27 =	vadd.s32 v37, v10;
	v11 =	vld.idx.msk [tilespmem:v11+s11+$0x0], $0xffff;
	[tilespmem:s31+$0x470] =	vst v14  }
0x309: {  	v14 =	vor.u32 v12, v27;
	v27 =	vadd.s32 v37, v41;
	v20 =	vld.idx.msk [tilespmem:v20+s11+$0x0], $0xffff;
	[tilespmem:s9+$0x470] =	vst v23  }
0x30a: {  	v23 =	vor.u32 v42, v27;
	v27 =	vadd.s32 v37, v44;
	v26 =	vld.idx.msk [tilespmem:v26+s11+$0x0], $0xffff  }
0x30b: {  	v27 =	vor.u32 v45, v27  }
0x30c: {  	[tilespmem:s28+$0x800] =	vst v63  }
0x30d: {  	v29 =	vadd.s32 v32, v6;
	v8 =	vld.idx.msk [tilespmem:v8+s11+$0x0], $0xffff;
	[tilespmem:s29+$0x800] =	vst v11  }
0x30e: {  	v11 =	vor.u32 v7, v29;
	v29 =	vadd.s32 v32, v10;
	v14 =	vld.idx.msk [tilespmem:v14+s11+$0x0], $0xffff;
	[tilespmem:s31+$0x800] =	vst v20  }
0x30f: {  	v20 =	vor.u32 v12, v29;
	v29 =	vadd.s32 v32, v41;
	v23 =	vld.idx.msk [tilespmem:v23+s11+$0x0], $0xffff;
	[tilespmem:s9+$0x800] =	vst v26  }
0x310: {  	v26 =	vor.u32 v42, v29;
	v29 =	vadd.s32 v32, v44;
	v27 =	vld.idx.msk [tilespmem:v27+s11+$0x0], $0xffff  }
0x311: {  	v29 =	vor.u32 v45, v29  }
0x312: {  	[tilespmem:s28+$0x810] =	vst v8  }
0x313: {  	v8 =	vld.idx.msk [tilespmem:v11+s11+$0x0], $0xffff;
	v11 =	vadd.s32 v33, v6;
	[tilespmem:s29+$0x810] =	vst v14  }
0x314: {  	v11 =	vor.u32 v7, v11;
	v14 =	vld.idx.msk [tilespmem:v20+s11+$0x0], $0xffff;
	v20 =	vadd.s32 v33, v10;
	[tilespmem:s31+$0x810] =	vst v23  }
0x315: {  	v20 =	vor.u32 v12, v20;
	v23 =	vld.idx.msk [tilespmem:v26+s11+$0x0], $0xffff;
	v26 =	vadd.s32 v33, v41;
	[tilespmem:s9+$0x810] =	vst v27  }
0x316: {  	v26 =	vor.u32 v42, v26;
	v27 =	vld.idx.msk [tilespmem:v29+s11+$0x0], $0xffff;
	v29 =	vadd.s32 v33, v44  }
0x317: {  	v29 =	vor.u32 v45, v29  }
0x318: {  	[tilespmem:s28+$0x820] =	vst v8  }
0x319: {  	v8 =	vld.idx.msk [tilespmem:v11+s11+$0x0], $0xffff;
	v11 =	vadd.s32 v30, v6;
	[tilespmem:s29+$0x820] =	vst v14  }
0x31a: {  	v11 =	vor.u32 v7, v11;
	v14 =	vld.idx.msk [tilespmem:v20+s11+$0x0], $0xffff;
	v20 =	vadd.s32 v30, v10;
	[tilespmem:s31+$0x820] =	vst v23  }
0x31b: {  	v20 =	vor.u32 v12, v20;
	v23 =	vld.idx.msk [tilespmem:v26+s11+$0x0], $0xffff;
	v26 =	vadd.s32 v30, v41;
	[tilespmem:s9+$0x820] =	vst v27  }
0x31c: {  	v26 =	vor.u32 v42, v26;
	v27 =	vld.idx.msk [tilespmem:v29+s11+$0x0], $0xffff;
	v29 =	vadd.s32 v30, v44  }
0x31d: {  	v29 =	vor.u32 v45, v29  }
0x31e: {  	[tilespmem:s28+$0x830] =	vst v8;
	v30 =	vadd.s32 v34, v4  }
0x31f: {  	v11 =	vld.idx.msk [tilespmem:v11+s11+$0x0], $0xffff;
	v8 =	vor.u32 v5, v30;
	v30 =	vadd.s32 v34, v6;
	[tilespmem:s29+$0x830] =	vst v14  }
0x320: {  	v14 =	vor.u32 v7, v30;
	v20 =	vld.idx.msk [tilespmem:v20+s11+$0x0], $0xffff;
	v30 =	vadd.s32 v34, v10;
	[tilespmem:s31+$0x830] =	vst v23  }
0x321: {  	v23 =	vor.u32 v12, v30;
	v30 =	vadd.s32 v34, v41;
	v26 =	vld.idx.msk [tilespmem:v26+s11+$0x0], $0xffff;
	[tilespmem:s9+$0x830] =	vst v27  }
0x322: {  	v27 =	vor.u32 v42, v30;
	v30 =	vadd.s32 v34, v44;
	v29 =	vld.idx.msk [tilespmem:v29+s11+$0x0], $0xffff  }
0x323: {  	[tilespmem:s26+$0x840] =	vst v21;
	v21 =	vor.u32 v45, v30  }
0x324: {  	[tilespmem:s28+$0x840] =	vst v11;
	v8 =	vld.idx.msk [tilespmem:v8+s11+$0x0], $0xffff;
	v30 =	vadd.s32 v28, v4  }
0x325: {  	v11 =	vor.u32 v5, v30;
	v14 =	vld.idx.msk [tilespmem:v14+s11+$0x0], $0xffff;
	v30 =	vadd.s32 v28, v6;
	[tilespmem:s29+$0x840] =	vst v20  }
0x326: {  	v20 =	vor.u32 v7, v30;
	v23 =	vld.idx.msk [tilespmem:v23+s11+$0x0], $0xffff;
	v30 =	vadd.s32 v28, v10;
	[tilespmem:s31+$0x840] =	vst v26  }
0x327: {  	v26 =	vor.u32 v12, v30;
	v30 =	vadd.s32 v28, v41;
	v27 =	vld.idx.msk [tilespmem:v27+s11+$0x0], $0xffff;
	[tilespmem:s9+$0x840] =	vst v29  }
0x328: {  	v28 =	vadd.s32 v28, v44;
	v29 =	vor.u32 v42, v30;
	v21 =	vld.idx.msk [tilespmem:v21+s11+$0x0], $0xffff  }
0x329: {  	[tilespmem:s26+$0x850] =	vst v8;
	v8 =	vor.u32 v45, v28  }
0x32a: {  	v28 =	vadd.s32 v24, v4;
	v11 =	vld.idx.msk [tilespmem:v11+s11+$0x0], $0xffff;
	[tilespmem:s28+$0x850] =	vst v14  }
0x32b: {  	v14 =	vor.u32 v5, v28;
	v28 =	vadd.s32 v24, v6;
	v20 =	vld.idx.msk [tilespmem:v20+s11+$0x0], $0xffff;
	[tilespmem:s29+$0x850] =	vst v23  }
0x32c: {  	v23 =	vor.u32 v7, v28;
	v28 =	vadd.s32 v24, v10;
	v26 =	vld.idx.msk [tilespmem:v26+s11+$0x0], $0xffff;
	[tilespmem:s31+$0x850] =	vst v27  }
0x32d: {  	v27 =	vor.u32 v12, v28;
	v28 =	vld.idx.msk [tilespmem:v29+s11+$0x0], $0xffff;
	v29 =	vadd.s32 v24, v41;
	[tilespmem:s9+$0x850] =	vst v21  }
0x32e: {  	[tilespmem:s25+$0xC50] =	vst v13;
	v13 =	vor.u32 v42, v29;
	v21 =	vadd.s32 v24, v44;
	v8 =	vld.idx.msk [tilespmem:v8+s11+$0x0], $0xffff  }
0x32f: {  	v24 =	vadd.s32 v25, v2;
	[tilespmem:s26+$0x860] =	vst v11;
	v11 =	vor.u32 v45, v21  }
0x330: {  	v21 =	vor.u32 v3, v24;
	v14 =	vld.idx.msk [tilespmem:v14+s11+$0x0], $0xffff;
	v24 =	vadd.s32 v19, v4;
	[tilespmem:s28+$0x860] =	vst v20  }
0x331: {  	v20 =	vor.u32 v5, v24;
	v23 =	vld.idx.msk [tilespmem:v23+s11+$0x0], $0xffff;
	v24 =	vadd.s32 v19, v6;
	[tilespmem:s29+$0x860] =	vst v26  }
0x332: {  	v24 =	vor.u32 v7, v24;
	v26 =	vld.idx.msk [tilespmem:v27+s11+$0x0], $0xffff;
	v27 =	vadd.s32 v19, v10;
	[tilespmem:s31+$0x860] =	vst v28  }
0x333: {  	v27 =	vor.u32 v12, v27;
	v28 =	vadd.s32 v19, v41;
	v13 =	vld.idx.msk [tilespmem:v13+s11+$0x0], $0xffff;
	[tilespmem:s9+$0x860] =	vst v8  }
0x334: {  	[tilespmem:s24+$0xC10] =	vst v9;
	v8 =	vor.u32 v42, v28;
	v9 =	vld.idx.msk [tilespmem:v11+s11+$0x0], $0xffff;
	v11 =	vadd.s32 v19, v44  }
0x335: {  	v21 =	vld.idx.msk [tilespmem:v21+s11+$0x0], $0xffff;
	[tilespmem:s26+$0x870] =	vst v14;
	v19 =	vadd.s32 v15, v0;
	v11 =	vor.u32 v45, v11  }
0x336: {  	[tilespmem:s28+$0x870] =	vst v23;
	v14 =	vor.u32 v1, v19;
	v19 =	vld.idx.msk [tilespmem:v20+s11+$0x0], $0xffff;
	v20 =	vadd.s32 v22, v4  }
0x337: {  	v23 =	vld.idx.msk [tilespmem:v24+s11+$0x0], $0xffff;
	v24 =	vadd.s32 v22, v6;
	[tilespmem:s29+$0x870] =	vst v26;
	v20 =	vor.u32 v5, v20  }
0x338: {  	v24 =	vor.u32 v7, v24;
	v26 =	vld.idx.msk [tilespmem:v27+s11+$0x0], $0xffff;
	v27 =	vadd.s32 v22, v10;
	[tilespmem:s31+$0x870] =	vst v13  }
0x339: {  	v13 =	vor.u32 v12, v27;
	v27 =	vadd.s32 v22, v41;
	v8 =	vld.idx.msk [tilespmem:v8+s11+$0x0], $0xffff;
	[tilespmem:s9+$0x870] =	vst v9  }
0x33a: {  	[tilespmem:s25+$0xC60] =	vst v21;
	v21 =	vadd.s32 v22, v44;
	v9 =	vor.u32 v42, v27;
	v11 =	vld.idx.msk [tilespmem:v11+s11+$0x0], $0xffff  }
0x33b: {  	v2 =	vadd.s32 v43, v2;
	v14 =	vld.idx.msk [tilespmem:v14+s11+$0x0], $0xffff;
	[tilespmem:s26+$0xC00] =	vst v19;
	v19 =	vor.u32 v45, v21  }
0x33c: {  	v2 =	vor.u32 v3, v2;
	[tilespmem:s28+$0xC00] =	vst v23;
	v3 =	vld.idx.msk [tilespmem:v20+s11+$0x0], $0xffff;
	v20 =	vadd.s32 v15, v4  }
0x33d: {  	v22 =	vadd.s32 v15, v6;
	v21 =	vld.idx.msk [tilespmem:v24+s11+$0x0], $0xffff;
	[tilespmem:s29+$0xC00] =	vst v26;
	v20 =	vor.u32 v5, v20  }
0x33e: {  	v22 =	vor.u32 v7, v22;
	v23 =	vadd.s32 v15, v10;
	v13 =	vld.idx.msk [tilespmem:v13+s11+$0x0], $0xffff;
	[tilespmem:s31+$0xC00] =	vst v8  }
0x33f: {  	v8 =	vor.u32 v12, v23;
	v23 =	vadd.s32 v15, v41;
	v9 =	vld.idx.msk [tilespmem:v9+s11+$0x0], $0xffff;
	[tilespmem:s9+$0xC00] =	vst v11  }
0x340: {  	v15 =	vadd.s32 v15, v44;
	[tilespmem:s24+$0xC20] =	vst v14;
	v11 =	vor.u32 v42, v23;
	v14 =	vld.idx.msk [tilespmem:v19+s11+$0x0], $0xffff  }
0x341: {  	v2 =	vld.idx.msk [tilespmem:v2+s11+$0x0], $0xffff;
	v19 =	vadd.s32 v16, v0;
	[tilespmem:s26+$0xC10] =	vst v3;
	v3 =	vor.u32 v45, v15  }
0x342: {  	[tilespmem:s28+$0xC10] =	vst v21;
	v15 =	vor.u32 v1, v19;
	v19 =	vld.idx.msk [tilespmem:v20+s11+$0x0], $0xffff;
	v20 =	vadd.s32 v16, v4  }
0x343: {  	v21 =	vld.idx.msk [tilespmem:v22+s11+$0x0], $0xffff;
	v22 =	vadd.s32 v16, v6;
	[tilespmem:s29+$0xC10] =	vst v13;
	v20 =	vor.u32 v5, v20  }
0x344: {  	v13 =	vor.u32 v7, v22;
	v8 =	vld.idx.msk [tilespmem:v8+s11+$0x0], $0xffff;
	v22 =	vadd.s32 v16, v10;
	[tilespmem:s31+$0xC10] =	vst v9  }
0x345: {  	v9 =	vor.u32 v12, v22;
	v22 =	vadd.s32 v16, v41;
	v11 =	vld.idx.msk [tilespmem:v11+s11+$0x0], $0xffff;
	[tilespmem:s9+$0xC10] =	vst v14  }
0x346: {  	[tilespmem:s25+$0xC70] =	vst v2;
	v2 =	vor.u32 v42, v22;
	v14 =	vadd.s32 v16, v44;
	v3 =	vld.idx.msk [tilespmem:v3+s11+$0x0], $0xffff  }
0x347: {  	v16 =	vadd.s32 v17, v0;
	v15 =	vld.idx.msk [tilespmem:v15+s11+$0x0], $0xffff;
	[tilespmem:s26+$0xC20] =	vst v19;
	v14 =	vor.u32 v45, v14  }
0x348: {  	v16 =	vor.u32 v1, v16;
	[tilespmem:s28+$0xC20] =	vst v21;
	v19 =	vld.idx.msk [tilespmem:v20+s11+$0x0], $0xffff;
	v20 =	vadd.s32 v17, v4  }
0x349: {  	v21 =	vadd.s32 v17, v6;
	v13 =	vld.idx.msk [tilespmem:v13+s11+$0x0], $0xffff;
	[tilespmem:s29+$0xC20] =	vst v8;
	v20 =	vor.u32 v5, v20  }
0x34a: {  	v8 =	vor.u32 v7, v21;
	v21 =	vadd.s32 v17, v10;
	v9 =	vld.idx.msk [tilespmem:v9+s11+$0x0], $0xffff;
	[tilespmem:s31+$0xC20] =	vst v11  }
0x34b: {  	v11 =	vor.u32 v12, v21;
	v21 =	vadd.s32 v17, v41;
	v2 =	vld.idx.msk [tilespmem:v2+s11+$0x0], $0xffff;
	[tilespmem:s9+$0xC20] =	vst v3  }
0x34c: {  	[tilespmem:s24+$0xC30] =	vst v15;
	v3 =	vor.u32 v42, v21;
	v15 =	vadd.s32 v17, v44;
	v14 =	vld.idx.msk [tilespmem:v14+s11+$0x0], $0xffff  }
0x34d: {  	v17 =	vadd.s32 v18, v0;
	v16 =	vld.idx.msk [tilespmem:v16+s11+$0x0], $0xffff;
	[tilespmem:s26+$0xC30] =	vst v19;
	v15 =	vor.u32 v45, v15  }
0x34e: {  	v17 =	vor.u32 v1, v17;
	[tilespmem:s28+$0xC30] =	vst v13;
	v19 =	vld.idx.msk [tilespmem:v20+s11+$0x0], $0xffff;
	v20 =	vadd.s32 v18, v4  }
0x34f: {  	v8 =	vld.idx.msk [tilespmem:v8+s11+$0x0], $0xffff;
	[tilespmem:s29+$0xC30] =	vst v9;
	v13 =	vor.u32 v5, v20;
	v20 =	vadd.s32 v18, v6  }
0x350: {  	v11 =	vld.idx.msk [tilespmem:v11+s11+$0x0], $0xffff;
	v9 =	vor.u32 v7, v20;
	v20 =	vadd.s32 v18, v10;
	[tilespmem:s31+$0xC30] =	vst v2  }
0x351: {  	v2 =	vor.u32 v12, v20;
	v3 =	vld.idx.msk [tilespmem:v3+s11+$0x0], $0xffff;
	v20 =	vadd.s32 v18, v41;
	[tilespmem:s9+$0xC30] =	vst v14  }
0x352: {  	[tilespmem:s24+$0xC40] =	vst v16;
	v14 =	vor.u32 v42, v20;
	v16 =	vadd.s32 v18, v44;
	v15 =	vld.idx.msk [tilespmem:v15+s11+$0x0], $0xffff  }
0x353: {  	v18 =	vadd.s32 v25, v0;
	v17 =	vld.idx.msk [tilespmem:v17+s11+$0x0], $0xffff;
	[tilespmem:s26+$0xC40] =	vst v19;
	v16 =	vor.u32 v45, v16  }
0x354: {  	v18 =	vor.u32 v1, v18;
	v19 =	vadd.s32 v25, v4;
	[tilespmem:s28+$0xC40] =	vst v8;
	v13 =	vld.idx.msk [tilespmem:v13+s11+$0x0], $0xffff  }
0x355: {  	v8 =	vor.u32 v5, v19;
	v19 =	vadd.s32 v25, v6;
	[tilespmem:s29+$0xC40] =	vst v11;
	v9 =	vld.idx.msk [tilespmem:v9+s11+$0x0], $0xffff  }
0x356: {  	v11 =	vor.u32 v7, v19;
	v19 =	vadd.s32 v25, v10;
	v2 =	vld.idx.msk [tilespmem:v2+s11+$0x0], $0xffff;
	[tilespmem:s31+$0xC40] =	vst v3  }
0x357: {  	v3 =	vor.u32 v12, v19;
	v19 =	vadd.s32 v25, v41;
	v14 =	vld.idx.msk [tilespmem:v14+s11+$0x0], $0xffff;
	[tilespmem:s9+$0xC40] =	vst v15  }
0x358: {  	[tilespmem:s24+$0xC50] =	vst v17;
	v15 =	vor.u32 v42, v19;
	v17 =	vadd.s32 v25, v44;
	v16 =	vld.idx.msk [tilespmem:v16+s11+$0x0], $0xffff  }
0x359: {  	v0 =	vadd.s32 v43, v0;
	v18 =	vld.idx.msk [tilespmem:v18+s11+$0x0], $0xffff;
	[tilespmem:s26+$0xC50] =	vst v13;
	v13 =	vor.u32 v45, v17  }
0x35a: {  	v0 =	vor.u32 v1, v0;
	v4 =	vadd.s32 v43, v4;
	v1 =	vld.idx.msk [tilespmem:v8+s11+$0x0], $0xffff;
	[tilespmem:s28+$0xC50] =	vst v9  }
0x35b: {  	v4 =	vor.u32 v5, v4;
	v6 =	vadd.s32 v43, v6;
	v5 =	vld.idx.msk [tilespmem:v11+s11+$0x0], $0xffff;
	[tilespmem:s29+$0xC50] =	vst v2  }
0x35c: {  	v2 =	vor.u32 v7, v6;
	v6 =	vadd.s32 v43, v10;
	v3 =	vld.idx.msk [tilespmem:v3+s11+$0x0], $0xffff;
	[tilespmem:s31+$0xC50] =	vst v14  }
0x35d: {  	v8 =	vadd.s32 v43, v41;
	v6 =	vor.u32 v12, v6;
	v7 =	vld.idx.msk [tilespmem:v15+s11+$0x0], $0xffff;
	[tilespmem:s9+$0xC50] =	vst v16  }
0x35e: {  	v8 =	vor.u32 v42, v8;
	v10 =	vadd.s32 v43, v44;
	[tilespmem:s24+$0xC60] =	vst v18;
	v9 =	vld.idx.msk [tilespmem:v13+s11+$0x0], $0xffff  }
0x35f: {  	v0 =	vld.idx.msk [tilespmem:v0+s11+$0x0], $0xffff;
	[tilespmem:s26+$0xC60] =	vst v1;
	v1 =	vor.u32 v45, v10  }
0x360: {  	v4 =	vld.idx.msk [tilespmem:v4+s11+$0x0], $0xffff;
	[tilespmem:s28+$0xC60] =	vst v5  }
0x361: {  	v2 =	vld.idx.msk [tilespmem:v2+s11+$0x0], $0xffff;
	[tilespmem:s29+$0xC60] =	vst v3  }
0x362: {  	v3 =	vld.idx.msk [tilespmem:v6+s11+$0x0], $0xffff;
	[tilespmem:s31+$0xC60] =	vst v7  }
0x363: {  	v5 =	vld.idx.msk [tilespmem:v8+s11+$0x0], $0xffff;
	[tilespmem:s9+$0xC60] =	vst v9  }
0x364: {  	[tilespmem:s24+$0xC70] =	vst v0;
	v0 =	vld.idx.msk [tilespmem:v1+s11+$0x0], $0xffff  }
0x365: {  	[tilespmem:s26+$0xC70] =	vst v4  }
0x366: {  	[tilespmem:s28+$0xC70] =	vst v2  }
0x367: {  	[tilespmem:s29+$0xC70] =	vst v3  }
0x368: {  	[tilespmem:s31+$0xC70] =	vst v5  }
0x369: {  	s31 =	sadd.s32 s23, s7;
	[tilespmem:s9+$0xC70] =	vst v0  }
0x36a: {  	[hbm4b:s31+s4] =	stream.linear.scatter [tilespmem:s15], [sflag:$0x4], $0x4000, $0x38;
	[tilespmem:$0x18200] =	vst v63  }
0x36b: {  	p0 =	seq.s32 s20, $0xF;
	_ =	swait.ge [sflag:s16], $0x8000  }
0x36c: {  	s3 =	simm.s32 @!p0 $0x200;
	[sflag:s16] =	ssyncset.done $0x0  }
0x36d: {  	s1 =	simm.s32 @!p0 $0x0;
	s0 =	sadd.s32 @!p0 s22, s8;
	[sflag:s16] =	ssyncadd.s32 $0xFFFF8000  }
0x36e: {  	[tilespmem:s3], [sflag:$0x1] =	stream.linear.gather @!p0 [hbm4b:s0+s1], $0x8000, $0x38;
	[tilespmem:$0x18200] =	vst v63  }
0x36f: {  	_ =	swait.ge [sflag:s17], $0x4000  }
0x370: {  	[sflag:s17] =	ssyncset.done $0x0  }
0x371: {  	[sflag:s17] =	ssyncadd.s32 $0xFFFFC000  }
0x372: {  	v1 =	vld [tilespmem:$0x0]  }
0x373: {  	v2 =	vld [tilespmem:$0x10]  }
0x374: {  	v3 =	vld [tilespmem:$0x20]  }
0x375: {  	v8 =	vld [tilespmem:$0x30]  }
0x376: {  	v12 =	vld [tilespmem:$0x40]  }
0x377: {  	v18 =	vld [tilespmem:$0x50]  }
0x378: {  	v21 =	vld [tilespmem:$0x60]  }
0x379: {  	v24 =	vld [tilespmem:$0x70]  }
0x37a: {  	v26 =	vld [tilespmem:$0x80]  }
0x37b: {  	v0 =	vld [tilespmem:$0x90]  }
0x37c: {  	v29 =	vld [tilespmem:$0xA0]  }
0x37d: {  	v32 =	vld [tilespmem:$0xB0]  }
0x37e: {  	v34 =	vld [tilespmem:$0xC0]  }
0x37f: {  	v33 =	vld [tilespmem:$0xD0]  }
0x380: {  	v5 =	vld [tilespmem:$0xE0]  }
0x381: {  	v4 =	vld [tilespmem:$0xF0]  }
0x382: {  	v31 =	vld [tilespmem:$0x100]  }
0x383: {  	s1 =	simm.s32 $0x0;
	v30 =	vld [tilespmem:$0x110]  }
0x384: {  	v7 =	vmov s1;
	v28 =	vld [tilespmem:$0x120];
	v6 =	vshll.u32 v1, $0x3  }
0x385: {  	v9 =	vshll.u32 v7, $0x9;
	v23 =	vld [tilespmem:$0x130];
	v1 =	vand.u32 $0x7F, v1;
	v6 =	vand.u32 $0xFFFFFC00, v6  }
0x386: {  	v45 =	vand.u32 $0x3000, v9;
	v20 =	vld [tilespmem:$0x140];
	v27 =	vor.u32 v1, v6;
	v1 =	vshll.u32 v7, $0x7  }
0x387: {  	v19 =	vld [tilespmem:$0x150];
	v44 =	vand.u32 $0x380, v1;
	v1 =	vadd.s32 v27, v45  }
0x388: {  	v16 =	vld [tilespmem:$0x160];
	v1 =	vor.u32 v44, v1  }
0x389: {  	v15 =	vld [tilespmem:$0x190]  }
0x38a: {  	v13 =	vld [tilespmem:$0x1A0];
	v9 =	vshll.u32 v2, $0x3  }
0x38b: {  	v14 =	vld [tilespmem:$0x1B0];
	v2 =	vand.u32 $0x7F, v2;
	v9 =	vand.u32 $0xFFFFFC00, v9  }
0x38c: {  	v11 =	vld [tilespmem:$0x1C0];
	v22 =	vor.u32 v2, v9  }
0x38d: {  	v2 =	vadd.s32 v22, v45;
	v1 =	vld.idx.msk [tilespmem:v1+s13+$0x0], $0xffff  }
0x38e: {  	v25 =	vld [tilespmem:$0x1E0];
	v2 =	vor.u32 v44, v2  }
0x38f: {  	v43 =	vld [tilespmem:$0x1F0]  }
0x390: {  	s3 =	sand.u32 $0x3000, s1;
	s0 =	sand.u32 $0x380, s1;
	v10 =	vshll.u32 v3, $0x3;
	v7 =	vld [tilespmem:$0x170]  }
0x391: {  	s0 =	sor.u32 s0, s3;
	v3 =	vand.u32 $0x7F, v3;
	v10 =	vand.u32 $0xFFFFFC00, v10;
	v6 =	vld [tilespmem:$0x180]  }
0x392: {  	v9 =	vld [tilespmem:$0x1D0];
	v17 =	vor.u32 v3, v10;
	[tilespmem:s0+$0x10200] =	vst v1  }
0x393: {  	v1 =	vld.idx.msk [tilespmem:v2+s13+$0x0], $0xffff;
	v2 =	vadd.s32 v17, v45  }
0x394: {  	v2 =	vor.u32 v44, v2;
	_ =	sdelay $0x1  }
0x395: {  	v3 =	vshll.u32 v8, $0x3  }
0x396: {  	s28 =	sadd.s32 $0x10200, s0;
	v8 =	vand.u32 $0x7F, v8;
	v3 =	vand.u32 $0xFFFFFC00, v3  }
0x397: {  	v10 =	vor.u32 v8, v3;
	[tilespmem:s28+$0x10] =	vst v1  }
0x398: {  	v1 =	vld.idx.msk [tilespmem:v2+s13+$0x0], $0xffff;
	v2 =	vadd.s32 v10, v45  }
0x399: {  	v2 =	vor.u32 v44, v2;
	_ =	sdelay $0x1  }
0x39a: {  	v3 =	vshll.u32 v12, $0x3  }
0x39b: {  	v8 =	vand.u32 $0x7F, v12;
	v3 =	vand.u32 $0xFFFFFC00, v3  }
0x39c: {  	s9 =	simm.s32 $0x1;
	v8 =	vor.u32 v8, v3;
	[tilespmem:s28+$0x20] =	vst v1  }
0x39d: {  	v3 =	vadd.s32 v8, v45;
	v1 =	vld.idx.msk [tilespmem:v2+s13+$0x0], $0xffff;
	v2 =	vmov s9  }
0x39e: {  	v46 =	vor.u32 v44, v3;
	v3 =	vshll.u32 v2, $0x9  }
0x39f: {  	v12 =	vshll.u32 v2, $0x7;
	v2 =	vand.u32 $0x3000, v3  }
0x3a0: {  	v47 =	vshll.u32 v18, $0x3;
	v3 =	vand.u32 $0x380, v12;
	v12 =	vadd.s32 v27, v2  }
0x3a1: {  	v18 =	vand.u32 $0x7F, v18;
	v36 =	vand.u32 $0xFFFFFC00, v47;
	v48 =	vor.u32 v3, v12  }
0x3a2: {  	v12 =	vor.u32 v18, v36;
	[tilespmem:s28+$0x30] =	vst v1  }
0x3a3: {  	v18 =	vadd.s32 v12, v45;
	v1 =	vld.idx.msk [tilespmem:v46+s13+$0x0], $0xffff  }
0x3a4: {  	v49 =	vor.u32 v44, v18;
	_ =	sdelay $0x1  }
0x3a5: {  	v51 =	vadd.s32 v22, v2;
	v18 =	vshll.u32 v21, $0x3;
	v50 =	vld.idx.msk [tilespmem:v48+s13+$0x0], $0xffff  }
0x3a6: {  	v37 =	vor.u32 v3, v51;
	v21 =	vand.u32 $0x7F, v21;
	v18 =	vand.u32 $0xFFFFFC00, v18  }
0x3a7: {  	s22 =	simm.s32 $0x80;
	s23 =	simm.s32 $0x200;
	v18 =	vor.u32 v21, v18;
	[tilespmem:s28+$0x40] =	vst v1  }
0x3a8: {  	s1 =	sand.u32 $0x3000, s23;
	s0 =	sand.u32 $0x380, s22;
	v21 =	vadd.s32 v18, v45;
	v1 =	vld.idx.msk [tilespmem:v49+s13+$0x0], $0xffff  }
0x3a9: {  	s0 =	sor.u32 s0, s1;
	v52 =	vor.u32 v44, v21  }
0x3aa: {  	[tilespmem:s0+$0x10200] =	vst v50  }
0x3ab: {  	v53 =	vadd.s32 v17, v2;
	v21 =	vshll.u32 v24, $0x3;
	v36 =	vld.idx.msk [tilespmem:v37+s13+$0x0], $0xffff  }
0x3ac: {  	v24 =	vand.u32 $0x7F, v24;
	v21 =	vand.u32 $0xFFFFFC00, v21;
	v37 =	vor.u32 v3, v53  }
0x3ad: {  	v21 =	vor.u32 v24, v21;
	[tilespmem:s28+$0x50] =	vst v1  }
0x3ae: {  	v24 =	vadd.s32 v21, v45;
	v1 =	vld.idx.msk [tilespmem:v52+s13+$0x0], $0xffff  }
0x3af: {  	s23 =	sadd.s32 $0x10200, s0;
	v54 =	vor.u32 v44, v24  }
0x3b0: {  	[tilespmem:s23+$0x10] =	vst v36  }
0x3b1: {  	v55 =	vadd.s32 v10, v2;
	v24 =	vshll.u32 v26, $0x3;
	v36 =	vld.idx.msk [tilespmem:v37+s13+$0x0], $0xffff  }
0x3b2: {  	v26 =	vand.u32 $0x7F, v26;
	v24 =	vand.u32 $0xFFFFFC00, v24;
	v37 =	vor.u32 v3, v55  }
0x3b3: {  	v24 =	vor.u32 v26, v24;
	[tilespmem:s28+$0x60] =	vst v1  }
0x3b4: {  	v26 =	vadd.s32 v24, v45;
	v1 =	vld.idx.msk [tilespmem:v54+s13+$0x0], $0xffff  }
0x3b5: {  	v56 =	vor.u32 v44, v26  }
0x3b6: {  	[tilespmem:s23+$0x20] =	vst v36  }
0x3b7: {  	s24 =	simm.s32 $0x2;
	v57 =	vadd.s32 v8, v2;
	v26 =	vand.u32 $0x7F, v0;
	v0 =	vshll.u32 v0, $0x3;
	v36 =	vld.idx.msk [tilespmem:v37+s13+$0x0], $0xffff  }
0x3b8: {  	v58 =	vmov s24;
	v0 =	vand.u32 $0xFFFFFC00, v0;
	v37 =	vor.u32 v3, v57  }
0x3b9: {  	v26 =	vor.u32 v26, v0;
	v0 =	vshll.u32 v58, $0x9;
	[tilespmem:s28+$0x70] =	vst v1  }
0x3ba: {  	v0 =	vand.u32 $0x3000, v0;
	v59 =	vadd.s32 v26, v45;
	v1 =	vshll.u32 v58, $0x7;
	v35 =	vld.idx.msk [tilespmem:v56+s13+$0x0], $0xffff  }
0x3bb: {  	v60 =	vadd.s32 v27, v0;
	v38 =	vor.u32 v44, v59;
	v1 =	vand.u32 $0x380, v1  }
0x3bc: {  	v39 =	vor.u32 v1, v60;
	[tilespmem:s23+$0x30] =	vst v36  }
0x3bd: {  	v61 =	vshll.u32 v29, $0x3;
	v62 =	vadd.s32 v12, v2;
	v37 =	vld.idx.msk [tilespmem:v37+s13+$0x0], $0xffff  }
0x3be: {  	v29 =	vand.u32 $0x7F, v29;
	v40 =	vor.u32 v3, v62;
	v36 =	vand.u32 $0xFFFFFC00, v61  }
0x3bf: {  	v29 =	vor.u32 v29, v36;
	[tilespmem:s28+$0x400] =	vst v35  }
0x3c0: {  	v36 =	vadd.s32 v29, v45;
	v35 =	vld.idx.msk [tilespmem:v38+s13+$0x0], $0xffff  }
0x3c1: {  	v42 =	vadd.s32 v22, v0;
	v36 =	vor.u32 v44, v36;
	v63 =	vld.idx.msk [tilespmem:v39+s13+$0x0], $0xffff  }
0x3c2: {  	v39 =	vor.u32 v1, v42;
	[tilespmem:s23+$0x40] =	vst v37  }
0x3c3: {  	s25 =	simm.s32 $0x100;
	s26 =	simm.s32 $0x400;
	v46 =	vshll.u32 v32, $0x3;
	v47 =	vadd.s32 v18, v2;
	v40 =	vld.idx.msk [tilespmem:v40+s13+$0x0], $0xffff  }
0x3c4: {  	s1 =	sand.u32 $0x3000, s26;
	v32 =	vand.u32 $0x7F, v32;
	v41 =	vor.u32 v3, v47;
	s0 =	sand.u32 $0x380, s25;
	v37 =	vand.u32 $0xFFFFFC00, v46  }
0x3c5: {  	s0 =	sor.u32 s0, s1;
	v32 =	vor.u32 v32, v37;
	[tilespmem:s28+$0x410] =	vst v35  }
0x3c6: {  	v48 =	vadd.s32 v32, v45;
	[tilespmem:s0+$0x10200] =	vst v63;
	v35 =	vld.idx.msk [tilespmem:v36+s13+$0x0], $0xffff  }
0x3c7: {  	v49 =	vadd.s32 v17, v0;
	v38 =	vld.idx.msk [tilespmem:v39+s13+$0x0], $0xffff;
	v36 =	vor.u32 v44, v48  }
0x3c8: {  	v50 =	vor.u32 v1, v49;
	[tilespmem:s23+$0x50] =	vst v40  }
0x3c9: {  	v51 =	vshll.u32 v34, $0x3;
	v52 =	vadd.s32 v21, v2;
	v40 =	vld.idx.msk [tilespmem:v41+s13+$0x0], $0xffff  }
0x3ca: {  	v34 =	vand.u32 $0x7F, v34;
	v37 =	vand.u32 $0xFFFFFC00, v51;
	v41 =	vor.u32 v3, v52  }
0x3cb: {  	s22 =	sadd.s32 $0x10200, s0;
	v37 =	vor.u32 v34, v37;
	[tilespmem:s28+$0x420] =	vst v35  }
0x3cc: {  	v54 =	vadd.s32 v37, v45;
	[tilespmem:s22+$0x10] =	vst v38;
	v53 =	vld.idx.msk [tilespmem:v36+s13+$0x0], $0xffff  }
0x3cd: {  	v56 =	vadd.s32 v10, v0;
	v57 =	vor.u32 v44, v54;
	v55 =	vld.idx.msk [tilespmem:v50+s13+$0x0], $0xffff  }
0x3ce: {  	v58 =	vand.u32 $0x7F, v33;
	v33 =	vshll.u32 v33, $0x3;
	v59 =	vor.u32 v1, v56;
	[tilespmem:s23+$0x60] =	vst v40  }
0x3cf: {  	v33 =	vand.u32 $0xFFFFFC00, v33;
	v61 =	vadd.s32 v24, v2;
	v40 =	vld.idx.msk [tilespmem:v41+s13+$0x0], $0xffff  }
0x3d0: {  	v60 =	vshll.u32 v5, $0x3;
	v5 =	vand.u32 $0x7F, v5;
	v41 =	vor.u32 v3, v61  }
0x3d1: {  	v62 =	vand.u32 $0xFFFFFC00, v60;
	v51 =	vadd.s32 v8, v0;
	v38 =	vor.u32 v58, v33;
	[tilespmem:s28+$0x430] =	vst v53  }
0x3d2: {  	s30 =	simm.s32 $0x3;
	v63 =	vand.u32 $0x7F, v4;
	v35 =	vor.u32 v5, v62;
	v5 =	vadd.s32 v38, v45;
	[tilespmem:s22+$0x20] =	vst v55;
	v34 =	vld.idx.msk [tilespmem:v57+s13+$0x0], $0xffff  }
0x3d3: {  	v4 =	vshll.u32 v4, $0x3;
	v50 =	vmov s30;
	v52 =	vor.u32 v44, v5;
	v36 =	vld.idx.msk [tilespmem:v59+s13+$0x0], $0xffff  }
0x3d4: {  	v42 =	vor.u32 v1, v51;
	v53 =	vand.u32 $0xFFFFFC00, v4;
	v4 =	vshll.u32 v50, $0x9;
	[tilespmem:s23+$0x70] =	vst v40  }
0x3d5: {  	v54 =	vadd.s32 v26, v2;
	v5 =	vshll.u32 v50, $0x7;
	v4 =	vand.u32 $0x3000, v4;
	v40 =	vld.idx.msk [tilespmem:v41+s13+$0x0], $0xffff  }
0x3d6: {  	v56 =	vor.u32 v3, v54;
	v5 =	vand.u32 $0x380, v5;
	v55 =	vadd.s32 v27, v4  }
0x3d7: {  	v62 =	vadd.s32 v12, v0;
	v61 =	vshll.u32 v30, $0x3;
	v58 =	vor.u32 v5, v55;
	[tilespmem:s28+$0x440] =	vst v34  }
0x3d8: {  	v60 =	vadd.s32 v35, v45;
	v30 =	vand.u32 $0x7F, v30;
	v51 =	vand.u32 $0xFFFFFC00, v61;
	[tilespmem:s22+$0x30] =	vst v36;
	v59 =	vld.idx.msk [tilespmem:v52+s13+$0x0], $0xffff  }
0x3d9: {  	v39 =	vor.u32 v63, v53;
	v57 =	vshll.u32 v31, $0x3;
	v63 =	vor.u32 v44, v60;
	v42 =	vld.idx.msk [tilespmem:v42+s13+$0x0], $0xffff  }
0x3da: {  	v31 =	vand.u32 $0x7F, v31;
	v33 =	vand.u32 $0xFFFFFC00, v57;
	v52 =	vor.u32 v1, v62;
	[tilespmem:s23+$0x400] =	vst v40  }
0x3db: {  	v36 =	vor.u32 v30, v51;
	v40 =	vor.u32 v31, v33;
	v31 =	vadd.s32 v29, v2;
	v30 =	vld.idx.msk [tilespmem:v56+s13+$0x0], $0xffff  }
0x3dc: {  	v53 =	vshll.u32 v28, $0x3;
	v54 =	vadd.s32 v22, v4;
	v34 =	vld.idx.msk [tilespmem:v58+s13+$0x0], $0xffff;
	v55 =	vor.u32 v3, v31  }
0x3dd: {  	v28 =	vand.u32 $0x7F, v28;
	v31 =	vand.u32 $0xFFFFFC00, v53;
	v56 =	vor.u32 v5, v54;
	[tilespmem:s28+$0x450] =	vst v59  }
0x3de: {  	s31 =	simm.s32 $0x180;
	s3 =	simm.s32 $0x600;
	v57 =	vadd.s32 v39, v45;
	v31 =	vor.u32 v28, v31;
	[tilespmem:s22+$0x40] =	vst v42;
	v28 =	vld.idx.msk [tilespmem:v63+s13+$0x0], $0xffff  }
0x3df: {  	s1 =	sand.u32 $0x3000, s3;
	s0 =	sand.u32 $0x380, s31;
	v60 =	vor.u32 v44, v57;
	v58 =	vshll.u32 v23, $0x3;
	v59 =	vadd.s32 v18, v0;
	v46 =	vld.idx.msk [tilespmem:v52+s13+$0x0], $0xffff  }
0x3e0: {  	s0 =	sor.u32 s0, s1;
	v23 =	vand.u32 $0x7F, v23;
	v61 =	vand.u32 $0xFFFFFC00, v58;
	v62 =	vor.u32 v1, v59;
	[tilespmem:s23+$0x410] =	vst v30  }
0x3e1: {  	v33 =	vor.u32 v23, v61;
	[tilespmem:s0+$0x10200] =	vst v34;
	v30 =	vadd.s32 v32, v2;
	v23 =	vld.idx.msk [tilespmem:v55+s13+$0x0], $0xffff  }
0x3e2: {  	v63 =	vshll.u32 v20, $0x3;
	v52 =	vadd.s32 v17, v4;
	v41 =	vld.idx.msk [tilespmem:v56+s13+$0x0], $0xffff;
	v53 =	vor.u32 v3, v30  }
0x3e3: {  	v20 =	vand.u32 $0x7F, v20;
	v30 =	vand.u32 $0xFFFFFC00, v63;
	[tilespmem:s28+$0x460] =	vst v28;
	v28 =	vor.u32 v5, v52  }
0x3e4: {  	v54 =	vadd.s32 v40, v45;
	v30 =	vor.u32 v20, v30;
	[tilespmem:s22+$0x50] =	vst v46;
	v20 =	vld.idx.msk [tilespmem:v60+s13+$0x0], $0xffff  }
0x3e5: {  	v61 =	vadd.s32 v37, v2;
	v57 =	vor.u32 v44, v54;
	v56 =	vadd.s32 v21, v0;
	v42 =	vld.idx.msk [tilespmem:v62+s13+$0x0], $0xffff  }
0x3e6: {  	s24 =	sadd.s32 $0x10200, s0;
	v47 =	vor.u32 v3, v61;
	v55 =	vshll.u32 v19, $0x3;
	v59 =	vor.u32 v1, v56;
	[tilespmem:s23+$0x420] =	vst v23  }
0x3e7: {  	v19 =	vand.u32 $0x7F, v19;
	[tilespmem:s24+$0x10] =	vst v41;
	v23 =	vand.u32 $0x7F, v16;
	v16 =	vshll.u32 v16, $0x3;
	v60 =	vld.idx.msk [tilespmem:v53+s13+$0x0], $0xffff  }
0x3e8: {  	v63 =	vadd.s32 v10, v4;
	v58 =	vand.u32 $0xFFFFFC00, v55;
	v16 =	vand.u32 $0xFFFFFC00, v16;
	v62 =	vld.idx.msk [tilespmem:v28+s13+$0x0], $0xffff  }
0x3e9: {  	v34 =	vor.u32 v19, v58;
	v28 =	vor.u32 v23, v16;
	v16 =	vor.u32 v5, v63;
	[tilespmem:s28+$0x470] =	vst v20  }
0x3ea: {  	v19 =	vand.u32 $0x7F, v7;
	v7 =	vshll.u32 v7, $0x3;
	v23 =	vadd.s32 v36, v45;
	[tilespmem:s22+$0x60] =	vst v42;
	v20 =	vld.idx.msk [tilespmem:v57+s13+$0x0], $0xffff  }
0x3eb: {  	v52 =	vadd.s32 v24, v0;
	v7 =	vand.u32 $0xFFFFFC00, v7;
	v53 =	vor.u32 v44, v23;
	v42 =	vld.idx.msk [tilespmem:v59+s13+$0x0], $0xffff  }
0x3ec: {  	v46 =	vor.u32 v1, v52;
	v23 =	vor.u32 v19, v7;
	v7 =	vshll.u32 v6, $0x3;
	[tilespmem:s23+$0x430] =	vst v60  }
0x3ed: {  	v54 =	vadd.s32 v38, v2;
	v6 =	vand.u32 $0x7F, v6;
	v7 =	vand.u32 $0xFFFFFC00, v7;
	[tilespmem:s24+$0x20] =	vst v62;
	v41 =	vld.idx.msk [tilespmem:v47+s13+$0x0], $0xffff  }
0x3ee: {  	s9 =	simm.s32 $0x4;
	v19 =	vor.u32 v6, v7;
	v6 =	vadd.s32 v8, v4;
	v47 =	vor.u32 v3, v54;
	v16 =	vld.idx.msk [tilespmem:v16+s13+$0x0], $0xffff  }
0x3ef: {  	v48 =	vand.u32 $0x7F, v15;
	v7 =	vmov s9;
	[tilespmem:s28+$0x800] =	vst v20;
	v20 =	vor.u32 v5, v6  }
0x3f0: {  	v55 =	vshll.u32 v7, $0x7;
	[tilespmem:s22+$0x70] =	vst v42;
	v6 =	vshll.u32 v7, $0x9;
	v7 =	vadd.s32 v31, v45;
	v56 =	vld.idx.msk [tilespmem:v53+s13+$0x0], $0xffff  }
0x3f1: {  	v57 =	vadd.s32 v26, v0;
	v46 =	vld.idx.msk [tilespmem:v46+s13+$0x0], $0xffff;
	v6 =	vand.u32 $0x3000, v6;
	v58 =	vor.u32 v44, v7  }
0x3f2: {  	v49 =	vor.u32 v1, v57;
	v7 =	vand.u32 $0x380, v55;
	v59 =	vadd.s32 v27, v6;
	[tilespmem:s23+$0x440] =	vst v41  }
0x3f3: {  	v15 =	vshll.u32 v15, $0x3;
	v61 =	vadd.s32 v35, v2;
	v60 =	vor.u32 v7, v59;
	[tilespmem:s24+$0x30] =	vst v16;
	v16 =	vld.idx.msk [tilespmem:v47+s13+$0x0], $0xffff  }
0x3f4: {  	v15 =	vand.u32 $0xFFFFFC00, v15;
	v63 =	vadd.s32 v12, v4;
	v47 =	vor.u32 v3, v61;
	v62 =	vld.idx.msk [tilespmem:v20+s13+$0x0], $0xffff  }
0x3f5: {  	v20 =	vor.u32 v48, v15;
	v15 =	vshll.u32 v13, $0x3;
	[tilespmem:s28+$0x810] =	vst v56;
	v56 =	vor.u32 v5, v63  }
0x3f6: {  	v13 =	vand.u32 $0x7F, v13;
	v15 =	vand.u32 $0xFFFFFC00, v15;
	[tilespmem:s22+$0x400] =	vst v46;
	v57 =	vld.idx.msk [tilespmem:v58+s13+$0x0], $0xffff;
	v58 =	vadd.s32 v33, v45  }
0x3f7: {  	v59 =	vadd.s32 v29, v0;
	v13 =	vor.u32 v13, v15;
	v15 =	vld.idx.msk [tilespmem:v49+s13+$0x0], $0xffff;
	v48 =	vor.u32 v44, v58  }
0x3f8: {  	v49 =	vor.u32 v1, v59;
	v41 =	vld.idx.msk [tilespmem:v60+s13+$0x0], $0xffff;
	v60 =	vadd.s32 v22, v6;
	[tilespmem:s23+$0x450] =	vst v16  }
0x3f9: {  	v61 =	vadd.s32 v39, v2;
	v16 =	vor.u32 v7, v60;
	[tilespmem:s24+$0x40] =	vst v62;
	v47 =	vld.idx.msk [tilespmem:v47+s13+$0x0], $0xffff  }
0x3fa: {  	s26 =	simm.s32 $0x800;
	s25 =	simm.s32 $0x200;
	v50 =	vor.u32 v3, v61;
	v63 =	vadd.s32 v18, v4;
	v42 =	vld.idx.msk [tilespmem:v56+s13+$0x0], $0xffff  }
0x3fb: {  	s1 =	sand.u32 $0x3000, s26;
	s0 =	sand.u32 $0x380, s25;
	v55 =	vor.u32 v5, v63;
	[tilespmem:s28+$0x820] =	vst v57  }
0x3fc: {  	s0 =	sor.u32 s0, s1;
	v61 =	vadd.s32 v32, v0;
	v59 =	vadd.s32 v30, v45;
	[tilespmem:s22+$0x410] =	vst v15;
	v15 =	vld.idx.msk [tilespmem:v48+s13+$0x0], $0xffff  }
0x3fd: {  	v58 =	vshll.u32 v11, $0x3;
	v62 =	vshll.u32 v14, $0x3;
	[tilespmem:s0+$0x10200] =	vst v41;
	v60 =	vld.idx.msk [tilespmem:v49+s13+$0x0], $0xffff;
	v48 =	vor.u32 v44, v59  }
0x3fe: {  	v51 =	vand.u32 $0xFFFFFC00, v62;
	v62 =	vadd.s32 v17, v6;
	v49 =	vor.u32 v1, v61;
	v16 =	vld.idx.msk [tilespmem:v16+s13+$0x0], $0xffff;
	[tilespmem:s23+$0x460] =	vst v47  }
0x3ff: {  	v11 =	vand.u32 $0x7F, v11;
	v63 =	vor.u32 v7, v62;
	v57 =	vadd.s32 v40, v2;
	[tilespmem:s24+$0x50] =	vst v42;
	v56 =	vld.idx.msk [tilespmem:v50+s13+$0x0], $0xffff  }
0x400: {  	v14 =	vand.u32 $0x7F, v14;
	v59 =	vadd.s32 v21, v4;
	v50 =	vor.u32 v3, v57;
	v46 =	vld.idx.msk [tilespmem:v55+s13+$0x0], $0xffff  }
0x401: {  	v14 =	vor.u32 v14, v51;
	v51 =	vand.u32 $0xFFFFFC00, v58;
	v52 =	vor.u32 v5, v59;
	[tilespmem:s28+$0x830] =	vst v15  }
0x402: {  	s25 =	sadd.s32 $0x10200, s0;
	v15 =	vor.u32 v11, v51;
	[tilespmem:s22+$0x420] =	vst v60;
	v60 =	vadd.s32 v34, v45;
	v11 =	vld.idx.msk [tilespmem:v48+s13+$0x0], $0xffff  }
0x403: {  	[tilespmem:s25+$0x10] =	vst v16;
	v61 =	vld.idx.msk [tilespmem:v49+s13+$0x0], $0xffff;
	v16 =	vadd.s32 v37, v0;
	v41 =	vor.u32 v44, v60  }
0x404: {  	v62 =	vadd.s32 v10, v6;
	v47 =	vld.idx.msk [tilespmem:v63+s13+$0x0], $0xffff;
	v63 =	vor.u32 v1, v16;
	[tilespmem:s23+$0x470] =	vst v56  }
0x405: {  	v16 =	vadd.s32 v36, v2;
	v56 =	vor.u32 v7, v62;
	[tilespmem:s24+$0x60] =	vst v46;
	v46 =	vld.idx.msk [tilespmem:v50+s13+$0x0], $0xffff  }
0x406: {  	v59 =	vadd.s32 v24, v4;
	v57 =	vshll.u32 v9, $0x3;
	v60 =	vor.u32 v3, v16;
	v58 =	vld.idx.msk [tilespmem:v52+s13+$0x0], $0xffff  }
0x407: {  	v9 =	vand.u32 $0x7F, v9;
	v16 =	vand.u32 $0xFFFFFC00, v57;
	[tilespmem:s28+$0x840] =	vst v11;
	v11 =	vor.u32 v5, v59  }
0x408: {  	s30 =	simm.s32 $0x5;
	v16 =	vor.u32 v9, v16;
	v9 =	vadd.s32 v28, v45;
	[tilespmem:s22+$0x430] =	vst v61;
	v41 =	vld.idx.msk [tilespmem:v41+s13+$0x0], $0xffff  }
0x409: {  	v62 =	vadd.s32 v38, v0;
	[tilespmem:s25+$0x20] =	vst v47;
	v61 =	vld.idx.msk [tilespmem:v63+s13+$0x0], $0xffff;
	v63 =	vor.u32 v44, v9;
	v9 =	vmov s30  }
0x40a: {  	v48 =	vor.u32 v1, v62;
	v42 =	vld.idx.msk [tilespmem:v56+s13+$0x0], $0xffff;
	v56 =	vadd.s32 v8, v6;
	v57 =	vshll.u32 v9, $0x7;
	[tilespmem:s23+$0x800] =	vst v46  }
0x40b: {  	v9 =	vshll.u32 v9, $0x9;
	v51 =	vor.u32 v7, v56;
	[tilespmem:s24+$0x70] =	vst v58;
	v50 =	vld.idx.msk [tilespmem:v60+s13+$0x0], $0xffff;
	v58 =	vadd.s32 v31, v2  }
0x40c: {  	v59 =	vadd.s32 v26, v4;
	v9 =	vand.u32 $0x3000, v9;
	v53 =	vld.idx.msk [tilespmem:v11+s13+$0x0], $0xffff;
	v52 =	vor.u32 v3, v58  }
0x40d: {  	v46 =	vor.u32 v5, v59;
	v60 =	vadd.s32 v27, v9;
	v11 =	vand.u32 $0x380, v57;
	[tilespmem:s28+$0x850] =	vst v41  }
0x40e: {  	[tilespmem:s22+$0x440] =	vst v61;
	v41 =	vor.u32 v11, v60;
	v61 =	vadd.s32 v23, v45;
	v47 =	vld.idx.msk [tilespmem:v63+s13+$0x0], $0xffff  }
0x40f: {  	v62 =	vand.u32 $0x7F, v25;
	v57 =	vadd.s32 v35, v0;
	[tilespmem:s25+$0x30] =	vst v42;
	v63 =	vld.idx.msk [tilespmem:v48+s13+$0x0], $0xffff;
	v49 =	vor.u32 v44, v61  }
0x410: {  	v25 =	vshll.u32 v25, $0x3;
	v58 =	vadd.s32 v12, v6;
	v48 =	vor.u32 v1, v57;
	v51 =	vld.idx.msk [tilespmem:v51+s13+$0x0], $0xffff;
	[tilespmem:s23+$0x810] =	vst v50  }
0x411: {  	v25 =	vand.u32 $0xFFFFFC00, v25;
	v59 =	vor.u32 v7, v58;
	v60 =	vadd.s32 v33, v2;
	[tilespmem:s24+$0x400] =	vst v53;
	v52 =	vld.idx.msk [tilespmem:v52+s13+$0x0], $0xffff  }
0x412: {  	v25 =	vor.u32 v62, v25;
	v61 =	vadd.s32 v29, v4;
	v53 =	vor.u32 v3, v60;
	v46 =	vld.idx.msk [tilespmem:v46+s13+$0x0], $0xffff  }
0x413: {  	v62 =	vadd.s32 v22, v9;
	v54 =	vor.u32 v5, v61;
	v41 =	vld.idx.msk [tilespmem:v41+s13+$0x0], $0xffff;
	[tilespmem:s28+$0x860] =	vst v47  }
0x414: {  	v56 =	vadd.s32 v19, v45;
	[tilespmem:s22+$0x450] =	vst v63;
	v47 =	vor.u32 v11, v62;
	v63 =	vld.idx.msk [tilespmem:v49+s13+$0x0], $0xffff  }
0x415: {  	s3 =	simm.s32 $0xA00;
	s31 =	simm.s32 $0x280;
	v57 =	vadd.s32 v39, v0;
	[tilespmem:s25+$0x40] =	vst v51;
	v48 =	vld.idx.msk [tilespmem:v48+s13+$0x0], $0xffff;
	v49 =	vor.u32 v44, v56  }
0x416: {  	s1 =	sand.u32 $0x3000, s3;
	s0 =	sand.u32 $0x380, s31;
	v58 =	vadd.s32 v18, v6;
	v51 =	vor.u32 v1, v57;
	v50 =	vld.idx.msk [tilespmem:v59+s13+$0x0], $0xffff;
	[tilespmem:s23+$0x820] =	vst v52  }
0x417: {  	s0 =	sor.u32 s0, s1;
	v60 =	vadd.s32 v30, v2;
	v59 =	vor.u32 v7, v58;
	[tilespmem:s24+$0x410] =	vst v46;
	v46 =	vld.idx.msk [tilespmem:v53+s13+$0x0], $0xffff  }
0x418: {  	v62 =	vadd.s32 v32, v4;
	[tilespmem:s0+$0x10200] =	vst v41;
	v53 =	vor.u32 v3, v60;
	v61 =	vld.idx.msk [tilespmem:v54+s13+$0x0], $0xffff  }
0x419: {  	v47 =	vld.idx.msk [tilespmem:v47+s13+$0x0], $0xffff;
	v54 =	vor.u32 v5, v62;
	[tilespmem:s28+$0x870] =	vst v63;
	v63 =	vadd.s32 v17, v9  }
0x41a: {  	v57 =	vadd.s32 v20, v45;
	[tilespmem:s22+$0x460] =	vst v48;
	v48 =	vld.idx.msk [tilespmem:v49+s13+$0x0], $0xffff;
	v42 =	vor.u32 v11, v63  }
0x41b: {  	v58 =	vadd.s32 v40, v0;
	[tilespmem:s25+$0x50] =	vst v50;
	v50 =	vld.idx.msk [tilespmem:v51+s13+$0x0], $0xffff;
	v49 =	vor.u32 v44, v57  }
0x41c: {  	v51 =	vor.u32 v1, v58;
	v52 =	vld.idx.msk [tilespmem:v59+s13+$0x0], $0xffff;
	v59 =	vadd.s32 v21, v6;
	[tilespmem:s23+$0x830] =	vst v46  }
0x41d: {  	s26 =	sadd.s32 $0x10200, s0;
	v60 =	vor.u32 v7, v59;
	[tilespmem:s24+$0x420] =	vst v61;
	v41 =	vld.idx.msk [tilespmem:v53+s13+$0x0], $0xffff;
	v61 =	vadd.s32 v34, v2  }
0x41e: {  	v63 =	vadd.s32 v37, v4;
	[tilespmem:s26+$0x10] =	vst v47;
	v62 =	vld.idx.msk [tilespmem:v54+s13+$0x0], $0xffff;
	v53 =	vor.u32 v3, v61  }
0x41f: {  	v57 =	vadd.s32 v10, v9;
	v54 =	vor.u32 v5, v63;
	v42 =	vld.idx.msk [tilespmem:v42+s13+$0x0], $0xffff;
	[tilespmem:s28+$0xC00] =	vst v48  }
0x420: {  	v58 =	vadd.s32 v13, v45;
	[tilespmem:s22+$0x470] =	vst v50;
	v48 =	vor.u32 v11, v57;
	v49 =	vld.idx.msk [tilespmem:v49+s13+$0x0], $0xffff  }
0x421: {  	v59 =	vadd.s32 v36, v0;
	v50 =	vor.u32 v44, v58;
	[tilespmem:s25+$0x60] =	vst v52;
	v51 =	vld.idx.msk [tilespmem:v51+s13+$0x0], $0xffff  }
0x422: {  	v52 =	vor.u32 v1, v59;
	v46 =	vld.idx.msk [tilespmem:v60+s13+$0x0], $0xffff;
	v60 =	vadd.s32 v24, v6;
	[tilespmem:s23+$0x840] =	vst v41  }
0x423: {  	v61 =	vadd.s32 v28, v2;
	v41 =	vor.u32 v7, v60;
	[tilespmem:s24+$0x430] =	vst v62;
	v47 =	vld.idx.msk [tilespmem:v53+s13+$0x0], $0xffff  }
0x424: {  	s9 =	simm.s32 $0x6;
	v62 =	vadd.s32 v38, v4;
	v53 =	vor.u32 v3, v61;
	[tilespmem:s26+$0x20] =	vst v42;
	v54 =	vld.idx.msk [tilespmem:v54+s13+$0x0], $0xffff  }
0x425: {  	v63 =	vmov s9;
	v60 =	vadd.s32 v8, v9;
	v56 =	vor.u32 v5, v62;
	v48 =	vld.idx.msk [tilespmem:v48+s13+$0x0], $0xffff;
	[tilespmem:s28+$0xC10] =	vst v49  }
0x426: {  	v61 =	vshll.u32 v63, $0x7;
	v62 =	vadd.s32 v14, v45;
	[tilespmem:s22+$0x800] =	vst v51;
	v51 =	vor.u32 v11, v60;
	v50 =	vld.idx.msk [tilespmem:v50+s13+$0x0], $0xffff  }
0x427: {  	v49 =	vshll.u32 v63, $0x9;
	v63 =	vadd.s32 v31, v0;
	v55 =	vor.u32 v44, v62;
	[tilespmem:s25+$0x70] =	vst v46;
	v46 =	vld.idx.msk [tilespmem:v52+s13+$0x0], $0xffff  }
0x428: {  	v60 =	vadd.s32 v26, v6;
	v52 =	vor.u32 v1, v63;
	v57 =	vld.idx.msk [tilespmem:v41+s13+$0x0], $0xffff;
	v41 =	vand.u32 $0x3000, v49;
	[tilespmem:s23+$0x850] =	vst v47  }
0x429: {  	v42 =	vand.u32 $0x380, v61;
	v49 =	vor.u32 v7, v60;
	v61 =	vadd.s32 v27, v41;
	[tilespmem:s24+$0x440] =	vst v54;
	v53 =	vld.idx.msk [tilespmem:v53+s13+$0x0], $0xffff  }
0x42a: {  	v62 =	vadd.s32 v23, v2;
	v47 =	vor.u32 v42, v61;
	[tilespmem:s26+$0x30] =	vst v48;
	v48 =	vld.idx.msk [tilespmem:v56+s13+$0x0], $0xffff  }
0x42b: {  	v63 =	vand.u32 $0x7F, v43;
	v60 =	vadd.s32 v35, v4;
	v54 =	vor.u32 v3, v62;
	v51 =	vld.idx.msk [tilespmem:v51+s13+$0x0], $0xffff;
	[tilespmem:s28+$0xC20] =	vst v50  }
0x42c: {  	v43 =	vshll.u32 v43, $0x3;
	v58 =	vor.u32 v5, v60;
	v61 =	vadd.s32 v12, v9;
	[tilespmem:s22+$0x810] =	vst v46;
	v46 =	vld.idx.msk [tilespmem:v55+s13+$0x0], $0xffff  }
0x42d: {  	v43 =	vand.u32 $0xFFFFFC00, v43;
	v62 =	vadd.s32 v15, v45;
	v50 =	vor.u32 v11, v61;
	[tilespmem:s25+$0x400] =	vst v57;
	v52 =	vld.idx.msk [tilespmem:v52+s13+$0x0], $0xffff  }
0x42e: {  	v43 =	vor.u32 v63, v43;
	v63 =	vadd.s32 v33, v0;
	v55 =	vor.u32 v44, v62;
	v49 =	vld.idx.msk [tilespmem:v49+s13+$0x0], $0xffff  }
0x42f: {  	v60 =	vadd.s32 v29, v6;
	v56 =	vor.u32 v1, v63;
	v47 =	vld.idx.msk [tilespmem:v47+s13+$0x0], $0xffff;
	[tilespmem:s23+$0x860] =	vst v53  }
0x430: {  	v61 =	vadd.s32 v22, v41;
	v57 =	vor.u32 v7, v60;
	[tilespmem:s24+$0x450] =	vst v48;
	v48 =	vld.idx.msk [tilespmem:v54+s13+$0x0], $0xffff  }
0x431: {  	v62 =	vadd.s32 v19, v2;
	v53 =	vor.u32 v42, v61;
	[tilespmem:s26+$0x40] =	vst v51;
	v51 =	vld.idx.msk [tilespmem:v58+s13+$0x0], $0xffff  }
0x432: {  	s3 =	simm.s32 $0xC00;
	s0 =	simm.s32 $0x300;
	v63 =	vadd.s32 v39, v4;
	v54 =	vor.u32 v3, v62;
	v50 =	vld.idx.msk [tilespmem:v50+s13+$0x0], $0xffff;
	[tilespmem:s28+$0xC30] =	vst v46  }
0x433: {  	s30 =	sand.u32 $0x3000, s3;
	s9 =	sand.u32 $0x380, s0;
	v60 =	vadd.s32 v18, v9;
	v58 =	vor.u32 v5, v63;
	[tilespmem:s22+$0x820] =	vst v52;
	v52 =	vld.idx.msk [tilespmem:v55+s13+$0x0], $0xffff  }
0x434: {  	s1 =	sor.u32 s9, s30;
	v61 =	vadd.s32 v16, v45;
	v46 =	vor.u32 v11, v60;
	[tilespmem:s25+$0x410] =	vst v49;
	v49 =	vld.idx.msk [tilespmem:v56+s13+$0x0], $0xffff  }
0x435: {  	v62 =	vadd.s32 v30, v0;
	v55 =	vor.u32 v44, v61;
	[tilespmem:s1+$0x10200] =	vst v47;
	v47 =	vld.idx.msk [tilespmem:v57+s13+$0x0], $0xffff  }
0x436: {  	v63 =	vadd.s32 v32, v6;
	v56 =	vor.u32 v1, v62;
	v53 =	vld.idx.msk [tilespmem:v53+s13+$0x0], $0xffff;
	[tilespmem:s23+$0x870] =	vst v48  }
0x437: {  	v60 =	vadd.s32 v17, v41;
	v57 =	vor.u32 v7, v63;
	[tilespmem:s24+$0x460] =	vst v51;
	v51 =	vld.idx.msk [tilespmem:v54+s13+$0x0], $0xffff  }
0x438: {  	v61 =	vadd.s32 v20, v2;
	v48 =	vor.u32 v42, v60;
	[tilespmem:s26+$0x50] =	vst v50;
	v50 =	vld.idx.msk [tilespmem:v58+s13+$0x0], $0xffff  }
0x439: {  	v62 =	vadd.s32 v40, v4;
	v54 =	vor.u32 v3, v61;
	v46 =	vld.idx.msk [tilespmem:v46+s13+$0x0], $0xffff;
	[tilespmem:s28+$0xC40] =	vst v52  }
0x43a: {  	v63 =	vadd.s32 v21, v9;
	v58 =	vor.u32 v5, v62;
	[tilespmem:s22+$0x830] =	vst v49;
	v49 =	vld.idx.msk [tilespmem:v55+s13+$0x0], $0xffff  }
0x43b: {  	s29 =	sadd.s32 $0x10200, s1;
	v60 =	vadd.s32 v25, v45;
	v52 =	vor.u32 v11, v63;
	[tilespmem:s25+$0x420] =	vst v47;
	v47 =	vld.idx.msk [tilespmem:v56+s13+$0x0], $0xffff  }
0x43c: {  	v61 =	vadd.s32 v34, v0;
	v55 =	vor.u32 v44, v60;
	[tilespmem:s29+$0x10] =	vst v53;
	v56 =	vld.idx.msk [tilespmem:v57+s13+$0x0], $0xffff  }
0x43d: {  	v62 =	vadd.s32 v37, v6;
	v59 =	vor.u32 v1, v61;
	v57 =	vld.idx.msk [tilespmem:v48+s13+$0x0], $0xffff;
	[tilespmem:s23+$0xC00] =	vst v51  }
0x43e: {  	v60 =	vor.u32 v7, v62;
	v51 =	vadd.s32 v10, v41;
	[tilespmem:s24+$0x470] =	vst v50;
	v50 =	vld.idx.msk [tilespmem:v54+s13+$0x0], $0xffff  }
0x43f: {  	v63 =	vadd.s32 v13, v2;
	v51 =	vor.u32 v42, v51;
	[tilespmem:s26+$0x60] =	vst v46;
	v58 =	vld.idx.msk [tilespmem:v58+s13+$0x0], $0xffff  }
0x440: {  	v61 =	vor.u32 v3, v63;
	v53 =	vadd.s32 v36, v4;
	v52 =	vld.idx.msk [tilespmem:v52+s13+$0x0], $0xffff;
	[tilespmem:s28+$0xC50] =	vst v49  }
0x441: {  	v62 =	vor.u32 v5, v53;
	v54 =	vadd.s32 v24, v9;
	[tilespmem:s22+$0x840] =	vst v47;
	v49 =	vld.idx.msk [tilespmem:v55+s13+$0x0], $0xffff  }
0x442: {  	v45 =	vadd.s32 v43, v45;
	v53 =	vor.u32 v11, v54;
	[tilespmem:s25+$0x430] =	vst v56;
	v48 =	vld.idx.msk [tilespmem:v59+s13+$0x0], $0xffff  }
0x443: {  	v45 =	vor.u32 v44, v45;
	v59 =	vadd.s32 v28, v0;
	[tilespmem:s29+$0x20] =	vst v57;
	v46 =	vld.idx.msk [tilespmem:v60+s13+$0x0], $0xffff  }
0x444: {  	s31 =	simm.s32 $0x7;
	v60 =	vadd.s32 v38, v6;
	v47 =	vld.idx.msk [tilespmem:v51+s13+$0x0], $0xffff;
	v51 =	vor.u32 v1, v59;
	[tilespmem:s23+$0xC10] =	vst v50  }
0x445: {  	v63 =	vadd.s32 v8, v41;
	v57 =	vmov s31;
	v54 =	vor.u32 v7, v60;
	[tilespmem:s24+$0x800] =	vst v58;
	v50 =	vld.idx.msk [tilespmem:v61+s13+$0x0], $0xffff  }
0x446: {  	s1 =	simm.s32 $0x8;
	v44 =	vadd.s32 v14, v2;
	v55 =	vor.u32 v42, v63;
	v56 =	vshll.u32 v57, $0x7;
	[tilespmem:s26+$0x70] =	vst v52;
	v52 =	vld.idx.msk [tilespmem:v62+s13+$0x0], $0xffff  }
.LBB2_7:
0x447: {  	p0 =	sne.s32 s1, $0x1F;
	v57 =	vshll.u32 v57, $0x9;
	v53 =	vld.idx.msk [tilespmem:v53+s13+$0x0], $0xffff;
	v58 =	vadd.s32 v31, v4;
	v59 =	vor.u32 v3, v44;
	[tilespmem:s28+$0xC60] =	vst v49  }
0x448: {  	v60 =	vadd.s32 v26, v9;
	v49 =	vand.u32 $0x3000, v57;
	v57 =	vor.u32 v5, v58;
	[tilespmem:s22+$0x850] =	vst v48;
	v48 =	vld.idx.msk [tilespmem:v45+s13+$0x0], $0xffff  }
0x449: {  	v56 =	vand.u32 $0x380, v56;
	v58 =	vor.u32 v11, v60;
	v45 =	vadd.s32 v27, v49;
	[tilespmem:s25+$0x440] =	vst v46;
	v46 =	vld.idx.msk [tilespmem:v51+s13+$0x0], $0xffff  }
0x44a: {  	v44 =	vmov v9;
	v51 =	vor.u32 v56, v45;
	[tilespmem:s29+$0x30] =	vst v47;
	v47 =	vld.idx.msk [tilespmem:v54+s13+$0x0], $0xffff;
	v45 =	vadd.s32 v23, v0  }
0x44b: {  	v9 =	vmov v41;
	v54 =	vld.idx.msk [tilespmem:v55+s13+$0x0], $0xffff;
	v55 =	vadd.s32 v35, v6;
	v60 =	vor.u32 v1, v45;
	[tilespmem:s23+$0xC20] =	vst v50  }
0x44c: {  	v61 =	vadd.s32 v12, v9;
	v41 =	vmov v49;
	v50 =	vor.u32 v7, v55;
	[tilespmem:s24+$0x810] =	vst v52;
	v52 =	vld.idx.msk [tilespmem:v59+s13+$0x0], $0xffff  }
0x44d: {  	v49 =	vor.u32 v42, v61;
	v55 =	vadd.s32 v15, v2;
	[tilespmem:s26+$0x400] =	vst v53;
	v53 =	vld.idx.msk [tilespmem:v57+s13+$0x0], $0xffff;
	v45 =	vmov v3  }
0x44e: {  	v3 =	vmov v1;
	v57 =	vld.idx.msk [tilespmem:v58+s13+$0x0], $0xffff;
	v58 =	vadd.s32 v33, v4;
	v55 =	vor.u32 v45, v55;
	[tilespmem:s28+$0xC70] =	vst v48;
	s28 =	smov.u32 s23;
	s23 =	smov.u32 s22;
	s22 =	smov.u32 s24  }
0x44f: {  	v1 =	vmov v5;
	s24 =	smov.u32 s25;
	s25 =	smov.u32 s26;
	s26 =	smov.u32 s29;
	v48 =	vld.idx.msk [tilespmem:v51+s13+$0x0], $0xffff;
	v51 =	vadd.s32 v29, v44;
	v58 =	vor.u32 v5, v58;
	[tilespmem:s23+$0x860] =	vst v46  }
0x450: {  	v46 =	vadd.s32 v22, v41;
	v5 =	vmov v7;
	v51 =	vor.u32 v11, v51;
	[tilespmem:s24+$0x450] =	vst v47;
	v47 =	vld.idx.msk [tilespmem:v60+s13+$0x0], $0xffff  }
0x451: {  	v7 =	vmov v11;
	v46 =	vor.u32 v56, v46;
	[tilespmem:s26+$0x40] =	vst v54;
	v50 =	vld.idx.msk [tilespmem:v50+s13+$0x0], $0xffff;
	v54 =	vadd.s32 v19, v0  }
0x452: {  	s0 =	sadd.s32 $0x80, s0;
	s3 =	sadd.s32 $0x200, s3;
	v59 =	vadd.s32 v39, v6;
	v11 =	vmov v42;
	v49 =	vld.idx.msk [tilespmem:v49+s13+$0x0], $0xffff;
	v54 =	vor.u32 v3, v54;
	[tilespmem:s28+$0xC30] =	vst v52  }
0x453: {  	s9 =	sand.u32 $0x3000, s3;
	s29 =	sand.u32 $0x380, s0;
	v59 =	vor.u32 v5, v59;
	v42 =	vmov v56;
	v52 =	vadd.s32 v18, v9;
	[tilespmem:s22+$0x820] =	vst v53;
	v53 =	vld.idx.msk [tilespmem:v55+s13+$0x0], $0xffff  }
0x454: {  	s9 =	sor.u32 s29, s9;
	v56 =	vadd.s32 v16, v2;
	v52 =	vor.u32 v11, v52;
	[tilespmem:s25+$0x410] =	vst v57;
	v55 =	vld.idx.msk [tilespmem:v58+s13+$0x0], $0xffff  }
0x455: {  	v56 =	vor.u32 v45, v56;
	[tilespmem:s9+$0x10200] =	vst v48;
	v48 =	vld.idx.msk [tilespmem:v51+s13+$0x0], $0xffff;
	v51 =	vadd.s32 v30, v4  }
0x456: {  	v57 =	vadd.s32 v32, v44;
	v46 =	vld.idx.msk [tilespmem:v46+s13+$0x0], $0xffff;
	v51 =	vor.u32 v1, v51;
	[tilespmem:s23+$0x870] =	vst v47  }
0x457: {  	v57 =	vor.u32 v7, v57;
	v47 =	vadd.s32 v17, v41;
	[tilespmem:s24+$0x460] =	vst v50;
	v50 =	vld.idx.msk [tilespmem:v54+s13+$0x0], $0xffff  }
0x458: {  	v47 =	vor.u32 v42, v47;
	v54 =	vadd.s32 v20, v0;
	[tilespmem:s26+$0x50] =	vst v49;
	v49 =	vld.idx.msk [tilespmem:v59+s13+$0x0], $0xffff  }
0x459: {  	v58 =	vadd.s32 v40, v6;
	v54 =	vor.u32 v3, v54;
	v52 =	vld.idx.msk [tilespmem:v52+s13+$0x0], $0xffff;
	[tilespmem:s28+$0xC40] =	vst v53  }
0x45a: {  	v58 =	vor.u32 v5, v58;
	v53 =	vadd.s32 v21, v9;
	[tilespmem:s22+$0x830] =	vst v55;
	v55 =	vld.idx.msk [tilespmem:v56+s13+$0x0], $0xffff  }
0x45b: {  	s29 =	sadd.s32 $0x10200, s9;
	v53 =	vor.u32 v11, v53;
	[tilespmem:s25+$0x420] =	vst v48;
	v48 =	vld.idx.msk [tilespmem:v51+s13+$0x0], $0xffff;
	v51 =	vadd.s32 v25, v2  }
0x45c: {  	v56 =	vadd.s32 v34, v4;
	[tilespmem:s29+$0x10] =	vst v46;
	v46 =	vld.idx.msk [tilespmem:v57+s13+$0x0], $0xffff;
	v51 =	vor.u32 v45, v51  }
0x45d: {  	v56 =	vor.u32 v1, v56;
	v57 =	vadd.s32 v37, v44;
	v47 =	vld.idx.msk [tilespmem:v47+s13+$0x0], $0xffff;
	[tilespmem:s23+$0xC00] =	vst v50  }
0x45e: {  	v50 =	vadd.s32 v10, v41;
	v57 =	vor.u32 v7, v57;
	[tilespmem:s24+$0x470] =	vst v49;
	v54 =	vld.idx.msk [tilespmem:v54+s13+$0x0], $0xffff  }
0x45f: {  	v50 =	vor.u32 v42, v50;
	v49 =	vadd.s32 v13, v0;
	[tilespmem:s26+$0x60] =	vst v52;
	v52 =	vld.idx.msk [tilespmem:v58+s13+$0x0], $0xffff  }
0x460: {  	v59 =	vor.u32 v3, v49;
	v58 =	vld.idx.msk [tilespmem:v53+s13+$0x0], $0xffff;
	v53 =	vadd.s32 v36, v6;
	[tilespmem:s28+$0xC50] =	vst v55  }
0x461: {  	v55 =	vadd.s32 v24, v9;
	v60 =	vor.u32 v5, v53;
	[tilespmem:s22+$0x840] =	vst v48;
	v49 =	vld.idx.msk [tilespmem:v51+s13+$0x0], $0xffff  }
.Ltmp2:
0x462: {  	v53 =	vor.u32 v11, v55;
	v51 =	vadd.s32 v43, v2;
	v2 =	vmov v0;
	[tilespmem:s25+$0x430] =	vst v46;
	v48 =	vld.idx.msk [tilespmem:v56+s13+$0x0], $0xffff;
	(pc) =	sbr.rel @p0 .LBB2_7-.Ltmp2, $4  }
0x463: {  	v55 =	vadd.s32 v28, v4;
	v0 =	vmov v4;
	v45 =	vor.u32 v45, v51;
	[tilespmem:s29+$0x20] =	vst v47;
	v46 =	vld.idx.msk [tilespmem:v57+s13+$0x0], $0xffff  }
0x464: {  	v4 =	vmov v6;
	v51 =	vor.u32 v1, v55;
	v47 =	vld.idx.msk [tilespmem:v50+s13+$0x0], $0xffff;
	v50 =	vadd.s32 v38, v44;
	[tilespmem:s23+$0xC10] =	vst v54  }
0x465: {  	v6 =	vmovc v44;
	v55 =	vadd.s32 v8, v41;
	v57 =	vmov s1;
	v54 =	vor.u32 v7, v50;
	[tilespmem:s24+$0x800] =	vst v52;
	v50 =	vld.idx.msk [tilespmem:v59+s13+$0x0], $0xffff  }
0x466: {  	s1 =	sadd.s32 $0x1, s1;
	v55 =	vor.u32 v42, v55;
	v56 =	vshll.u32 v57, $0x7;
	v44 =	vadd.s32 v14, v2;
	[tilespmem:s26+$0x70] =	vst v58;
	v52 =	vld.idx.msk [tilespmem:v60+s13+$0x0], $0xffff  }
0x467: {  	_ =	sdelay $0x2  }
0x468: {  	v57 =	vshll.u32 v57, $0x9  }
0x469: {  	[tilespmem:s28+$0xC60] =	vst v49;
	v49 =	vld.idx.msk [tilespmem:v53+s13+$0x0], $0xffff;
	v58 =	vor.u32 v3, v44;
	v44 =	vand.u32 $0x3000, v57  }
0x46a: {  	[tilespmem:s22+$0x850] =	vst v48;
	v53 =	vld.idx.msk [tilespmem:v45+s13+$0x0], $0xffff;
	v45 =	vand.u32 $0x380, v56;
	v27 =	vadd.s32 v27, v44  }
0x46b: {  	v63 =	vadd.s32 v31, v4;
	[tilespmem:s25+$0x440] =	vst v46;
	v27 =	vor.u32 v45, v27  }
0x46c: {  	v60 =	vadd.s32 v26, v9;
	v48 =	vor.u32 v5, v63;
	v51 =	vld.idx.msk [tilespmem:v51+s13+$0x0], $0xffff;
	[tilespmem:s29+$0x30] =	vst v47  }
0x46d: {  	v61 =	vadd.s32 v23, v0;
	v46 =	vor.u32 v11, v60;
	v47 =	vld.idx.msk [tilespmem:v54+s13+$0x0], $0xffff;
	[tilespmem:s23+$0xC20] =	vst v50  }
0x46e: {  	v62 =	vadd.s32 v35, v6;
	v54 =	vor.u32 v1, v61;
	v50 =	vld.idx.msk [tilespmem:v55+s13+$0x0], $0xffff;
	[tilespmem:s24+$0x810] =	vst v52  }
0x46f: {  	v63 =	vadd.s32 v12, v41;
	v55 =	vor.u32 v7, v62;
	v56 =	vld.idx.msk [tilespmem:v58+s13+$0x0], $0xffff;
	[tilespmem:s26+$0x400] =	vst v49  }
0x470: {  	v59 =	vor.u32 v42, v63;
	v22 =	vadd.s32 v22, v44;
	[tilespmem:s28+$0xC70] =	vst v53;
	v27 =	vld.idx.msk [tilespmem:v27+s13+$0x0], $0xffff  }
0x471: {  	v61 =	vadd.s32 v33, v4;
	v22 =	vor.u32 v45, v22;
	v48 =	vld.idx.msk [tilespmem:v48+s13+$0x0], $0xffff;
	[tilespmem:s22+$0x860] =	vst v51  }
0x472: {  	s0 =	sadd.s32 $0x80, s0;
	s1 =	sadd.s32 $0x200, s3;
	v62 =	vadd.s32 v29, v9;
	v46 =	vld.idx.msk [tilespmem:v46+s13+$0x0], $0xffff;
	v51 =	vor.u32 v5, v61;
	[tilespmem:s25+$0x450] =	vst v47  }
0x473: {  	v60 =	vadd.s32 v15, v2;
	s1 =	sand.u32 $0x3000, s1;
	s0 =	sand.u32 $0x380, s0;
	v63 =	vld.idx.msk [tilespmem:v54+s13+$0x0], $0xffff;
	v47 =	vor.u32 v11, v62;
	[tilespmem:s29+$0x40] =	vst v50  }
0x474: {  	s0 =	sor.u32 s0, s1;
	v52 =	vor.u32 v3, v60;
	v58 =	vadd.s32 v19, v0;
	v57 =	vld.idx.msk [tilespmem:v55+s13+$0x0], $0xffff;
	[tilespmem:s23+$0xC30] =	vst v56  }
0x475: {  	v54 =	vor.u32 v1, v58;
	v49 =	vld.idx.msk [tilespmem:v59+s13+$0x0], $0xffff;
	v59 =	vadd.s32 v39, v6;
	[tilespmem:s0+$0x10200] =	vst v27  }
0x476: {  	v17 =	vadd.s32 v17, v44;
	v55 =	vor.u32 v7, v59;
	[tilespmem:s24+$0x820] =	vst v48;
	v22 =	vld.idx.msk [tilespmem:v22+s13+$0x0], $0xffff  }
0x477: {  	v17 =	vor.u32 v45, v17;
	v60 =	vadd.s32 v18, v41;
	[tilespmem:s26+$0x410] =	vst v46;
	v61 =	vld.idx.msk [tilespmem:v51+s13+$0x0], $0xffff  }
0x478: {  	v56 =	vadd.s32 v32, v9;
	[tilespmem:s22+$0x870] =	vst v63;
	v47 =	vld.idx.msk [tilespmem:v47+s13+$0x0], $0xffff;
	v27 =	vor.u32 v42, v60  }
0x479: {  	v52 =	vld.idx.msk [tilespmem:v52+s13+$0x0], $0xffff;
	v63 =	vadd.s32 v30, v4;
	[tilespmem:s25+$0x460] =	vst v57;
	v57 =	vor.u32 v11, v56  }
0x47a: {  	s28 =	sadd.s32 $0x10200, s0;
	v62 =	vadd.s32 v16, v2;
	v51 =	vor.u32 v5, v63;
	v53 =	vld.idx.msk [tilespmem:v54+s13+$0x0], $0xffff;
	[tilespmem:s29+$0x50] =	vst v49  }
0x47b: {  	v59 =	vadd.s32 v20, v0;
	v48 =	vor.u32 v3, v62;
	v58 =	vld.idx.msk [tilespmem:v55+s13+$0x0], $0xffff;
	[tilespmem:s28+$0x10] =	vst v22  }
0x47c: {  	v10 =	vadd.s32 v10, v44;
	v60 =	vor.u32 v1, v59;
	[tilespmem:s24+$0x830] =	vst v61;
	v61 =	vld.idx.msk [tilespmem:v17+s13+$0x0], $0xffff  }
0x47d: {  	v62 =	vor.u32 v45, v10;
	[tilespmem:s26+$0x420] =	vst v47;
	v27 =	vld.idx.msk [tilespmem:v27+s13+$0x0], $0xffff  }
0x47e: {  	[tilespmem:s23+$0xC40] =	vst v52;
	v63 =	vld.idx.msk [tilespmem:v57+s13+$0x0], $0xffff  }
0x47f: {  	[tilespmem:s22+$0xC00] =	vst v53;
	v22 =	vld.idx.msk [tilespmem:v51+s13+$0x0], $0xffff  }
0x480: {  	v17 =	vld.idx.msk [tilespmem:v48+s13+$0x0], $0xffff;
	[tilespmem:s25+$0x470] =	vst v58  }
0x481: {  	v10 =	vld.idx.msk [tilespmem:v60+s13+$0x0], $0xffff;
	[tilespmem:s28+$0x20] =	vst v61  }
0x482: {  	v8 =	vadd.s32 v8, v44;
	v46 =	vld.idx.msk [tilespmem:v62+s13+$0x0], $0xffff  }
0x483: {  	v8 =	vor.u32 v45, v8;
	_ =	sdelay $0x3  }
0x484: {  	[tilespmem:s28+$0x30] =	vst v46  }
0x485: {  	v12 =	vadd.s32 v12, v44;
	v8 =	vld.idx.msk [tilespmem:v8+s13+$0x0], $0xffff  }
0x486: {  	v12 =	vor.u32 v45, v12;
	_ =	sdelay $0x3  }
0x487: {  	[tilespmem:s28+$0x40] =	vst v8  }
0x488: {  	v8 =	vld.idx.msk [tilespmem:v12+s13+$0x0], $0xffff;
	v12 =	vadd.s32 v18, v44  }
0x489: {  	v12 =	vor.u32 v45, v12;
	_ =	sdelay $0x3  }
0x48a: {  	v18 =	vadd.s32 v21, v41;
	[tilespmem:s28+$0x50] =	vst v8  }
0x48b: {  	v8 =	vor.u32 v42, v18;
	v18 =	vadd.s32 v21, v44;
	v12 =	vld.idx.msk [tilespmem:v12+s13+$0x0], $0xffff  }
0x48c: {  	v18 =	vor.u32 v45, v18;
	_ =	sdelay $0x2  }
0x48d: {  	[tilespmem:s29+$0x60] =	vst v27  }
0x48e: {  	v21 =	vadd.s32 v24, v41;
	v8 =	vld.idx.msk [tilespmem:v8+s13+$0x0], $0xffff;
	[tilespmem:s28+$0x60] =	vst v12  }
0x48f: {  	v12 =	vor.u32 v42, v21;
	v21 =	vadd.s32 v24, v44;
	v18 =	vld.idx.msk [tilespmem:v18+s13+$0x0], $0xffff  }
0x490: {  	v21 =	vor.u32 v45, v21;
	_ =	sdelay $0x2  }
0x491: {  	[tilespmem:s29+$0x70] =	vst v8  }
0x492: {  	v8 =	vld.idx.msk [tilespmem:v12+s13+$0x0], $0xffff;
	v12 =	vadd.s32 v26, v41;
	[tilespmem:s28+$0x70] =	vst v18  }
0x493: {  	v12 =	vor.u32 v42, v12;
	v18 =	vld.idx.msk [tilespmem:v21+s13+$0x0], $0xffff;
	v21 =	vadd.s32 v26, v44  }
0x494: {  	v21 =	vor.u32 v45, v21;
	_ =	sdelay $0x2  }
0x495: {  	[tilespmem:s29+$0x400] =	vst v8  }
0x496: {  	v8 =	vld.idx.msk [tilespmem:v12+s13+$0x0], $0xffff;
	v12 =	vadd.s32 v29, v41;
	[tilespmem:s28+$0x400] =	vst v18  }
0x497: {  	v12 =	vor.u32 v42, v12;
	v18 =	vld.idx.msk [tilespmem:v21+s13+$0x0], $0xffff;
	v21 =	vadd.s32 v29, v44  }
0x498: {  	v21 =	vor.u32 v45, v21;
	_ =	sdelay $0x2  }
0x499: {  	[tilespmem:s29+$0x410] =	vst v8  }
0x49a: {  	v8 =	vld.idx.msk [tilespmem:v12+s13+$0x0], $0xffff;
	v12 =	vadd.s32 v32, v41;
	[tilespmem:s28+$0x410] =	vst v18  }
0x49b: {  	v12 =	vor.u32 v42, v12;
	v18 =	vld.idx.msk [tilespmem:v21+s13+$0x0], $0xffff;
	v21 =	vadd.s32 v32, v44  }
0x49c: {  	v21 =	vor.u32 v45, v21;
	_ =	sdelay $0x2  }
0x49d: {  	v24 =	vadd.s32 v37, v9;
	[tilespmem:s29+$0x420] =	vst v8  }
0x49e: {  	v8 =	vor.u32 v11, v24;
	v24 =	vadd.s32 v37, v41;
	v12 =	vld.idx.msk [tilespmem:v12+s13+$0x0], $0xffff;
	[tilespmem:s28+$0x420] =	vst v18  }
0x49f: {  	v18 =	vor.u32 v42, v24;
	v24 =	vadd.s32 v37, v44;
	v21 =	vld.idx.msk [tilespmem:v21+s13+$0x0], $0xffff  }
0x4a0: {  	v24 =	vor.u32 v45, v24;
	_ =	sdelay $0x1  }
0x4a1: {  	[tilespmem:s26+$0x430] =	vst v63  }
0x4a2: {  	v26 =	vadd.s32 v38, v9;
	v8 =	vld.idx.msk [tilespmem:v8+s13+$0x0], $0xffff;
	[tilespmem:s29+$0x430] =	vst v12  }
0x4a3: {  	v12 =	vor.u32 v11, v26;
	v26 =	vadd.s32 v38, v41;
	v18 =	vld.idx.msk [tilespmem:v18+s13+$0x0], $0xffff;
	[tilespmem:s28+$0x430] =	vst v21  }
0x4a4: {  	v21 =	vor.u32 v42, v26;
	v26 =	vadd.s32 v38, v44;
	v24 =	vld.idx.msk [tilespmem:v24+s13+$0x0], $0xffff  }
0x4a5: {  	v26 =	vor.u32 v45, v26;
	_ =	sdelay $0x1  }
0x4a6: {  	[tilespmem:s26+$0x440] =	vst v8  }
0x4a7: {  	v8 =	vld.idx.msk [tilespmem:v12+s13+$0x0], $0xffff;
	v12 =	vadd.s32 v35, v9;
	[tilespmem:s29+$0x440] =	vst v18  }
0x4a8: {  	v12 =	vor.u32 v11, v12;
	v18 =	vld.idx.msk [tilespmem:v21+s13+$0x0], $0xffff;
	v21 =	vadd.s32 v35, v41;
	[tilespmem:s28+$0x440] =	vst v24  }
0x4a9: {  	v21 =	vor.u32 v42, v21;
	v24 =	vld.idx.msk [tilespmem:v26+s13+$0x0], $0xffff;
	v26 =	vadd.s32 v35, v44  }
0x4aa: {  	v26 =	vor.u32 v45, v26;
	_ =	sdelay $0x1  }
0x4ab: {  	[tilespmem:s26+$0x450] =	vst v8  }
0x4ac: {  	v8 =	vld.idx.msk [tilespmem:v12+s13+$0x0], $0xffff;
	v12 =	vadd.s32 v39, v9;
	[tilespmem:s29+$0x450] =	vst v18  }
0x4ad: {  	v12 =	vor.u32 v11, v12;
	v18 =	vld.idx.msk [tilespmem:v21+s13+$0x0], $0xffff;
	v21 =	vadd.s32 v39, v41;
	[tilespmem:s28+$0x450] =	vst v24  }
0x4ae: {  	v21 =	vor.u32 v42, v21;
	v24 =	vld.idx.msk [tilespmem:v26+s13+$0x0], $0xffff;
	v26 =	vadd.s32 v39, v44  }
0x4af: {  	v26 =	vor.u32 v45, v26;
	_ =	sdelay $0x1  }
0x4b0: {  	v27 =	vadd.s32 v40, v6;
	[tilespmem:s26+$0x460] =	vst v8  }
0x4b1: {  	v8 =	vor.u32 v7, v27;
	v27 =	vadd.s32 v40, v9;
	v12 =	vld.idx.msk [tilespmem:v12+s13+$0x0], $0xffff;
	[tilespmem:s29+$0x460] =	vst v18  }
0x4b2: {  	v18 =	vor.u32 v11, v27;
	v27 =	vadd.s32 v40, v41;
	v21 =	vld.idx.msk [tilespmem:v21+s13+$0x0], $0xffff;
	[tilespmem:s28+$0x460] =	vst v24  }
0x4b3: {  	v24 =	vor.u32 v42, v27;
	v27 =	vadd.s32 v40, v44;
	v26 =	vld.idx.msk [tilespmem:v26+s13+$0x0], $0xffff  }
0x4b4: {  	v27 =	vor.u32 v45, v27;
	_ =	sdelay $0x1  }
0x4b5: {  	v29 =	vadd.s32 v36, v6;
	v8 =	vld.idx.msk [tilespmem:v8+s13+$0x0], $0xffff;
	[tilespmem:s26+$0x470] =	vst v12  }
0x4b6: {  	v12 =	vor.u32 v7, v29;
	v29 =	vadd.s32 v36, v9;
	v18 =	vld.idx.msk [tilespmem:v18+s13+$0x0], $0xffff;
	[tilespmem:s29+$0x470] =	vst v21  }
0x4b7: {  	v21 =	vor.u32 v11, v29;
	v29 =	vadd.s32 v36, v41;
	v24 =	vld.idx.msk [tilespmem:v24+s13+$0x0], $0xffff;
	[tilespmem:s28+$0x470] =	vst v26  }
0x4b8: {  	v26 =	vor.u32 v42, v29;
	v29 =	vadd.s32 v36, v44;
	v27 =	vld.idx.msk [tilespmem:v27+s13+$0x0], $0xffff  }
0x4b9: {  	v29 =	vor.u32 v45, v29  }
0x4ba: {  	[tilespmem:s25+$0x800] =	vst v8  }
0x4bb: {  	v8 =	vld.idx.msk [tilespmem:v12+s13+$0x0], $0xffff;
	v12 =	vadd.s32 v31, v6;
	[tilespmem:s26+$0x800] =	vst v18  }
0x4bc: {  	v12 =	vor.u32 v7, v12;
	v18 =	vld.idx.msk [tilespmem:v21+s13+$0x0], $0xffff;
	v21 =	vadd.s32 v31, v9;
	[tilespmem:s29+$0x800] =	vst v24  }
0x4bd: {  	v21 =	vor.u32 v11, v21;
	v24 =	vld.idx.msk [tilespmem:v26+s13+$0x0], $0xffff;
	v26 =	vadd.s32 v31, v41;
	[tilespmem:s28+$0x800] =	vst v27  }
0x4be: {  	v26 =	vor.u32 v42, v26;
	v27 =	vld.idx.msk [tilespmem:v29+s13+$0x0], $0xffff;
	v29 =	vadd.s32 v31, v44  }
0x4bf: {  	v29 =	vor.u32 v45, v29  }
0x4c0: {  	[tilespmem:s25+$0x810] =	vst v8  }
0x4c1: {  	v8 =	vld.idx.msk [tilespmem:v12+s13+$0x0], $0xffff;
	v12 =	vadd.s32 v33, v6;
	[tilespmem:s26+$0x810] =	vst v18  }
0x4c2: {  	v12 =	vor.u32 v7, v12;
	v18 =	vld.idx.msk [tilespmem:v21+s13+$0x0], $0xffff;
	v21 =	vadd.s32 v33, v9;
	[tilespmem:s29+$0x810] =	vst v24  }
0x4c3: {  	v21 =	vor.u32 v11, v21;
	v24 =	vld.idx.msk [tilespmem:v26+s13+$0x0], $0xffff;
	v26 =	vadd.s32 v33, v41;
	[tilespmem:s28+$0x810] =	vst v27  }
0x4c4: {  	v26 =	vor.u32 v42, v26;
	v27 =	vld.idx.msk [tilespmem:v29+s13+$0x0], $0xffff;
	v29 =	vadd.s32 v33, v44  }
0x4c5: {  	v29 =	vor.u32 v45, v29  }
0x4c6: {  	[tilespmem:s25+$0x820] =	vst v8  }
0x4c7: {  	v8 =	vld.idx.msk [tilespmem:v12+s13+$0x0], $0xffff;
	v12 =	vadd.s32 v30, v6;
	[tilespmem:s26+$0x820] =	vst v18  }
0x4c8: {  	v12 =	vor.u32 v7, v12;
	v18 =	vld.idx.msk [tilespmem:v21+s13+$0x0], $0xffff;
	v21 =	vadd.s32 v30, v9;
	[tilespmem:s29+$0x820] =	vst v24  }
0x4c9: {  	v21 =	vor.u32 v11, v21;
	v24 =	vld.idx.msk [tilespmem:v26+s13+$0x0], $0xffff;
	v26 =	vadd.s32 v30, v41;
	[tilespmem:s28+$0x820] =	vst v27  }
0x4ca: {  	v26 =	vor.u32 v42, v26;
	v27 =	vld.idx.msk [tilespmem:v29+s13+$0x0], $0xffff;
	v29 =	vadd.s32 v30, v44  }
0x4cb: {  	v29 =	vor.u32 v45, v29  }
0x4cc: {  	[tilespmem:s25+$0x830] =	vst v8;
	v30 =	vadd.s32 v34, v4  }
0x4cd: {  	v12 =	vld.idx.msk [tilespmem:v12+s13+$0x0], $0xffff;
	v8 =	vor.u32 v5, v30;
	v30 =	vadd.s32 v34, v6;
	[tilespmem:s26+$0x830] =	vst v18  }
0x4ce: {  	v18 =	vor.u32 v7, v30;
	v21 =	vld.idx.msk [tilespmem:v21+s13+$0x0], $0xffff;
	v30 =	vadd.s32 v34, v9;
	[tilespmem:s29+$0x830] =	vst v24  }
0x4cf: {  	v24 =	vor.u32 v11, v30;
	v30 =	vadd.s32 v34, v41;
	v26 =	vld.idx.msk [tilespmem:v26+s13+$0x0], $0xffff;
	[tilespmem:s28+$0x830] =	vst v27  }
0x4d0: {  	v27 =	vor.u32 v42, v30;
	v30 =	vadd.s32 v34, v44;
	v29 =	vld.idx.msk [tilespmem:v29+s13+$0x0], $0xffff  }
0x4d1: {  	[tilespmem:s24+$0x840] =	vst v22;
	v22 =	vor.u32 v45, v30  }
0x4d2: {  	[tilespmem:s25+$0x840] =	vst v12;
	v8 =	vld.idx.msk [tilespmem:v8+s13+$0x0], $0xffff;
	v30 =	vadd.s32 v28, v4  }
0x4d3: {  	v12 =	vor.u32 v5, v30;
	v18 =	vld.idx.msk [tilespmem:v18+s13+$0x0], $0xffff;
	v30 =	vadd.s32 v28, v6;
	[tilespmem:s26+$0x840] =	vst v21  }
0x4d4: {  	v21 =	vor.u32 v7, v30;
	v24 =	vld.idx.msk [tilespmem:v24+s13+$0x0], $0xffff;
	v30 =	vadd.s32 v28, v9;
	[tilespmem:s29+$0x840] =	vst v26  }
0x4d5: {  	v26 =	vor.u32 v11, v30;
	v30 =	vadd.s32 v28, v41;
	v27 =	vld.idx.msk [tilespmem:v27+s13+$0x0], $0xffff;
	[tilespmem:s28+$0x840] =	vst v29  }
0x4d6: {  	v28 =	vadd.s32 v28, v44;
	v29 =	vor.u32 v42, v30;
	v22 =	vld.idx.msk [tilespmem:v22+s13+$0x0], $0xffff  }
0x4d7: {  	[tilespmem:s24+$0x850] =	vst v8;
	v8 =	vor.u32 v45, v28  }
0x4d8: {  	v28 =	vadd.s32 v23, v4;
	v12 =	vld.idx.msk [tilespmem:v12+s13+$0x0], $0xffff;
	[tilespmem:s25+$0x850] =	vst v18  }
0x4d9: {  	v18 =	vor.u32 v5, v28;
	v28 =	vadd.s32 v23, v6;
	v21 =	vld.idx.msk [tilespmem:v21+s13+$0x0], $0xffff;
	[tilespmem:s26+$0x850] =	vst v24  }
0x4da: {  	v24 =	vor.u32 v7, v28;
	v28 =	vadd.s32 v23, v9;
	v26 =	vld.idx.msk [tilespmem:v26+s13+$0x0], $0xffff;
	[tilespmem:s29+$0x850] =	vst v27  }
0x4db: {  	v27 =	vor.u32 v11, v28;
	v28 =	vld.idx.msk [tilespmem:v29+s13+$0x0], $0xffff;
	v29 =	vadd.s32 v23, v41;
	[tilespmem:s28+$0x850] =	vst v22  }
0x4dc: {  	[tilespmem:s23+$0xC50] =	vst v17;
	v17 =	vor.u32 v42, v29;
	v22 =	vadd.s32 v23, v44;
	v8 =	vld.idx.msk [tilespmem:v8+s13+$0x0], $0xffff  }
0x4dd: {  	v23 =	vadd.s32 v25, v2;
	[tilespmem:s24+$0x860] =	vst v12;
	v12 =	vor.u32 v45, v22  }
0x4de: {  	v22 =	vor.u32 v3, v23;
	v18 =	vld.idx.msk [tilespmem:v18+s13+$0x0], $0xffff;
	v23 =	vadd.s32 v19, v4;
	[tilespmem:s25+$0x860] =	vst v21  }
0x4df: {  	v21 =	vor.u32 v5, v23;
	v23 =	vld.idx.msk [tilespmem:v24+s13+$0x0], $0xffff;
	v24 =	vadd.s32 v19, v6;
	[tilespmem:s26+$0x860] =	vst v26  }
0x4e0: {  	v24 =	vor.u32 v7, v24;
	v26 =	vld.idx.msk [tilespmem:v27+s13+$0x0], $0xffff;
	v27 =	vadd.s32 v19, v9;
	[tilespmem:s29+$0x860] =	vst v28  }
0x4e1: {  	v27 =	vor.u32 v11, v27;
	v28 =	vadd.s32 v19, v41;
	v17 =	vld.idx.msk [tilespmem:v17+s13+$0x0], $0xffff;
	[tilespmem:s28+$0x860] =	vst v8  }
0x4e2: {  	[tilespmem:s22+$0xC10] =	vst v10;
	v8 =	vor.u32 v42, v28;
	v10 =	vld.idx.msk [tilespmem:v12+s13+$0x0], $0xffff;
	v12 =	vadd.s32 v19, v44  }
0x4e3: {  	v22 =	vld.idx.msk [tilespmem:v22+s13+$0x0], $0xffff;
	[tilespmem:s24+$0x870] =	vst v18;
	v19 =	vadd.s32 v13, v0;
	v12 =	vor.u32 v45, v12  }
0x4e4: {  	[tilespmem:s25+$0x870] =	vst v23;
	v18 =	vor.u32 v1, v19;
	v19 =	vld.idx.msk [tilespmem:v21+s13+$0x0], $0xffff;
	v21 =	vadd.s32 v20, v4  }
0x4e5: {  	v23 =	vld.idx.msk [tilespmem:v24+s13+$0x0], $0xffff;
	v24 =	vadd.s32 v20, v6;
	[tilespmem:s26+$0x870] =	vst v26;
	v21 =	vor.u32 v5, v21  }
0x4e6: {  	v24 =	vor.u32 v7, v24;
	v26 =	vld.idx.msk [tilespmem:v27+s13+$0x0], $0xffff;
	v27 =	vadd.s32 v20, v9;
	[tilespmem:s29+$0x870] =	vst v17  }
0x4e7: {  	v17 =	vor.u32 v11, v27;
	v27 =	vadd.s32 v20, v41;
	v8 =	vld.idx.msk [tilespmem:v8+s13+$0x0], $0xffff;
	[tilespmem:s28+$0x870] =	vst v10  }
0x4e8: {  	v20 =	vadd.s32 v20, v44;
	[tilespmem:s23+$0xC60] =	vst v22;
	v10 =	vor.u32 v42, v27;
	v12 =	vld.idx.msk [tilespmem:v12+s13+$0x0], $0xffff  }
0x4e9: {  	v2 =	vadd.s32 v43, v2;
	v18 =	vld.idx.msk [tilespmem:v18+s13+$0x0], $0xffff;
	[tilespmem:s24+$0xC00] =	vst v19;
	v19 =	vor.u32 v45, v20  }
0x4ea: {  	v2 =	vor.u32 v3, v2;
	v20 =	vadd.s32 v13, v4;
	[tilespmem:s25+$0xC00] =	vst v23;
	v3 =	vld.idx.msk [tilespmem:v21+s13+$0x0], $0xffff  }
0x4eb: {  	v22 =	vadd.s32 v13, v6;
	v20 =	vor.u32 v5, v20;
	v21 =	vld.idx.msk [tilespmem:v24+s13+$0x0], $0xffff;
	[tilespmem:s26+$0xC00] =	vst v26  }
0x4ec: {  	v22 =	vor.u32 v7, v22;
	v23 =	vadd.s32 v13, v9;
	v17 =	vld.idx.msk [tilespmem:v17+s13+$0x0], $0xffff;
	[tilespmem:s29+$0xC00] =	vst v8  }
0x4ed: {  	v8 =	vor.u32 v11, v23;
	v23 =	vadd.s32 v13, v41;
	v10 =	vld.idx.msk [tilespmem:v10+s13+$0x0], $0xffff;
	[tilespmem:s28+$0xC00] =	vst v12  }
0x4ee: {  	v13 =	vadd.s32 v13, v44;
	[tilespmem:s22+$0xC20] =	vst v18;
	v12 =	vor.u32 v42, v23;
	v18 =	vld.idx.msk [tilespmem:v19+s13+$0x0], $0xffff  }
0x4ef: {  	v2 =	vld.idx.msk [tilespmem:v2+s13+$0x0], $0xffff;
	v19 =	vadd.s32 v14, v0;
	[tilespmem:s24+$0xC10] =	vst v3;
	v3 =	vor.u32 v45, v13  }
0x4f0: {  	[tilespmem:s25+$0xC10] =	vst v21;
	v13 =	vor.u32 v1, v19;
	v19 =	vld.idx.msk [tilespmem:v20+s13+$0x0], $0xffff;
	v20 =	vadd.s32 v14, v4  }
0x4f1: {  	v21 =	vld.idx.msk [tilespmem:v22+s13+$0x0], $0xffff;
	v22 =	vadd.s32 v14, v6;
	[tilespmem:s26+$0xC10] =	vst v17;
	v20 =	vor.u32 v5, v20  }
0x4f2: {  	v17 =	vor.u32 v7, v22;
	v8 =	vld.idx.msk [tilespmem:v8+s13+$0x0], $0xffff;
	v22 =	vadd.s32 v14, v9;
	[tilespmem:s29+$0xC10] =	vst v10  }
0x4f3: {  	v10 =	vor.u32 v11, v22;
	v22 =	vadd.s32 v14, v41;
	v12 =	vld.idx.msk [tilespmem:v12+s13+$0x0], $0xffff;
	[tilespmem:s28+$0xC10] =	vst v18  }
0x4f4: {  	[tilespmem:s23+$0xC70] =	vst v2;
	v14 =	vadd.s32 v14, v44;
	v2 =	vor.u32 v42, v22;
	v3 =	vld.idx.msk [tilespmem:v3+s13+$0x0], $0xffff  }
0x4f5: {  	v14 =	vor.u32 v45, v14;
	v18 =	vadd.s32 v15, v0;
	v13 =	vld.idx.msk [tilespmem:v13+s13+$0x0], $0xffff;
	[tilespmem:s24+$0xC20] =	vst v19  }
0x4f6: {  	v18 =	vor.u32 v1, v18;
	[tilespmem:s25+$0xC20] =	vst v21;
	v19 =	vld.idx.msk [tilespmem:v20+s13+$0x0], $0xffff;
	v20 =	vadd.s32 v15, v4  }
0x4f7: {  	v21 =	vadd.s32 v15, v6;
	v17 =	vld.idx.msk [tilespmem:v17+s13+$0x0], $0xffff;
	[tilespmem:s26+$0xC20] =	vst v8;
	v20 =	vor.u32 v5, v20  }
0x4f8: {  	v8 =	vor.u32 v7, v21;
	v21 =	vadd.s32 v15, v9;
	v10 =	vld.idx.msk [tilespmem:v10+s13+$0x0], $0xffff;
	[tilespmem:s29+$0xC20] =	vst v12  }
0x4f9: {  	v12 =	vor.u32 v11, v21;
	v21 =	vadd.s32 v15, v41;
	v2 =	vld.idx.msk [tilespmem:v2+s13+$0x0], $0xffff;
	[tilespmem:s28+$0xC20] =	vst v3  }
0x4fa: {  	[tilespmem:s22+$0xC30] =	vst v13;
	v3 =	vor.u32 v42, v21;
	v13 =	vld.idx.msk [tilespmem:v14+s13+$0x0], $0xffff;
	v14 =	vadd.s32 v15, v44  }
0x4fb: {  	v15 =	vld.idx.msk [tilespmem:v18+s13+$0x0], $0xffff;
	v18 =	vadd.s32 v16, v0;
	[tilespmem:s24+$0xC30] =	vst v19;
	v14 =	vor.u32 v45, v14  }
0x4fc: {  	[tilespmem:s25+$0xC30] =	vst v17;
	v18 =	vor.u32 v1, v18;
	v19 =	vld.idx.msk [tilespmem:v20+s13+$0x0], $0xffff;
	v20 =	vadd.s32 v16, v4  }
0x4fd: {  	v8 =	vld.idx.msk [tilespmem:v8+s13+$0x0], $0xffff;
	[tilespmem:s26+$0xC30] =	vst v10;
	v17 =	vor.u32 v5, v20;
	v20 =	vadd.s32 v16, v6  }
0x4fe: {  	v12 =	vld.idx.msk [tilespmem:v12+s13+$0x0], $0xffff;
	v10 =	vor.u32 v7, v20;
	v20 =	vadd.s32 v16, v9;
	[tilespmem:s29+$0xC30] =	vst v2  }
0x4ff: {  	v2 =	vor.u32 v11, v20;
	v3 =	vld.idx.msk [tilespmem:v3+s13+$0x0], $0xffff;
	v20 =	vadd.s32 v16, v41;
	[tilespmem:s28+$0xC30] =	vst v13  }
0x500: {  	[tilespmem:s22+$0xC40] =	vst v15;
	v13 =	vor.u32 v42, v20;
	v15 =	vadd.s32 v16, v44;
	v14 =	vld.idx.msk [tilespmem:v14+s13+$0x0], $0xffff  }
0x501: {  	v16 =	vld.idx.msk [tilespmem:v18+s13+$0x0], $0xffff;
	v18 =	vadd.s32 v25, v0;
	[tilespmem:s24+$0xC40] =	vst v19;
	v15 =	vor.u32 v45, v15  }
0x502: {  	v19 =	vadd.s32 v25, v4;
	[tilespmem:s25+$0xC40] =	vst v8;
	v18 =	vor.u32 v1, v18;
	v17 =	vld.idx.msk [tilespmem:v17+s13+$0x0], $0xffff  }
0x503: {  	v8 =	vor.u32 v5, v19;
	v19 =	vadd.s32 v25, v6;
	[tilespmem:s26+$0xC40] =	vst v12;
	v10 =	vld.idx.msk [tilespmem:v10+s13+$0x0], $0xffff  }
0x504: {  	v12 =	vor.u32 v7, v19;
	v19 =	vadd.s32 v25, v9;
	v2 =	vld.idx.msk [tilespmem:v2+s13+$0x0], $0xffff;
	[tilespmem:s29+$0xC40] =	vst v3  }
0x505: {  	v3 =	vor.u32 v11, v19;
	v19 =	vadd.s32 v25, v41;
	v13 =	vld.idx.msk [tilespmem:v13+s13+$0x0], $0xffff;
	[tilespmem:s28+$0xC40] =	vst v14  }
0x506: {  	[tilespmem:s22+$0xC50] =	vst v16;
	v14 =	vor.u32 v42, v19;
	v16 =	vadd.s32 v25, v44;
	v15 =	vld.idx.msk [tilespmem:v15+s13+$0x0], $0xffff  }
0x507: {  	v0 =	vadd.s32 v43, v0;
	v18 =	vld.idx.msk [tilespmem:v18+s13+$0x0], $0xffff;
	[tilespmem:s24+$0xC50] =	vst v17;
	v16 =	vor.u32 v45, v16  }
0x508: {  	v4 =	vadd.s32 v43, v4;
	v0 =	vor.u32 v1, v0;
	v1 =	vld.idx.msk [tilespmem:v8+s13+$0x0], $0xffff;
	[tilespmem:s25+$0xC50] =	vst v10  }
0x509: {  	v4 =	vor.u32 v5, v4;
	v6 =	vadd.s32 v43, v6;
	v5 =	vld.idx.msk [tilespmem:v12+s13+$0x0], $0xffff;
	[tilespmem:s26+$0xC50] =	vst v2  }
0x50a: {  	v2 =	vor.u32 v7, v6;
	v6 =	vadd.s32 v43, v9;
	v3 =	vld.idx.msk [tilespmem:v3+s13+$0x0], $0xffff;
	[tilespmem:s29+$0xC50] =	vst v13  }
0x50b: {  	v8 =	vadd.s32 v43, v41;
	v6 =	vor.u32 v11, v6;
	v7 =	vld.idx.msk [tilespmem:v14+s13+$0x0], $0xffff;
	[tilespmem:s28+$0xC50] =	vst v15  }
0x50c: {  	v10 =	vadd.s32 v43, v44;
	v8 =	vor.u32 v42, v8;
	[tilespmem:s22+$0xC60] =	vst v18;
	v9 =	vld.idx.msk [tilespmem:v16+s13+$0x0], $0xffff  }
0x50d: {  	v0 =	vld.idx.msk [tilespmem:v0+s13+$0x0], $0xffff;
	[tilespmem:s24+$0xC60] =	vst v1;
	v1 =	vor.u32 v45, v10  }
0x50e: {  	v4 =	vld.idx.msk [tilespmem:v4+s13+$0x0], $0xffff;
	[tilespmem:s25+$0xC60] =	vst v5  }
0x50f: {  	v2 =	vld.idx.msk [tilespmem:v2+s13+$0x0], $0xffff;
	[tilespmem:s26+$0xC60] =	vst v3  }
0x510: {  	v3 =	vld.idx.msk [tilespmem:v6+s13+$0x0], $0xffff;
	[tilespmem:s29+$0xC60] =	vst v7  }
0x511: {  	v5 =	vld.idx.msk [tilespmem:v8+s13+$0x0], $0xffff;
	[tilespmem:s28+$0xC60] =	vst v9  }
0x512: {  	[tilespmem:s22+$0xC70] =	vst v0;
	v0 =	vld.idx.msk [tilespmem:v1+s13+$0x0], $0xffff  }
0x513: {  	[tilespmem:s24+$0xC70] =	vst v4  }
0x514: {  	[tilespmem:s25+$0xC70] =	vst v2  }
0x515: {  	[tilespmem:s26+$0xC70] =	vst v3  }
0x516: {  	s21 =	sadd.s32 s5, s21;
	[tilespmem:s29+$0xC70] =	vst v5  }
0x517: {  	s23 =	sadd.s32 s2, s21;
	s24 =	simm.s32 $0x0;
	[tilespmem:s28+$0xC70] =	vst v0  }
0x518: {  	[hbm4b:s23+s24] =	stream.linear.scatter [tilespmem:s14], [sflag:$0x3], $0x4000, $0x38;
	[tilespmem:$0x18200] =	vst v63  }
0x519: {  	_ =	swait.ge [sflag:s18], $0x4000  }
0x51a: {  	[sflag:s18] =	ssyncset.done $0x0  }
0x51b: {  	[sflag:s18] =	ssyncadd.s32 $0xFFFFC000  }
0x51c: {  	v1 =	vld [tilespmem:$0x0]  }
0x51d: {  	v2 =	vld [tilespmem:$0x10]  }
0x51e: {  	v3 =	vld [tilespmem:$0x20]  }
0x51f: {  	v22 =	vld [tilespmem:$0x30]  }
0x520: {  	v25 =	vld [tilespmem:$0x40]  }
0x521: {  	v26 =	vld [tilespmem:$0x50]  }
0x522: {  	v28 =	vld [tilespmem:$0x60]  }
0x523: {  	v30 =	vld [tilespmem:$0x70]  }
0x524: {  	v31 =	vld [tilespmem:$0x80]  }
0x525: {  	v0 =	vld [tilespmem:$0x90]  }
0x526: {  	v34 =	vld [tilespmem:$0xA0]  }
0x527: {  	v33 =	vld [tilespmem:$0xB0]  }
0x528: {  	v29 =	vld [tilespmem:$0xC0]  }
0x529: {  	v27 =	vld [tilespmem:$0xD0]  }
0x52a: {  	v5 =	vld [tilespmem:$0xE0]  }
0x52b: {  	v4 =	vld [tilespmem:$0xF0]  }
0x52c: {  	v24 =	vld [tilespmem:$0x100]  }
0x52d: {  	s25 =	simm.s32 $0x20;
	v23 =	vld [tilespmem:$0x110]  }
0x52e: {  	v7 =	vmov s25;
	v18 =	vld [tilespmem:$0x120];
	v6 =	vshll.u32 v1, $0x3  }
0x52f: {  	v8 =	vshll.u32 v7, $0x9;
	v16 =	vld [tilespmem:$0x130];
	v1 =	vand.u32 $0x7F, v1;
	v6 =	vand.u32 $0xFFFFFC00, v6  }
0x530: {  	v45 =	vand.u32 $0x7000, v8;
	v15 =	vld [tilespmem:$0x140];
	v19 =	vor.u32 v1, v6;
	v1 =	vshll.u32 v7, $0x7  }
0x531: {  	v14 =	vld [tilespmem:$0x150];
	v44 =	vand.u32 $0x380, v1;
	v1 =	vadd.s32 v19, v45  }
0x532: {  	v13 =	vld [tilespmem:$0x160];
	v1 =	vor.u32 v44, v1  }
0x533: {  	v12 =	vld [tilespmem:$0x190]  }
0x534: {  	v10 =	vld [tilespmem:$0x1A0];
	v8 =	vshll.u32 v2, $0x3  }
0x535: {  	v11 =	vld [tilespmem:$0x1B0];
	v2 =	vand.u32 $0x7F, v2;
	v8 =	vand.u32 $0xFFFFFC00, v8  }
0x536: {  	v9 =	vld [tilespmem:$0x1C0];
	v20 =	vor.u32 v2, v8  }
0x537: {  	v2 =	vadd.s32 v20, v45;
	v1 =	vld.idx.msk [tilespmem:v1+s13+$0x0], $0xffff  }
0x538: {  	v17 =	vld [tilespmem:$0x1E0];
	v2 =	vor.u32 v44, v2  }
0x539: {  	v43 =	vld [tilespmem:$0x1F0]  }
0x53a: {  	s1 =	sand.u32 $0x380, s24;
	s26 =	sand.u32 $0x3000, s24;
	v21 =	vshll.u32 v3, $0x3;
	v7 =	vld [tilespmem:$0x170]  }
0x53b: {  	s0 =	sor.u32 s1, s26;
	v3 =	vand.u32 $0x7F, v3;
	v21 =	vand.u32 $0xFFFFFC00, v21;
	v6 =	vld [tilespmem:$0x180]  }
0x53c: {  	v8 =	vld [tilespmem:$0x1D0];
	v21 =	vor.u32 v3, v21;
	[tilespmem:s0+$0x14200] =	vst v1  }
0x53d: {  	v1 =	vld.idx.msk [tilespmem:v2+s13+$0x0], $0xffff;
	v2 =	vadd.s32 v21, v45  }
0x53e: {  	v2 =	vor.u32 v44, v2;
	_ =	sdelay $0x1  }
0x53f: {  	v3 =	vshll.u32 v22, $0x3  }
0x540: {  	s25 =	sadd.s32 $0x14200, s0;
	v22 =	vand.u32 $0x7F, v22;
	v3 =	vand.u32 $0xFFFFFC00, v3  }
0x541: {  	v22 =	vor.u32 v22, v3;
	[tilespmem:s25+$0x10] =	vst v1  }
0x542: {  	v1 =	vld.idx.msk [tilespmem:v2+s13+$0x0], $0xffff;
	v2 =	vadd.s32 v22, v45  }
0x543: {  	v2 =	vor.u32 v44, v2;
	_ =	sdelay $0x1  }
0x544: {  	v3 =	vshll.u32 v25, $0x3  }
0x545: {  	v25 =	vand.u32 $0x7F, v25;
	v3 =	vand.u32 $0xFFFFFC00, v3  }
0x546: {  	s30 =	simm.s32 $0x21;
	v25 =	vor.u32 v25, v3;
	[tilespmem:s25+$0x20] =	vst v1  }
0x547: {  	v3 =	vadd.s32 v25, v45;
	v1 =	vld.idx.msk [tilespmem:v2+s13+$0x0], $0xffff;
	v2 =	vmov s30  }
0x548: {  	v53 =	vor.u32 v44, v3;
	v3 =	vshll.u32 v2, $0x9  }
0x549: {  	v54 =	vshll.u32 v2, $0x7;
	v2 =	vand.u32 $0x7000, v3  }
0x54a: {  	v55 =	vshll.u32 v26, $0x3;
	v3 =	vand.u32 $0x380, v54;
	v56 =	vadd.s32 v19, v2  }
0x54b: {  	v26 =	vand.u32 $0x7F, v26;
	v36 =	vand.u32 $0xFFFFFC00, v55;
	v35 =	vor.u32 v3, v56  }
0x54c: {  	v26 =	vor.u32 v26, v36;
	[tilespmem:s25+$0x30] =	vst v1  }
0x54d: {  	v57 =	vadd.s32 v26, v45;
	v1 =	vld.idx.msk [tilespmem:v53+s13+$0x0], $0xffff  }
0x54e: {  	v32 =	vor.u32 v44, v57;
	_ =	sdelay $0x1  }
0x54f: {  	v58 =	vshll.u32 v28, $0x3;
	v59 =	vadd.s32 v20, v2;
	v35 =	vld.idx.msk [tilespmem:v35+s13+$0x0], $0xffff  }
0x550: {  	v28 =	vand.u32 $0x7F, v28;
	v36 =	vand.u32 $0xFFFFFC00, v58;
	v37 =	vor.u32 v3, v59  }
0x551: {  	s31 =	simm.s32 $0x80;
	s3 =	simm.s32 $0x200;
	v28 =	vor.u32 v28, v36;
	[tilespmem:s25+$0x40] =	vst v1  }
0x552: {  	s1 =	sand.u32 $0x3000, s3;
	v60 =	vadd.s32 v28, v45;
	s0 =	sand.u32 $0x380, s31;
	v1 =	vld.idx.msk [tilespmem:v32+s13+$0x0], $0xffff  }
0x553: {  	s0 =	sor.u32 s0, s1;
	v32 =	vor.u32 v44, v60  }
0x554: {  	[tilespmem:s0+$0x14200] =	vst v35  }
0x555: {  	v61 =	vshll.u32 v30, $0x3;
	v63 =	vadd.s32 v21, v2;
	v62 =	vld.idx.msk [tilespmem:v37+s13+$0x0], $0xffff  }
0x556: {  	v30 =	vand.u32 $0x7F, v30;
	v35 =	vand.u32 $0xFFFFFC00, v61;
	v37 =	vor.u32 v3, v63  }
0x557: {  	v30 =	vor.u32 v30, v35;
	[tilespmem:s25+$0x50] =	vst v1  }
0x558: {  	v39 =	vadd.s32 v30, v45;
	v1 =	vld.idx.msk [tilespmem:v32+s13+$0x0], $0xffff  }
0x559: {  	s23 =	sadd.s32 $0x14200, s0;
	v32 =	vor.u32 v44, v39  }
0x55a: {  	[tilespmem:s23+$0x10] =	vst v62  }
0x55b: {  	v40 =	vshll.u32 v31, $0x3;
	v41 =	vadd.s32 v22, v2;
	v36 =	vld.idx.msk [tilespmem:v37+s13+$0x0], $0xffff  }
0x55c: {  	v31 =	vand.u32 $0x7F, v31;
	v35 =	vand.u32 $0xFFFFFC00, v40;
	v37 =	vor.u32 v3, v41  }
0x55d: {  	v31 =	vor.u32 v31, v35;
	[tilespmem:s25+$0x60] =	vst v1  }
0x55e: {  	v42 =	vadd.s32 v31, v45;
	v1 =	vld.idx.msk [tilespmem:v32+s13+$0x0], $0xffff  }
0x55f: {  	v46 =	vor.u32 v44, v42  }
0x560: {  	[tilespmem:s23+$0x20] =	vst v36  }
0x561: {  	s9 =	simm.s32 $0x22;
	v47 =	vand.u32 $0x7F, v0;
	v0 =	vshll.u32 v0, $0x3;
	v48 =	vadd.s32 v25, v2;
	v36 =	vld.idx.msk [tilespmem:v37+s13+$0x0], $0xffff  }
0x562: {  	v49 =	vmov s9;
	v0 =	vand.u32 $0xFFFFFC00, v0;
	v37 =	vor.u32 v3, v48  }
0x563: {  	v32 =	vor.u32 v47, v0;
	v0 =	vshll.u32 v49, $0x9;
	[tilespmem:s25+$0x70] =	vst v1  }
0x564: {  	v0 =	vand.u32 $0x7000, v0;
	v50 =	vadd.s32 v32, v45;
	v1 =	vshll.u32 v49, $0x7;
	v35 =	vld.idx.msk [tilespmem:v46+s13+$0x0], $0xffff  }
0x565: {  	v51 =	vadd.s32 v19, v0;
	v38 =	vor.u32 v44, v50;
	v1 =	vand.u32 $0x380, v1  }
0x566: {  	v39 =	vor.u32 v1, v51;
	[tilespmem:s23+$0x30] =	vst v36  }
0x567: {  	v52 =	vshll.u32 v34, $0x3;
	v53 =	vadd.s32 v26, v2;
	v37 =	vld.idx.msk [tilespmem:v37+s13+$0x0], $0xffff  }
0x568: {  	v34 =	vand.u32 $0x7F, v34;
	v40 =	vor.u32 v3, v53;
	v36 =	vand.u32 $0xFFFFFC00, v52  }
0x569: {  	v34 =	vor.u32 v34, v36;
	[tilespmem:s25+$0x400] =	vst v35  }
0x56a: {  	v36 =	vadd.s32 v34, v45;
	v35 =	vld.idx.msk [tilespmem:v38+s13+$0x0], $0xffff  }
0x56b: {  	v55 =	vadd.s32 v20, v0;
	v56 =	vor.u32 v44, v36;
	v54 =	vld.idx.msk [tilespmem:v39+s13+$0x0], $0xffff  }
0x56c: {  	v39 =	vor.u32 v1, v55;
	[tilespmem:s23+$0x40] =	vst v37  }
0x56d: {  	s22 =	simm.s32 $0x100;
	s24 =	simm.s32 $0x400;
	v57 =	vshll.u32 v33, $0x3;
	v58 =	vadd.s32 v28, v2;
	v37 =	vld.idx.msk [tilespmem:v40+s13+$0x0], $0xffff  }
0x56e: {  	v33 =	vand.u32 $0x7F, v33;
	s1 =	sand.u32 $0x3000, s24;
	s0 =	sand.u32 $0x380, s22;
	v36 =	vand.u32 $0xFFFFFC00, v57;
	v40 =	vor.u32 v3, v58  }
0x56f: {  	s0 =	sor.u32 s0, s1;
	v36 =	vor.u32 v33, v36;
	[tilespmem:s25+$0x410] =	vst v35  }
0x570: {  	v60 =	vadd.s32 v36, v45;
	[tilespmem:s0+$0x14200] =	vst v54;
	v59 =	vld.idx.msk [tilespmem:v56+s13+$0x0], $0xffff  }
0x571: {  	v61 =	vadd.s32 v21, v0;
	v35 =	vor.u32 v44, v60;
	v38 =	vld.idx.msk [tilespmem:v39+s13+$0x0], $0xffff  }
0x572: {  	v39 =	vor.u32 v1, v61;
	[tilespmem:s23+$0x50] =	vst v37  }
0x573: {  	v63 =	vadd.s32 v30, v2;
	v62 =	vshll.u32 v29, $0x3;
	v40 =	vld.idx.msk [tilespmem:v40+s13+$0x0], $0xffff  }
0x574: {  	v29 =	vand.u32 $0x7F, v29;
	v41 =	vor.u32 v3, v63;
	v37 =	vand.u32 $0xFFFFFC00, v62  }
0x575: {  	s22 =	sadd.s32 $0x14200, s0;
	v37 =	vor.u32 v29, v37;
	[tilespmem:s25+$0x420] =	vst v59  }
0x576: {  	v46 =	vadd.s32 v37, v45;
	[tilespmem:s22+$0x10] =	vst v38;
	v29 =	vld.idx.msk [tilespmem:v35+s13+$0x0], $0xffff  }
0x577: {  	s26 =	simm.s32 $0x23;
	v47 =	vadd.s32 v22, v0;
	v33 =	vor.u32 v44, v46;
	v38 =	vld.idx.msk [tilespmem:v39+s13+$0x0], $0xffff  }
0x578: {  	v53 =	vmov s26;
	v49 =	vor.u32 v1, v47;
	[tilespmem:s23+$0x60] =	vst v40  }
0x579: {  	v48 =	vand.u32 $0x7F, v27;
	v27 =	vshll.u32 v27, $0x3;
	v51 =	vadd.s32 v31, v2;
	v40 =	vld.idx.msk [tilespmem:v41+s13+$0x0], $0xffff  }
0x57a: {  	v50 =	vshll.u32 v5, $0x3;
	v27 =	vand.u32 $0xFFFFFC00, v27;
	v41 =	vor.u32 v3, v51  }
0x57b: {  	v5 =	vand.u32 $0x7F, v5;
	v42 =	vor.u32 v48, v27;
	v35 =	vand.u32 $0xFFFFFC00, v50;
	[tilespmem:s25+$0x430] =	vst v29  }
0x57c: {  	v27 =	vand.u32 $0x7F, v4;
	v35 =	vor.u32 v5, v35;
	v5 =	vadd.s32 v42, v45;
	[tilespmem:s22+$0x20] =	vst v38;
	v29 =	vld.idx.msk [tilespmem:v33+s13+$0x0], $0xffff  }
0x57d: {  	v4 =	vshll.u32 v4, $0x3;
	v54 =	vadd.s32 v25, v0;
	v55 =	vor.u32 v44, v5;
	v52 =	vld.idx.msk [tilespmem:v49+s13+$0x0], $0xffff  }
0x57e: {  	v56 =	vand.u32 $0xFFFFFC00, v4;
	v4 =	vshll.u32 v53, $0x9;
	v39 =	vor.u32 v1, v54;
	[tilespmem:s23+$0x70] =	vst v40  }
0x57f: {  	v57 =	vadd.s32 v32, v2;
	v4 =	vand.u32 $0x7000, v4;
	v5 =	vshll.u32 v53, $0x7;
	v40 =	vld.idx.msk [tilespmem:v41+s13+$0x0], $0xffff  }
0x580: {  	v58 =	vadd.s32 v19, v4;
	v59 =	vor.u32 v3, v57;
	v5 =	vand.u32 $0x380, v5  }
0x581: {  	v62 =	vshll.u32 v23, $0x3;
	v61 =	vadd.s32 v35, v45;
	[tilespmem:s25+$0x440] =	vst v29;
	v29 =	vor.u32 v5, v58  }
0x582: {  	v23 =	vand.u32 $0x7F, v23;
	v54 =	vand.u32 $0xFFFFFC00, v62;
	v53 =	vor.u32 v44, v61;
	[tilespmem:s22+$0x30] =	vst v52;
	v60 =	vld.idx.msk [tilespmem:v55+s13+$0x0], $0xffff  }
0x583: {  	v38 =	vor.u32 v27, v56;
	v27 =	vshll.u32 v24, $0x3;
	v52 =	vadd.s32 v26, v0;
	v63 =	vld.idx.msk [tilespmem:v39+s13+$0x0], $0xffff  }
0x584: {  	v24 =	vand.u32 $0x7F, v24;
	v27 =	vand.u32 $0xFFFFFC00, v27;
	v55 =	vor.u32 v1, v52;
	[tilespmem:s23+$0x400] =	vst v40  }
0x585: {  	v33 =	vor.u32 v23, v54;
	v39 =	vor.u32 v24, v27;
	v24 =	vadd.s32 v34, v2;
	v23 =	vld.idx.msk [tilespmem:v59+s13+$0x0], $0xffff  }
0x586: {  	v27 =	vshll.u32 v18, $0x3;
	v24 =	vor.u32 v3, v24;
	v56 =	vld.idx.msk [tilespmem:v29+s13+$0x0], $0xffff;
	v29 =	vadd.s32 v20, v4  }
0x587: {  	v18 =	vand.u32 $0x7F, v18;
	v27 =	vand.u32 $0xFFFFFC00, v27;
	[tilespmem:s25+$0x450] =	vst v60;
	v57 =	vor.u32 v5, v29  }
0x588: {  	s31 =	simm.s32 $0x600;
	s30 =	simm.s32 $0x180;
	v29 =	vor.u32 v18, v27;
	[tilespmem:s22+$0x40] =	vst v63;
	v27 =	vadd.s32 v38, v45;
	v18 =	vld.idx.msk [tilespmem:v53+s13+$0x0], $0xffff  }
0x589: {  	s1 =	sand.u32 $0x3000, s31;
	s0 =	sand.u32 $0x380, s30;
	v58 =	vshll.u32 v16, $0x3;
	v59 =	vadd.s32 v28, v0;
	v46 =	vld.idx.msk [tilespmem:v55+s13+$0x0], $0xffff;
	v60 =	vor.u32 v44, v27  }
0x58a: {  	s0 =	sor.u32 s0, s1;
	v16 =	vand.u32 $0x7F, v16;
	v61 =	vor.u32 v1, v59;
	v27 =	vand.u32 $0xFFFFFC00, v58;
	[tilespmem:s23+$0x410] =	vst v23  }
0x58b: {  	v27 =	vor.u32 v16, v27;
	v23 =	vadd.s32 v36, v2;
	[tilespmem:s0+$0x14200] =	vst v56;
	v16 =	vld.idx.msk [tilespmem:v24+s13+$0x0], $0xffff  }
0x58c: {  	v62 =	vadd.s32 v21, v4;
	v24 =	vshll.u32 v15, $0x3;
	v23 =	vor.u32 v3, v23;
	v40 =	vld.idx.msk [tilespmem:v57+s13+$0x0], $0xffff  }
0x58d: {  	v15 =	vand.u32 $0x7F, v15;
	v24 =	vand.u32 $0xFFFFFC00, v24;
	[tilespmem:s25+$0x460] =	vst v18;
	v18 =	vor.u32 v5, v62  }
0x58e: {  	v63 =	vadd.s32 v39, v45;
	v24 =	vor.u32 v15, v24;
	[tilespmem:s22+$0x50] =	vst v46;
	v15 =	vld.idx.msk [tilespmem:v60+s13+$0x0], $0xffff  }
0x58f: {  	v52 =	vshll.u32 v14, $0x3;
	v53 =	vadd.s32 v30, v0;
	v41 =	vor.u32 v44, v63;
	v47 =	vld.idx.msk [tilespmem:v61+s13+$0x0], $0xffff  }
0x590: {  	s24 =	sadd.s32 $0x14200, s0;
	v14 =	vand.u32 $0x7F, v14;
	v48 =	vor.u32 v1, v53;
	v56 =	vadd.s32 v22, v4;
	[tilespmem:s23+$0x420] =	vst v16  }
0x591: {  	v16 =	vand.u32 $0x7F, v13;
	v13 =	vshll.u32 v13, $0x3;
	[tilespmem:s24+$0x10] =	vst v40;
	v54 =	vld.idx.msk [tilespmem:v23+s13+$0x0], $0xffff;
	v23 =	vadd.s32 v37, v2  }
0x592: {  	v46 =	vand.u32 $0xFFFFFC00, v52;
	v13 =	vand.u32 $0xFFFFFC00, v13;
	v55 =	vld.idx.msk [tilespmem:v18+s13+$0x0], $0xffff;
	v57 =	vor.u32 v3, v23  }
0x593: {  	v23 =	vor.u32 v14, v46;
	v18 =	vor.u32 v16, v13;
	v13 =	vor.u32 v5, v56;
	[tilespmem:s25+$0x470] =	vst v15  }
0x594: {  	v14 =	vand.u32 $0x7F, v7;
	v7 =	vshll.u32 v7, $0x3;
	v16 =	vadd.s32 v33, v45;
	[tilespmem:s22+$0x60] =	vst v47;
	v15 =	vld.idx.msk [tilespmem:v41+s13+$0x0], $0xffff  }
0x595: {  	v59 =	vadd.s32 v31, v0;
	v7 =	vand.u32 $0xFFFFFC00, v7;
	v60 =	vor.u32 v44, v16;
	v58 =	vld.idx.msk [tilespmem:v48+s13+$0x0], $0xffff  }
0x596: {  	v46 =	vor.u32 v1, v59;
	v16 =	vor.u32 v14, v7;
	v7 =	vshll.u32 v6, $0x3;
	[tilespmem:s23+$0x430] =	vst v54  }
0x597: {  	v61 =	vadd.s32 v42, v2;
	v6 =	vand.u32 $0x7F, v6;
	v7 =	vand.u32 $0xFFFFFC00, v7;
	[tilespmem:s24+$0x20] =	vst v55;
	v40 =	vld.idx.msk [tilespmem:v57+s13+$0x0], $0xffff  }
0x598: {  	s3 =	simm.s32 $0x24;
	v48 =	vor.u32 v3, v61;
	v14 =	vor.u32 v6, v7;
	v6 =	vadd.s32 v25, v4;
	v13 =	vld.idx.msk [tilespmem:v13+s13+$0x0], $0xffff  }
0x599: {  	v49 =	vand.u32 $0x7F, v12;
	v7 =	vmov s3;
	[tilespmem:s25+$0x800] =	vst v15;
	v15 =	vor.u32 v5, v6  }
0x59a: {  	v62 =	vshll.u32 v7, $0x7;
	[tilespmem:s22+$0x70] =	vst v58;
	v6 =	vshll.u32 v7, $0x9;
	v7 =	vadd.s32 v29, v45;
	v63 =	vld.idx.msk [tilespmem:v60+s13+$0x0], $0xffff  }
0x59b: {  	v55 =	vadd.s32 v32, v0;
	v46 =	vld.idx.msk [tilespmem:v46+s13+$0x0], $0xffff;
	v6 =	vand.u32 $0x7000, v6;
	v56 =	vor.u32 v44, v7  }
0x59c: {  	v47 =	vor.u32 v1, v55;
	v7 =	vand.u32 $0x380, v62;
	v57 =	vadd.s32 v19, v6;
	[tilespmem:s23+$0x440] =	vst v40  }
0x59d: {  	v12 =	vshll.u32 v12, $0x3;
	v59 =	vadd.s32 v35, v2;
	v58 =	vor.u32 v7, v57;
	[tilespmem:s24+$0x30] =	vst v13;
	v13 =	vld.idx.msk [tilespmem:v48+s13+$0x0], $0xffff  }
0x59e: {  	v12 =	vand.u32 $0xFFFFFC00, v12;
	v61 =	vadd.s32 v26, v4;
	v48 =	vor.u32 v3, v59;
	v60 =	vld.idx.msk [tilespmem:v15+s13+$0x0], $0xffff  }
0x59f: {  	v62 =	vor.u32 v5, v61;
	v15 =	vor.u32 v49, v12;
	v12 =	vshll.u32 v10, $0x3;
	[tilespmem:s25+$0x810] =	vst v63  }
0x5a0: {  	v55 =	vadd.s32 v27, v45;
	v10 =	vand.u32 $0x7F, v10;
	v12 =	vand.u32 $0xFFFFFC00, v12;
	[tilespmem:s22+$0x400] =	vst v46;
	v63 =	vld.idx.msk [tilespmem:v56+s13+$0x0], $0xffff  }
0x5a1: {  	v49 =	vor.u32 v44, v55;
	v10 =	vor.u32 v10, v12;
	v12 =	vld.idx.msk [tilespmem:v47+s13+$0x0], $0xffff;
	v56 =	vadd.s32 v34, v0  }
0x5a2: {  	v57 =	vadd.s32 v20, v6;
	v40 =	vld.idx.msk [tilespmem:v58+s13+$0x0], $0xffff;
	v47 =	vor.u32 v1, v56;
	[tilespmem:s23+$0x450] =	vst v13  }
0x5a3: {  	v58 =	vadd.s32 v38, v2;
	v13 =	vor.u32 v7, v57;
	[tilespmem:s24+$0x40] =	vst v60;
	v48 =	vld.idx.msk [tilespmem:v48+s13+$0x0], $0xffff  }
0x5a4: {  	s9 =	simm.s32 $0x200;
	s26 =	simm.s32 $0x800;
	v50 =	vor.u32 v3, v58;
	v60 =	vadd.s32 v28, v4;
	v41 =	vld.idx.msk [tilespmem:v62+s13+$0x0], $0xffff  }
0x5a5: {  	s1 =	sand.u32 $0x3000, s26;
	s0 =	sand.u32 $0x380, s9;
	v61 =	vor.u32 v5, v60;
	[tilespmem:s25+$0x820] =	vst v63  }
0x5a6: {  	s0 =	sor.u32 s0, s1;
	v54 =	vadd.s32 v36, v0;
	v59 =	vshll.u32 v11, $0x3;
	v62 =	vadd.s32 v24, v45;
	[tilespmem:s22+$0x410] =	vst v12;
	v12 =	vld.idx.msk [tilespmem:v49+s13+$0x0], $0xffff  }
0x5a7: {  	v11 =	vand.u32 $0x7F, v11;
	v51 =	vand.u32 $0xFFFFFC00, v59;
	[tilespmem:s0+$0x14200] =	vst v40;
	v63 =	vld.idx.msk [tilespmem:v47+s13+$0x0], $0xffff;
	v49 =	vor.u32 v44, v62  }
0x5a8: {  	v55 =	vadd.s32 v21, v6;
	v59 =	vshll.u32 v9, $0x3;
	v47 =	vor.u32 v1, v54;
	v13 =	vld.idx.msk [tilespmem:v13+s13+$0x0], $0xffff;
	[tilespmem:s23+$0x460] =	vst v48  }
0x5a9: {  	v9 =	vand.u32 $0x7F, v9;
	v56 =	vor.u32 v7, v55;
	v58 =	vadd.s32 v39, v2;
	[tilespmem:s24+$0x50] =	vst v41;
	v57 =	vld.idx.msk [tilespmem:v50+s13+$0x0], $0xffff  }
0x5aa: {  	v11 =	vor.u32 v11, v51;
	v60 =	vadd.s32 v30, v4;
	v50 =	vor.u32 v3, v58;
	v46 =	vld.idx.msk [tilespmem:v61+s13+$0x0], $0xffff  }
0x5ab: {  	v51 =	vand.u32 $0xFFFFFC00, v59;
	v52 =	vor.u32 v5, v60;
	v60 =	vadd.s32 v31, v4;
	[tilespmem:s25+$0x830] =	vst v12  }
0x5ac: {  	s26 =	sadd.s32 $0x14200, s0;
	v61 =	vadd.s32 v23, v45;
	v12 =	vor.u32 v9, v51;
	[tilespmem:s22+$0x420] =	vst v63;
	v9 =	vld.idx.msk [tilespmem:v49+s13+$0x0], $0xffff  }
0x5ad: {  	v40 =	vor.u32 v44, v61;
	[tilespmem:s26+$0x10] =	vst v13;
	v47 =	vld.idx.msk [tilespmem:v47+s13+$0x0], $0xffff;
	v13 =	vadd.s32 v37, v0  }
0x5ae: {  	v62 =	vadd.s32 v22, v6;
	v48 =	vld.idx.msk [tilespmem:v56+s13+$0x0], $0xffff;
	v63 =	vor.u32 v1, v13;
	[tilespmem:s23+$0x470] =	vst v57  }
0x5af: {  	v58 =	vshll.u32 v8, $0x3;
	v56 =	vor.u32 v7, v62;
	v13 =	vadd.s32 v33, v2;
	[tilespmem:s24+$0x60] =	vst v46;
	v57 =	vld.idx.msk [tilespmem:v50+s13+$0x0], $0xffff  }
0x5b0: {  	v8 =	vand.u32 $0x7F, v8;
	v62 =	vadd.s32 v42, v0;
	v61 =	vor.u32 v3, v13;
	v59 =	vld.idx.msk [tilespmem:v52+s13+$0x0], $0xffff  }
0x5b1: {  	v13 =	vand.u32 $0xFFFFFC00, v58;
	v58 =	vadd.s32 v29, v2;
	[tilespmem:s25+$0x840] =	vst v9;
	v9 =	vor.u32 v5, v60  }
0x5b2: {  	v13 =	vor.u32 v8, v13;
	v8 =	vadd.s32 v18, v45;
	[tilespmem:s22+$0x430] =	vst v47;
	v40 =	vld.idx.msk [tilespmem:v40+s13+$0x0], $0xffff  }
0x5b3: {  	s30 =	simm.s32 $0x25;
	v52 =	vor.u32 v3, v58;
	[tilespmem:s26+$0x20] =	vst v48;
	v47 =	vld.idx.msk [tilespmem:v63+s13+$0x0], $0xffff;
	v63 =	vor.u32 v44, v8  }
0x5b4: {  	v8 =	vmov s30;
	v48 =	vor.u32 v1, v62;
	v41 =	vld.idx.msk [tilespmem:v56+s13+$0x0], $0xffff;
	v56 =	vadd.s32 v25, v6;
	[tilespmem:s23+$0x800] =	vst v57  }
0x5b5: {  	v57 =	vshll.u32 v8, $0x7;
	v51 =	vor.u32 v7, v56;
	v8 =	vshll.u32 v8, $0x9;
	[tilespmem:s24+$0x70] =	vst v59;
	v50 =	vld.idx.msk [tilespmem:v61+s13+$0x0], $0xffff  }
0x5b6: {  	v58 =	vadd.s32 v26, v6;
	v8 =	vand.u32 $0x7000, v8;
	v59 =	vadd.s32 v32, v4;
	v53 =	vld.idx.msk [tilespmem:v9+s13+$0x0], $0xffff  }
0x5b7: {  	v9 =	vand.u32 $0x380, v57;
	v60 =	vadd.s32 v19, v8;
	v46 =	vor.u32 v5, v59;
	[tilespmem:s25+$0x850] =	vst v40  }
0x5b8: {  	v61 =	vadd.s32 v16, v45;
	[tilespmem:s22+$0x440] =	vst v47;
	v40 =	vor.u32 v9, v60;
	v47 =	vld.idx.msk [tilespmem:v63+s13+$0x0], $0xffff  }
0x5b9: {  	v57 =	vadd.s32 v35, v0;
	v49 =	vor.u32 v44, v61;
	[tilespmem:s26+$0x30] =	vst v41;
	v63 =	vld.idx.msk [tilespmem:v48+s13+$0x0], $0xffff  }
0x5ba: {  	v62 =	vand.u32 $0x7F, v17;
	v17 =	vshll.u32 v17, $0x3;
	v48 =	vor.u32 v1, v57;
	v51 =	vld.idx.msk [tilespmem:v51+s13+$0x0], $0xffff;
	[tilespmem:s23+$0x810] =	vst v50  }
0x5bb: {  	v17 =	vand.u32 $0xFFFFFC00, v17;
	v59 =	vor.u32 v7, v58;
	v60 =	vadd.s32 v27, v2;
	[tilespmem:s24+$0x400] =	vst v53;
	v52 =	vld.idx.msk [tilespmem:v52+s13+$0x0], $0xffff  }
0x5bc: {  	v17 =	vor.u32 v62, v17;
	v61 =	vadd.s32 v34, v4;
	v53 =	vor.u32 v3, v60;
	v46 =	vld.idx.msk [tilespmem:v46+s13+$0x0], $0xffff  }
0x5bd: {  	v62 =	vadd.s32 v20, v8;
	v54 =	vor.u32 v5, v61;
	v40 =	vld.idx.msk [tilespmem:v40+s13+$0x0], $0xffff;
	[tilespmem:s25+$0x860] =	vst v47  }
0x5be: {  	v56 =	vadd.s32 v14, v45;
	[tilespmem:s22+$0x450] =	vst v63;
	v47 =	vor.u32 v9, v62;
	v63 =	vld.idx.msk [tilespmem:v49+s13+$0x0], $0xffff  }
0x5bf: {  	s31 =	simm.s32 $0x280;
	s3 =	simm.s32 $0xA00;
	v57 =	vadd.s32 v38, v0;
	[tilespmem:s26+$0x40] =	vst v51;
	v48 =	vld.idx.msk [tilespmem:v48+s13+$0x0], $0xffff;
	v49 =	vor.u32 v44, v56  }
0x5c0: {  	s1 =	sand.u32 $0x3000, s3;
	s0 =	sand.u32 $0x380, s31;
	v58 =	vadd.s32 v28, v6;
	v51 =	vor.u32 v1, v57;
	v50 =	vld.idx.msk [tilespmem:v59+s13+$0x0], $0xffff;
	[tilespmem:s23+$0x820] =	vst v52  }
0x5c1: {  	s0 =	sor.u32 s0, s1;
	v60 =	vadd.s32 v24, v2;
	v59 =	vor.u32 v7, v58;
	[tilespmem:s24+$0x410] =	vst v46;
	v46 =	vld.idx.msk [tilespmem:v53+s13+$0x0], $0xffff  }
0x5c2: {  	v62 =	vadd.s32 v36, v4;
	[tilespmem:s0+$0x14200] =	vst v40;
	v53 =	vor.u32 v3, v60;
	v61 =	vld.idx.msk [tilespmem:v54+s13+$0x0], $0xffff  }
0x5c3: {  	v47 =	vld.idx.msk [tilespmem:v47+s13+$0x0], $0xffff;
	v54 =	vor.u32 v5, v62;
	[tilespmem:s25+$0x870] =	vst v63;
	v63 =	vadd.s32 v21, v8  }
0x5c4: {  	v57 =	vadd.s32 v15, v45;
	[tilespmem:s22+$0x460] =	vst v48;
	v48 =	vld.idx.msk [tilespmem:v49+s13+$0x0], $0xffff;
	v41 =	vor.u32 v9, v63  }
0x5c5: {  	v58 =	vadd.s32 v39, v0;
	[tilespmem:s26+$0x50] =	vst v50;
	v50 =	vld.idx.msk [tilespmem:v51+s13+$0x0], $0xffff;
	v49 =	vor.u32 v44, v57  }
0x5c6: {  	v51 =	vor.u32 v1, v58;
	v52 =	vld.idx.msk [tilespmem:v59+s13+$0x0], $0xffff;
	v59 =	vadd.s32 v30, v6;
	[tilespmem:s23+$0x830] =	vst v46  }
0x5c7: {  	s28 =	sadd.s32 $0x14200, s0;
	v60 =	vor.u32 v7, v59;
	[tilespmem:s24+$0x420] =	vst v61;
	v40 =	vld.idx.msk [tilespmem:v53+s13+$0x0], $0xffff;
	v61 =	vadd.s32 v23, v2  }
0x5c8: {  	v63 =	vadd.s32 v37, v4;
	[tilespmem:s28+$0x10] =	vst v47;
	v62 =	vld.idx.msk [tilespmem:v54+s13+$0x0], $0xffff;
	v53 =	vor.u32 v3, v61  }
0x5c9: {  	v57 =	vadd.s32 v22, v8;
	v54 =	vor.u32 v5, v63;
	v41 =	vld.idx.msk [tilespmem:v41+s13+$0x0], $0xffff;
	[tilespmem:s25+$0xC00] =	vst v48  }
0x5ca: {  	v58 =	vadd.s32 v10, v45;
	[tilespmem:s22+$0x470] =	vst v50;
	v48 =	vor.u32 v9, v57;
	v49 =	vld.idx.msk [tilespmem:v49+s13+$0x0], $0xffff  }
0x5cb: {  	v59 =	vadd.s32 v33, v0;
	v50 =	vor.u32 v44, v58;
	[tilespmem:s26+$0x60] =	vst v52;
	v51 =	vld.idx.msk [tilespmem:v51+s13+$0x0], $0xffff  }
0x5cc: {  	v52 =	vor.u32 v1, v59;
	v46 =	vld.idx.msk [tilespmem:v60+s13+$0x0], $0xffff;
	v60 =	vadd.s32 v31, v6;
	[tilespmem:s23+$0x840] =	vst v40  }
0x5cd: {  	v61 =	vadd.s32 v18, v2;
	v40 =	vor.u32 v7, v60;
	[tilespmem:s24+$0x430] =	vst v62;
	v47 =	vld.idx.msk [tilespmem:v53+s13+$0x0], $0xffff  }
0x5ce: {  	s9 =	simm.s32 $0x26;
	v62 =	vadd.s32 v42, v4;
	v53 =	vor.u32 v3, v61;
	[tilespmem:s28+$0x20] =	vst v41;
	v54 =	vld.idx.msk [tilespmem:v54+s13+$0x0], $0xffff  }
0x5cf: {  	v63 =	vmov s9;
	v60 =	vadd.s32 v25, v8;
	v56 =	vor.u32 v5, v62;
	v48 =	vld.idx.msk [tilespmem:v48+s13+$0x0], $0xffff;
	[tilespmem:s25+$0xC10] =	vst v49  }
0x5d0: {  	v61 =	vshll.u32 v63, $0x7;
	v62 =	vadd.s32 v11, v45;
	[tilespmem:s22+$0x800] =	vst v51;
	v51 =	vor.u32 v9, v60;
	v50 =	vld.idx.msk [tilespmem:v50+s13+$0x0], $0xffff  }
0x5d1: {  	v49 =	vshll.u32 v63, $0x9;
	v63 =	vadd.s32 v29, v0;
	v55 =	vor.u32 v44, v62;
	[tilespmem:s26+$0x70] =	vst v46;
	v46 =	vld.idx.msk [tilespmem:v52+s13+$0x0], $0xffff  }
0x5d2: {  	v59 =	vadd.s32 v32, v6;
	v52 =	vor.u32 v1, v63;
	v57 =	vld.idx.msk [tilespmem:v40+s13+$0x0], $0xffff;
	v40 =	vand.u32 $0x7000, v49;
	[tilespmem:s23+$0x850] =	vst v47  }
0x5d3: {  	v41 =	vand.u32 $0x380, v61;
	v49 =	vor.u32 v7, v59;
	v60 =	vadd.s32 v19, v40;
	[tilespmem:s24+$0x440] =	vst v54;
	v53 =	vld.idx.msk [tilespmem:v53+s13+$0x0], $0xffff  }
0x5d4: {  	v61 =	vadd.s32 v16, v2;
	v47 =	vor.u32 v41, v60;
	[tilespmem:s28+$0x30] =	vst v48;
	v48 =	vld.idx.msk [tilespmem:v56+s13+$0x0], $0xffff  }
0x5d5: {  	v62 =	vand.u32 $0x7F, v43;
	v63 =	vadd.s32 v35, v4;
	v54 =	vor.u32 v3, v61;
	v51 =	vld.idx.msk [tilespmem:v51+s13+$0x0], $0xffff;
	[tilespmem:s25+$0xC20] =	vst v50  }
0x5d6: {  	v43 =	vshll.u32 v43, $0x3;
	v58 =	vor.u32 v5, v63;
	v60 =	vadd.s32 v26, v8;
	[tilespmem:s22+$0x810] =	vst v46;
	v46 =	vld.idx.msk [tilespmem:v55+s13+$0x0], $0xffff  }
0x5d7: {  	v43 =	vand.u32 $0xFFFFFC00, v43;
	v61 =	vadd.s32 v12, v45;
	v50 =	vor.u32 v9, v60;
	[tilespmem:s26+$0x400] =	vst v57;
	v52 =	vld.idx.msk [tilespmem:v52+s13+$0x0], $0xffff  }
0x5d8: {  	v43 =	vor.u32 v62, v43;
	v62 =	vadd.s32 v27, v0;
	v55 =	vor.u32 v44, v61;
	v49 =	vld.idx.msk [tilespmem:v49+s13+$0x0], $0xffff  }
0x5d9: {  	v63 =	vadd.s32 v34, v6;
	v56 =	vor.u32 v1, v62;
	v47 =	vld.idx.msk [tilespmem:v47+s13+$0x0], $0xffff;
	[tilespmem:s23+$0x860] =	vst v53  }
0x5da: {  	v60 =	vadd.s32 v20, v40;
	v57 =	vor.u32 v7, v63;
	[tilespmem:s24+$0x450] =	vst v48;
	v48 =	vld.idx.msk [tilespmem:v54+s13+$0x0], $0xffff  }
0x5db: {  	v61 =	vadd.s32 v14, v2;
	v53 =	vor.u32 v41, v60;
	[tilespmem:s28+$0x40] =	vst v51;
	v51 =	vld.idx.msk [tilespmem:v58+s13+$0x0], $0xffff  }
0x5dc: {  	s3 =	simm.s32 $0xC00;
	s0 =	simm.s32 $0x300;
	v62 =	vadd.s32 v38, v4;
	v54 =	vor.u32 v3, v61;
	v50 =	vld.idx.msk [tilespmem:v50+s13+$0x0], $0xffff;
	[tilespmem:s25+$0xC30] =	vst v46  }
0x5dd: {  	s30 =	sand.u32 $0x3000, s3;
	s9 =	sand.u32 $0x380, s0;
	v63 =	vadd.s32 v28, v8;
	v58 =	vor.u32 v5, v62;
	[tilespmem:s22+$0x820] =	vst v52;
	v52 =	vld.idx.msk [tilespmem:v55+s13+$0x0], $0xffff  }
0x5de: {  	s1 =	sor.u32 s9, s30;
	v60 =	vadd.s32 v13, v45;
	v46 =	vor.u32 v9, v63;
	[tilespmem:s26+$0x410] =	vst v49;
	v49 =	vld.idx.msk [tilespmem:v56+s13+$0x0], $0xffff  }
0x5df: {  	v61 =	vadd.s32 v24, v0;
	v55 =	vor.u32 v44, v60;
	[tilespmem:s1+$0x14200] =	vst v47;
	v47 =	vld.idx.msk [tilespmem:v57+s13+$0x0], $0xffff  }
0x5e0: {  	v62 =	vadd.s32 v36, v6;
	v56 =	vor.u32 v1, v61;
	v53 =	vld.idx.msk [tilespmem:v53+s13+$0x0], $0xffff;
	[tilespmem:s23+$0x870] =	vst v48  }
0x5e1: {  	v63 =	vadd.s32 v21, v40;
	v57 =	vor.u32 v7, v62;
	[tilespmem:s24+$0x460] =	vst v51;
	v51 =	vld.idx.msk [tilespmem:v54+s13+$0x0], $0xffff  }
0x5e2: {  	v60 =	vadd.s32 v15, v2;
	v48 =	vor.u32 v41, v63;
	[tilespmem:s28+$0x50] =	vst v50;
	v50 =	vld.idx.msk [tilespmem:v58+s13+$0x0], $0xffff  }
0x5e3: {  	v61 =	vadd.s32 v39, v4;
	v54 =	vor.u32 v3, v60;
	v46 =	vld.idx.msk [tilespmem:v46+s13+$0x0], $0xffff;
	[tilespmem:s25+$0xC40] =	vst v52  }
0x5e4: {  	v62 =	vadd.s32 v30, v8;
	v58 =	vor.u32 v5, v61;
	[tilespmem:s22+$0x830] =	vst v49;
	v49 =	vld.idx.msk [tilespmem:v55+s13+$0x0], $0xffff  }
0x5e5: {  	s29 =	sadd.s32 $0x14200, s1;
	v63 =	vadd.s32 v17, v45;
	v52 =	vor.u32 v9, v62;
	[tilespmem:s26+$0x420] =	vst v47;
	v47 =	vld.idx.msk [tilespmem:v56+s13+$0x0], $0xffff  }
0x5e6: {  	v60 =	vadd.s32 v23, v0;
	v55 =	vor.u32 v44, v63;
	[tilespmem:s29+$0x10] =	vst v53;
	v53 =	vld.idx.msk [tilespmem:v57+s13+$0x0], $0xffff  }
0x5e7: {  	v61 =	vadd.s32 v37, v6;
	v56 =	vor.u32 v1, v60;
	v57 =	vld.idx.msk [tilespmem:v48+s13+$0x0], $0xffff;
	[tilespmem:s23+$0xC00] =	vst v51  }
0x5e8: {  	v62 =	vadd.s32 v22, v40;
	v59 =	vor.u32 v7, v61;
	[tilespmem:s24+$0x470] =	vst v50;
	v50 =	vld.idx.msk [tilespmem:v54+s13+$0x0], $0xffff  }
0x5e9: {  	v63 =	vadd.s32 v10, v2;
	v51 =	vor.u32 v41, v62;
	[tilespmem:s28+$0x60] =	vst v46;
	v58 =	vld.idx.msk [tilespmem:v58+s13+$0x0], $0xffff  }
0x5ea: {  	v60 =	vor.u32 v3, v63;
	v48 =	vadd.s32 v33, v4;
	v52 =	vld.idx.msk [tilespmem:v52+s13+$0x0], $0xffff;
	[tilespmem:s25+$0xC50] =	vst v49  }
0x5eb: {  	v54 =	vadd.s32 v31, v8;
	v61 =	vor.u32 v5, v48;
	[tilespmem:s22+$0x840] =	vst v47;
	v49 =	vld.idx.msk [tilespmem:v55+s13+$0x0], $0xffff  }
0x5ec: {  	v45 =	vadd.s32 v43, v45;
	v55 =	vor.u32 v9, v54;
	[tilespmem:s26+$0x430] =	vst v53;
	v48 =	vld.idx.msk [tilespmem:v56+s13+$0x0], $0xffff  }
0x5ed: {  	v63 =	vadd.s32 v18, v0;
	v47 =	vor.u32 v44, v45;
	[tilespmem:s29+$0x20] =	vst v57;
	v53 =	vld.idx.msk [tilespmem:v59+s13+$0x0], $0xffff  }
0x5ee: {  	s31 =	simm.s32 $0x27;
	v62 =	vadd.s32 v42, v6;
	v46 =	vor.u32 v1, v63;
	v56 =	vld.idx.msk [tilespmem:v51+s13+$0x0], $0xffff;
	[tilespmem:s23+$0xC10] =	vst v50  }
0x5ef: {  	v63 =	vadd.s32 v25, v40;
	v45 =	vmov s31;
	v54 =	vor.u32 v7, v62;
	[tilespmem:s24+$0x800] =	vst v58;
	v50 =	vld.idx.msk [tilespmem:v60+s13+$0x0], $0xffff  }
0x5f0: {  	s1 =	simm.s32 $0x28;
	v44 =	vshll.u32 v45, $0x7;
	v57 =	vor.u32 v41, v63;
	[tilespmem:s28+$0x70] =	vst v52;
	v51 =	vld.idx.msk [tilespmem:v61+s13+$0x0], $0xffff;
	v52 =	vadd.s32 v11, v2  }
.LBB2_9:
0x5f1: {  	p0 =	sne.s32 s1, $0x3F;
	v45 =	vshll.u32 v45, $0x9;
	v55 =	vld.idx.msk [tilespmem:v55+s13+$0x0], $0xffff;
	v58 =	vadd.s32 v29, v4;
	v52 =	vor.u32 v3, v52;
	[tilespmem:s25+$0xC60] =	vst v49  }
0x5f2: {  	v49 =	vadd.s32 v32, v8;
	v45 =	vand.u32 $0x7000, v45;
	v58 =	vor.u32 v5, v58;
	[tilespmem:s22+$0x850] =	vst v48;
	v47 =	vld.idx.msk [tilespmem:v47+s13+$0x0], $0xffff  }
0x5f3: {  	v48 =	vand.u32 $0x380, v44;
	v49 =	vor.u32 v9, v49;
	v59 =	vadd.s32 v19, v45;
	[tilespmem:s26+$0x440] =	vst v53;
	v46 =	vld.idx.msk [tilespmem:v46+s13+$0x0], $0xffff  }
0x5f4: {  	v44 =	vmov v8;
	v53 =	vor.u32 v48, v59;
	[tilespmem:s29+$0x30] =	vst v56;
	v54 =	vld.idx.msk [tilespmem:v54+s13+$0x0], $0xffff;
	v56 =	vadd.s32 v16, v0  }
0x5f5: {  	v8 =	vmov v40;
	v59 =	vadd.s32 v35, v6;
	v57 =	vld.idx.msk [tilespmem:v57+s13+$0x0], $0xffff;
	v56 =	vor.u32 v1, v56;
	[tilespmem:s23+$0xC20] =	vst v50  }
0x5f6: {  	v40 =	vmov v45;
	v50 =	vadd.s32 v26, v8;
	v59 =	vor.u32 v7, v59;
	[tilespmem:s24+$0x810] =	vst v51;
	v51 =	vld.idx.msk [tilespmem:v52+s13+$0x0], $0xffff  }
0x5f7: {  	v45 =	vmov v3;
	v50 =	vor.u32 v41, v50;
	[tilespmem:s28+$0x400] =	vst v55;
	v52 =	vld.idx.msk [tilespmem:v58+s13+$0x0], $0xffff;
	v55 =	vadd.s32 v12, v2  }
0x5f8: {  	v3 =	vmov v1;
	v58 =	vadd.s32 v27, v4;
	v49 =	vld.idx.msk [tilespmem:v49+s13+$0x0], $0xffff;
	v55 =	vor.u32 v45, v55;
	[tilespmem:s25+$0xC70] =	vst v47;
	s25 =	smov.u32 s23;
	s23 =	smov.u32 s22;
	s22 =	smov.u32 s24  }
0x5f9: {  	v1 =	vmov v5;
	v58 =	vor.u32 v5, v58;
	s24 =	smov.u32 s26;
	s26 =	smov.u32 s28;
	s28 =	smov.u32 s29;
	v47 =	vld.idx.msk [tilespmem:v53+s13+$0x0], $0xffff;
	v53 =	vadd.s32 v34, v44;
	[tilespmem:s23+$0x860] =	vst v46  }
0x5fa: {  	v5 =	vmov v7;
	v46 =	vadd.s32 v20, v40;
	v53 =	vor.u32 v9, v53;
	[tilespmem:s24+$0x450] =	vst v54;
	v54 =	vld.idx.msk [tilespmem:v56+s13+$0x0], $0xffff  }
0x5fb: {  	v7 =	vmov v9;
	v46 =	vor.u32 v48, v46;
	[tilespmem:s28+$0x40] =	vst v57;
	v56 =	vld.idx.msk [tilespmem:v59+s13+$0x0], $0xffff;
	v57 =	vadd.s32 v14, v0  }
0x5fc: {  	s0 =	sadd.s32 $0x80, s0;
	s3 =	sadd.s32 $0x200, s3;
	v9 =	vmov v41;
	v59 =	vadd.s32 v38, v6;
	v50 =	vld.idx.msk [tilespmem:v50+s13+$0x0], $0xffff;
	v57 =	vor.u32 v3, v57;
	[tilespmem:s25+$0xC30] =	vst v51  }
0x5fd: {  	s9 =	sand.u32 $0x3000, s3;
	s29 =	sand.u32 $0x380, s0;
	v41 =	vmov v48;
	v51 =	vadd.s32 v28, v8;
	v59 =	vor.u32 v5, v59;
	[tilespmem:s22+$0x820] =	vst v52;
	v52 =	vld.idx.msk [tilespmem:v55+s13+$0x0], $0xffff  }
0x5fe: {  	s9 =	sor.u32 s29, s9;
	v48 =	vor.u32 v9, v51;
	v51 =	vadd.s32 v13, v2;
	[tilespmem:s26+$0x410] =	vst v49;
	v49 =	vld.idx.msk [tilespmem:v58+s13+$0x0], $0xffff  }
0x5ff: {  	v51 =	vor.u32 v45, v51;
	[tilespmem:s9+$0x14200] =	vst v47;
	v47 =	vld.idx.msk [tilespmem:v53+s13+$0x0], $0xffff;
	v53 =	vadd.s32 v24, v4  }
0x600: {  	v55 =	vadd.s32 v36, v44;
	v46 =	vld.idx.msk [tilespmem:v46+s13+$0x0], $0xffff;
	v53 =	vor.u32 v1, v53;
	[tilespmem:s23+$0x870] =	vst v54  }
0x601: {  	v55 =	vor.u32 v7, v55;
	v54 =	vadd.s32 v21, v40;
	[tilespmem:s24+$0x460] =	vst v56;
	v56 =	vld.idx.msk [tilespmem:v57+s13+$0x0], $0xffff  }
0x602: {  	v54 =	vor.u32 v41, v54;
	v57 =	vadd.s32 v15, v0;
	[tilespmem:s28+$0x50] =	vst v50;
	v50 =	vld.idx.msk [tilespmem:v59+s13+$0x0], $0xffff  }
0x603: {  	v58 =	vadd.s32 v39, v6;
	v57 =	vor.u32 v3, v57;
	v48 =	vld.idx.msk [tilespmem:v48+s13+$0x0], $0xffff;
	[tilespmem:s25+$0xC40] =	vst v52  }
0x604: {  	v58 =	vor.u32 v5, v58;
	v52 =	vadd.s32 v30, v8;
	[tilespmem:s22+$0x830] =	vst v49;
	v49 =	vld.idx.msk [tilespmem:v51+s13+$0x0], $0xffff  }
0x605: {  	s29 =	sadd.s32 $0x14200, s9;
	v51 =	vor.u32 v9, v52;
	v52 =	vadd.s32 v17, v2;
	[tilespmem:s26+$0x420] =	vst v47;
	v47 =	vld.idx.msk [tilespmem:v53+s13+$0x0], $0xffff  }
0x606: {  	v53 =	vadd.s32 v23, v4;
	v52 =	vor.u32 v45, v52;
	[tilespmem:s29+$0x10] =	vst v46;
	v46 =	vld.idx.msk [tilespmem:v55+s13+$0x0], $0xffff  }
0x607: {  	v55 =	vadd.s32 v37, v44;
	v53 =	vor.u32 v1, v53;
	v54 =	vld.idx.msk [tilespmem:v54+s13+$0x0], $0xffff;
	[tilespmem:s23+$0xC00] =	vst v56  }
0x608: {  	v56 =	vadd.s32 v22, v40;
	v59 =	vor.u32 v7, v55;
	[tilespmem:s24+$0x470] =	vst v50;
	v50 =	vld.idx.msk [tilespmem:v57+s13+$0x0], $0xffff  }
0x609: {  	v56 =	vor.u32 v41, v56;
	[tilespmem:s28+$0x60] =	vst v48;
	v57 =	vld.idx.msk [tilespmem:v58+s13+$0x0], $0xffff;
	v48 =	vadd.s32 v10, v0  }
0x60a: {  	v55 =	vadd.s32 v33, v6;
	v51 =	vld.idx.msk [tilespmem:v51+s13+$0x0], $0xffff;
	v58 =	vor.u32 v3, v48;
	[tilespmem:s25+$0xC50] =	vst v49  }
0x60b: {  	v60 =	vor.u32 v5, v55;
	v48 =	vadd.s32 v31, v8;
	[tilespmem:s22+$0x840] =	vst v47;
	v49 =	vld.idx.msk [tilespmem:v52+s13+$0x0], $0xffff  }
.Ltmp3:
0x60c: {  	v55 =	vor.u32 v9, v48;
	[tilespmem:s26+$0x430] =	vst v46;
	v48 =	vld.idx.msk [tilespmem:v53+s13+$0x0], $0xffff;
	v46 =	vadd.s32 v43, v2;
	v2 =	vmov v0;
	(pc) =	sbr.rel @p0 .LBB2_9-.Ltmp3, $4  }
0x60d: {  	v52 =	vadd.s32 v18, v4;
	v0 =	vmov v4;
	[tilespmem:s29+$0x20] =	vst v54;
	v53 =	vld.idx.msk [tilespmem:v59+s13+$0x0], $0xffff;
	v47 =	vor.u32 v45, v46  }
0x60e: {  	v4 =	vmov v6;
	v54 =	vadd.s32 v42, v44;
	v46 =	vor.u32 v1, v52;
	v56 =	vld.idx.msk [tilespmem:v56+s13+$0x0], $0xffff;
	[tilespmem:s23+$0xC10] =	vst v50  }
0x60f: {  	v6 =	vmovc v44;
	v45 =	vmov s1;
	v52 =	vadd.s32 v25, v40;
	v54 =	vor.u32 v7, v54;
	[tilespmem:s24+$0x800] =	vst v57;
	v50 =	vld.idx.msk [tilespmem:v58+s13+$0x0], $0xffff  }
0x610: {  	s1 =	sadd.s32 $0x1, s1;
	v44 =	vshll.u32 v45, $0x7;
	v57 =	vor.u32 v41, v52;
	v52 =	vadd.s32 v11, v2;
	[tilespmem:s28+$0x70] =	vst v51;
	v51 =	vld.idx.msk [tilespmem:v60+s13+$0x0], $0xffff  }
0x611: {  	v45 =	vshll.u32 v45, $0x9  }
0x612: {  	v45 =	vand.u32 $0x7000, v45  }
0x613: {  	v44 =	vand.u32 $0x380, v44;
	v19 =	vadd.s32 v19, v45  }
0x614: {  	v19 =	vor.u32 v44, v19;
	_ =	sdelay $0x4  }
0x615: {  	v20 =	vadd.s32 v20, v45;
	v19 =	vld.idx.msk [tilespmem:v19+s13+$0x0], $0xffff  }
0x616: {  	v20 =	vor.u32 v44, v20  }
0x617: {  	s0 =	sadd.s32 $0x80, s0;
	s1 =	sadd.s32 $0x200, s3  }
0x618: {  	s1 =	sand.u32 $0x3000, s1;
	s0 =	sand.u32 $0x380, s0  }
0x619: {  	s0 =	sor.u32 s0, s1  }
0x61a: {  	[tilespmem:s0+$0x14200] =	vst v19  }
0x61b: {  	v62 =	vadd.s32 v21, v45;
	v19 =	vld.idx.msk [tilespmem:v20+s13+$0x0], $0xffff  }
0x61c: {  	v20 =	vor.u32 v44, v62;
	_ =	sdelay $0x2  }
0x61d: {  	s30 =	sadd.s32 $0x14200, s0  }
0x61e: {  	[tilespmem:s30+$0x10] =	vst v19  }
0x61f: {  	v63 =	vadd.s32 v22, v45;
	v19 =	vld.idx.msk [tilespmem:v20+s13+$0x0], $0xffff  }
0x620: {  	v20 =	vor.u32 v44, v63;
	_ =	sdelay $0x3  }
0x621: {  	[tilespmem:s30+$0x20] =	vst v19  }
0x622: {  	v58 =	vadd.s32 v25, v45;
	v19 =	vld.idx.msk [tilespmem:v20+s13+$0x0], $0xffff  }
0x623: {  	v20 =	vor.u32 v44, v58;
	_ =	sdelay $0x2  }
0x624: {  	[tilespmem:s29+$0x30] =	vst v56  }
0x625: {  	v60 =	vadd.s32 v26, v40;
	v59 =	vld.idx.msk [tilespmem:v57+s13+$0x0], $0xffff;
	[tilespmem:s30+$0x30] =	vst v19  }
0x626: {  	v61 =	vor.u32 v41, v60;
	v62 =	vadd.s32 v26, v45;
	v20 =	vld.idx.msk [tilespmem:v20+s13+$0x0], $0xffff  }
0x627: {  	v22 =	vor.u32 v44, v62;
	_ =	sdelay $0x2  }
0x628: {  	[tilespmem:s29+$0x40] =	vst v59  }
0x629: {  	v63 =	vadd.s32 v28, v40;
	v19 =	vld.idx.msk [tilespmem:v61+s13+$0x0], $0xffff;
	[tilespmem:s30+$0x40] =	vst v20  }
0x62a: {  	v56 =	vadd.s32 v28, v45;
	v25 =	vor.u32 v41, v63;
	v26 =	vld.idx.msk [tilespmem:v22+s13+$0x0], $0xffff  }
0x62b: {  	v22 =	vor.u32 v44, v56;
	_ =	sdelay $0x2  }
0x62c: {  	[tilespmem:s29+$0x50] =	vst v19  }
0x62d: {  	v57 =	vadd.s32 v30, v40;
	v19 =	vld.idx.msk [tilespmem:v25+s13+$0x0], $0xffff;
	[tilespmem:s30+$0x50] =	vst v26  }
0x62e: {  	v58 =	vadd.s32 v30, v45;
	v20 =	vor.u32 v41, v57;
	v21 =	vld.idx.msk [tilespmem:v22+s13+$0x0], $0xffff  }
0x62f: {  	v22 =	vor.u32 v44, v58;
	_ =	sdelay $0x2  }
0x630: {  	[tilespmem:s29+$0x60] =	vst v19  }
0x631: {  	v59 =	vadd.s32 v31, v40;
	v19 =	vld.idx.msk [tilespmem:v20+s13+$0x0], $0xffff;
	[tilespmem:s30+$0x60] =	vst v21  }
0x632: {  	v60 =	vadd.s32 v31, v45;
	v20 =	vor.u32 v41, v59;
	v21 =	vld.idx.msk [tilespmem:v22+s13+$0x0], $0xffff  }
0x633: {  	v22 =	vor.u32 v44, v60;
	_ =	sdelay $0x1  }
0x634: {  	v62 =	vadd.s32 v32, v8;
	v61 =	vld.idx.msk [tilespmem:v55+s13+$0x0], $0xffff  }
0x635: {  	v63 =	vor.u32 v9, v62;
	[tilespmem:s29+$0x70] =	vst v19  }
0x636: {  	v28 =	vadd.s32 v32, v40;
	v20 =	vld.idx.msk [tilespmem:v20+s13+$0x0], $0xffff;
	[tilespmem:s30+$0x70] =	vst v21  }
0x637: {  	v31 =	vadd.s32 v32, v45;
	v30 =	vor.u32 v41, v28;
	v22 =	vld.idx.msk [tilespmem:v22+s13+$0x0], $0xffff  }
0x638: {  	v26 =	vor.u32 v44, v31  }
0x639: {  	[tilespmem:s28+$0x400] =	vst v61  }
0x63a: {  	v32 =	vadd.s32 v34, v8;
	v19 =	vld.idx.msk [tilespmem:v63+s13+$0x0], $0xffff  }
0x63b: {  	v55 =	vor.u32 v9, v32;
	[tilespmem:s29+$0x400] =	vst v20  }
0x63c: {  	v56 =	vadd.s32 v34, v40;
	v21 =	vld.idx.msk [tilespmem:v30+s13+$0x0], $0xffff;
	[tilespmem:s30+$0x400] =	vst v22  }
0x63d: {  	v57 =	vor.u32 v41, v56;
	v59 =	vadd.s32 v34, v45;
	v58 =	vld.idx.msk [tilespmem:v26+s13+$0x0], $0xffff  }
0x63e: {  	v26 =	vor.u32 v44, v59  }
0x63f: {  	[tilespmem:s28+$0x410] =	vst v19  }
0x640: {  	v60 =	vadd.s32 v36, v8;
	v19 =	vld.idx.msk [tilespmem:v55+s13+$0x0], $0xffff  }
0x641: {  	v20 =	vor.u32 v9, v60;
	[tilespmem:s29+$0x410] =	vst v21  }
0x642: {  	v61 =	vadd.s32 v36, v40;
	v21 =	vld.idx.msk [tilespmem:v57+s13+$0x0], $0xffff;
	[tilespmem:s30+$0x410] =	vst v58  }
0x643: {  	v62 =	vadd.s32 v36, v45;
	v22 =	vor.u32 v41, v61;
	v25 =	vld.idx.msk [tilespmem:v26+s13+$0x0], $0xffff  }
0x644: {  	v26 =	vor.u32 v44, v62  }
0x645: {  	[tilespmem:s28+$0x420] =	vst v19  }
0x646: {  	v63 =	vadd.s32 v37, v8;
	v19 =	vld.idx.msk [tilespmem:v20+s13+$0x0], $0xffff  }
0x647: {  	v20 =	vor.u32 v9, v63;
	[tilespmem:s29+$0x420] =	vst v21  }
0x648: {  	v28 =	vadd.s32 v37, v40;
	v21 =	vld.idx.msk [tilespmem:v22+s13+$0x0], $0xffff;
	[tilespmem:s30+$0x420] =	vst v25  }
0x649: {  	v30 =	vadd.s32 v37, v45;
	v22 =	vor.u32 v41, v28;
	v25 =	vld.idx.msk [tilespmem:v26+s13+$0x0], $0xffff  }
0x64a: {  	v26 =	vor.u32 v44, v30  }
0x64b: {  	[tilespmem:s28+$0x430] =	vst v19  }
0x64c: {  	v31 =	vadd.s32 v42, v8;
	v19 =	vld.idx.msk [tilespmem:v20+s13+$0x0], $0xffff  }
0x64d: {  	v20 =	vor.u32 v9, v31;
	[tilespmem:s29+$0x430] =	vst v21  }
0x64e: {  	v32 =	vadd.s32 v42, v40;
	v21 =	vld.idx.msk [tilespmem:v22+s13+$0x0], $0xffff;
	[tilespmem:s30+$0x430] =	vst v25  }
0x64f: {  	[tilespmem:s26+$0x440] =	vst v53;
	v34 =	vadd.s32 v42, v45;
	v22 =	vor.u32 v41, v32;
	v25 =	vld.idx.msk [tilespmem:v26+s13+$0x0], $0xffff  }
0x650: {  	v36 =	vld.idx.msk [tilespmem:v54+s13+$0x0], $0xffff;
	v37 =	vadd.s32 v35, v6;
	v26 =	vor.u32 v44, v34  }
0x651: {  	v42 =	vor.u32 v7, v37;
	[tilespmem:s28+$0x440] =	vst v19  }
0x652: {  	v53 =	vadd.s32 v35, v8;
	v20 =	vld.idx.msk [tilespmem:v20+s13+$0x0], $0xffff  }
0x653: {  	v54 =	vor.u32 v9, v53;
	[tilespmem:s29+$0x440] =	vst v21  }
0x654: {  	v55 =	vadd.s32 v35, v40;
	v22 =	vld.idx.msk [tilespmem:v22+s13+$0x0], $0xffff;
	[tilespmem:s30+$0x440] =	vst v25  }
0x655: {  	v56 =	vor.u32 v41, v55;
	[tilespmem:s26+$0x450] =	vst v36;
	v57 =	vadd.s32 v35, v45;
	v26 =	vld.idx.msk [tilespmem:v26+s13+$0x0], $0xffff  }
0x656: {  	v58 =	vadd.s32 v38, v6;
	v19 =	vld.idx.msk [tilespmem:v42+s13+$0x0], $0xffff;
	v30 =	vor.u32 v44, v57  }
0x657: {  	v59 =	vor.u32 v7, v58;
	[tilespmem:s28+$0x450] =	vst v20  }
0x658: {  	v60 =	vadd.s32 v38, v8;
	v21 =	vld.idx.msk [tilespmem:v54+s13+$0x0], $0xffff  }
0x659: {  	v61 =	vor.u32 v9, v60;
	[tilespmem:s29+$0x450] =	vst v22  }
0x65a: {  	v62 =	vadd.s32 v38, v40;
	v25 =	vld.idx.msk [tilespmem:v56+s13+$0x0], $0xffff;
	[tilespmem:s30+$0x450] =	vst v26  }
0x65b: {  	v35 =	vadd.s32 v38, v45;
	v63 =	vor.u32 v41, v62;
	[tilespmem:s26+$0x460] =	vst v19;
	v34 =	vld.idx.msk [tilespmem:v30+s13+$0x0], $0xffff  }
0x65c: {  	v36 =	vadd.s32 v39, v6;
	v19 =	vld.idx.msk [tilespmem:v59+s13+$0x0], $0xffff;
	v30 =	vor.u32 v44, v35  }
0x65d: {  	v20 =	vor.u32 v7, v36;
	[tilespmem:s28+$0x460] =	vst v21  }
0x65e: {  	[tilespmem:s25+$0xC60] =	vst v49;
	v37 =	vadd.s32 v39, v8;
	v21 =	vld.idx.msk [tilespmem:v61+s13+$0x0], $0xffff  }
0x65f: {  	v22 =	vor.u32 v9, v37;
	[tilespmem:s29+$0x460] =	vst v25  }
0x660: {  	v38 =	vadd.s32 v39, v40;
	v25 =	vld.idx.msk [tilespmem:v63+s13+$0x0], $0xffff;
	[tilespmem:s30+$0x460] =	vst v34  }
0x661: {  	v39 =	vadd.s32 v39, v45;
	[tilespmem:s26+$0x470] =	vst v19;
	v26 =	vor.u32 v41, v38;
	v28 =	vld.idx.msk [tilespmem:v30+s13+$0x0], $0xffff  }
0x662: {  	[tilespmem:s22+$0x850] =	vst v48;
	v42 =	vadd.s32 v33, v6;
	v19 =	vld.idx.msk [tilespmem:v20+s13+$0x0], $0xffff;
	v30 =	vor.u32 v44, v39  }
0x663: {  	v20 =	vor.u32 v7, v42;
	[tilespmem:s28+$0x470] =	vst v21  }
0x664: {  	v48 =	vadd.s32 v33, v8;
	[tilespmem:s23+$0xC20] =	vst v50;
	v21 =	vld.idx.msk [tilespmem:v22+s13+$0x0], $0xffff  }
0x665: {  	v22 =	vor.u32 v9, v48;
	[tilespmem:s29+$0x470] =	vst v25  }
0x666: {  	v49 =	vadd.s32 v33, v40;
	v25 =	vld.idx.msk [tilespmem:v26+s13+$0x0], $0xffff;
	[tilespmem:s30+$0x470] =	vst v28  }
0x667: {  	v50 =	vadd.s32 v33, v45;
	[tilespmem:s26+$0x800] =	vst v19;
	v26 =	vor.u32 v41, v49;
	v28 =	vld.idx.msk [tilespmem:v30+s13+$0x0], $0xffff  }
0x668: {  	v58 =	vadd.s32 v29, v6;
	v20 =	vld.idx.msk [tilespmem:v20+s13+$0x0], $0xffff;
	v30 =	vor.u32 v44, v50  }
0x669: {  	v53 =	vld.idx.msk [tilespmem:v47+s13+$0x0], $0xffff;
	v59 =	vor.u32 v7, v58;
	v54 =	vadd.s32 v29, v4;
	[tilespmem:s28+$0x800] =	vst v21  }
0x66a: {  	[tilespmem:s24+$0x810] =	vst v51;
	v60 =	vadd.s32 v29, v8;
	v57 =	vor.u32 v5, v54;
	v22 =	vld.idx.msk [tilespmem:v22+s13+$0x0], $0xffff  }
0x66b: {  	v61 =	vor.u32 v9, v60;
	v56 =	vld.idx.msk [tilespmem:v46+s13+$0x0], $0xffff;
	[tilespmem:s29+$0x800] =	vst v25  }
0x66c: {  	v55 =	vor.u32 v3, v52;
	v62 =	vadd.s32 v29, v40;
	v26 =	vld.idx.msk [tilespmem:v26+s13+$0x0], $0xffff;
	[tilespmem:s30+$0x800] =	vst v28  }
0x66d: {  	v36 =	vadd.s32 v29, v45;
	v63 =	vor.u32 v41, v62;
	[tilespmem:s26+$0x810] =	vst v20;
	v30 =	vld.idx.msk [tilespmem:v30+s13+$0x0], $0xffff  }
0x66e: {  	[tilespmem:s25+$0xC70] =	vst v53;
	v29 =	vor.u32 v44, v36;
	v46 =	vadd.s32 v27, v6;
	v21 =	vld.idx.msk [tilespmem:v59+s13+$0x0], $0xffff  }
0x66f: {  	v47 =	vor.u32 v7, v46;
	v19 =	vld.idx.msk [tilespmem:v57+s13+$0x0], $0xffff;
	v39 =	vadd.s32 v27, v4;
	[tilespmem:s28+$0x810] =	vst v22  }
0x670: {  	[tilespmem:s22+$0x860] =	vst v56;
	v48 =	vadd.s32 v27, v8;
	v42 =	vor.u32 v5, v39;
	v25 =	vld.idx.msk [tilespmem:v61+s13+$0x0], $0xffff  }
0x671: {  	v53 =	vadd.s32 v12, v2;
	v38 =	vld.idx.msk [tilespmem:v55+s13+$0x0], $0xffff;
	v49 =	vor.u32 v9, v48;
	[tilespmem:s29+$0x810] =	vst v26  }
0x672: {  	v55 =	vor.u32 v3, v53;
	v50 =	vadd.s32 v27, v40;
	v28 =	vld.idx.msk [tilespmem:v63+s13+$0x0], $0xffff;
	[tilespmem:s30+$0x810] =	vst v30  }
0x673: {  	v52 =	vadd.s32 v27, v45;
	[tilespmem:s26+$0x820] =	vst v21;
	v51 =	vor.u32 v41, v50;
	v29 =	vld.idx.msk [tilespmem:v29+s13+$0x0], $0xffff  }
0x674: {  	v58 =	vadd.s32 v24, v6;
	v54 =	vor.u32 v44, v52;
	[tilespmem:s24+$0x820] =	vst v19;
	v22 =	vld.idx.msk [tilespmem:v47+s13+$0x0], $0xffff  }
0x675: {  	v56 =	vadd.s32 v24, v4;
	v59 =	vor.u32 v7, v58;
	v20 =	vld.idx.msk [tilespmem:v42+s13+$0x0], $0xffff;
	[tilespmem:s28+$0x820] =	vst v25  }
0x676: {  	v60 =	vadd.s32 v24, v8;
	v57 =	vor.u32 v5, v56;
	[tilespmem:s23+$0xC30] =	vst v38;
	v26 =	vld.idx.msk [tilespmem:v49+s13+$0x0], $0xffff  }
0x677: {  	v37 =	vadd.s32 v16, v0;
	v61 =	vor.u32 v9, v60;
	v27 =	vld.idx.msk [tilespmem:v55+s13+$0x0], $0xffff;
	[tilespmem:s29+$0x820] =	vst v28  }
0x678: {  	v31 =	vor.u32 v1, v37;
	v62 =	vadd.s32 v24, v40;
	v30 =	vld.idx.msk [tilespmem:v51+s13+$0x0], $0xffff;
	[tilespmem:s30+$0x820] =	vst v29  }
0x679: {  	v33 =	vadd.s32 v24, v45;
	[tilespmem:s26+$0x830] =	vst v22;
	v63 =	vor.u32 v41, v62;
	v19 =	vld.idx.msk [tilespmem:v54+s13+$0x0], $0xffff  }
0x67a: {  	v35 =	vor.u32 v44, v33;
	v39 =	vadd.s32 v23, v6;
	v25 =	vld.idx.msk [tilespmem:v59+s13+$0x0], $0xffff;
	[tilespmem:s24+$0x830] =	vst v20  }
0x67b: {  	v37 =	vadd.s32 v23, v4;
	v42 =	vor.u32 v7, v39;
	v21 =	vld.idx.msk [tilespmem:v57+s13+$0x0], $0xffff;
	[tilespmem:s28+$0x830] =	vst v26  }
0x67c: {  	v46 =	vadd.s32 v23, v8;
	v38 =	vor.u32 v5, v37;
	[tilespmem:s23+$0xC40] =	vst v27;
	v28 =	vld.idx.msk [tilespmem:v61+s13+$0x0], $0xffff  }
0x67d: {  	v31 =	vld.idx.msk [tilespmem:v31+s13+$0x0], $0xffff;
	v34 =	vadd.s32 v14, v0;
	v47 =	vor.u32 v9, v46;
	[tilespmem:s29+$0x830] =	vst v30  }
0x67e: {  	v48 =	vadd.s32 v23, v40;
	v36 =	vor.u32 v1, v34;
	v29 =	vld.idx.msk [tilespmem:v63+s13+$0x0], $0xffff;
	[tilespmem:s30+$0x830] =	vst v19  }
0x67f: {  	v50 =	vadd.s32 v23, v45;
	v49 =	vor.u32 v41, v48;
	[tilespmem:s26+$0x840] =	vst v25;
	v20 =	vld.idx.msk [tilespmem:v35+s13+$0x0], $0xffff  }
0x680: {  	v56 =	vadd.s32 v18, v6;
	v52 =	vor.u32 v44, v50;
	v26 =	vld.idx.msk [tilespmem:v42+s13+$0x0], $0xffff;
	[tilespmem:s24+$0x840] =	vst v21  }
0x681: {  	v27 =	vor.u32 v7, v56;
	v22 =	vld.idx.msk [tilespmem:v38+s13+$0x0], $0xffff;
	[tilespmem:s28+$0x840] =	vst v28;
	v54 =	vadd.s32 v18, v4  }
0x682: {  	[tilespmem:s22+$0x870] =	vst v31;
	v57 =	vadd.s32 v18, v8;
	v28 =	vld.idx.msk [tilespmem:v47+s13+$0x0], $0xffff;
	v55 =	vor.u32 v5, v54  }
0x683: {  	v24 =	vld.idx.msk [tilespmem:v36+s13+$0x0], $0xffff;
	v58 =	vor.u32 v9, v57;
	v51 =	vadd.s32 v13, v2;
	[tilespmem:s29+$0x840] =	vst v29  }
0x684: {  	v59 =	vadd.s32 v18, v40;
	v53 =	vor.u32 v3, v51;
	v19 =	vld.idx.msk [tilespmem:v49+s13+$0x0], $0xffff;
	[tilespmem:s30+$0x840] =	vst v20  }
0x685: {  	v60 =	vor.u32 v41, v59;
	v61 =	vadd.s32 v18, v45;
	[tilespmem:s26+$0x850] =	vst v26;
	v21 =	vld.idx.msk [tilespmem:v52+s13+$0x0], $0xffff  }
0x686: {  	v34 =	vadd.s32 v16, v6;
	v26 =	vld.idx.msk [tilespmem:v27+s13+$0x0], $0xffff;
	[tilespmem:s24+$0x850] =	vst v22;
	v18 =	vor.u32 v44, v61  }
0x687: {  	v33 =	vadd.s32 v16, v4;
	v27 =	vor.u32 v7, v34;
	[tilespmem:s28+$0x850] =	vst v28;
	v32 =	vld.idx.msk [tilespmem:v55+s13+$0x0], $0xffff  }
0x688: {  	[tilespmem:s22+$0xC00] =	vst v24;
	v25 =	vor.u32 v5, v33;
	v28 =	vld.idx.msk [tilespmem:v58+s13+$0x0], $0xffff;
	v35 =	vadd.s32 v16, v8  }
0x689: {  	v62 =	vadd.s32 v15, v0;
	v23 =	vld.idx.msk [tilespmem:v53+s13+$0x0], $0xffff;
	v36 =	vor.u32 v9, v35;
	[tilespmem:s29+$0x850] =	vst v19  }
0x68a: {  	v37 =	vadd.s32 v16, v40;
	v63 =	vor.u32 v1, v62;
	v20 =	vld.idx.msk [tilespmem:v60+s13+$0x0], $0xffff;
	[tilespmem:s30+$0x850] =	vst v21  }
0x68b: {  	v39 =	vadd.s32 v16, v45;
	v38 =	vor.u32 v41, v37;
	[tilespmem:s26+$0x860] =	vst v26;
	v18 =	vld.idx.msk [tilespmem:v18+s13+$0x0], $0xffff  }
0x68c: {  	v47 =	vadd.s32 v14, v6;
	v26 =	vld.idx.msk [tilespmem:v27+s13+$0x0], $0xffff;
	v16 =	vor.u32 v44, v39;
	[tilespmem:s24+$0x860] =	vst v32  }
0x68d: {  	v46 =	vadd.s32 v14, v4;
	v27 =	vor.u32 v7, v47;
	[tilespmem:s28+$0x860] =	vst v28;
	v24 =	vld.idx.msk [tilespmem:v25+s13+$0x0], $0xffff  }
0x68e: {  	v48 =	vadd.s32 v14, v8;
	[tilespmem:s23+$0xC50] =	vst v23;
	v25 =	vor.u32 v5, v46;
	v19 =	vld.idx.msk [tilespmem:v36+s13+$0x0], $0xffff  }
0x68f: {  	v42 =	vadd.s32 v17, v2;
	v22 =	vld.idx.msk [tilespmem:v63+s13+$0x0], $0xffff;
	v49 =	vor.u32 v9, v48;
	[tilespmem:s29+$0x860] =	vst v20  }
0x690: {  	v50 =	vadd.s32 v14, v40;
	v23 =	vor.u32 v3, v42;
	v21 =	vld.idx.msk [tilespmem:v38+s13+$0x0], $0xffff;
	[tilespmem:s30+$0x860] =	vst v18  }
0x691: {  	v51 =	vor.u32 v41, v50;
	[tilespmem:s26+$0x870] =	vst v26;
	v52 =	vadd.s32 v14, v45;
	v16 =	vld.idx.msk [tilespmem:v16+s13+$0x0], $0xffff  }
0x692: {  	v55 =	vadd.s32 v15, v6;
	v26 =	vld.idx.msk [tilespmem:v27+s13+$0x0], $0xffff;
	v14 =	vor.u32 v44, v52;
	[tilespmem:s24+$0x870] =	vst v24  }
0x693: {  	v54 =	vadd.s32 v15, v4;
	v56 =	vor.u32 v7, v55;
	[tilespmem:s28+$0x870] =	vst v19;
	v24 =	vld.idx.msk [tilespmem:v25+s13+$0x0], $0xffff  }
0x694: {  	v57 =	vadd.s32 v15, v8;
	[tilespmem:s22+$0xC10] =	vst v22;
	v25 =	vor.u32 v5, v54;
	v20 =	vld.idx.msk [tilespmem:v49+s13+$0x0], $0xffff  }
0x695: {  	v53 =	vadd.s32 v10, v0;
	v58 =	vor.u32 v9, v57;
	v23 =	vld.idx.msk [tilespmem:v23+s13+$0x0], $0xffff;
	[tilespmem:s29+$0x870] =	vst v21  }
0x696: {  	v59 =	vadd.s32 v15, v40;
	v22 =	vor.u32 v1, v53;
	v18 =	vld.idx.msk [tilespmem:v51+s13+$0x0], $0xffff;
	[tilespmem:s30+$0x870] =	vst v16  }
0x697: {  	v61 =	vadd.s32 v15, v45;
	v60 =	vor.u32 v41, v59;
	[tilespmem:s26+$0xC00] =	vst v26;
	v14 =	vld.idx.msk [tilespmem:v14+s13+$0x0], $0xffff  }
0x698: {  	v29 =	vadd.s32 v10, v6;
	v15 =	vor.u32 v44, v61;
	v19 =	vld.idx.msk [tilespmem:v56+s13+$0x0], $0xffff;
	[tilespmem:s24+$0xC00] =	vst v24  }
0x699: {  	v30 =	vor.u32 v7, v29;
	v28 =	vadd.s32 v10, v4;
	[tilespmem:s28+$0xC00] =	vst v20;
	v63 =	vld.idx.msk [tilespmem:v25+s13+$0x0], $0xffff  }
0x69a: {  	v31 =	vadd.s32 v10, v8;
	[tilespmem:s23+$0xC60] =	vst v23;
	v23 =	vor.u32 v5, v28;
	v21 =	vld.idx.msk [tilespmem:v58+s13+$0x0], $0xffff  }
0x69b: {  	v62 =	vadd.s32 v43, v2;
	v32 =	vor.u32 v9, v31;
	v22 =	vld.idx.msk [tilespmem:v22+s13+$0x0], $0xffff;
	[tilespmem:s29+$0xC00] =	vst v18  }
0x69c: {  	v33 =	vadd.s32 v10, v40;
	v2 =	vor.u32 v3, v62;
	v16 =	vld.idx.msk [tilespmem:v60+s13+$0x0], $0xffff;
	[tilespmem:s30+$0xC00] =	vst v14  }
0x69d: {  	v34 =	vor.u32 v41, v33;
	v35 =	vadd.s32 v10, v45;
	[tilespmem:s26+$0xC10] =	vst v19;
	v15 =	vld.idx.msk [tilespmem:v15+s13+$0x0], $0xffff  }
0x69e: {  	v47 =	vadd.s32 v11, v6;
	v37 =	vor.u32 v44, v35;
	v20 =	vld.idx.msk [tilespmem:v30+s13+$0x0], $0xffff;
	[tilespmem:s24+$0xC10] =	vst v63  }
0x69f: {  	v42 =	vadd.s32 v11, v4;
	v48 =	vor.u32 v7, v47;
	[tilespmem:s28+$0xC10] =	vst v21;
	v39 =	vld.idx.msk [tilespmem:v23+s13+$0x0], $0xffff  }
0x6a0: {  	v46 =	vor.u32 v5, v42;
	v49 =	vadd.s32 v11, v8;
	[tilespmem:s22+$0xC20] =	vst v22;
	v18 =	vld.idx.msk [tilespmem:v32+s13+$0x0], $0xffff  }
0x6a1: {  	v36 =	vadd.s32 v11, v0;
	v2 =	vld.idx.msk [tilespmem:v2+s13+$0x0], $0xffff;
	v50 =	vor.u32 v9, v49;
	[tilespmem:s29+$0xC10] =	vst v16  }
0x6a2: {  	v38 =	vor.u32 v1, v36;
	v51 =	vadd.s32 v11, v40;
	v14 =	vld.idx.msk [tilespmem:v34+s13+$0x0], $0xffff;
	[tilespmem:s30+$0xC10] =	vst v15  }
0x6a3: {  	v53 =	vadd.s32 v11, v45;
	v52 =	vor.u32 v41, v51;
	[tilespmem:s26+$0xC20] =	vst v20;
	v3 =	vld.idx.msk [tilespmem:v37+s13+$0x0], $0xffff  }
0x6a4: {  	v57 =	vadd.s32 v12, v6;
	v11 =	vor.u32 v44, v53;
	v21 =	vld.idx.msk [tilespmem:v48+s13+$0x0], $0xffff;
	[tilespmem:s24+$0xC20] =	vst v39  }
0x6a5: {  	v55 =	vadd.s32 v12, v4;
	v58 =	vor.u32 v7, v57;
	[tilespmem:s28+$0xC20] =	vst v18;
	v19 =	vld.idx.msk [tilespmem:v46+s13+$0x0], $0xffff  }
0x6a6: {  	v59 =	vadd.s32 v12, v8;
	v56 =	vor.u32 v5, v55;
	[tilespmem:s23+$0xC70] =	vst v2;
	v16 =	vld.idx.msk [tilespmem:v50+s13+$0x0], $0xffff  }
0x6a7: {  	v54 =	vadd.s32 v12, v0;
	v10 =	vld.idx.msk [tilespmem:v38+s13+$0x0], $0xffff;
	v60 =	vor.u32 v9, v59;
	[tilespmem:s29+$0xC20] =	vst v14  }
0x6a8: {  	v61 =	vadd.s32 v12, v40;
	v15 =	vor.u32 v1, v54;
	v2 =	vld.idx.msk [tilespmem:v52+s13+$0x0], $0xffff;
	[tilespmem:s30+$0xC20] =	vst v3  }
0x6a9: {  	v62 =	vor.u32 v41, v61;
	v23 =	vadd.s32 v12, v45;
	[tilespmem:s26+$0xC30] =	vst v21;
	v63 =	vld.idx.msk [tilespmem:v11+s13+$0x0], $0xffff  }
0x6aa: {  	v27 =	vadd.s32 v13, v6;
	v18 =	vld.idx.msk [tilespmem:v58+s13+$0x0], $0xffff;
	[tilespmem:s24+$0xC30] =	vst v19;
	v11 =	vor.u32 v44, v23  }
0x6ab: {  	v26 =	vadd.s32 v13, v4;
	v28 =	vor.u32 v7, v27;
	[tilespmem:s28+$0xC30] =	vst v16;
	v19 =	vld.idx.msk [tilespmem:v56+s13+$0x0], $0xffff  }
0x6ac: {  	v29 =	vadd.s32 v13, v8;
	[tilespmem:s22+$0xC30] =	vst v10;
	v20 =	vor.u32 v5, v26;
	v14 =	vld.idx.msk [tilespmem:v60+s13+$0x0], $0xffff  }
0x6ad: {  	v30 =	vor.u32 v9, v29;
	v25 =	vadd.s32 v13, v0;
	v24 =	vld.idx.msk [tilespmem:v15+s13+$0x0], $0xffff;
	[tilespmem:s29+$0xC30] =	vst v2  }
0x6ae: {  	v31 =	vadd.s32 v13, v40;
	v15 =	vor.u32 v1, v25;
	v3 =	vld.idx.msk [tilespmem:v62+s13+$0x0], $0xffff;
	[tilespmem:s30+$0xC30] =	vst v63  }
0x6af: {  	v33 =	vadd.s32 v13, v45;
	v32 =	vor.u32 v41, v31;
	[tilespmem:s26+$0xC40] =	vst v18;
	v11 =	vld.idx.msk [tilespmem:v11+s13+$0x0], $0xffff  }
0x6b0: {  	v38 =	vadd.s32 v17, v6;
	v12 =	vor.u32 v44, v33;
	v16 =	vld.idx.msk [tilespmem:v28+s13+$0x0], $0xffff;
	[tilespmem:s24+$0xC40] =	vst v19  }
0x6b1: {  	v36 =	vadd.s32 v17, v4;
	v39 =	vor.u32 v7, v38;
	[tilespmem:s28+$0xC40] =	vst v14;
	v19 =	vld.idx.msk [tilespmem:v20+s13+$0x0], $0xffff  }
0x6b2: {  	v42 =	vadd.s32 v17, v8;
	v37 =	vor.u32 v5, v36;
	v2 =	vld.idx.msk [tilespmem:v30+s13+$0x0], $0xffff;
	[tilespmem:s22+$0xC40] =	vst v24  }
0x6b3: {  	v35 =	vadd.s32 v17, v0;
	v46 =	vor.u32 v9, v42;
	v34 =	vld.idx.msk [tilespmem:v15+s13+$0x0], $0xffff;
	[tilespmem:s29+$0xC40] =	vst v3  }
0x6b4: {  	v47 =	vadd.s32 v17, v40;
	v15 =	vor.u32 v1, v35;
	v10 =	vld.idx.msk [tilespmem:v32+s13+$0x0], $0xffff;
	[tilespmem:s30+$0xC40] =	vst v11  }
0x6b5: {  	v49 =	vadd.s32 v17, v45;
	v48 =	vor.u32 v41, v47;
	[tilespmem:s26+$0xC50] =	vst v16;
	v12 =	vld.idx.msk [tilespmem:v12+s13+$0x0], $0xffff  }
0x6b6: {  	v13 =	vor.u32 v44, v49;
	v54 =	vadd.s32 v43, v6;
	v53 =	vld.idx.msk [tilespmem:v39+s13+$0x0], $0xffff;
	[tilespmem:s24+$0xC50] =	vst v19  }
0x6b7: {  	v52 =	vadd.s32 v43, v4;
	v55 =	vor.u32 v7, v54;
	[tilespmem:s28+$0xC50] =	vst v2;
	v51 =	vld.idx.msk [tilespmem:v37+s13+$0x0], $0xffff  }
0x6b8: {  	v4 =	vor.u32 v5, v52;
	v56 =	vadd.s32 v43, v8;
	v3 =	vld.idx.msk [tilespmem:v46+s13+$0x0], $0xffff;
	[tilespmem:s22+$0xC50] =	vst v34  }
0x6b9: {  	v50 =	vadd.s32 v43, v0;
	v6 =	vor.u32 v9, v56;
	v15 =	vld.idx.msk [tilespmem:v15+s13+$0x0], $0xffff;
	[tilespmem:s29+$0xC50] =	vst v10  }
0x6ba: {  	v58 =	vadd.s32 v43, v40;
	v0 =	vor.u32 v1, v50;
	v57 =	vld.idx.msk [tilespmem:v48+s13+$0x0], $0xffff;
	[tilespmem:s30+$0xC50] =	vst v12  }
0x6bb: {  	v8 =	vor.u32 v41, v58;
	v60 =	vadd.s32 v43, v45;
	[tilespmem:s26+$0xC60] =	vst v53;
	v59 =	vld.idx.msk [tilespmem:v13+s13+$0x0], $0xffff  }
0x6bc: {  	v61 =	vor.u32 v44, v60;
	v2 =	vld.idx.msk [tilespmem:v55+s13+$0x0], $0xffff;
	[tilespmem:s24+$0xC60] =	vst v51  }
0x6bd: {  	[tilespmem:s28+$0xC60] =	vst v3;
	v4 =	vld.idx.msk [tilespmem:v4+s13+$0x0], $0xffff  }
0x6be: {  	v3 =	vld.idx.msk [tilespmem:v6+s13+$0x0], $0xffff;
	[tilespmem:s22+$0xC60] =	vst v15  }
0x6bf: {  	v0 =	vld.idx.msk [tilespmem:v0+s13+$0x0], $0xffff;
	[tilespmem:s29+$0xC60] =	vst v57  }
0x6c0: {  	v62 =	vld.idx.msk [tilespmem:v8+s13+$0x0], $0xffff;
	[tilespmem:s30+$0xC60] =	vst v59  }
0x6c1: {  	s20 =	sadd.s32 $0x1, s20;
	[tilespmem:s26+$0xC70] =	vst v2;
	v63 =	vld.idx.msk [tilespmem:v61+s13+$0x0], $0xffff  }
0x6c2: {  	p0 =	sne.s32 s20, $0x10;
	[tilespmem:s24+$0xC70] =	vst v4  }
.Ltmp4:
0x6c3: {  	[tilespmem:s28+$0xC70] =	vst v3;
	(pc) =	sbr.rel @p0 .LBB2_2-.Ltmp4, $4  }
0x6c4: {  	[tilespmem:s22+$0xC70] =	vst v0  }
0x6c5: {  	[tilespmem:s29+$0xC70] =	vst v62  }
0x6c6: {  	s31 =	sadd.s32 s21, s7;
	[tilespmem:s30+$0xC70] =	vst v63  }
0x6c7: {  	[hbm4b:s31+s4] =	stream.linear.scatter [tilespmem:s15], [sflag:$0x4], $0x4000, $0x38;
	[tilespmem:$0x18200] =	vst v63  }
0x6c8: {  	_ =	swait.ge [sflag:s17], $0x4000  }
0x6c9: {  	[sflag:s17] =	ssyncset.done $0x0  }
0x6ca: {  	[sflag:s17] =	ssyncadd.s32 $0xFFFFC000  }
0x6cb: {  	_ =	swait.ge [sflag:s18], $0x4000  }
0x6cc: {  	s19 =	sadd.s32 $0x1, s19;
	s0 =	rddreg [dreg:$0x4]  }
0x6cd: {  	p0 =	sne.s32 s19, s0  }
.Ltmp5:
0x6ce: {  	_ = 	snop;
	(pc) =	sbr.rel @p0 .LBB2_1-.Ltmp5, $3  }
0x6cf: {  	_ =	sdelay $0x1  }
0x6d0: {  	[sflag:s18] =	ssyncset.done $0x0  }
0x6d1: {  	[sflag:s18] =	ssyncadd.s32 $0xFFFFC000  }
0x6d2: {  	_ =	sfence.sel $0x180000  }
0x6d3: {  	[bflag:$0x0] =	sbarrier.arrive $0xFFFF  }
0x6d4: {  	_ =	strace $0x90000047  }
0x6d5: {  	s0 =	stileid.u32;
	[bflag:$0x2] =	sbarrier.arrive $0xFFFF  }
0x6d6: {  	p0 =	sne.s32 s0, $0x0;
	s0 =	rddreg [dreg:$0x3]  }
0x6d7: {  	s0 =	sadd.s32 @!p0 $0x100000, s0  }
0x6d8: {  	[sflag:s0] =	ssyncadd.tile.s32 @!p0 $0x1;
	_ =	shalt  }
.Lfunc_end2:
_tile_overlayer_lowered:
.L_overlay_start_2:
0x6d9: {  	(tag) =	ssettag $0x2  }
0x6da: {  	s0 =	rddreg [dreg:$0x0];
	s2 =	stileid.u32  }
0x6db: {  	s1 =	rddreg [dreg:$0x1];
	p0 =	sne.s32 s2, $0x0  }
0x6dc: {  	s3 =	rddreg [dreg:$0x2];
	[bflag:$0x3] =	sbarrier.arrive $0xFFFF;
	s2 =	simm.s32 @!p0 $0x1C05  }
0x6dd: {  	[timem:s3], [sflag:s2] =	dma.local @!p0 [hbm:s0], s1  }
0x6de: {  	s0 =	simm.s32 @!p0 $0x5  }
0x6df: {  	_ =	swait.ge @!p0 [sflag:s0], s1  }
0x6e0: {  	s1 =	ssub.s32 @!p0 $0x0, s1;
	[sflag:s0] =	ssyncset.done @!p0 $0x0  }
0x6e1: {  	[sflag:s0] =	ssyncadd.s32 @!p0 s1  }
0x6e2: {  	[bflag:$0x3] =	sbarrier.arrive $0xFFFF  }
0x6e3: {  	_ =	shalt  }

</sc_bundles>
